<compile_context>
chip_gen: v7x
topology: tpu7x:2x2x1
jax: 0.10.2.dev20260603
libtpu: 0.0.44.dev20260713+nightly
codegen_flags: <defaults>
</compile_context>

<pallas_src>
import functools

import jax
import jax.numpy as jnp
from jax import lax
from jax.experimental import pallas as pl
from jax.experimental.pallas import tpu as pltpu
from jax.experimental.pallas import tpu_sc as plsc

E = 16
TOPK = 2
T = 2048
D = 768
F = 1536
P = T * TOPK
TILE = 384
NT = P // TILE + (E - 1)
NTPAD = 32
NP = NT * TILE
NW = 32
TPW = T // NW
HPW = TPW // 2
LANES = 16



def _routing_body(logits_ref, slot0_ref, slot1_ref, w0_ref, w1_ref,
                  eot_ref, ntot_ref):
    logits = logits_ref[...]
    m = jnp.max(logits, axis=1, keepdims=True)
    ex = jnp.exp(logits - m)
    probs = ex / jnp.sum(ex, axis=1, keepdims=True)

    ie = lax.broadcasted_iota(jnp.int32, (T, E), 1)
    m1 = jnp.max(probs, axis=1, keepdims=True)
    a1 = jnp.min(jnp.where(probs >= m1, ie, E), axis=1, keepdims=True)
    oh1 = (ie == a1)
    pmask = jnp.where(oh1, -1.0, probs)
    m2 = jnp.max(pmask, axis=1, keepdims=True)
    a2 = jnp.min(jnp.where(pmask >= m2, ie, E), axis=1, keepdims=True)
    oh2 = (ie == a2)
    rs = m1 + m2
    w0_ref[...] = jnp.broadcast_to(m1 / rs, (T, LANES))
    w1_ref[...] = jnp.broadcast_to(m2 / rs, (T, LANES))

    oh1f = oh1.astype(jnp.float32)
    oh2f = oh2.astype(jnp.float32)
    bb = oh1f + oh2f
    tri = (lax.broadcasted_iota(jnp.int32, (128, 128), 0)
           > lax.broadcasted_iota(jnp.int32, (128, 128), 1)).astype(jnp.float32)
    run = jnp.zeros((1, E), jnp.float32)
    blocks = []
    for b in range(T // 128):
        blk = bb[b * 128:(b + 1) * 128, :]
        pref = lax.dot_general(tri, blk, (((1,), (0,)), ((), ())),
                               preferred_element_type=jnp.float32)
        blocks.append(pref + run)
        run = run + jnp.sum(blk, axis=0, keepdims=True)
    cex = jnp.concatenate(blocks, axis=0)
    cnt = run.astype(jnp.int32)
    ntile = (cnt + (TILE - 1)) // TILE
    upper = (lax.broadcasted_iota(jnp.int32, (E, E), 0)
             < lax.broadcasted_iota(jnp.int32, (E, E), 1)).astype(jnp.float32)
    ts = lax.dot_general(ntile.astype(jnp.float32), upper,
                         (((1,), (0,)), ((), ())),
                         preferred_element_type=jnp.float32)
    seg = ts * TILE
    total = jnp.sum(ntile)
    slot0_ref[...] = jnp.sum(oh1f * (cex + seg), axis=1).astype(jnp.int32)
    slot1_ref[...] = jnp.sum(oh2f * (cex + seg), axis=1).astype(jnp.int32)
    jm = lax.broadcasted_iota(jnp.int32, (NTPAD, E), 0)
    jj = jnp.minimum(jm, total - 1)
    tsi = ts.astype(jnp.int32)
    eot_ref[...] = (jnp.sum((jj >= tsi).astype(jnp.float32), axis=1)
                    - 1.0).astype(jnp.int32)
    ntot_ref[0] = total


def _routing(router_logits):
    return pl.pallas_call(
        _routing_body,
        out_shape=(
            jax.ShapeDtypeStruct((T,), jnp.int32),
            jax.ShapeDtypeStruct((T,), jnp.int32),
            jax.ShapeDtypeStruct((T, LANES), jnp.float32),
            jax.ShapeDtypeStruct((T, LANES), jnp.float32),
            jax.ShapeDtypeStruct((NTPAD,), jnp.int32),
            jax.ShapeDtypeStruct((1,), jnp.int32),
        ),
        out_specs=(
            pl.BlockSpec((T,), lambda: (0,)),
            pl.BlockSpec((T,), lambda: (0,)),
            pl.BlockSpec((T, LANES), lambda: (0, 0)),
            pl.BlockSpec((T, LANES), lambda: (0, 0)),
            pl.BlockSpec((NTPAD,), lambda: (0,)),
            pl.BlockSpec(memory_space=pltpu.SMEM),
        ),
    )(router_logits)



def _dispatch_body(h_hbm, s0_hbm, s1_hbm, xs_hbm, idx0a, idx0b, idx1a, idx1b,
                   xbuf_a, xbuf_b, semh, sem0, sem1):
    wid = lax.axis_index("c") * (NW // 2) + lax.axis_index("s")
    base = wid * TPW
    cha = pltpu.async_copy(h_hbm.at[pl.ds(base, HPW)], xbuf_a, semh)
    chb = pltpu.async_copy(h_hbm.at[pl.ds(base + HPW, HPW)], xbuf_b, semh)
    pltpu.sync_copy(s0_hbm.at[pl.ds(base, HPW)], idx0a)
    pltpu.sync_copy(s1_hbm.at[pl.ds(base, HPW)], idx1a)
    pltpu.sync_copy(s0_hbm.at[pl.ds(base + HPW, HPW)], idx0b)
    pltpu.sync_copy(s1_hbm.at[pl.ds(base + HPW, HPW)], idx1b)
    cha.wait()
    c0a = pltpu.async_copy(xbuf_a, xs_hbm.at[idx0a], sem0)
    c1a = pltpu.async_copy(xbuf_a, xs_hbm.at[idx1a], sem1)
    chb.wait()
    c0b = pltpu.async_copy(xbuf_b, xs_hbm.at[idx0b], sem0)
    c1b = pltpu.async_copy(xbuf_b, xs_hbm.at[idx1b], sem1)
    c0a.wait()
    c1a.wait()
    c0b.wait()
    c1b.wait()


@functools.cache
def _make_dispatch():
    return pl.kernel(
        _dispatch_body,
        out_type=jax.ShapeDtypeStruct((NP, D), jnp.float32),
        mesh=plsc.VectorSubcoreMesh(core_axis_name="c", subcore_axis_name="s"),
        scratch_types=[
            pltpu.VMEM((HPW,), jnp.int32),
            pltpu.VMEM((HPW,), jnp.int32),
            pltpu.VMEM((HPW,), jnp.int32),
            pltpu.VMEM((HPW,), jnp.int32),
            pltpu.VMEM((HPW, D), jnp.float32),
            pltpu.VMEM((HPW, D), jnp.float32),
            pltpu.SemaphoreType.DMA,
            pltpu.SemaphoreType.DMA,
            pltpu.SemaphoreType.DMA,
        ],
    )



def _gemm_body(eot_ref, ntot_ref, x_ref, w13_ref, w2_ref, o_ref):
    i = pl.program_id(0)

    @pl.when(i < ntot_ref[0])
    def _():
        x = x_ref[...]
        g = lax.dot_general(x, w13_ref[0], (((1,), (1,)), ((), ())),
                            preferred_element_type=jnp.float32)
        gate = g[:, :F]
        up = g[:, F:]
        h = gate * jax.nn.sigmoid(gate) * up
        o_ref[...] = lax.dot_general(h, w2_ref[0], (((1,), (1,)), ((), ())),
                                     preferred_element_type=jnp.float32)


def _gemm(x_sorted, w13_weight, w2_weight, eot, ntot):
    grid_spec = pltpu.PrefetchScalarGridSpec(
        num_scalar_prefetch=2,
        grid=(NT,),
        in_specs=[
            pl.BlockSpec((TILE, D),
                         lambda i, eot, ntot: (jnp.minimum(i, ntot[0] - 1), 0)),
            pl.BlockSpec((1, 2 * F, D),
                         lambda i, eot, ntot: (eot[i], 0, 0)),
            pl.BlockSpec((1, D, F),
                         lambda i, eot, ntot: (eot[i], 0, 0)),
        ],
        out_specs=pl.BlockSpec((TILE, D),
                               lambda i, eot, ntot: (jnp.minimum(i, ntot[0] - 1), 0)),
    )
    return pl.pallas_call(
        _gemm_body,
        grid_spec=grid_spec,
        out_shape=jax.ShapeDtypeStruct((NP, D), jnp.float32),
        compiler_params=pltpu.CompilerParams(
            dimension_semantics=("arbitrary",),
            vmem_limit_bytes=100 * 1024 * 1024,
        ),
    )(eot, ntot, x_sorted, w13_weight, w2_weight)



def _combine_body(os_hbm, s0_hbm, s1_hbm, w0_hbm, w1_hbm, out_hbm,
                  idx0a, idx0b, idx1a, idx1b, wv0, wv1,
                  buf_a0, buf_b0, buf_a1, buf_b1,
                  sem_a, sem_b, sem_w):
    wid = lax.axis_index("c") * (NW // 2) + lax.axis_index("s")
    base = wid * TPW
    pltpu.sync_copy(s0_hbm.at[pl.ds(base, HPW)], idx0a)
    pltpu.sync_copy(s1_hbm.at[pl.ds(base, HPW)], idx1a)
    ca0 = pltpu.async_copy(os_hbm.at[idx0a], buf_a0, sem_a)
    cb0 = pltpu.async_copy(os_hbm.at[idx1a], buf_b0, sem_b)
    pltpu.sync_copy(s0_hbm.at[pl.ds(base + HPW, HPW)], idx0b)
    pltpu.sync_copy(s1_hbm.at[pl.ds(base + HPW, HPW)], idx1b)
    ca1 = pltpu.async_copy(os_hbm.at[idx0b], buf_a1, sem_a)
    cb1 = pltpu.async_copy(os_hbm.at[idx1b], buf_b1, sem_b)
    pltpu.sync_copy(w0_hbm.at[pl.ds(base, TPW)], wv0)
    pltpu.sync_copy(w1_hbm.at[pl.ds(base, TPW)], wv1)

    def make_row(buf_a, buf_b, roff):
        def row(r, carry):
            wa = wv0[r + roff, :]
            wb = wv1[r + roff, :]
            for c in range(D // LANES):
                sl = pl.ds(c * LANES, LANES)
                buf_a[r, sl] = wa * buf_a[r, sl] + wb * buf_b[r, sl]
            return carry
        return row

    ca0.wait()
    cb0.wait()
    lax.fori_loop(0, HPW, make_row(buf_a0, buf_b0, 0), 0)
    cw0 = pltpu.async_copy(buf_a0, out_hbm.at[pl.ds(base, HPW)], sem_w)
    ca1.wait()
    cb1.wait()
    lax.fori_loop(0, HPW, make_row(buf_a1, buf_b1, HPW), 0)
    cw1 = pltpu.async_copy(buf_a1, out_hbm.at[pl.ds(base + HPW, HPW)], sem_w)
    cw0.wait()
    cw1.wait()


@functools.cache
def _make_combine():
    return pl.kernel(
        _combine_body,
        out_type=jax.ShapeDtypeStruct((T, D), jnp.float32),
        mesh=plsc.VectorSubcoreMesh(core_axis_name="c", subcore_axis_name="s"),
        scratch_types=[
            pltpu.VMEM((HPW,), jnp.int32),
            pltpu.VMEM((HPW,), jnp.int32),
            pltpu.VMEM((HPW,), jnp.int32),
            pltpu.VMEM((HPW,), jnp.int32),
            pltpu.VMEM((TPW, LANES), jnp.float32),
            pltpu.VMEM((TPW, LANES), jnp.float32),
            pltpu.VMEM((HPW, D), jnp.float32),
            pltpu.VMEM((HPW, D), jnp.float32),
            pltpu.VMEM((HPW, D), jnp.float32),
            pltpu.VMEM((HPW, D), jnp.float32),
            pltpu.SemaphoreType.DMA,
            pltpu.SemaphoreType.DMA,
            pltpu.SemaphoreType.DMA,
        ],
    )



def kernel(hidden_states, router_logits, w13_weight, w2_weight):
    slot0, slot1, w0, w1, eot, ntot = _routing(router_logits)
    x_sorted = _make_dispatch()(hidden_states, slot0, slot1)
    o_sorted = _gemm(x_sorted, w13_weight, w2_weight, eot, ntot)
    return _make_combine()(o_sorted, slot0, slot1, w0, w1)

# --- scband reference (transcript-rebuilt; emitter-appended) ---
"""Pipeline reference for scband-legacy-epmo-e-6365141532679 (READ-ONLY COPY).

The authoritative reference and input builder live on the scoring server;
editing this copy changes nothing except your own understanding.
"""

import jax, jax.numpy as jnp
import numpy as np

NUM_EXPERTS = 16
TOP_K = 2
D_MODEL = 768
D_FF = 1536
T = 2048


def setup_inputs(seed: int = 0) -> dict:
    key = jax.random.key(seed)
    k0, k1, k2, k3 = jax.random.split(key, 4)
    hidden_states = jax.random.normal(k0, (T, D_MODEL), dtype=jnp.float32)
    router_logits = jax.random.normal(k1, (T, NUM_EXPERTS), dtype=jnp.float32)
    # grouped-gemm weights are column-major: [E, out_dim, in_dim]
    w13_weight = jax.random.normal(k2, (NUM_EXPERTS, 2 * D_FF, D_MODEL), dtype=jnp.float32) * 0.02
    w2_weight = jax.random.normal(k3, (NUM_EXPERTS, D_MODEL, D_FF), dtype=jnp.float32) * 0.02
    return {
        "hidden_states": hidden_states,
        "router_logits": router_logits,
        "w13_weight": w13_weight,
        "w2_weight": w2_weight,
    }


def reference(hidden_states, router_logits, w13_weight, w2_weight):
    # select_experts: softmax -> top_k -> renormalize
    probs = jax.nn.softmax(router_logits.astype(jnp.float32), axis=-1)
    topk_vals, topk_ids = jax.lax.top_k(probs, TOP_K)
    topk_weights = topk_vals / jnp.sum(topk_vals, axis=-1, keepdims=True)

    # run_moe_ep_preproess + pre_reorder: group token-expert pairs by expert id
    n_tokens, top_k = topk_ids.shape
    flat_ids = topk_ids.reshape(-1)  # [T * TOP_K], flat idx = tok * TOP_K + slot
    flat_w = topk_weights.reshape(-1)
    pair = jnp.arange(n_tokens * top_k)
    tok = pair // top_k
    out = jnp.zeros_like(hidden_states)
    for e in range(NUM_EXPERTS):
        xe = hidden_states[tok]
        # grouped gemm 1 (w13, column-major): [n, D] @ [2F, D]^T -> [n, 2F]
        ge = xe @ w13_weight[e].T
        gate, up = jnp.split(ge, 2, axis=-1)
        # silu_and_mul
        he = jax.nn.silu(gate) * up
        # grouped gemm 2 (w2, column-major): [n, F] @ [D, F]^T -> [n, D]
        oe = he @ w2_weight[e].T
        # post_reorder: scatter back with routing weights (weighted sum over top_k)
        we = jnp.where(flat_ids == e, flat_w, jnp.zeros_like(flat_w))
        out = out.at[tok].add(oe * we[:, None])
    return out

if __name__ == "__main__":
    import jax
    _d = setup_inputs()
    print(jax.jit(kernel)(*tuple(_d.values())))

</pallas_src>

<mosaic_0001>
#map = affine_map<(d0, d1) -> (0, 0)>
#map1 = affine_map<(d0, d1) -> (0)>
module attributes {stable_mosaic.version = 14 : i64} {
  func.func @_dispatch_body(%arg0: i32, %arg1: i32, %arg2: memref<2048x768xf32, #tpu.memory_space<hbm>>, %arg3: memref<2048xi32, #tpu.memory_space<hbm>>, %arg4: memref<2048xi32, #tpu.memory_space<hbm>>, %arg5: memref<9600x768xf32, #tpu.memory_space<hbm>>, %arg6: memref<32xi32, #tpu.memory_space<vmem>>, %arg7: memref<32xi32, #tpu.memory_space<vmem>>, %arg8: memref<32xi32, #tpu.memory_space<vmem>>, %arg9: memref<32xi32, #tpu.memory_space<vmem>>, %arg10: memref<32x768xf32, #tpu.memory_space<vmem>>, %arg11: memref<32x768xf32, #tpu.memory_space<vmem>>, %arg12: memref<!tpu.dma_semaphore, #tpu.memory_space<semaphore_mem>>, %arg13: memref<!tpu.dma_semaphore, #tpu.memory_space<semaphore_mem>>, %arg14: memref<!tpu.dma_semaphore, #tpu.memory_space<semaphore_mem>>) attributes {dimension_semantics = [#tpu.dimension_semantics<core_parallel>, #tpu.dimension_semantics<subcore_parallel>], iteration_bounds = array<i64: 2, 16>, scalar_prefetch = 0 : i64, scratch_operands = 9 : i64, tpu.core_type = #tpu.core_type<sc_vector_subcore>, window_params = [{transform_indices = #map}, {transform_indices = #map1}, {transform_indices = #map1}, {transform_indices = #map}]} {
    %mul3A = arith.constant 16 : i32
    %mul3A_0 = arith.muli %arg0, %mul3A : i32
    %add3A = arith.addi %mul3A_0, %arg1 : i32
    %mul3A_1 = arith.constant 64 : i32
    %mul3A_2 = arith.muli %add3A, %mul3A_1 : i32
    %dma_start3A = arith.constant 0 : i32
    %dma_start3A_3 = tpu.memref_slice %arg2[%mul3A_2, %dma_start3A] : memref<2048x768xf32, #tpu.memory_space<hbm>> -> memref<32x768xf32, #tpu.memory_space<hbm>>
    %dma_start3A_4 = arith.constant 0 : i32
    %dma_start3A_5 = tpu.memref_slice %arg2[%mul3A_2, %dma_start3A_4] : memref<2048x768xf32, #tpu.memory_space<hbm>> -> memref<32x768xf32, #tpu.memory_space<hbm>>
    tpu.enqueue_dma source(%dma_start3A_5 : memref<32x768xf32, #tpu.memory_space<hbm>>) target(%arg10 : memref<32x768xf32, #tpu.memory_space<vmem>>) target_semaphore(%arg12 : memref<!tpu.dma_semaphore, #tpu.memory_space<semaphore_mem>>)
    %add3A_6 = arith.constant 32 : i32
    %add3A_7 = arith.addi %mul3A_2, %add3A_6 : i32
    %dma_start3A_8 = arith.constant 0 : i32
    %dma_start3A_9 = tpu.memref_slice %arg2[%add3A_7, %dma_start3A_8] : memref<2048x768xf32, #tpu.memory_space<hbm>> -> memref<32x768xf32, #tpu.memory_space<hbm>>
    %dma_start3A_10 = arith.constant 0 : i32
    %dma_start3A_11 = tpu.memref_slice %arg2[%add3A_7, %dma_start3A_10] : memref<2048x768xf32, #tpu.memory_space<hbm>> -> memref<32x768xf32, #tpu.memory_space<hbm>>
    tpu.enqueue_dma source(%dma_start3A_11 : memref<32x768xf32, #tpu.memory_space<hbm>>) target(%arg11 : memref<32x768xf32, #tpu.memory_space<vmem>>) target_semaphore(%arg12 : memref<!tpu.dma_semaphore, #tpu.memory_space<semaphore_mem>>)
    "tpu.region"() ({
      %run_scoped3A = tpu.sem_alloc : memref<!tpu.dma_semaphore, #tpu.memory_space<semaphore_mem>>
      %dma_start3A_47 = tpu.memref_slice %arg3[%mul3A_2] : memref<2048xi32, #tpu.memory_space<hbm>> -> memref<32xi32, #tpu.memory_space<hbm>>
      %dma_start3A_48 = tpu.memref_slice %arg3[%mul3A_2] : memref<2048xi32, #tpu.memory_space<hbm>> -> memref<32xi32, #tpu.memory_space<hbm>>
      tpu.enqueue_dma source(%dma_start3A_48 : memref<32xi32, #tpu.memory_space<hbm>>) target(%arg6 : memref<32xi32, #tpu.memory_space<vmem>>) target_semaphore(%run_scoped3A : memref<!tpu.dma_semaphore, #tpu.memory_space<semaphore_mem>>)
      %dma_wait3A_49 = tpu.memref_slice %arg3[%mul3A_2] : memref<2048xi32, #tpu.memory_space<hbm>> -> memref<32xi32, #tpu.memory_space<hbm>>
      %dma_wait3A_50 = tpu.memref_slice %arg3[%mul3A_2] : memref<2048xi32, #tpu.memory_space<hbm>> -> memref<32xi32, #tpu.memory_space<hbm>>
      tpu.wait_dma2 semaphore(%run_scoped3A : memref<!tpu.dma_semaphore, #tpu.memory_space<semaphore_mem>>) src(%dma_wait3A_50 : memref<32xi32, #tpu.memory_space<hbm>>) dst(%arg6 : memref<32xi32, #tpu.memory_space<vmem>>)
      tpu.yield
    }) : () -> ()
    "tpu.region"() ({
      %run_scoped3A = tpu.sem_alloc : memref<!tpu.dma_semaphore, #tpu.memory_space<semaphore_mem>>
      %dma_start3A_47 = tpu.memref_slice %arg4[%mul3A_2] : memref<2048xi32, #tpu.memory_space<hbm>> -> memref<32xi32, #tpu.memory_space<hbm>>
      %dma_start3A_48 = tpu.memref_slice %arg4[%mul3A_2] : memref<2048xi32, #tpu.memory_space<hbm>> -> memref<32xi32, #tpu.memory_space<hbm>>
      tpu.enqueue_dma source(%dma_start3A_48 : memref<32xi32, #tpu.memory_space<hbm>>) target(%arg8 : memref<32xi32, #tpu.memory_space<vmem>>) target_semaphore(%run_scoped3A : memref<!tpu.dma_semaphore, #tpu.memory_space<semaphore_mem>>)
      %dma_wait3A_49 = tpu.memref_slice %arg4[%mul3A_2] : memref<2048xi32, #tpu.memory_space<hbm>> -> memref<32xi32, #tpu.memory_space<hbm>>
      %dma_wait3A_50 = tpu.memref_slice %arg4[%mul3A_2] : memref<2048xi32, #tpu.memory_space<hbm>> -> memref<32xi32, #tpu.memory_space<hbm>>
      tpu.wait_dma2 semaphore(%run_scoped3A : memref<!tpu.dma_semaphore, #tpu.memory_space<semaphore_mem>>) src(%dma_wait3A_50 : memref<32xi32, #tpu.memory_space<hbm>>) dst(%arg8 : memref<32xi32, #tpu.memory_space<vmem>>)
      tpu.yield
    }) : () -> ()
    %add3A_12 = arith.constant 32 : i32
    %add3A_13 = arith.addi %mul3A_2, %add3A_12 : i32
    "tpu.region"() ({
      %run_scoped3A = tpu.sem_alloc : memref<!tpu.dma_semaphore, #tpu.memory_space<semaphore_mem>>
      %dma_start3A_47 = tpu.memref_slice %arg3[%add3A_13] : memref<2048xi32, #tpu.memory_space<hbm>> -> memref<32xi32, #tpu.memory_space<hbm>>
      %dma_start3A_48 = tpu.memref_slice %arg3[%add3A_13] : memref<2048xi32, #tpu.memory_space<hbm>> -> memref<32xi32, #tpu.memory_space<hbm>>
      tpu.enqueue_dma source(%dma_start3A_48 : memref<32xi32, #tpu.memory_space<hbm>>) target(%arg7 : memref<32xi32, #tpu.memory_space<vmem>>) target_semaphore(%run_scoped3A : memref<!tpu.dma_semaphore, #tpu.memory_space<semaphore_mem>>)
      %dma_wait3A_49 = tpu.memref_slice %arg3[%add3A_13] : memref<2048xi32, #tpu.memory_space<hbm>> -> memref<32xi32, #tpu.memory_space<hbm>>
      %dma_wait3A_50 = tpu.memref_slice %arg3[%add3A_13] : memref<2048xi32, #tpu.memory_space<hbm>> -> memref<32xi32, #tpu.memory_space<hbm>>
      tpu.wait_dma2 semaphore(%run_scoped3A : memref<!tpu.dma_semaphore, #tpu.memory_space<semaphore_mem>>) src(%dma_wait3A_50 : memref<32xi32, #tpu.memory_space<hbm>>) dst(%arg7 : memref<32xi32, #tpu.memory_space<vmem>>)
      tpu.yield
    }) : () -> ()
    %add3A_14 = arith.constant 32 : i32
    %add3A_15 = arith.addi %mul3A_2, %add3A_14 : i32
    "tpu.region"() ({
      %run_scoped3A = tpu.sem_alloc : memref<!tpu.dma_semaphore, #tpu.memory_space<semaphore_mem>>
      %dma_start3A_47 = tpu.memref_slice %arg4[%add3A_15] : memref<2048xi32, #tpu.memory_space<hbm>> -> memref<32xi32, #tpu.memory_space<hbm>>
      %dma_start3A_48 = tpu.memref_slice %arg4[%add3A_15] : memref<2048xi32, #tpu.memory_space<hbm>> -> memref<32xi32, #tpu.memory_space<hbm>>
      tpu.enqueue_dma source(%dma_start3A_48 : memref<32xi32, #tpu.memory_space<hbm>>) target(%arg9 : memref<32xi32, #tpu.memory_space<vmem>>) target_semaphore(%run_scoped3A : memref<!tpu.dma_semaphore, #tpu.memory_space<semaphore_mem>>)
      %dma_wait3A_49 = tpu.memref_slice %arg4[%add3A_15] : memref<2048xi32, #tpu.memory_space<hbm>> -> memref<32xi32, #tpu.memory_space<hbm>>
      %dma_wait3A_50 = tpu.memref_slice %arg4[%add3A_15] : memref<2048xi32, #tpu.memory_space<hbm>> -> memref<32xi32, #tpu.memory_space<hbm>>
      tpu.wait_dma2 semaphore(%run_scoped3A : memref<!tpu.dma_semaphore, #tpu.memory_space<semaphore_mem>>) src(%dma_wait3A_50 : memref<32xi32, #tpu.memory_space<hbm>>) dst(%arg9 : memref<32xi32, #tpu.memory_space<vmem>>)
      tpu.yield
    }) : () -> ()
    %dma_wait3A = arith.constant 0 : i32
    %dma_wait3A_16 = tpu.memref_slice %arg2[%mul3A_2, %dma_wait3A] : memref<2048x768xf32, #tpu.memory_space<hbm>> -> memref<32x768xf32, #tpu.memory_space<hbm>>
    %dma_wait3A_17 = arith.constant 0 : i32
    %dma_wait3A_18 = tpu.memref_slice %arg2[%mul3A_2, %dma_wait3A_17] : memref<2048x768xf32, #tpu.memory_space<hbm>> -> memref<32x768xf32, #tpu.memory_space<hbm>>
    tpu.wait_dma2 semaphore(%arg12 : memref<!tpu.dma_semaphore, #tpu.memory_space<semaphore_mem>>) src(%dma_wait3A_18 : memref<32x768xf32, #tpu.memory_space<hbm>>) dst(%arg10 : memref<32x768xf32, #tpu.memory_space<vmem>>)
    %dma_start3A_19 = arith.constant 0 : i32
    %dma_start3A_20 = arith.constant 0 : i32
    %dma_start3A_21 = tpu.memref_slice %arg5[%dma_start3A_19, %dma_start3A_20] : memref<9600x768xf32, #tpu.memory_space<hbm>> -> memref<9600x768xf32, #tpu.memory_space<hbm>>
    tpu.enqueue_indirect_dma source(%arg10 : memref<32x768xf32, #tpu.memory_space<vmem>>) target(%dma_start3A_21 : memref<9600x768xf32, #tpu.memory_space<hbm>>) offsets(%arg6 : memref<32xi32, #tpu.memory_space<vmem>>) semaphore(%arg13 : memref<!tpu.dma_semaphore, #tpu.memory_space<semaphore_mem>>)
    %dma_start3A_22 = arith.constant 0 : i32
    %dma_start3A_23 = arith.constant 0 : i32
    %dma_start3A_24 = tpu.memref_slice %arg5[%dma_start3A_22, %dma_start3A_23] : memref<9600x768xf32, #tpu.memory_space<hbm>> -> memref<9600x768xf32, #tpu.memory_space<hbm>>
    tpu.enqueue_indirect_dma source(%arg10 : memref<32x768xf32, #tpu.memory_space<vmem>>) target(%dma_start3A_24 : memref<9600x768xf32, #tpu.memory_space<hbm>>) offsets(%arg8 : memref<32xi32, #tpu.memory_space<vmem>>) semaphore(%arg14 : memref<!tpu.dma_semaphore, #tpu.memory_space<semaphore_mem>>)
    %dma_wait3A_25 = arith.constant 0 : i32
    %dma_wait3A_26 = tpu.memref_slice %arg2[%add3A_7, %dma_wait3A_25] : memref<2048x768xf32, #tpu.memory_space<hbm>> -> memref<32x768xf32, #tpu.memory_space<hbm>>
    %dma_wait3A_27 = arith.constant 0 : i32
    %dma_wait3A_28 = tpu.memref_slice %arg2[%add3A_7, %dma_wait3A_27] : memref<2048x768xf32, #tpu.memory_space<hbm>> -> memref<32x768xf32, #tpu.memory_space<hbm>>
    tpu.wait_dma2 semaphore(%arg12 : memref<!tpu.dma_semaphore, #tpu.memory_space<semaphore_mem>>) src(%dma_wait3A_28 : memref<32x768xf32, #tpu.memory_space<hbm>>) dst(%arg11 : memref<32x768xf32, #tpu.memory_space<vmem>>)
    %dma_start3A_29 = arith.constant 0 : i32
    %dma_start3A_30 = arith.constant 0 : i32
    %dma_start3A_31 = tpu.memref_slice %arg5[%dma_start3A_29, %dma_start3A_30] : memref<9600x768xf32, #tpu.memory_space<hbm>> -> memref<9600x768xf32, #tpu.memory_space<hbm>>
    tpu.enqueue_indirect_dma source(%arg11 : memref<32x768xf32, #tpu.memory_space<vmem>>) target(%dma_start3A_31 : memref<9600x768xf32, #tpu.memory_space<hbm>>) offsets(%arg7 : memref<32xi32, #tpu.memory_space<vmem>>) semaphore(%arg13 : memref<!tpu.dma_semaphore, #tpu.memory_space<semaphore_mem>>)
    %dma_start3A_32 = arith.constant 0 : i32
    %dma_start3A_33 = arith.constant 0 : i32
    %dma_start3A_34 = tpu.memref_slice %arg5[%dma_start3A_32, %dma_start3A_33] : memref<9600x768xf32, #tpu.memory_space<hbm>> -> memref<9600x768xf32, #tpu.memory_space<hbm>>
    tpu.enqueue_indirect_dma source(%arg11 : memref<32x768xf32, #tpu.memory_space<vmem>>) target(%dma_start3A_34 : memref<9600x768xf32, #tpu.memory_space<hbm>>) offsets(%arg9 : memref<32xi32, #tpu.memory_space<vmem>>) semaphore(%arg14 : memref<!tpu.dma_semaphore, #tpu.memory_space<semaphore_mem>>)
    %dma_wait3A_35 = arith.constant 0 : i32
    %dma_wait3A_36 = arith.constant 0 : i32
    %dma_wait3A_37 = tpu.memref_slice %arg5[%dma_wait3A_35, %dma_wait3A_36] : memref<9600x768xf32, #tpu.memory_space<hbm>> -> memref<9600x768xf32, #tpu.memory_space<hbm>>
    tpu.wait_indirect_dma semaphore(%arg13 : memref<!tpu.dma_semaphore, #tpu.memory_space<semaphore_mem>>) src(%arg10 : memref<32x768xf32, #tpu.memory_space<vmem>>) dst(%dma_wait3A_37 : memref<9600x768xf32, #tpu.memory_space<hbm>>)
    %dma_wait3A_38 = arith.constant 0 : i32
    %dma_wait3A_39 = arith.constant 0 : i32
    %dma_wait3A_40 = tpu.memref_slice %arg5[%dma_wait3A_38, %dma_wait3A_39] : memref<9600x768xf32, #tpu.memory_space<hbm>> -> memref<9600x768xf32, #tpu.memory_space<hbm>>
    tpu.wait_indirect_dma semaphore(%arg14 : memref<!tpu.dma_semaphore, #tpu.memory_space<semaphore_mem>>) src(%arg10 : memref<32x768xf32, #tpu.memory_space<vmem>>) dst(%dma_wait3A_40 : memref<9600x768xf32, #tpu.memory_space<hbm>>)
    %dma_wait3A_41 = arith.constant 0 : i32
    %dma_wait3A_42 = arith.constant 0 : i32
    %dma_wait3A_43 = tpu.memref_slice %arg5[%dma_wait3A_41, %dma_wait3A_42] : memref<9600x768xf32, #tpu.memory_space<hbm>> -> memref<9600x768xf32, #tpu.memory_space<hbm>>
    tpu.wait_indirect_dma semaphore(%arg13 : memref<!tpu.dma_semaphore, #tpu.memory_space<semaphore_mem>>) src(%arg11 : memref<32x768xf32, #tpu.memory_space<vmem>>) dst(%dma_wait3A_43 : memref<9600x768xf32, #tpu.memory_space<hbm>>)
    %dma_wait3A_44 = arith.constant 0 : i32
    %dma_wait3A_45 = arith.constant 0 : i32
    %dma_wait3A_46 = tpu.memref_slice %arg5[%dma_wait3A_44, %dma_wait3A_45] : memref<9600x768xf32, #tpu.memory_space<hbm>> -> memref<9600x768xf32, #tpu.memory_space<hbm>>
    tpu.wait_indirect_dma semaphore(%arg14 : memref<!tpu.dma_semaphore, #tpu.memory_space<semaphore_mem>>) src(%arg11 : memref<32x768xf32, #tpu.memory_space<vmem>>) dst(%dma_wait3A_46 : memref<9600x768xf32, #tpu.memory_space<hbm>>)
    return
  }
}

#map = affine_map<(d0, d1) -> (0, 0)>
#map1 = affine_map<(d0, d1) -> (0)>
module attributes {stable_mosaic.version = 14 : i64} {
  func.func @_combine_body(%arg0: i32, %arg1: i32, %arg2: memref<9600x768xf32, #tpu.memory_space<hbm>>, %arg3: memref<2048xi32, #tpu.memory_space<hbm>>, %arg4: memref<2048xi32, #tpu.memory_space<hbm>>, %arg5: memref<2048x16xf32, #tpu.memory_space<hbm>>, %arg6: memref<2048x16xf32, #tpu.memory_space<hbm>>, %arg7: memref<2048x768xf32, #tpu.memory_space<hbm>>, %arg8: memref<32xi32, #tpu.memory_space<vmem>>, %arg9: memref<32xi32, #tpu.memory_space<vmem>>, %arg10: memref<32xi32, #tpu.memory_space<vmem>>, %arg11: memref<32xi32, #tpu.memory_space<vmem>>, %arg12: memref<64x16xf32, #tpu.memory_space<vmem>>, %arg13: memref<64x16xf32, #tpu.memory_space<vmem>>, %arg14: memref<32x768xf32, #tpu.memory_space<vmem>>, %arg15: memref<32x768xf32, #tpu.memory_space<vmem>>, %arg16: memref<32x768xf32, #tpu.memory_space<vmem>>, %arg17: memref<32x768xf32, #tpu.memory_space<vmem>>, %arg18: memref<!tpu.dma_semaphore, #tpu.memory_space<semaphore_mem>>, %arg19: memref<!tpu.dma_semaphore, #tpu.memory_space<semaphore_mem>>, %arg20: memref<!tpu.dma_semaphore, #tpu.memory_space<semaphore_mem>>) attributes {dimension_semantics = [#tpu.dimension_semantics<core_parallel>, #tpu.dimension_semantics<subcore_parallel>], iteration_bounds = array<i64: 2, 16>, scalar_prefetch = 0 : i64, scratch_operands = 13 : i64, tpu.core_type = #tpu.core_type<sc_vector_subcore>, window_params = [{transform_indices = #map}, {transform_indices = #map1}, {transform_indices = #map1}, {transform_indices = #map}, {transform_indices = #map}, {transform_indices = #map}]} {
    %mul3A = arith.constant 16 : i32
    %mul3A_0 = arith.muli %arg0, %mul3A : i32
    %add3A = arith.addi %mul3A_0, %arg1 : i32
    %mul3A_1 = arith.constant 64 : i32
    %mul3A_2 = arith.muli %add3A, %mul3A_1 : i32
    "tpu.region"() ({
      %run_scoped3A = tpu.sem_alloc : memref<!tpu.dma_semaphore, #tpu.memory_space<semaphore_mem>>
      %dma_start3A_58 = tpu.memref_slice %arg3[%mul3A_2] : memref<2048xi32, #tpu.memory_space<hbm>> -> memref<32xi32, #tpu.memory_space<hbm>>
      %dma_start3A_59 = tpu.memref_slice %arg3[%mul3A_2] : memref<2048xi32, #tpu.memory_space<hbm>> -> memref<32xi32, #tpu.memory_space<hbm>>
      tpu.enqueue_dma source(%dma_start3A_59 : memref<32xi32, #tpu.memory_space<hbm>>) target(%arg8 : memref<32xi32, #tpu.memory_space<vmem>>) target_semaphore(%run_scoped3A : memref<!tpu.dma_semaphore, #tpu.memory_space<semaphore_mem>>)
      %dma_wait3A_60 = tpu.memref_slice %arg3[%mul3A_2] : memref<2048xi32, #tpu.memory_space<hbm>> -> memref<32xi32, #tpu.memory_space<hbm>>
      %dma_wait3A_61 = tpu.memref_slice %arg3[%mul3A_2] : memref<2048xi32, #tpu.memory_space<hbm>> -> memref<32xi32, #tpu.memory_space<hbm>>
      tpu.wait_dma2 semaphore(%run_scoped3A : memref<!tpu.dma_semaphore, #tpu.memory_space<semaphore_mem>>) src(%dma_wait3A_61 : memref<32xi32, #tpu.memory_space<hbm>>) dst(%arg8 : memref<32xi32, #tpu.memory_space<vmem>>)
      tpu.yield
    }) : () -> ()
    "tpu.region"() ({
      %run_scoped3A = tpu.sem_alloc : memref<!tpu.dma_semaphore, #tpu.memory_space<semaphore_mem>>
      %dma_start3A_58 = tpu.memref_slice %arg4[%mul3A_2] : memref<2048xi32, #tpu.memory_space<hbm>> -> memref<32xi32, #tpu.memory_space<hbm>>
      %dma_start3A_59 = tpu.memref_slice %arg4[%mul3A_2] : memref<2048xi32, #tpu.memory_space<hbm>> -> memref<32xi32, #tpu.memory_space<hbm>>
      tpu.enqueue_dma source(%dma_start3A_59 : memref<32xi32, #tpu.memory_space<hbm>>) target(%arg10 : memref<32xi32, #tpu.memory_space<vmem>>) target_semaphore(%run_scoped3A : memref<!tpu.dma_semaphore, #tpu.memory_space<semaphore_mem>>)
      %dma_wait3A_60 = tpu.memref_slice %arg4[%mul3A_2] : memref<2048xi32, #tpu.memory_space<hbm>> -> memref<32xi32, #tpu.memory_space<hbm>>
      %dma_wait3A_61 = tpu.memref_slice %arg4[%mul3A_2] : memref<2048xi32, #tpu.memory_space<hbm>> -> memref<32xi32, #tpu.memory_space<hbm>>
      tpu.wait_dma2 semaphore(%run_scoped3A : memref<!tpu.dma_semaphore, #tpu.memory_space<semaphore_mem>>) src(%dma_wait3A_61 : memref<32xi32, #tpu.memory_space<hbm>>) dst(%arg10 : memref<32xi32, #tpu.memory_space<vmem>>)
      tpu.yield
    }) : () -> ()
    %dma_start3A = arith.constant 0 : i32
    %dma_start3A_3 = arith.constant 0 : i32
    %dma_start3A_4 = tpu.memref_slice %arg2[%dma_start3A, %dma_start3A_3] : memref<9600x768xf32, #tpu.memory_space<hbm>> -> memref<9600x768xf32, #tpu.memory_space<hbm>>
    tpu.enqueue_indirect_dma source(%dma_start3A_4 : memref<9600x768xf32, #tpu.memory_space<hbm>>) target(%arg14 : memref<32x768xf32, #tpu.memory_space<vmem>>) offsets(%arg8 : memref<32xi32, #tpu.memory_space<vmem>>) semaphore(%arg18 : memref<!tpu.dma_semaphore, #tpu.memory_space<semaphore_mem>>)
    %dma_start3A_5 = arith.constant 0 : i32
    %dma_start3A_6 = arith.constant 0 : i32
    %dma_start3A_7 = tpu.memref_slice %arg2[%dma_start3A_5, %dma_start3A_6] : memref<9600x768xf32, #tpu.memory_space<hbm>> -> memref<9600x768xf32, #tpu.memory_space<hbm>>
    tpu.enqueue_indirect_dma source(%dma_start3A_7 : memref<9600x768xf32, #tpu.memory_space<hbm>>) target(%arg15 : memref<32x768xf32, #tpu.memory_space<vmem>>) offsets(%arg10 : memref<32xi32, #tpu.memory_space<vmem>>) semaphore(%arg19 : memref<!tpu.dma_semaphore, #tpu.memory_space<semaphore_mem>>)
    %add3A_8 = arith.constant 32 : i32
    %add3A_9 = arith.addi %mul3A_2, %add3A_8 : i32
    "tpu.region"() ({
      %run_scoped3A = tpu.sem_alloc : memref<!tpu.dma_semaphore, #tpu.memory_space<semaphore_mem>>
      %dma_start3A_58 = tpu.memref_slice %arg3[%add3A_9] : memref<2048xi32, #tpu.memory_space<hbm>> -> memref<32xi32, #tpu.memory_space<hbm>>
      %dma_start3A_59 = tpu.memref_slice %arg3[%add3A_9] : memref<2048xi32, #tpu.memory_space<hbm>> -> memref<32xi32, #tpu.memory_space<hbm>>
      tpu.enqueue_dma source(%dma_start3A_59 : memref<32xi32, #tpu.memory_space<hbm>>) target(%arg9 : memref<32xi32, #tpu.memory_space<vmem>>) target_semaphore(%run_scoped3A : memref<!tpu.dma_semaphore, #tpu.memory_space<semaphore_mem>>)
      %dma_wait3A_60 = tpu.memref_slice %arg3[%add3A_9] : memref<2048xi32, #tpu.memory_space<hbm>> -> memref<32xi32, #tpu.memory_space<hbm>>
      %dma_wait3A_61 = tpu.memref_slice %arg3[%add3A_9] : memref<2048xi32, #tpu.memory_space<hbm>> -> memref<32xi32, #tpu.memory_space<hbm>>
      tpu.wait_dma2 semaphore(%run_scoped3A : memref<!tpu.dma_semaphore, #tpu.memory_space<semaphore_mem>>) src(%dma_wait3A_61 : memref<32xi32, #tpu.memory_space<hbm>>) dst(%arg9 : memref<32xi32, #tpu.memory_space<vmem>>)
      tpu.yield
    }) : () -> ()
    %add3A_10 = arith.constant 32 : i32
    %add3A_11 = arith.addi %mul3A_2, %add3A_10 : i32
    "tpu.region"() ({
      %run_scoped3A = tpu.sem_alloc : memref<!tpu.dma_semaphore, #tpu.memory_space<semaphore_mem>>
      %dma_start3A_58 = tpu.memref_slice %arg4[%add3A_11] : memref<2048xi32, #tpu.memory_space<hbm>> -> memref<32xi32, #tpu.memory_space<hbm>>
      %dma_start3A_59 = tpu.memref_slice %arg4[%add3A_11] : memref<2048xi32, #tpu.memory_space<hbm>> -> memref<32xi32, #tpu.memory_space<hbm>>
      tpu.enqueue_dma source(%dma_start3A_59 : memref<32xi32, #tpu.memory_space<hbm>>) target(%arg11 : memref<32xi32, #tpu.memory_space<vmem>>) target_semaphore(%run_scoped3A : memref<!tpu.dma_semaphore, #tpu.memory_space<semaphore_mem>>)
      %dma_wait3A_60 = tpu.memref_slice %arg4[%add3A_11] : memref<2048xi32, #tpu.memory_space<hbm>> -> memref<32xi32, #tpu.memory_space<hbm>>
      %dma_wait3A_61 = tpu.memref_slice %arg4[%add3A_11] : memref<2048xi32, #tpu.memory_space<hbm>> -> memref<32xi32, #tpu.memory_space<hbm>>
      tpu.wait_dma2 semaphore(%run_scoped3A : memref<!tpu.dma_semaphore, #tpu.memory_space<semaphore_mem>>) src(%dma_wait3A_61 : memref<32xi32, #tpu.memory_space<hbm>>) dst(%arg11 : memref<32xi32, #tpu.memory_space<vmem>>)
      tpu.yield
    }) : () -> ()
    %dma_start3A_12 = arith.constant 0 : i32
    %dma_start3A_13 = arith.constant 0 : i32
    %dma_start3A_14 = tpu.memref_slice %arg2[%dma_start3A_12, %dma_start3A_13] : memref<9600x768xf32, #tpu.memory_space<hbm>> -> memref<9600x768xf32, #tpu.memory_space<hbm>>
    tpu.enqueue_indirect_dma source(%dma_start3A_14 : memref<9600x768xf32, #tpu.memory_space<hbm>>) target(%arg16 : memref<32x768xf32, #tpu.memory_space<vmem>>) offsets(%arg9 : memref<32xi32, #tpu.memory_space<vmem>>) semaphore(%arg18 : memref<!tpu.dma_semaphore, #tpu.memory_space<semaphore_mem>>)
    %dma_start3A_15 = arith.constant 0 : i32
    %dma_start3A_16 = arith.constant 0 : i32
    %dma_start3A_17 = tpu.memref_slice %arg2[%dma_start3A_15, %dma_start3A_16] : memref<9600x768xf32, #tpu.memory_space<hbm>> -> memref<9600x768xf32, #tpu.memory_space<hbm>>
    tpu.enqueue_indirect_dma source(%dma_start3A_17 : memref<9600x768xf32, #tpu.memory_space<hbm>>) target(%arg17 : memref<32x768xf32, #tpu.memory_space<vmem>>) offsets(%arg11 : memref<32xi32, #tpu.memory_space<vmem>>) semaphore(%arg19 : memref<!tpu.dma_semaphore, #tpu.memory_space<semaphore_mem>>)
    "tpu.region"() ({
      %run_scoped3A = tpu.sem_alloc : memref<!tpu.dma_semaphore, #tpu.memory_space<semaphore_mem>>
      %dma_start3A_58 = arith.constant 0 : i32
      %dma_start3A_59 = tpu.memref_slice %arg5[%mul3A_2, %dma_start3A_58] : memref<2048x16xf32, #tpu.memory_space<hbm>> -> memref<64x16xf32, #tpu.memory_space<hbm>>
      %dma_start3A_60 = arith.constant 0 : i32
      %dma_start3A_61 = tpu.memref_slice %arg5[%mul3A_2, %dma_start3A_60] : memref<2048x16xf32, #tpu.memory_space<hbm>> -> memref<64x16xf32, #tpu.memory_space<hbm>>
      tpu.enqueue_dma source(%dma_start3A_61 : memref<64x16xf32, #tpu.memory_space<hbm>>) target(%arg12 : memref<64x16xf32, #tpu.memory_space<vmem>>) target_semaphore(%run_scoped3A : memref<!tpu.dma_semaphore, #tpu.memory_space<semaphore_mem>>)
      %dma_wait3A_62 = arith.constant 0 : i32
      %dma_wait3A_63 = tpu.memref_slice %arg5[%mul3A_2, %dma_wait3A_62] : memref<2048x16xf32, #tpu.memory_space<hbm>> -> memref<64x16xf32, #tpu.memory_space<hbm>>
      %dma_wait3A_64 = arith.constant 0 : i32
      %dma_wait3A_65 = tpu.memref_slice %arg5[%mul3A_2, %dma_wait3A_64] : memref<2048x16xf32, #tpu.memory_space<hbm>> -> memref<64x16xf32, #tpu.memory_space<hbm>>
      tpu.wait_dma2 semaphore(%run_scoped3A : memref<!tpu.dma_semaphore, #tpu.memory_space<semaphore_mem>>) src(%dma_wait3A_65 : memref<64x16xf32, #tpu.memory_space<hbm>>) dst(%arg12 : memref<64x16xf32, #tpu.memory_space<vmem>>)
      tpu.yield
    }) : () -> ()
    "tpu.region"() ({
      %run_scoped3A = tpu.sem_alloc : memref<!tpu.dma_semaphore, #tpu.memory_space<semaphore_mem>>
      %dma_start3A_58 = arith.constant 0 : i32
      %dma_start3A_59 = tpu.memref_slice %arg6[%mul3A_2, %dma_start3A_58] : memref<2048x16xf32, #tpu.memory_space<hbm>> -> memref<64x16xf32, #tpu.memory_space<hbm>>
      %dma_start3A_60 = arith.constant 0 : i32
      %dma_start3A_61 = tpu.memref_slice %arg6[%mul3A_2, %dma_start3A_60] : memref<2048x16xf32, #tpu.memory_space<hbm>> -> memref<64x16xf32, #tpu.memory_space<hbm>>
      tpu.enqueue_dma source(%dma_start3A_61 : memref<64x16xf32, #tpu.memory_space<hbm>>) target(%arg13 : memref<64x16xf32, #tpu.memory_space<vmem>>) target_semaphore(%run_scoped3A : memref<!tpu.dma_semaphore, #tpu.memory_space<semaphore_mem>>)
      %dma_wait3A_62 = arith.constant 0 : i32
      %dma_wait3A_63 = tpu.memref_slice %arg6[%mul3A_2, %dma_wait3A_62] : memref<2048x16xf32, #tpu.memory_space<hbm>> -> memref<64x16xf32, #tpu.memory_space<hbm>>
      %dma_wait3A_64 = arith.constant 0 : i32
      %dma_wait3A_65 = tpu.memref_slice %arg6[%mul3A_2, %dma_wait3A_64] : memref<2048x16xf32, #tpu.memory_space<hbm>> -> memref<64x16xf32, #tpu.memory_space<hbm>>
      tpu.wait_dma2 semaphore(%run_scoped3A : memref<!tpu.dma_semaphore, #tpu.memory_space<semaphore_mem>>) src(%dma_wait3A_65 : memref<64x16xf32, #tpu.memory_space<hbm>>) dst(%arg13 : memref<64x16xf32, #tpu.memory_space<vmem>>)
      tpu.yield
    }) : () -> ()
    %dma_wait3A = arith.constant 0 : i32
    %dma_wait3A_18 = arith.constant 0 : i32
    %dma_wait3A_19 = tpu.memref_slice %arg2[%dma_wait3A, %dma_wait3A_18] : memref<9600x768xf32, #tpu.memory_space<hbm>> -> memref<9600x768xf32, #tpu.memory_space<hbm>>
    tpu.wait_indirect_dma semaphore(%arg18 : memref<!tpu.dma_semaphore, #tpu.memory_space<semaphore_mem>>) src(%dma_wait3A_19 : memref<9600x768xf32, #tpu.memory_space<hbm>>) dst(%arg14 : memref<32x768xf32, #tpu.memory_space<vmem>>)
    %dma_wait3A_20 = arith.constant 0 : i32
    %dma_wait3A_21 = arith.constant 0 : i32
    %dma_wait3A_22 = tpu.memref_slice %arg2[%dma_wait3A_20, %dma_wait3A_21] : memref<9600x768xf32, #tpu.memory_space<hbm>> -> memref<9600x768xf32, #tpu.memory_space<hbm>>
    tpu.wait_indirect_dma semaphore(%arg19 : memref<!tpu.dma_semaphore, #tpu.memory_space<semaphore_mem>>) src(%dma_wait3A_22 : memref<9600x768xf32, #tpu.memory_space<hbm>>) dst(%arg15 : memref<32x768xf32, #tpu.memory_space<vmem>>)
    %scan3A = arith.constant 0 : i32
    %scan3A_23 = arith.constant 0 : i32
    %scan3A_24 = arith.constant 32 : i32
    %scan3A_25 = arith.addi %scan3A_23, %scan3A_24 : i32
    %scan3A_26 = arith.constant 1 : i32
    scf.for %scan3A_58 = %scan3A_23 to %scan3A_25 step %scan3A_26  : i32 {
      %add3A_59 = arith.constant 0 : i32
      %add3A_60 = arith.addi %scan3A_58, %add3A_59 : i32
      %get3A = arith.index_cast %add3A_60 : i32 to index
      %get3A_61 = arith.constant 0 : index
      %get3A_62 = tpu.vector_load %arg12[%get3A, %get3A_61] {strides = array<i32>} : memref<64x16xf32, #tpu.memory_space<vmem>>, vector<1x16xf32>,
      %get3A_63 = vector.shape_cast %get3A_62 : vector<1x16xf32> to vector<16xf32>
      %add3A_64 = arith.constant 0 : i32
      %add3A_65 = arith.addi %scan3A_58, %add3A_64 : i32
      %get3A_66 = arith.index_cast %add3A_65 : i32 to index
      %get3A_67 = arith.constant 0 : index
      %get3A_68 = tpu.vector_load %arg13[%get3A_66, %get3A_67] {strides = array<i32>} : memref<64x16xf32, #tpu.memory_space<vmem>>, vector<1x16xf32>,
      %get3A_69 = vector.shape_cast %get3A_68 : vector<1x16xf32> to vector<16xf32>
      %get3A_70 = arith.index_cast %scan3A_58 : i32 to index
      %get3A_71 = arith.constant 0 : index
      %get3A_72 = tpu.vector_load %arg14[%get3A_70, %get3A_71] {strides = array<i32>} : memref<32x768xf32, #tpu.memory_space<vmem>>, vector<1x16xf32>,
      %get3A_73 = vector.shape_cast %get3A_72 : vector<1x16xf32> to vector<16xf32>
      %mul3A_74 = arith.mulf %get3A_63, %get3A_73 : vector<16xf32>
      %get3A_75 = arith.index_cast %scan3A_58 : i32 to index
      %get3A_76 = arith.constant 0 : index
      %get3A_77 = tpu.vector_load %arg15[%get3A_75, %get3A_76] {strides = array<i32>} : memref<32x768xf32, #tpu.memory_space<vmem>>, vector<1x16xf32>,
      %get3A_78 = vector.shape_cast %get3A_77 : vector<1x16xf32> to vector<16xf32>
      %mul3A_79 = arith.mulf %get3A_69, %get3A_78 : vector<16xf32>
      %add3A_80 = arith.addf %mul3A_74, %mul3A_79 : vector<16xf32>
      %swap3A = arith.index_cast %scan3A_58 : i32 to index
      %swap3A_81 = arith.constant 0 : index
      %swap3A_82 = tpu.vector_load %arg14[%swap3A, %swap3A_81] {strides = array<i32>} : memref<32x768xf32, #tpu.memory_space<vmem>>, vector<1x16xf32>,
      %swap3A_83 = vector.shape_cast %swap3A_82 : vector<1x16xf32> to vector<16xf32>
      %swap3A_84 = vector.shape_cast %add3A_80 : vector<16xf32> to vector<1x16xf32>
      tpu.vector_store %arg14[%swap3A, %swap3A_81], %swap3A_84 {strides = array<i32>} : memref<32x768xf32, #tpu.memory_space<vmem>>, vector<1x16xf32>,
      %get3A_85 = arith.index_cast %scan3A_58 : i32 to index
      %get3A_86 = arith.constant 16 : index
      %get3A_87 = tpu.vector_load %arg14[%get3A_85, %get3A_86] {strides = array<i32>} : memref<32x768xf32, #tpu.memory_space<vmem>>, vector<1x16xf32>,
      %get3A_88 = vector.shape_cast %get3A_87 : vector<1x16xf32> to vector<16xf32>
      %mul3A_89 = arith.mulf %get3A_63, %get3A_88 : vector<16xf32>
      %get3A_90 = arith.index_cast %scan3A_58 : i32 to index
      %get3A_91 = arith.constant 16 : index
      %get3A_92 = tpu.vector_load %arg15[%get3A_90, %get3A_91] {strides = array<i32>} : memref<32x768xf32, #tpu.memory_space<vmem>>, vector<1x16xf32>,
      %get3A_93 = vector.shape_cast %get3A_92 : vector<1x16xf32> to vector<16xf32>
      %mul3A_94 = arith.mulf %get3A_69, %get3A_93 : vector<16xf32>
      %add3A_95 = arith.addf %mul3A_89, %mul3A_94 : vector<16xf32>
      %swap3A_96 = arith.index_cast %scan3A_58 : i32 to index
      %swap3A_97 = arith.constant 16 : index
      %swap3A_98 = tpu.vector_load %arg14[%swap3A_96, %swap3A_97] {strides = array<i32>} : memref<32x768xf32, #tpu.memory_space<vmem>>, vector<1x16xf32>,
      %swap3A_99 = vector.shape_cast %swap3A_98 : vector<1x16xf32> to vector<16xf32>
      %swap3A_100 = vector.shape_cast %add3A_95 : vector<16xf32> to vector<1x16xf32>
      tpu.vector_store %arg14[%swap3A_96, %swap3A_97], %swap3A_100 {strides = array<i32>} : memref<32x768xf32, #tpu.memory_space<vmem>>, vector<1x16xf32>,
      %get3A_101 = arith.index_cast %scan3A_58 : i32 to index
      %get3A_102 = arith.constant 32 : index
      %get3A_103 = tpu.vector_load %arg14[%get3A_101, %get3A_102] {strides = array<i32>} : memref<32x768xf32, #tpu.memory_space<vmem>>, vector<1x16xf32>,
      %get3A_104 = vector.shape_cast %get3A_103 : vector<1x16xf32> to vector<16xf32>
      %mul3A_105 = arith.mulf %get3A_63, %get3A_104 : vector<16xf32>
      %get3A_106 = arith.index_cast %scan3A_58 : i32 to index
      %get3A_107 = arith.constant 32 : index
      %get3A_108 = tpu.vector_load %arg15[%get3A_106, %get3A_107] {strides = array<i32>} : memref<32x768xf32, #tpu.memory_space<vmem>>, vector<1x16xf32>,
      %get3A_109 = vector.shape_cast %get3A_108 : vector<1x16xf32> to vector<16xf32>
      %mul3A_110 = arith.mulf %get3A_69, %get3A_109 : vector<16xf32>
      %add3A_111 = arith.addf %mul3A_105, %mul3A_110 : vector<16xf32>
      %swap3A_112 = arith.index_cast %scan3A_58 : i32 to index
      %swap3A_113 = arith.constant 32 : index
      %swap3A_114 = tpu.vector_load %arg14[%swap3A_112, %swap3A_113] {strides = array<i32>} : memref<32x768xf32, #tpu.memory_space<vmem>>, vector<1x16xf32>,
      %swap3A_115 = vector.shape_cast %swap3A_114 : vector<1x16xf32> to vector<16xf32>
      %swap3A_116 = vector.shape_cast %add3A_111 : vector<16xf32> to vector<1x16xf32>
      tpu.vector_store %arg14[%swap3A_112, %swap3A_113], %swap3A_116 {strides = array<i32>} : memref<32x768xf32, #tpu.memory_space<vmem>>, vector<1x16xf32>,
      %get3A_117 = arith.index_cast %scan3A_58 : i32 to index
      %get3A_118 = arith.constant 48 : index
      %get3A_119 = tpu.vector_load %arg14[%get3A_117, %get3A_118] {strides = array<i32>} : memref<32x768xf32, #tpu.memory_space<vmem>>, vector<1x16xf32>,
      %get3A_120 = vector.shape_cast %get3A_119 : vector<1x16xf32> to vector<16xf32>
      %mul3A_121 = arith.mulf %get3A_63, %get3A_120 : vector<16xf32>
      %get3A_122 = arith.index_cast %scan3A_58 : i32 to index
      %get3A_123 = arith.constant 48 : index
      %get3A_124 = tpu.vector_load %arg15[%get3A_122, %get3A_123] {strides = array<i32>} : memref<32x768xf32, #tpu.memory_space<vmem>>, vector<1x16xf32>,
      %get3A_125 = vector.shape_cast %get3A_124 : vector<1x16xf32> to vector<16xf32>
      %mul3A_126 = arith.mulf %get3A_69, %get3A_125 : vector<16xf32>
      %add3A_127 = arith.addf %mul3A_121, %mul3A_126 : vector<16xf32>
      %swap3A_128 = arith.index_cast %scan3A_58 : i32 to index
      %swap3A_129 = arith.constant 48 : index
      %swap3A_130 = tpu.vector_load %arg14[%swap3A_128, %swap3A_129] {strides = array<i32>} : memref<32x768xf32, #tpu.memory_space<vmem>>, vector<1x16xf32>,
      %swap3A_131 = vector.shape_cast %swap3A_130 : vector<1x16xf32> to vector<16xf32>
      %swap3A_132 = vector.shape_cast %add3A_127 : vector<16xf32> to vector<1x16xf32>
      tpu.vector_store %arg14[%swap3A_128, %swap3A_129], %swap3A_132 {strides = array<i32>} : memref<32x768xf32, #tpu.memory_space<vmem>>, vector<1x16xf32>,
      %get3A_133 = arith.index_cast %scan3A_58 : i32 to index
      %get3A_134 = arith.constant 64 : index
      %get3A_135 = tpu.vector_load %arg14[%get3A_133, %get3A_134] {strides = array<i32>} : memref<32x768xf32, #tpu.memory_space<vmem>>, vector<1x16xf32>,
      %get3A_136 = vector.shape_cast %get3A_135 : vector<1x16xf32> to vector<16xf32>
      %mul3A_137 = arith.mulf %get3A_63, %get3A_136 : vector<16xf32>
      %get3A_138 = arith.index_cast %scan3A_58 : i32 to index
      %get3A_139 = arith.constant 64 : index
      %get3A_140 = tpu.vector_load %arg15[%get3A_138, %get3A_139] {strides = array<i32>} : memref<32x768xf32, #tpu.memory_space<vmem>>, vector<1x16xf32>,
      %get3A_141 = vector.shape_cast %get3A_140 : vector<1x16xf32> to vector<16xf32>
      %mul3A_142 = arith.mulf %get3A_69, %get3A_141 : vector<16xf32>
      %add3A_143 = arith.addf %mul3A_137, %mul3A_142 : vector<16xf32>
      %swap3A_144 = arith.index_cast %scan3A_58 : i32 to index
      %swap3A_145 = arith.constant 64 : index
      %swap3A_146 = tpu.vector_load %arg14[%swap3A_144, %swap3A_145] {strides = array<i32>} : memref<32x768xf32, #tpu.memory_space<vmem>>, vector<1x16xf32>,
      %swap3A_147 = vector.shape_cast %swap3A_146 : vector<1x16xf32> to vector<16xf32>
      %swap3A_148 = vector.shape_cast %add3A_143 : vector<16xf32> to vector<1x16xf32>
      tpu.vector_store %arg14[%swap3A_144, %swap3A_145], %swap3A_148 {strides = array<i32>} : memref<32x768xf32, #tpu.memory_space<vmem>>, vector<1x16xf32>,
      %get3A_149 = arith.index_cast %scan3A_58 : i32 to index
      %get3A_150 = arith.constant 80 : index
      %get3A_151 = tpu.vector_load %arg14[%get3A_149, %get3A_150] {strides = array<i32>} : memref<32x768xf32, #tpu.memory_space<vmem>>, vector<1x16xf32>,
      %get3A_152 = vector.shape_cast %get3A_151 : vector<1x16xf32> to vector<16xf32>
      %mul3A_153 = arith.mulf %get3A_63, %get3A_152 : vector<16xf32>
      %get3A_154 = arith.index_cast %scan3A_58 : i32 to index
      %get3A_155 = arith.constant 80 : index
      %get3A_156 = tpu.vector_load %arg15[%get3A_154, %get3A_155] {strides = array<i32>} : memref<32x768xf32, #tpu.memory_space<vmem>>, vector<1x16xf32>,
      %get3A_157 = vector.shape_cast %get3A_156 : vector<1x16xf32> to vector<16xf32>
      %mul3A_158 = arith.mulf %get3A_69, %get3A_157 : vector<16xf32>
      %add3A_159 = arith.addf %mul3A_153, %mul3A_158 : vector<16xf32>
      %swap3A_160 = arith.index_cast %scan3A_58 : i32 to index
      %swap3A_161 = arith.constant 80 : index
      %swap3A_162 = tpu.vector_load %arg14[%swap3A_160, %swap3A_161] {strides = array<i32>} : memref<32x768xf32, #tpu.memory_space<vmem>>, vector<1x16xf32>,
      %swap3A_163 = vector.shape_cast %swap3A_162 : vector<1x16xf32> to vector<16xf32>
      %swap3A_164 = vector.shape_cast %add3A_159 : vector<16xf32> to vector<1x16xf32>
      tpu.vector_store %arg14[%swap3A_160, %swap3A_161], %swap3A_164 {strides = array<i32>} : memref<32x768xf32, #tpu.memory_space<vmem>>, vector<1x16xf32>,
      %get3A_165 = arith.index_cast %scan3A_58 : i32 to index
      %get3A_166 = arith.constant 96 : index
      %get3A_167 = tpu.vector_load %arg14[%get3A_165, %get3A_166] {strides = array<i32>} : memref<32x768xf32, #tpu.memory_space<vmem>>, vector<1x16xf32>,
      %get3A_168 = vector.shape_cast %get3A_167 : vector<1x16xf32> to vector<16xf32>
      %mul3A_169 = arith.mulf %get3A_63, %get3A_168 : vector<16xf32>
      %get3A_170 = arith.index_cast %scan3A_58 : i32 to index
      %get3A_171 = arith.constant 96 : index
      %get3A_172 = tpu.vector_load %arg15[%get3A_170, %get3A_171] {strides = array<i32>} : memref<32x768xf32, #tpu.memory_space<vmem>>, vector<1x16xf32>,
      %get3A_173 = vector.shape_cast %get3A_172 : vector<1x16xf32> to vector<16xf32>
      %mul3A_174 = arith.mulf %get3A_69, %get3A_173 : vector<16xf32>
      %add3A_175 = arith.addf %mul3A_169, %mul3A_174 : vector<16xf32>
      %swap3A_176 = arith.index_cast %scan3A_58 : i32 to index
      %swap3A_177 = arith.constant 96 : index
      %swap3A_178 = tpu.vector_load %arg14[%swap3A_176, %swap3A_177] {strides = array<i32>} : memref<32x768xf32, #tpu.memory_space<vmem>>, vector<1x16xf32>,
      %swap3A_179 = vector.shape_cast %swap3A_178 : vector<1x16xf32> to vector<16xf32>
      %swap3A_180 = vector.shape_cast %add3A_175 : vector<16xf32> to vector<1x16xf32>
      tpu.vector_store %arg14[%swap3A_176, %swap3A_177], %swap3A_180 {strides = array<i32>} : memref<32x768xf32, #tpu.memory_space<vmem>>, vector<1x16xf32>,
      %get3A_181 = arith.index_cast %scan3A_58 : i32 to index
      %get3A_182 = arith.constant 112 : index
      %get3A_183 = tpu.vector_load %arg14[%get3A_181, %get3A_182] {strides = array<i32>} : memref<32x768xf32, #tpu.memory_space<vmem>>, vector<1x16xf32>,
      %get3A_184 = vector.shape_cast %get3A_183 : vector<1x16xf32> to vector<16xf32>
      %mul3A_185 = arith.mulf %get3A_63, %get3A_184 : vector<16xf32>
      %get3A_186 = arith.index_cast %scan3A_58 : i32 to index
      %get3A_187 = arith.constant 112 : index
      %get3A_188 = tpu.vector_load %arg15[%get3A_186, %get3A_187] {strides = array<i32>} : memref<32x768xf32, #tpu.memory_space<vmem>>, vector<1x16xf32>,
      %get3A_189 = vector.shape_cast %get3A_188 : vector<1x16xf32> to vector<16xf32>
      %mul3A_190 = arith.mulf %get3A_69, %get3A_189 : vector<16xf32>
      %add3A_191 = arith.addf %mul3A_185, %mul3A_190 : vector<16xf32>
      %swap3A_192 = arith.index_cast %scan3A_58 : i32 to index
      %swap3A_193 = arith.constant 112 : index
      %swap3A_194 = tpu.vector_load %arg14[%swap3A_192, %swap3A_193] {strides = array<i32>} : memref<32x768xf32, #tpu.memory_space<vmem>>, vector<1x16xf32>,
      %swap3A_195 = vector.shape_cast %swap3A_194 : vector<1x16xf32> to vector<16xf32>
      %swap3A_196 = vector.shape_cast %add3A_191 : vector<16xf32> to vector<1x16xf32>
      tpu.vector_store %arg14[%swap3A_192, %swap3A_193], %swap3A_196 {strides = array<i32>} : memref<32x768xf32, #tpu.memory_space<vmem>>, vector<1x16xf32>,
      %get3A_197 = arith.index_cast %scan3A_58 : i32 to index
      %get3A_198 = arith.constant 128 : index
      %get3A_199 = tpu.vector_load %arg14[%get3A_197, %get3A_198] {strides = array<i32>} : memref<32x768xf32, #tpu.memory_space<vmem>>, vector<1x16xf32>,
      %get3A_200 = vector.shape_cast %get3A_199 : vector<1x16xf32> to vector<16xf32>
      %mul3A_201 = arith.mulf %get3A_63, %get3A_200 : vector<16xf32>
      %get3A_202 = arith.index_cast %scan3A_58 : i32 to index
      %get3A_203 = arith.constant 128 : index
      %get3A_204 = tpu.vector_load %arg15[%get3A_202, %get3A_203] {strides = array<i32>} : memref<32x768xf32, #tpu.memory_space<vmem>>, vector<1x16xf32>,
      %get3A_205 = vector.shape_cast %get3A_204 : vector<1x16xf32> to vector<16xf32>
      %mul3A_206 = arith.mulf %get3A_69, %get3A_205 : vector<16xf32>
      %add3A_207 = arith.addf %mul3A_201, %mul3A_206 : vector<16xf32>
      %swap3A_208 = arith.index_cast %scan3A_58 : i32 to index
      %swap3A_209 = arith.constant 128 : index
      %swap3A_210 = tpu.vector_load %arg14[%swap3A_208, %swap3A_209] {strides = array<i32>} : memref<32x768xf32, #tpu.memory_space<vmem>>, vector<1x16xf32>,
      %swap3A_211 = vector.shape_cast %swap3A_210 : vector<1x16xf32> to vector<16xf32>
      %swap3A_212 = vector.shape_cast %add3A_207 : vector<16xf32> to vector<1x16xf32>
      tpu.vector_store %arg14[%swap3A_208, %swap3A_209], %swap3A_212 {strides = array<i32>} : memref<32x768xf32, #tpu.memory_space<vmem>>, vector<1x16xf32>,
      %get3A_213 = arith.index_cast %scan3A_58 : i32 to index
      %get3A_214 = arith.constant 144 : index
      %get3A_215 = tpu.vector_load %arg14[%get3A_213, %get3A_214] {strides = array<i32>} : memref<32x768xf32, #tpu.memory_space<vmem>>, vector<1x16xf32>,
      %get3A_216 = vector.shape_cast %get3A_215 : vector<1x16xf32> to vector<16xf32>
      %mul3A_217 = arith.mulf %get3A_63, %get3A_216 : vector<16xf32>
      %get3A_218 = arith.index_cast %scan3A_58 : i32 to index
      %get3A_219 = arith.constant 144 : index
      %get3A_220 = tpu.vector_load %arg15[%get3A_218, %get3A_219] {strides = array<i32>} : memref<32x768xf32, #tpu.memory_space<vmem>>, vector<1x16xf32>,
      %get3A_221 = vector.shape_cast %get3A_220 : vector<1x16xf32> to vector<16xf32>
      %mul3A_222 = arith.mulf %get3A_69, %get3A_221 : vector<16xf32>
      %add3A_223 = arith.addf %mul3A_217, %mul3A_222 : vector<16xf32>
      %swap3A_224 = arith.index_cast %scan3A_58 : i32 to index
      %swap3A_225 = arith.constant 144 : index
      %swap3A_226 = tpu.vector_load %arg14[%swap3A_224, %swap3A_225] {strides = array<i32>} : memref<32x768xf32, #tpu.memory_space<vmem>>, vector<1x16xf32>,
      %swap3A_227 = vector.shape_cast %swap3A_226 : vector<1x16xf32> to vector<16xf32>
      %swap3A_228 = vector.shape_cast %add3A_223 : vector<16xf32> to vector<1x16xf32>
      tpu.vector_store %arg14[%swap3A_224, %swap3A_225], %swap3A_228 {strides = array<i32>} : memref<32x768xf32, #tpu.memory_space<vmem>>, vector<1x16xf32>,
      %get3A_229 = arith.index_cast %scan3A_58 : i32 to index
      %get3A_230 = arith.constant 160 : index
      %get3A_231 = tpu.vector_load %arg14[%get3A_229, %get3A_230] {strides = array<i32>} : memref<32x768xf32, #tpu.memory_space<vmem>>, vector<1x16xf32>,
      %get3A_232 = vector.shape_cast %get3A_231 : vector<1x16xf32> to vector<16xf32>
      %mul3A_233 = arith.mulf %get3A_63, %get3A_232 : vector<16xf32>
      %get3A_234 = arith.index_cast %scan3A_58 : i32 to index
      %get3A_235 = arith.constant 160 : index
      %get3A_236 = tpu.vector_load %arg15[%get3A_234, %get3A_235] {strides = array<i32>} : memref<32x768xf32, #tpu.memory_space<vmem>>, vector<1x16xf32>,
      %get3A_237 = vector.shape_cast %get3A_236 : vector<1x16xf32> to vector<16xf32>
      %mul3A_238 = arith.mulf %get3A_69, %get3A_237 : vector<16xf32>
      %add3A_239 = arith.addf %mul3A_233, %mul3A_238 : vector<16xf32>
      %swap3A_240 = arith.index_cast %scan3A_58 : i32 to index
      %swap3A_241 = arith.constant 160 : index
      %swap3A_242 = tpu.vector_load %arg14[%swap3A_240, %swap3A_241] {strides = array<i32>} : memref<32x768xf32, #tpu.memory_space<vmem>>, vector<1x16xf32>,
      %swap3A_243 = vector.shape_cast %swap3A_242 : vector<1x16xf32> to vector<16xf32>
      %swap3A_244 = vector.shape_cast %add3A_239 : vector<16xf32> to vector<1x16xf32>
      tpu.vector_store %arg14[%swap3A_240, %swap3A_241], %swap3A_244 {strides = array<i32>} : memref<32x768xf32, #tpu.memory_space<vmem>>, vector<1x16xf32>,
      %get3A_245 = arith.index_cast %scan3A_58 : i32 to index
      %get3A_246 = arith.constant 176 : index
      %get3A_247 = tpu.vector_load %arg14[%get3A_245, %get3A_246] {strides = array<i32>} : memref<32x768xf32, #tpu.memory_space<vmem>>, vector<1x16xf32>,
      %get3A_248 = vector.shape_cast %get3A_247 : vector<1x16xf32> to vector<16xf32>
      %mul3A_249 = arith.mulf %get3A_63, %get3A_248 : vector<16xf32>
      %get3A_250 = arith.index_cast %scan3A_58 : i32 to index
      %get3A_251 = arith.constant 176 : index
      %get3A_252 = tpu.vector_load %arg15[%get3A_250, %get3A_251] {strides = array<i32>} : memref<32x768xf32, #tpu.memory_space<vmem>>, vector<1x16xf32>,
      %get3A_253 = vector.shape_cast %get3A_252 : vector<1x16xf32> to vector<16xf32>
      %mul3A_254 = arith.mulf %get3A_69, %get3A_253 : vector<16xf32>
      %add3A_255 = arith.addf %mul3A_249, %mul3A_254 : vector<16xf32>
      %swap3A_256 = arith.index_cast %scan3A_58 : i32 to index
      %swap3A_257 = arith.constant 176 : index
      %swap3A_258 = tpu.vector_load %arg14[%swap3A_256, %swap3A_257] {strides = array<i32>} : memref<32x768xf32, #tpu.memory_space<vmem>>, vector<1x16xf32>,
      %swap3A_259 = vector.shape_cast %swap3A_258 : vector<1x16xf32> to vector<16xf32>
      %swap3A_260 = vector.shape_cast %add3A_255 : vector<16xf32> to vector<1x16xf32>
      tpu.vector_store %arg14[%swap3A_256, %swap3A_257], %swap3A_260 {strides = array<i32>} : memref<32x768xf32, #tpu.memory_space<vmem>>, vector<1x16xf32>,
      %get3A_261 = arith.index_cast %scan3A_58 : i32 to index
      %get3A_262 = arith.constant 192 : index
      %get3A_263 = tpu.vector_load %arg14[%get3A_261, %get3A_262] {strides = array<i32>} : memref<32x768xf32, #tpu.memory_space<vmem>>, vector<1x16xf32>,
      %get3A_264 = vector.shape_cast %get3A_263 : vector<1x16xf32> to vector<16xf32>
      %mul3A_265 = arith.mulf %get3A_63, %get3A_264 : vector<16xf32>
      %get3A_266 = arith.index_cast %scan3A_58 : i32 to index
      %get3A_267 = arith.constant 192 : index
      %get3A_268 = tpu.vector_load %arg15[%get3A_266, %get3A_267] {strides = array<i32>} : memref<32x768xf32, #tpu.memory_space<vmem>>, vector<1x16xf32>,
      %get3A_269 = vector.shape_cast %get3A_268 : vector<1x16xf32> to vector<16xf32>
      %mul3A_270 = arith.mulf %get3A_69, %get3A_269 : vector<16xf32>
      %add3A_271 = arith.addf %mul3A_265, %mul3A_270 : vector<16xf32>
      %swap3A_272 = arith.index_cast %scan3A_58 : i32 to index
      %swap3A_273 = arith.constant 192 : index
      %swap3A_274 = tpu.vector_load %arg14[%swap3A_272, %swap3A_273] {strides = array<i32>} : memref<32x768xf32, #tpu.memory_space<vmem>>, vector<1x16xf32>,
      %swap3A_275 = vector.shape_cast %swap3A_274 : vector<1x16xf32> to vector<16xf32>
      %swap3A_276 = vector.shape_cast %add3A_271 : vector<16xf32> to vector<1x16xf32>
      tpu.vector_store %arg14[%swap3A_272, %swap3A_273], %swap3A_276 {strides = array<i32>} : memref<32x768xf32, #tpu.memory_space<vmem>>, vector<1x16xf32>,
      %get3A_277 = arith.index_cast %scan3A_58 : i32 to index
      %get3A_278 = arith.constant 208 : index
      %get3A_279 = tpu.vector_load %arg14[%get3A_277, %get3A_278] {strides = array<i32>} : memref<32x768xf32, #tpu.memory_space<vmem>>, vector<1x16xf32>,
      %get3A_280 = vector.shape_cast %get3A_279 : vector<1x16xf32> to vector<16xf32>
      %mul3A_281 = arith.mulf %get3A_63, %get3A_280 : vector<16xf32>
      %get3A_282 = arith.index_cast %scan3A_58 : i32 to index
      %get3A_283 = arith.constant 208 : index
      %get3A_284 = tpu.vector_load %arg15[%get3A_282, %get3A_283] {strides = array<i32>} : memref<32x768xf32, #tpu.memory_space<vmem>>, vector<1x16xf32>,
      %get3A_285 = vector.shape_cast %get3A_284 : vector<1x16xf32> to vector<16xf32>
      %mul3A_286 = arith.mulf %get3A_69, %get3A_285 : vector<16xf32>
      %add3A_287 = arith.addf %mul3A_281, %mul3A_286 : vector<16xf32>
      %swap3A_288 = arith.index_cast %scan3A_58 : i32 to index
      %swap3A_289 = arith.constant 208 : index
      %swap3A_290 = tpu.vector_load %arg14[%swap3A_288, %swap3A_289] {strides = array<i32>} : memref<32x768xf32, #tpu.memory_space<vmem>>, vector<1x16xf32>,
      %swap3A_291 = vector.shape_cast %swap3A_290 : vector<1x16xf32> to vector<16xf32>
      %swap3A_292 = vector.shape_cast %add3A_287 : vector<16xf32> to vector<1x16xf32>
      tpu.vector_store %arg14[%swap3A_288, %swap3A_289], %swap3A_292 {strides = array<i32>} : memref<32x768xf32, #tpu.memory_space<vmem>>, vector<1x16xf32>,
      %get3A_293 = arith.index_cast %scan3A_58 : i32 to index
      %get3A_294 = arith.constant 224 : index
      %get3A_295 = tpu.vector_load %arg14[%get3A_293, %get3A_294] {strides = array<i32>} : memref<32x768xf32, #tpu.memory_space<vmem>>, vector<1x16xf32>,
      %get3A_296 = vector.shape_cast %get3A_295 : vector<1x16xf32> to vector<16xf32>
      %mul3A_297 = arith.mulf %get3A_63, %get3A_296 : vector<16xf32>
      %get3A_298 = arith.index_cast %scan3A_58 : i32 to index
      %get3A_299 = arith.constant 224 : index
      %get3A_300 = tpu.vector_load %arg15[%get3A_298, %get3A_299] {strides = array<i32>} : memref<32x768xf32, #tpu.memory_space<vmem>>, vector<1x16xf32>,
      %get3A_301 = vector.shape_cast %get3A_300 : vector<1x16xf32> to vector<16xf32>
      %mul3A_302 = arith.mulf %get3A_69, %get3A_301 : vector<16xf32>
      %add3A_303 = arith.addf %mul3A_297, %mul3A_302 : vector<16xf32>
      %swap3A_304 = arith.index_cast %scan3A_58 : i32 to index
      %swap3A_305 = arith.constant 224 : index
      %swap3A_306 = tpu.vector_load %arg14[%swap3A_304, %swap3A_305] {strides = array<i32>} : memref<32x768xf32, #tpu.memory_space<vmem>>, vector<1x16xf32>,
      %swap3A_307 = vector.shape_cast %swap3A_306 : vector<1x16xf32> to vector<16xf32>
      %swap3A_308 = vector.shape_cast %add3A_303 : vector<16xf32> to vector<1x16xf32>
      tpu.vector_store %arg14[%swap3A_304, %swap3A_305], %swap3A_308 {strides = array<i32>} : memref<32x768xf32, #tpu.memory_space<vmem>>, vector<1x16xf32>,
      %get3A_309 = arith.index_cast %scan3A_58 : i32 to index
      %get3A_310 = arith.constant 240 : index
      %get3A_311 = tpu.vector_load %arg14[%get3A_309, %get3A_310] {strides = array<i32>} : memref<32x768xf32, #tpu.memory_space<vmem>>, vector<1x16xf32>,
      %get3A_312 = vector.shape_cast %get3A_311 : vector<1x16xf32> to vector<16xf32>
      %mul3A_313 = arith.mulf %get3A_63, %get3A_312 : vector<16xf32>
      %get3A_314 = arith.index_cast %scan3A_58 : i32 to index
      %get3A_315 = arith.constant 240 : index
      %get3A_316 = tpu.vector_load %arg15[%get3A_314, %get3A_315] {strides = array<i32>} : memref<32x768xf32, #tpu.memory_space<vmem>>, vector<1x16xf32>,
      %get3A_317 = vector.shape_cast %get3A_316 : vector<1x16xf32> to vector<16xf32>
      %mul3A_318 = arith.mulf %get3A_69, %get3A_317 : vector<16xf32>
      %add3A_319 = arith.addf %mul3A_313, %mul3A_318 : vector<16xf32>
      %swap3A_320 = arith.index_cast %scan3A_58 : i32 to index
      %swap3A_321 = arith.constant 240 : index
      %swap3A_322 = tpu.vector_load %arg14[%swap3A_320, %swap3A_321] {strides = array<i32>} : memref<32x768xf32, #tpu.memory_space<vmem>>, vector<1x16xf32>,
      %swap3A_323 = vector.shape_cast %swap3A_322 : vector<1x16xf32> to vector<16xf32>
      %swap3A_324 = vector.shape_cast %add3A_319 : vector<16xf32> to vector<1x16xf32>
      tpu.vector_store %arg14[%swap3A_320, %swap3A_321], %swap3A_324 {strides = array<i32>} : memref<32x768xf32, #tpu.memory_space<vmem>>, vector<1x16xf32>,
      %get3A_325 = arith.index_cast %scan3A_58 : i32 to index
      %get3A_326 = arith.constant 256 : index
      %get3A_327 = tpu.vector_load %arg14[%get3A_325, %get3A_326] {strides = array<i32>} : memref<32x768xf32, #tpu.memory_space<vmem>>, vector<1x16xf32>,
      %get3A_328 = vector.shape_cast %get3A_327 : vector<1x16xf32> to vector<16xf32>
      %mul3A_329 = arith.mulf %get3A_63, %get3A_328 : vector<16xf32>
      %get3A_330 = arith.index_cast %scan3A_58 : i32 to index
      %get3A_331 = arith.constant 256 : index
      %get3A_332 = tpu.vector_load %arg15[%get3A_330, %get3A_331] {strides = array<i32>} : memref<32x768xf32, #tpu.memory_space<vmem>>, vector<1x16xf32>,
      %get3A_333 = vector.shape_cast %get3A_332 : vector<1x16xf32> to vector<16xf32>
      %mul3A_334 = arith.mulf %get3A_69, %get3A_333 : vector<16xf32>
      %add3A_335 = arith.addf %mul3A_329, %mul3A_334 : vector<16xf32>
      %swap3A_336 = arith.index_cast %scan3A_58 : i32 to index
      %swap3A_337 = arith.constant 256 : index
      %swap3A_338 = tpu.vector_load %arg14[%swap3A_336, %swap3A_337] {strides = array<i32>} : memref<32x768xf32, #tpu.memory_space<vmem>>, vector<1x16xf32>,
      %swap3A_339 = vector.shape_cast %swap3A_338 : vector<1x16xf32> to vector<16xf32>
      %swap3A_340 = vector.shape_cast %add3A_335 : vector<16xf32> to vector<1x16xf32>
      tpu.vector_store %arg14[%swap3A_336, %swap3A_337], %swap3A_340 {strides = array<i32>} : memref<32x768xf32, #tpu.memory_space<vmem>>, vector<1x16xf32>,
      %get3A_341 = arith.index_cast %scan3A_58 : i32 to index
      %get3A_342 = arith.constant 272 : index
      %get3A_343 = tpu.vector_load %arg14[%get3A_341, %get3A_342] {strides = array<i32>} : memref<32x768xf32, #tpu.memory_space<vmem>>, vector<1x16xf32>,
      %get3A_344 = vector.shape_cast %get3A_343 : vector<1x16xf32> to vector<16xf32>
      %mul3A_345 = arith.mulf %get3A_63, %get3A_344 : vector<16xf32>
      %get3A_346 = arith.index_cast %scan3A_58 : i32 to index
      %get3A_347 = arith.constant 272 : index
      %get3A_348 = tpu.vector_load %arg15[%get3A_346, %get3A_347] {strides = array<i32>} : memref<32x768xf32, #tpu.memory_space<vmem>>, vector<1x16xf32>,
      %get3A_349 = vector.shape_cast %get3A_348 : vector<1x16xf32> to vector<16xf32>
      %mul3A_350 = arith.mulf %get3A_69, %get3A_349 : vector<16xf32>
      %add3A_351 = arith.addf %mul3A_345, %mul3A_350 : vector<16xf32>
      %swap3A_352 = arith.index_cast %scan3A_58 : i32 to index
      %swap3A_353 = arith.constant 272 : index
      %swap3A_354 = tpu.vector_load %arg14[%swap3A_352, %swap3A_353] {strides = array<i32>} : memref<32x768xf32, #tpu.memory_space<vmem>>, vector<1x16xf32>,
      %swap3A_355 = vector.shape_cast %swap3A_354 : vector<1x16xf32> to vector<16xf32>
      %swap3A_356 = vector.shape_cast %add3A_351 : vector<16xf32> to vector<1x16xf32>
      tpu.vector_store %arg14[%swap3A_352, %swap3A_353], %swap3A_356 {strides = array<i32>} : memref<32x768xf32, #tpu.memory_space<vmem>>, vector<1x16xf32>,
      %get3A_357 = arith.index_cast %scan3A_58 : i32 to index
      %get3A_358 = arith.constant 288 : index
      %get3A_359 = tpu.vector_load %arg14[%get3A_357, %get3A_358] {strides = array<i32>} : memref<32x768xf32, #tpu.memory_space<vmem>>, vector<1x16xf32>,
      %get3A_360 = vector.shape_cast %get3A_359 : vector<1x16xf32> to vector<16xf32>
      %mul3A_361 = arith.mulf %get3A_63, %get3A_360 : vector<16xf32>
      %get3A_362 = arith.index_cast %scan3A_58 : i32 to index
      %get3A_363 = arith.constant 288 : index
      %get3A_364 = tpu.vector_load %arg15[%get3A_362, %get3A_363] {strides = array<i32>} : memref<32x768xf32, #tpu.memory_space<vmem>>, vector<1x16xf32>,
      %get3A_365 = vector.shape_cast %get3A_364 : vector<1x16xf32> to vector<16xf32>
      %mul3A_366 = arith.mulf %get3A_69, %get3A_365 : vector<16xf32>
      %add3A_367 = arith.addf %mul3A_361, %mul3A_366 : vector<16xf32>
      %swap3A_368 = arith.index_cast %scan3A_58 : i32 to index
      %swap3A_369 = arith.constant 288 : index
      %swap3A_370 = tpu.vector_load %arg14[%swap3A_368, %swap3A_369] {strides = array<i32>} : memref<32x768xf32, #tpu.memory_space<vmem>>, vector<1x16xf32>,
      %swap3A_371 = vector.shape_cast %swap3A_370 : vector<1x16xf32> to vector<16xf32>
      %swap3A_372 = vector.shape_cast %add3A_367 : vector<16xf32> to vector<1x16xf32>
      tpu.vector_store %arg14[%swap3A_368, %swap3A_369], %swap3A_372 {strides = array<i32>} : memref<32x768xf32, #tpu.memory_space<vmem>>, vector<1x16xf32>,
      %get3A_373 = arith.index_cast %scan3A_58 : i32 to index
      %get3A_374 = arith.constant 304 : index
      %get3A_375 = tpu.vector_load %arg14[%get3A_373, %get3A_374] {strides = array<i32>} : memref<32x768xf32, #tpu.memory_space<vmem>>, vector<1x16xf32>,
      %get3A_376 = vector.shape_cast %get3A_375 : vector<1x16xf32> to vector<16xf32>
      %mul3A_377 = arith.mulf %get3A_63, %get3A_376 : vector<16xf32>
      %get3A_378 = arith.index_cast %scan3A_58 : i32 to index
      %get3A_379 = arith.constant 304 : index
      %get3A_380 = tpu.vector_load %arg15[%get3A_378, %get3A_379] {strides = array<i32>} : memref<32x768xf32, #tpu.memory_space<vmem>>, vector<1x16xf32>,
      %get3A_381 = vector.shape_cast %get3A_380 : vector<1x16xf32> to vector<16xf32>
      %mul3A_382 = arith.mulf %get3A_69, %get3A_381 : vector<16xf32>
      %add3A_383 = arith.addf %mul3A_377, %mul3A_382 : vector<16xf32>
      %swap3A_384 = arith.index_cast %scan3A_58 : i32 to index
      %swap3A_385 = arith.constant 304 : index
      %swap3A_386 = tpu.vector_load %arg14[%swap3A_384, %swap3A_385] {strides = array<i32>} : memref<32x768xf32, #tpu.memory_space<vmem>>, vector<1x16xf32>,
      %swap3A_387 = vector.shape_cast %swap3A_386 : vector<1x16xf32> to vector<16xf32>
      %swap3A_388 = vector.shape_cast %add3A_383 : vector<16xf32> to vector<1x16xf32>
      tpu.vector_store %arg14[%swap3A_384, %swap3A_385], %swap3A_388 {strides = array<i32>} : memref<32x768xf32, #tpu.memory_space<vmem>>, vector<1x16xf32>,
      %get3A_389 = arith.index_cast %scan3A_58 : i32 to index
      %get3A_390 = arith.constant 320 : index
      %get3A_391 = tpu.vector_load %arg14[%get3A_389, %get3A_390] {strides = array<i32>} : memref<32x768xf32, #tpu.memory_space<vmem>>, vector<1x16xf32>,
      %get3A_392 = vector.shape_cast %get3A_391 : vector<1x16xf32> to vector<16xf32>
      %mul3A_393 = arith.mulf %get3A_63, %get3A_392 : vector<16xf32>
      %get3A_394 = arith.index_cast %scan3A_58 : i32 to index
      %get3A_395 = arith.constant 320 : index
      %get3A_396 = tpu.vector_load %arg15[%get3A_394, %get3A_395] {strides = array<i32>} : memref<32x768xf32, #tpu.memory_space<vmem>>, vector<1x16xf32>,
      %get3A_397 = vector.shape_cast %get3A_396 : vector<1x16xf32> to vector<16xf32>
      %mul3A_398 = arith.mulf %get3A_69, %get3A_397 : vector<16xf32>
      %add3A_399 = arith.addf %mul3A_393, %mul3A_398 : vector<16xf32>
      %swap3A_400 = arith.index_cast %scan3A_58 : i32 to index
      %swap3A_401 = arith.constant 320 : index
      %swap3A_402 = tpu.vector_load %arg14[%swap3A_400, %swap3A_401] {strides = array<i32>} : memref<32x768xf32, #tpu.memory_space<vmem>>, vector<1x16xf32>,
      %swap3A_403 = vector.shape_cast %swap3A_402 : vector<1x16xf32> to vector<16xf32>
      %swap3A_404 = vector.shape_cast %add3A_399 : vector<16xf32> to vector<1x16xf32>
      tpu.vector_store %arg14[%swap3A_400, %swap3A_401], %swap3A_404 {strides = array<i32>} : memref<32x768xf32, #tpu.memory_space<vmem>>, vector<1x16xf32>,
      %get3A_405 = arith.index_cast %scan3A_58 : i32 to index
      %get3A_406 = arith.constant 336 : index
      %get3A_407 = tpu.vector_load %arg14[%get3A_405, %get3A_406] {strides = array<i32>} : memref<32x768xf32, #tpu.memory_space<vmem>>, vector<1x16xf32>,
      %get3A_408 = vector.shape_cast %get3A_407 : vector<1x16xf32> to vector<16xf32>
      %mul3A_409 = arith.mulf %get3A_63, %get3A_408 : vector<16xf32>
      %get3A_410 = arith.index_cast %scan3A_58 : i32 to index
      %get3A_411 = arith.constant 336 : index
      %get3A_412 = tpu.vector_load %arg15[%get3A_410, %get3A_411] {strides = array<i32>} : memref<32x768xf32, #tpu.memory_space<vmem>>, vector<1x16xf32>,
      %get3A_413 = vector.shape_cast %get3A_412 : vector<1x16xf32> to vector<16xf32>
      %mul3A_414 = arith.mulf %get3A_69, %get3A_413 : vector<16xf32>
      %add3A_415 = arith.addf %mul3A_409, %mul3A_414 : vector<16xf32>
      %swap3A_416 = arith.index_cast %scan3A_58 : i32 to index
      %swap3A_417 = arith.constant 336 : index
      %swap3A_418 = tpu.vector_load %arg14[%swap3A_416, %swap3A_417] {strides = array<i32>} : memref<32x768xf32, #tpu.memory_space<vmem>>, vector<1x16xf32>,
      %swap3A_419 = vector.shape_cast %swap3A_418 : vector<1x16xf32> to vector<16xf32>
      %swap3A_420 = vector.shape_cast %add3A_415 : vector<16xf32> to vector<1x16xf32>
      tpu.vector_store %arg14[%swap3A_416, %swap3A_417], %swap3A_420 {strides = array<i32>} : memref<32x768xf32, #tpu.memory_space<vmem>>, vector<1x16xf32>,
      %get3A_421 = arith.index_cast %scan3A_58 : i32 to index
      %get3A_422 = arith.constant 352 : index
      %get3A_423 = tpu.vector_load %arg14[%get3A_421, %get3A_422] {strides = array<i32>} : memref<32x768xf32, #tpu.memory_space<vmem>>, vector<1x16xf32>,
      %get3A_424 = vector.shape_cast %get3A_423 : vector<1x16xf32> to vector<16xf32>
      %mul3A_425 = arith.mulf %get3A_63, %get3A_424 : vector<16xf32>
      %get3A_426 = arith.index_cast %scan3A_58 : i32 to index
      %get3A_427 = arith.constant 352 : index
      %get3A_428 = tpu.vector_load %arg15[%get3A_426, %get3A_427] {strides = array<i32>} : memref<32x768xf32, #tpu.memory_space<vmem>>, vector<1x16xf32>,
      %get3A_429 = vector.shape_cast %get3A_428 : vector<1x16xf32> to vector<16xf32>
      %mul3A_430 = arith.mulf %get3A_69, %get3A_429 : vector<16xf32>
      %add3A_431 = arith.addf %mul3A_425, %mul3A_430 : vector<16xf32>
      %swap3A_432 = arith.index_cast %scan3A_58 : i32 to index
      %swap3A_433 = arith.constant 352 : index
      %swap3A_434 = tpu.vector_load %arg14[%swap3A_432, %swap3A_433] {strides = array<i32>} : memref<32x768xf32, #tpu.memory_space<vmem>>, vector<1x16xf32>,
      %swap3A_435 = vector.shape_cast %swap3A_434 : vector<1x16xf32> to vector<16xf32>
      %swap3A_436 = vector.shape_cast %add3A_431 : vector<16xf32> to vector<1x16xf32>
      tpu.vector_store %arg14[%swap3A_432, %swap3A_433], %swap3A_436 {strides = array<i32>} : memref<32x768xf32, #tpu.memory_space<vmem>>, vector<1x16xf32>,
      %get3A_437 = arith.index_cast %scan3A_58 : i32 to index
      %get3A_438 = arith.constant 368 : index
      %get3A_439 = tpu.vector_load %arg14[%get3A_437, %get3A_438] {strides = array<i32>} : memref<32x768xf32, #tpu.memory_space<vmem>>, vector<1x16xf32>,
      %get3A_440 = vector.shape_cast %get3A_439 : vector<1x16xf32> to vector<16xf32>
      %mul3A_441 = arith.mulf %get3A_63, %get3A_440 : vector<16xf32>
      %get3A_442 = arith.index_cast %scan3A_58 : i32 to index
      %get3A_443 = arith.constant 368 : index
      %get3A_444 = tpu.vector_load %arg15[%get3A_442, %get3A_443] {strides = array<i32>} : memref<32x768xf32, #tpu.memory_space<vmem>>, vector<1x16xf32>,
      %get3A_445 = vector.shape_cast %get3A_444 : vector<1x16xf32> to vector<16xf32>
      %mul3A_446 = arith.mulf %get3A_69, %get3A_445 : vector<16xf32>
      %add3A_447 = arith.addf %mul3A_441, %mul3A_446 : vector<16xf32>
      %swap3A_448 = arith.index_cast %scan3A_58 : i32 to index
      %swap3A_449 = arith.constant 368 : index
      %swap3A_450 = tpu.vector_load %arg14[%swap3A_448, %swap3A_449] {strides = array<i32>} : memref<32x768xf32, #tpu.memory_space<vmem>>, vector<1x16xf32>,
      %swap3A_451 = vector.shape_cast %swap3A_450 : vector<1x16xf32> to vector<16xf32>
      %swap3A_452 = vector.shape_cast %add3A_447 : vector<16xf32> to vector<1x16xf32>
      tpu.vector_store %arg14[%swap3A_448, %swap3A_449], %swap3A_452 {strides = array<i32>} : memref<32x768xf32, #tpu.memory_space<vmem>>, vector<1x16xf32>,
      %get3A_453 = arith.index_cast %scan3A_58 : i32 to index
      %get3A_454 = arith.constant 384 : index
      %get3A_455 = tpu.vector_load %arg14[%get3A_453, %get3A_454] {strides = array<i32>} : memref<32x768xf32, #tpu.memory_space<vmem>>, vector<1x16xf32>,
      %get3A_456 = vector.shape_cast %get3A_455 : vector<1x16xf32> to vector<16xf32>
      %mul3A_457 = arith.mulf %get3A_63, %get3A_456 : vector<16xf32>
      %get3A_458 = arith.index_cast %scan3A_58 : i32 to index
      %get3A_459 = arith.constant 384 : index
      %get3A_460 = tpu.vector_load %arg15[%get3A_458, %get3A_459] {strides = array<i32>} : memref<32x768xf32, #tpu.memory_space<vmem>>, vector<1x16xf32>,
      %get3A_461 = vector.shape_cast %get3A_460 : vector<1x16xf32> to vector<16xf32>
      %mul3A_462 = arith.mulf %get3A_69, %get3A_461 : vector<16xf32>
      %add3A_463 = arith.addf %mul3A_457, %mul3A_462 : vector<16xf32>
      %swap3A_464 = arith.index_cast %scan3A_58 : i32 to index
      %swap3A_465 = arith.constant 384 : index
      %swap3A_466 = tpu.vector_load %arg14[%swap3A_464, %swap3A_465] {strides = array<i32>} : memref<32x768xf32, #tpu.memory_space<vmem>>, vector<1x16xf32>,
      %swap3A_467 = vector.shape_cast %swap3A_466 : vector<1x16xf32> to vector<16xf32>
      %swap3A_468 = vector.shape_cast %add3A_463 : vector<16xf32> to vector<1x16xf32>
      tpu.vector_store %arg14[%swap3A_464, %swap3A_465], %swap3A_468 {strides = array<i32>} : memref<32x768xf32, #tpu.memory_space<vmem>>, vector<1x16xf32>,
      %get3A_469 = arith.index_cast %scan3A_58 : i32 to index
      %get3A_470 = arith.constant 400 : index
      %get3A_471 = tpu.vector_load %arg14[%get3A_469, %get3A_470] {strides = array<i32>} : memref<32x768xf32, #tpu.memory_space<vmem>>, vector<1x16xf32>,
      %get3A_472 = vector.shape_cast %get3A_471 : vector<1x16xf32> to vector<16xf32>
      %mul3A_473 = arith.mulf %get3A_63, %get3A_472 : vector<16xf32>
      %get3A_474 = arith.index_cast %scan3A_58 : i32 to index
      %get3A_475 = arith.constant 400 : index
      %get3A_476 = tpu.vector_load %arg15[%get3A_474, %get3A_475] {strides = array<i32>} : memref<32x768xf32, #tpu.memory_space<vmem>>, vector<1x16xf32>,
      %get3A_477 = vector.shape_cast %get3A_476 : vector<1x16xf32> to vector<16xf32>
      %mul3A_478 = arith.mulf %get3A_69, %get3A_477 : vector<16xf32>
      %add3A_479 = arith.addf %mul3A_473, %mul3A_478 : vector<16xf32>
      %swap3A_480 = arith.index_cast %scan3A_58 : i32 to index
      %swap3A_481 = arith.constant 400 : index
      %swap3A_482 = tpu.vector_load %arg14[%swap3A_480, %swap3A_481] {strides = array<i32>} : memref<32x768xf32, #tpu.memory_space<vmem>>, vector<1x16xf32>,
      %swap3A_483 = vector.shape_cast %swap3A_482 : vector<1x16xf32> to vector<16xf32>
      %swap3A_484 = vector.shape_cast %add3A_479 : vector<16xf32> to vector<1x16xf32>
      tpu.vector_store %arg14[%swap3A_480, %swap3A_481], %swap3A_484 {strides = array<i32>} : memref<32x768xf32, #tpu.memory_space<vmem>>, vector<1x16xf32>,
      %get3A_485 = arith.index_cast %scan3A_58 : i32 to index
      %get3A_486 = arith.constant 416 : index
      %get3A_487 = tpu.vector_load %arg14[%get3A_485, %get3A_486] {strides = array<i32>} : memref<32x768xf32, #tpu.memory_space<vmem>>, vector<1x16xf32>,
      %get3A_488 = vector.shape_cast %get3A_487 : vector<1x16xf32> to vector<16xf32>
      %mul3A_489 = arith.mulf %get3A_63, %get3A_488 : vector<16xf32>
      %get3A_490 = arith.index_cast %scan3A_58 : i32 to index
      %get3A_491 = arith.constant 416 : index
      %get3A_492 = tpu.vector_load %arg15[%get3A_490, %get3A_491] {strides = array<i32>} : memref<32x768xf32, #tpu.memory_space<vmem>>, vector<1x16xf32>,
      %get3A_493 = vector.shape_cast %get3A_492 : vector<1x16xf32> to vector<16xf32>
      %mul3A_494 = arith.mulf %get3A_69, %get3A_493 : vector<16xf32>
      %add3A_495 = arith.addf %mul3A_489, %mul3A_494 : vector<16xf32>
      %swap3A_496 = arith.index_cast %scan3A_58 : i32 to index
      %swap3A_497 = arith.constant 416 : index
      %swap3A_498 = tpu.vector_load %arg14[%swap3A_496, %swap3A_497] {strides = array<i32>} : memref<32x768xf32, #tpu.memory_space<vmem>>, vector<1x16xf32>,
      %swap3A_499 = vector.shape_cast %swap3A_498 : vector<1x16xf32> to vector<16xf32>
      %swap3A_500 = vector.shape_cast %add3A_495 : vector<16xf32> to vector<1x16xf32>
      tpu.vector_store %arg14[%swap3A_496, %swap3A_497], %swap3A_500 {strides = array<i32>} : memref<32x768xf32, #tpu.memory_space<vmem>>, vector<1x16xf32>,
      %get3A_501 = arith.index_cast %scan3A_58 : i32 to index
      %get3A_502 = arith.constant 432 : index
      %get3A_503 = tpu.vector_load %arg14[%get3A_501, %get3A_502] {strides = array<i32>} : memref<32x768xf32, #tpu.memory_space<vmem>>, vector<1x16xf32>,
      %get3A_504 = vector.shape_cast %get3A_503 : vector<1x16xf32> to vector<16xf32>
      %mul3A_505 = arith.mulf %get3A_63, %get3A_504 : vector<16xf32>
      %get3A_506 = arith.index_cast %scan3A_58 : i32 to index
      %get3A_507 = arith.constant 432 : index
      %get3A_508 = tpu.vector_load %arg15[%get3A_506, %get3A_507] {strides = array<i32>} : memref<32x768xf32, #tpu.memory_space<vmem>>, vector<1x16xf32>,
      %get3A_509 = vector.shape_cast %get3A_508 : vector<1x16xf32> to vector<16xf32>
      %mul3A_510 = arith.mulf %get3A_69, %get3A_509 : vector<16xf32>
      %add3A_511 = arith.addf %mul3A_505, %mul3A_510 : vector<16xf32>
      %swap3A_512 = arith.index_cast %scan3A_58 : i32 to index
      %swap3A_513 = arith.constant 432 : index
      %swap3A_514 = tpu.vector_load %arg14[%swap3A_512, %swap3A_513] {strides = array<i32>} : memref<32x768xf32, #tpu.memory_space<vmem>>, vector<1x16xf32>,
      %swap3A_515 = vector.shape_cast %swap3A_514 : vector<1x16xf32> to vector<16xf32>
      %swap3A_516 = vector.shape_cast %add3A_511 : vector<16xf32> to vector<1x16xf32>
      tpu.vector_store %arg14[%swap3A_512, %swap3A_513], %swap3A_516 {strides = array<i32>} : memref<32x768xf32, #tpu.memory_space<vmem>>, vector<1x16xf32>,
      %get3A_517 = arith.index_cast %scan3A_58 : i32 to index
      %get3A_518 = arith.constant 448 : index
      %get3A_519 = tpu.vector_load %arg14[%get3A_517, %get3A_518] {strides = array<i32>} : memref<32x768xf32, #tpu.memory_space<vmem>>, vector<1x16xf32>,
      %get3A_520 = vector.shape_cast %get3A_519 : vector<1x16xf32> to vector<16xf32>
      %mul3A_521 = arith.mulf %get3A_63, %get3A_520 : vector<16xf32>
      %get3A_522 = arith.index_cast %scan3A_58 : i32 to index
      %get3A_523 = arith.constant 448 : index
      %get3A_524 = tpu.vector_load %arg15[%get3A_522, %get3A_523] {strides = array<i32>} : memref<32x768xf32, #tpu.memory_space<vmem>>, vector<1x16xf32>,
      %get3A_525 = vector.shape_cast %get3A_524 : vector<1x16xf32> to vector<16xf32>
      %mul3A_526 = arith.mulf %get3A_69, %get3A_525 : vector<16xf32>
      %add3A_527 = arith.addf %mul3A_521, %mul3A_526 : vector<16xf32>
      %swap3A_528 = arith.index_cast %scan3A_58 : i32 to index
      %swap3A_529 = arith.constant 448 : index
      %swap3A_530 = tpu.vector_load %arg14[%swap3A_528, %swap3A_529] {strides = array<i32>} : memref<32x768xf32, #tpu.memory_space<vmem>>, vector<1x16xf32>,
      %swap3A_531 = vector.shape_cast %swap3A_530 : vector<1x16xf32> to vector<16xf32>
      %swap3A_532 = vector.shape_cast %add3A_527 : vector<16xf32> to vector<1x16xf32>
      tpu.vector_store %arg14[%swap3A_528, %swap3A_529], %swap3A_532 {strides = array<i32>} : memref<32x768xf32, #tpu.memory_space<vmem>>, vector<1x16xf32>,
      %get3A_533 = arith.index_cast %scan3A_58 : i32 to index
      %get3A_534 = arith.constant 464 : index
      %get3A_535 = tpu.vector_load %arg14[%get3A_533, %get3A_534] {strides = array<i32>} : memref<32x768xf32, #tpu.memory_space<vmem>>, vector<1x16xf32>,
      %get3A_536 = vector.shape_cast %get3A_535 : vector<1x16xf32> to vector<16xf32>
      %mul3A_537 = arith.mulf %get3A_63, %get3A_536 : vector<16xf32>
      %get3A_538 = arith.index_cast %scan3A_58 : i32 to index
      %get3A_539 = arith.constant 464 : index
      %get3A_540 = tpu.vector_load %arg15[%get3A_538, %get3A_539] {strides = array<i32>} : memref<32x768xf32, #tpu.memory_space<vmem>>, vector<1x16xf32>,
      %get3A_541 = vector.shape_cast %get3A_540 : vector<1x16xf32> to vector<16xf32>
      %mul3A_542 = arith.mulf %get3A_69, %get3A_541 : vector<16xf32>
      %add3A_543 = arith.addf %mul3A_537, %mul3A_542 : vector<16xf32>
      %swap3A_544 = arith.index_cast %scan3A_58 : i32 to index
      %swap3A_545 = arith.constant 464 : index
      %swap3A_546 = tpu.vector_load %arg14[%swap3A_544, %swap3A_545] {strides = array<i32>} : memref<32x768xf32, #tpu.memory_space<vmem>>, vector<1x16xf32>,
      %swap3A_547 = vector.shape_cast %swap3A_546 : vector<1x16xf32> to vector<16xf32>
      %swap3A_548 = vector.shape_cast %add3A_543 : vector<16xf32> to vector<1x16xf32>
      tpu.vector_store %arg14[%swap3A_544, %swap3A_545], %swap3A_548 {strides = array<i32>} : memref<32x768xf32, #tpu.memory_space<vmem>>, vector<1x16xf32>,
      %get3A_549 = arith.index_cast %scan3A_58 : i32 to index
      %get3A_550 = arith.constant 480 : index
      %get3A_551 = tpu.vector_load %arg14[%get3A_549, %get3A_550] {strides = array<i32>} : memref<32x768xf32, #tpu.memory_space<vmem>>, vector<1x16xf32>,
      %get3A_552 = vector.shape_cast %get3A_551 : vector<1x16xf32> to vector<16xf32>
      %mul3A_553 = arith.mulf %get3A_63, %get3A_552 : vector<16xf32>
      %get3A_554 = arith.index_cast %scan3A_58 : i32 to index
      %get3A_555 = arith.constant 480 : index
      %get3A_556 = tpu.vector_load %arg15[%get3A_554, %get3A_555] {strides = array<i32>} : memref<32x768xf32, #tpu.memory_space<vmem>>, vector<1x16xf32>,
      %get3A_557 = vector.shape_cast %get3A_556 : vector<1x16xf32> to vector<16xf32>
      %mul3A_558 = arith.mulf %get3A_69, %get3A_557 : vector<16xf32>
      %add3A_559 = arith.addf %mul3A_553, %mul3A_558 : vector<16xf32>
      %swap3A_560 = arith.index_cast %scan3A_58 : i32 to index
      %swap3A_561 = arith.constant 480 : index
      %swap3A_562 = tpu.vector_load %arg14[%swap3A_560, %swap3A_561] {strides = array<i32>} : memref<32x768xf32, #tpu.memory_space<vmem>>, vector<1x16xf32>,
      %swap3A_563 = vector.shape_cast %swap3A_562 : vector<1x16xf32> to vector<16xf32>
      %swap3A_564 = vector.shape_cast %add3A_559 : vector<16xf32> to vector<1x16xf32>
      tpu.vector_store %arg14[%swap3A_560, %swap3A_561], %swap3A_564 {strides = array<i32>} : memref<32x768xf32, #tpu.memory_space<vmem>>, vector<1x16xf32>,
      %get3A_565 = arith.index_cast %scan3A_58 : i32 to index
      %get3A_566 = arith.constant 496 : index
      %get3A_567 = tpu.vector_load %arg14[%get3A_565, %get3A_566] {strides = array<i32>} : memref<32x768xf32, #tpu.memory_space<vmem>>, vector<1x16xf32>,
      %get3A_568 = vector.shape_cast %get3A_567 : vector<1x16xf32> to vector<16xf32>
      %mul3A_569 = arith.mulf %get3A_63, %get3A_568 : vector<16xf32>
      %get3A_570 = arith.index_cast %scan3A_58 : i32 to index
      %get3A_571 = arith.constant 496 : index
      %get3A_572 = tpu.vector_load %arg15[%get3A_570, %get3A_571] {strides = array<i32>} : memref<32x768xf32, #tpu.memory_space<vmem>>, vector<1x16xf32>,
      %get3A_573 = vector.shape_cast %get3A_572 : vector<1x16xf32> to vector<16xf32>
      %mul3A_574 = arith.mulf %get3A_69, %get3A_573 : vector<16xf32>
      %add3A_575 = arith.addf %mul3A_569, %mul3A_574 : vector<16xf32>
      %swap3A_576 = arith.index_cast %scan3A_58 : i32 to index
      %swap3A_577 = arith.constant 496 : index
      %swap3A_578 = tpu.vector_load %arg14[%swap3A_576, %swap3A_577] {strides = array<i32>} : memref<32x768xf32, #tpu.memory_space<vmem>>, vector<1x16xf32>,
      %swap3A_579 = vector.shape_cast %swap3A_578 : vector<1x16xf32> to vector<16xf32>
      %swap3A_580 = vector.shape_cast %add3A_575 : vector<16xf32> to vector<1x16xf32>
      tpu.vector_store %arg14[%swap3A_576, %swap3A_577], %swap3A_580 {strides = array<i32>} : memref<32x768xf32, #tpu.memory_space<vmem>>, vector<1x16xf32>,
      %get3A_581 = arith.index_cast %scan3A_58 : i32 to index
      %get3A_582 = arith.constant 512 : index
      %get3A_583 = tpu.vector_load %arg14[%get3A_581, %get3A_582] {strides = array<i32>} : memref<32x768xf32, #tpu.memory_space<vmem>>, vector<1x16xf32>,
      %get3A_584 = vector.shape_cast %get3A_583 : vector<1x16xf32> to vector<16xf32>
      %mul3A_585 = arith.mulf %get3A_63, %get3A_584 : vector<16xf32>
      %get3A_586 = arith.index_cast %scan3A_58 : i32 to index
      %get3A_587 = arith.constant 512 : index
      %get3A_588 = tpu.vector_load %arg15[%get3A_586, %get3A_587] {strides = array<i32>} : memref<32x768xf32, #tpu.memory_space<vmem>>, vector<1x16xf32>,
      %get3A_589 = vector.shape_cast %get3A_588 : vector<1x16xf32> to vector<16xf32>
      %mul3A_590 = arith.mulf %get3A_69, %get3A_589 : vector<16xf32>
      %add3A_591 = arith.addf %mul3A_585, %mul3A_590 : vector<16xf32>
      %swap3A_592 = arith.index_cast %scan3A_58 : i32 to index
      %swap3A_593 = arith.constant 512 : index
      %swap3A_594 = tpu.vector_load %arg14[%swap3A_592, %swap3A_593] {strides = array<i32>} : memref<32x768xf32, #tpu.memory_space<vmem>>, vector<1x16xf32>,
      %swap3A_595 = vector.shape_cast %swap3A_594 : vector<1x16xf32> to vector<16xf32>
      %swap3A_596 = vector.shape_cast %add3A_591 : vector<16xf32> to vector<1x16xf32>
      tpu.vector_store %arg14[%swap3A_592, %swap3A_593], %swap3A_596 {strides = array<i32>} : memref<32x768xf32, #tpu.memory_space<vmem>>, vector<1x16xf32>,
      %get3A_597 = arith.index_cast %scan3A_58 : i32 to index
      %get3A_598 = arith.constant 528 : index
      %get3A_599 = tpu.vector_load %arg14[%get3A_597, %get3A_598] {strides = array<i32>} : memref<32x768xf32, #tpu.memory_space<vmem>>, vector<1x16xf32>,
      %get3A_600 = vector.shape_cast %get3A_599 : vector<1x16xf32> to vector<16xf32>
      %mul3A_601 = arith.mulf %get3A_63, %get3A_600 : vector<16xf32>
      %get3A_602 = arith.index_cast %scan3A_58 : i32 to index
      %get3A_603 = arith.constant 528 : index
      %get3A_604 = tpu.vector_load %arg15[%get3A_602, %get3A_603] {strides = array<i32>} : memref<32x768xf32, #tpu.memory_space<vmem>>, vector<1x16xf32>,
      %get3A_605 = vector.shape_cast %get3A_604 : vector<1x16xf32> to vector<16xf32>
      %mul3A_606 = arith.mulf %get3A_69, %get3A_605 : vector<16xf32>
      %add3A_607 = arith.addf %mul3A_601, %mul3A_606 : vector<16xf32>
      %swap3A_608 = arith.index_cast %scan3A_58 : i32 to index
      %swap3A_609 = arith.constant 528 : index
      %swap3A_610 = tpu.vector_load %arg14[%swap3A_608, %swap3A_609] {strides = array<i32>} : memref<32x768xf32, #tpu.memory_space<vmem>>, vector<1x16xf32>,
      %swap3A_611 = vector.shape_cast %swap3A_610 : vector<1x16xf32> to vector<16xf32>
      %swap3A_612 = vector.shape_cast %add3A_607 : vector<16xf32> to vector<1x16xf32>
      tpu.vector_store %arg14[%swap3A_608, %swap3A_609], %swap3A_612 {strides = array<i32>} : memref<32x768xf32, #tpu.memory_space<vmem>>, vector<1x16xf32>,
      %get3A_613 = arith.index_cast %scan3A_58 : i32 to index
      %get3A_614 = arith.constant 544 : index
      %get3A_615 = tpu.vector_load %arg14[%get3A_613, %get3A_614] {strides = array<i32>} : memref<32x768xf32, #tpu.memory_space<vmem>>, vector<1x16xf32>,
      %get3A_616 = vector.shape_cast %get3A_615 : vector<1x16xf32> to vector<16xf32>
      %mul3A_617 = arith.mulf %get3A_63, %get3A_616 : vector<16xf32>
      %get3A_618 = arith.index_cast %scan3A_58 : i32 to index
      %get3A_619 = arith.constant 544 : index
      %get3A_620 = tpu.vector_load %arg15[%get3A_618, %get3A_619] {strides = array<i32>} : memref<32x768xf32, #tpu.memory_space<vmem>>, vector<1x16xf32>,
      %get3A_621 = vector.shape_cast %get3A_620 : vector<1x16xf32> to vector<16xf32>
      %mul3A_622 = arith.mulf %get3A_69, %get3A_621 : vector<16xf32>
      %add3A_623 = arith.addf %mul3A_617, %mul3A_622 : vector<16xf32>
      %swap3A_624 = arith.index_cast %scan3A_58 : i32 to index
      %swap3A_625 = arith.constant 544 : index
      %swap3A_626 = tpu.vector_load %arg14[%swap3A_624, %swap3A_625] {strides = array<i32>} : memref<32x768xf32, #tpu.memory_space<vmem>>, vector<1x16xf32>,
      %swap3A_627 = vector.shape_cast %swap3A_626 : vector<1x16xf32> to vector<16xf32>
      %swap3A_628 = vector.shape_cast %add3A_623 : vector<16xf32> to vector<1x16xf32>
      tpu.vector_store %arg14[%swap3A_624, %swap3A_625], %swap3A_628 {strides = array<i32>} : memref<32x768xf32, #tpu.memory_space<vmem>>, vector<1x16xf32>,
      %get3A_629 = arith.index_cast %scan3A_58 : i32 to index
      %get3A_630 = arith.constant 560 : index
      %get3A_631 = tpu.vector_load %arg14[%get3A_629, %get3A_630] {strides = array<i32>} : memref<32x768xf32, #tpu.memory_space<vmem>>, vector<1x16xf32>,
      %get3A_632 = vector.shape_cast %get3A_631 : vector<1x16xf32> to vector<16xf32>
      %mul3A_633 = arith.mulf %get3A_63, %get3A_632 : vector<16xf32>
      %get3A_634 = arith.index_cast %scan3A_58 : i32 to index
      %get3A_635 = arith.constant 560 : index
      %get3A_636 = tpu.vector_load %arg15[%get3A_634, %get3A_635] {strides = array<i32>} : memref<32x768xf32, #tpu.memory_space<vmem>>, vector<1x16xf32>,
      %get3A_637 = vector.shape_cast %get3A_636 : vector<1x16xf32> to vector<16xf32>
      %mul3A_638 = arith.mulf %get3A_69, %get3A_637 : vector<16xf32>
      %add3A_639 = arith.addf %mul3A_633, %mul3A_638 : vector<16xf32>
      %swap3A_640 = arith.index_cast %scan3A_58 : i32 to index
      %swap3A_641 = arith.constant 560 : index
      %swap3A_642 = tpu.vector_load %arg14[%swap3A_640, %swap3A_641] {strides = array<i32>} : memref<32x768xf32, #tpu.memory_space<vmem>>, vector<1x16xf32>,
      %swap3A_643 = vector.shape_cast %swap3A_642 : vector<1x16xf32> to vector<16xf32>
      %swap3A_644 = vector.shape_cast %add3A_639 : vector<16xf32> to vector<1x16xf32>
      tpu.vector_store %arg14[%swap3A_640, %swap3A_641], %swap3A_644 {strides = array<i32>} : memref<32x768xf32, #tpu.memory_space<vmem>>, vector<1x16xf32>,
      %get3A_645 = arith.index_cast %scan3A_58 : i32 to index
      %get3A_646 = arith.constant 576 : index
      %get3A_647 = tpu.vector_load %arg14[%get3A_645, %get3A_646] {strides = array<i32>} : memref<32x768xf32, #tpu.memory_space<vmem>>, vector<1x16xf32>,
      %get3A_648 = vector.shape_cast %get3A_647 : vector<1x16xf32> to vector<16xf32>
      %mul3A_649 = arith.mulf %get3A_63, %get3A_648 : vector<16xf32>
      %get3A_650 = arith.index_cast %scan3A_58 : i32 to index
      %get3A_651 = arith.constant 576 : index
      %get3A_652 = tpu.vector_load %arg15[%get3A_650, %get3A_651] {strides = array<i32>} : memref<32x768xf32, #tpu.memory_space<vmem>>, vector<1x16xf32>,
      %get3A_653 = vector.shape_cast %get3A_652 : vector<1x16xf32> to vector<16xf32>
      %mul3A_654 = arith.mulf %get3A_69, %get3A_653 : vector<16xf32>
      %add3A_655 = arith.addf %mul3A_649, %mul3A_654 : vector<16xf32>
      %swap3A_656 = arith.index_cast %scan3A_58 : i32 to index
      %swap3A_657 = arith.constant 576 : index
      %swap3A_658 = tpu.vector_load %arg14[%swap3A_656, %swap3A_657] {strides = array<i32>} : memref<32x768xf32, #tpu.memory_space<vmem>>, vector<1x16xf32>,
      %swap3A_659 = vector.shape_cast %swap3A_658 : vector<1x16xf32> to vector<16xf32>
      %swap3A_660 = vector.shape_cast %add3A_655 : vector<16xf32> to vector<1x16xf32>
      tpu.vector_store %arg14[%swap3A_656, %swap3A_657], %swap3A_660 {strides = array<i32>} : memref<32x768xf32, #tpu.memory_space<vmem>>, vector<1x16xf32>,
      %get3A_661 = arith.index_cast %scan3A_58 : i32 to index
      %get3A_662 = arith.constant 592 : index
      %get3A_663 = tpu.vector_load %arg14[%get3A_661, %get3A_662] {strides = array<i32>} : memref<32x768xf32, #tpu.memory_space<vmem>>, vector<1x16xf32>,
      %get3A_664 = vector.shape_cast %get3A_663 : vector<1x16xf32> to vector<16xf32>
      %mul3A_665 = arith.mulf %get3A_63, %get3A_664 : vector<16xf32>
      %get3A_666 = arith.index_cast %scan3A_58 : i32 to index
      %get3A_667 = arith.constant 592 : index
      %get3A_668 = tpu.vector_load %arg15[%get3A_666, %get3A_667] {strides = array<i32>} : memref<32x768xf32, #tpu.memory_space<vmem>>, vector<1x16xf32>,
      %get3A_669 = vector.shape_cast %get3A_668 : vector<1x16xf32> to vector<16xf32>
      %mul3A_670 = arith.mulf %get3A_69, %get3A_669 : vector<16xf32>
      %add3A_671 = arith.addf %mul3A_665, %mul3A_670 : vector<16xf32>
      %swap3A_672 = arith.index_cast %scan3A_58 : i32 to index
      %swap3A_673 = arith.constant 592 : index
      %swap3A_674 = tpu.vector_load %arg14[%swap3A_672, %swap3A_673] {strides = array<i32>} : memref<32x768xf32, #tpu.memory_space<vmem>>, vector<1x16xf32>,
      %swap3A_675 = vector.shape_cast %swap3A_674 : vector<1x16xf32> to vector<16xf32>
      %swap3A_676 = vector.shape_cast %add3A_671 : vector<16xf32> to vector<1x16xf32>
      tpu.vector_store %arg14[%swap3A_672, %swap3A_673], %swap3A_676 {strides = array<i32>} : memref<32x768xf32, #tpu.memory_space<vmem>>, vector<1x16xf32>,
      %get3A_677 = arith.index_cast %scan3A_58 : i32 to index
      %get3A_678 = arith.constant 608 : index
      %get3A_679 = tpu.vector_load %arg14[%get3A_677, %get3A_678] {strides = array<i32>} : memref<32x768xf32, #tpu.memory_space<vmem>>, vector<1x16xf32>,
      %get3A_680 = vector.shape_cast %get3A_679 : vector<1x16xf32> to vector<16xf32>
      %mul3A_681 = arith.mulf %get3A_63, %get3A_680 : vector<16xf32>
      %get3A_682 = arith.index_cast %scan3A_58 : i32 to index
      %get3A_683 = arith.constant 608 : index
      %get3A_684 = tpu.vector_load %arg15[%get3A_682, %get3A_683] {strides = array<i32>} : memref<32x768xf32, #tpu.memory_space<vmem>>, vector<1x16xf32>,
      %get3A_685 = vector.shape_cast %get3A_684 : vector<1x16xf32> to vector<16xf32>
      %mul3A_686 = arith.mulf %get3A_69, %get3A_685 : vector<16xf32>
      %add3A_687 = arith.addf %mul3A_681, %mul3A_686 : vector<16xf32>
      %swap3A_688 = arith.index_cast %scan3A_58 : i32 to index
      %swap3A_689 = arith.constant 608 : index
      %swap3A_690 = tpu.vector_load %arg14[%swap3A_688, %swap3A_689] {strides = array<i32>} : memref<32x768xf32, #tpu.memory_space<vmem>>, vector<1x16xf32>,
      %swap3A_691 = vector.shape_cast %swap3A_690 : vector<1x16xf32> to vector<16xf32>
      %swap3A_692 = vector.shape_cast %add3A_687 : vector<16xf32> to vector<1x16xf32>
      tpu.vector_store %arg14[%swap3A_688, %swap3A_689], %swap3A_692 {strides = array<i32>} : memref<32x768xf32, #tpu.memory_space<vmem>>, vector<1x16xf32>,
      %get3A_693 = arith.index_cast %scan3A_58 : i32 to index
      %get3A_694 = arith.constant 624 : index
      %get3A_695 = tpu.vector_load %arg14[%get3A_693, %get3A_694] {strides = array<i32>} : memref<32x768xf32, #tpu.memory_space<vmem>>, vector<1x16xf32>,
      %get3A_696 = vector.shape_cast %get3A_695 : vector<1x16xf32> to vector<16xf32>
      %mul3A_697 = arith.mulf %get3A_63, %get3A_696 : vector<16xf32>
      %get3A_698 = arith.index_cast %scan3A_58 : i32 to index
      %get3A_699 = arith.constant 624 : index
      %get3A_700 = tpu.vector_load %arg15[%get3A_698, %get3A_699] {strides = array<i32>} : memref<32x768xf32, #tpu.memory_space<vmem>>, vector<1x16xf32>,
      %get3A_701 = vector.shape_cast %get3A_700 : vector<1x16xf32> to vector<16xf32>
      %mul3A_702 = arith.mulf %get3A_69, %get3A_701 : vector<16xf32>
      %add3A_703 = arith.addf %mul3A_697, %mul3A_702 : vector<16xf32>
      %swap3A_704 = arith.index_cast %scan3A_58 : i32 to index
      %swap3A_705 = arith.constant 624 : index
      %swap3A_706 = tpu.vector_load %arg14[%swap3A_704, %swap3A_705] {strides = array<i32>} : memref<32x768xf32, #tpu.memory_space<vmem>>, vector<1x16xf32>,
      %swap3A_707 = vector.shape_cast %swap3A_706 : vector<1x16xf32> to vector<16xf32>
      %swap3A_708 = vector.shape_cast %add3A_703 : vector<16xf32> to vector<1x16xf32>
      tpu.vector_store %arg14[%swap3A_704, %swap3A_705], %swap3A_708 {strides = array<i32>} : memref<32x768xf32, #tpu.memory_space<vmem>>, vector<1x16xf32>,
      %get3A_709 = arith.index_cast %scan3A_58 : i32 to index
      %get3A_710 = arith.constant 640 : index
      %get3A_711 = tpu.vector_load %arg14[%get3A_709, %get3A_710] {strides = array<i32>} : memref<32x768xf32, #tpu.memory_space<vmem>>, vector<1x16xf32>,
      %get3A_712 = vector.shape_cast %get3A_711 : vector<1x16xf32> to vector<16xf32>
      %mul3A_713 = arith.mulf %get3A_63, %get3A_712 : vector<16xf32>
      %get3A_714 = arith.index_cast %scan3A_58 : i32 to index
      %get3A_715 = arith.constant 640 : index
      %get3A_716 = tpu.vector_load %arg15[%get3A_714, %get3A_715] {strides = array<i32>} : memref<32x768xf32, #tpu.memory_space<vmem>>, vector<1x16xf32>,
      %get3A_717 = vector.shape_cast %get3A_716 : vector<1x16xf32> to vector<16xf32>
      %mul3A_718 = arith.mulf %get3A_69, %get3A_717 : vector<16xf32>
      %add3A_719 = arith.addf %mul3A_713, %mul3A_718 : vector<16xf32>
      %swap3A_720 = arith.index_cast %scan3A_58 : i32 to index
      %swap3A_721 = arith.constant 640 : index
      %swap3A_722 = tpu.vector_load %arg14[%swap3A_720, %swap3A_721] {strides = array<i32>} : memref<32x768xf32, #tpu.memory_space<vmem>>, vector<1x16xf32>,
      %swap3A_723 = vector.shape_cast %swap3A_722 : vector<1x16xf32> to vector<16xf32>
      %swap3A_724 = vector.shape_cast %add3A_719 : vector<16xf32> to vector<1x16xf32>
      tpu.vector_store %arg14[%swap3A_720, %swap3A_721], %swap3A_724 {strides = array<i32>} : memref<32x768xf32, #tpu.memory_space<vmem>>, vector<1x16xf32>,
      %get3A_725 = arith.index_cast %scan3A_58 : i32 to index
      %get3A_726 = arith.constant 656 : index
      %get3A_727 = tpu.vector_load %arg14[%get3A_725, %get3A_726] {strides = array<i32>} : memref<32x768xf32, #tpu.memory_space<vmem>>, vector<1x16xf32>,
      %get3A_728 = vector.shape_cast %get3A_727 : vector<1x16xf32> to vector<16xf32>
      %mul3A_729 = arith.mulf %get3A_63, %get3A_728 : vector<16xf32>
      %get3A_730 = arith.index_cast %scan3A_58 : i32 to index
      %get3A_731 = arith.constant 656 : index
      %get3A_732 = tpu.vector_load %arg15[%get3A_730, %get3A_731] {strides = array<i32>} : memref<32x768xf32, #tpu.memory_space<vmem>>, vector<1x16xf32>,
      %get3A_733 = vector.shape_cast %get3A_732 : vector<1x16xf32> to vector<16xf32>
      %mul3A_734 = arith.mulf %get3A_69, %get3A_733 : vector<16xf32>
      %add3A_735 = arith.addf %mul3A_729, %mul3A_734 : vector<16xf32>
      %swap3A_736 = arith.index_cast %scan3A_58 : i32 to index
      %swap3A_737 = arith.constant 656 : index
      %swap3A_738 = tpu.vector_load %arg14[%swap3A_736, %swap3A_737] {strides = array<i32>} : memref<32x768xf32, #tpu.memory_space<vmem>>, vector<1x16xf32>,
      %swap3A_739 = vector.shape_cast %swap3A_738 : vector<1x16xf32> to vector<16xf32>
      %swap3A_740 = vector.shape_cast %add3A_735 : vector<16xf32> to vector<1x16xf32>
      tpu.vector_store %arg14[%swap3A_736, %swap3A_737], %swap3A_740 {strides = array<i32>} : memref<32x768xf32, #tpu.memory_space<vmem>>, vector<1x16xf32>,
      %get3A_741 = arith.index_cast %scan3A_58 : i32 to index
      %get3A_742 = arith.constant 672 : index
      %get3A_743 = tpu.vector_load %arg14[%get3A_741, %get3A_742] {strides = array<i32>} : memref<32x768xf32, #tpu.memory_space<vmem>>, vector<1x16xf32>,
      %get3A_744 = vector.shape_cast %get3A_743 : vector<1x16xf32> to vector<16xf32>
      %mul3A_745 = arith.mulf %get3A_63, %get3A_744 : vector<16xf32>
      %get3A_746 = arith.index_cast %scan3A_58 : i32 to index
      %get3A_747 = arith.constant 672 : index
      %get3A_748 = tpu.vector_load %arg15[%get3A_746, %get3A_747] {strides = array<i32>} : memref<32x768xf32, #tpu.memory_space<vmem>>, vector<1x16xf32>,
      %get3A_749 = vector.shape_cast %get3A_748 : vector<1x16xf32> to vector<16xf32>
      %mul3A_750 = arith.mulf %get3A_69, %get3A_749 : vector<16xf32>
      %add3A_751 = arith.addf %mul3A_745, %mul3A_750 : vector<16xf32>
      %swap3A_752 = arith.index_cast %scan3A_58 : i32 to index
      %swap3A_753 = arith.constant 672 : index
      %swap3A_754 = tpu.vector_load %arg14[%swap3A_752, %swap3A_753] {strides = array<i32>} : memref<32x768xf32, #tpu.memory_space<vmem>>, vector<1x16xf32>,
      %swap3A_755 = vector.shape_cast %swap3A_754 : vector<1x16xf32> to vector<16xf32>
      %swap3A_756 = vector.shape_cast %add3A_751 : vector<16xf32> to vector<1x16xf32>
      tpu.vector_store %arg14[%swap3A_752, %swap3A_753], %swap3A_756 {strides = array<i32>} : memref<32x768xf32, #tpu.memory_space<vmem>>, vector<1x16xf32>,
      %get3A_757 = arith.index_cast %scan3A_58 : i32 to index
      %get3A_758 = arith.constant 688 : index
      %get3A_759 = tpu.vector_load %arg14[%get3A_757, %get3A_758] {strides = array<i32>} : memref<32x768xf32, #tpu.memory_space<vmem>>, vector<1x16xf32>,
      %get3A_760 = vector.shape_cast %get3A_759 : vector<1x16xf32> to vector<16xf32>
      %mul3A_761 = arith.mulf %get3A_63, %get3A_760 : vector<16xf32>
      %get3A_762 = arith.index_cast %scan3A_58 : i32 to index
      %get3A_763 = arith.constant 688 : index
      %get3A_764 = tpu.vector_load %arg15[%get3A_762, %get3A_763] {strides = array<i32>} : memref<32x768xf32, #tpu.memory_space<vmem>>, vector<1x16xf32>,
      %get3A_765 = vector.shape_cast %get3A_764 : vector<1x16xf32> to vector<16xf32>
      %mul3A_766 = arith.mulf %get3A_69, %get3A_765 : vector<16xf32>
      %add3A_767 = arith.addf %mul3A_761, %mul3A_766 : vector<16xf32>
      %swap3A_768 = arith.index_cast %scan3A_58 : i32 to index
      %swap3A_769 = arith.constant 688 : index
      %swap3A_770 = tpu.vector_load %arg14[%swap3A_768, %swap3A_769] {strides = array<i32>} : memref<32x768xf32, #tpu.memory_space<vmem>>, vector<1x16xf32>,
      %swap3A_771 = vector.shape_cast %swap3A_770 : vector<1x16xf32> to vector<16xf32>
      %swap3A_772 = vector.shape_cast %add3A_767 : vector<16xf32> to vector<1x16xf32>
      tpu.vector_store %arg14[%swap3A_768, %swap3A_769], %swap3A_772 {strides = array<i32>} : memref<32x768xf32, #tpu.memory_space<vmem>>, vector<1x16xf32>,
      %get3A_773 = arith.index_cast %scan3A_58 : i32 to index
      %get3A_774 = arith.constant 704 : index
      %get3A_775 = tpu.vector_load %arg14[%get3A_773, %get3A_774] {strides = array<i32>} : memref<32x768xf32, #tpu.memory_space<vmem>>, vector<1x16xf32>,
      %get3A_776 = vector.shape_cast %get3A_775 : vector<1x16xf32> to vector<16xf32>
      %mul3A_777 = arith.mulf %get3A_63, %get3A_776 : vector<16xf32>
      %get3A_778 = arith.index_cast %scan3A_58 : i32 to index
      %get3A_779 = arith.constant 704 : index
      %get3A_780 = tpu.vector_load %arg15[%get3A_778, %get3A_779] {strides = array<i32>} : memref<32x768xf32, #tpu.memory_space<vmem>>, vector<1x16xf32>,
      %get3A_781 = vector.shape_cast %get3A_780 : vector<1x16xf32> to vector<16xf32>
      %mul3A_782 = arith.mulf %get3A_69, %get3A_781 : vector<16xf32>
      %add3A_783 = arith.addf %mul3A_777, %mul3A_782 : vector<16xf32>
      %swap3A_784 = arith.index_cast %scan3A_58 : i32 to index
      %swap3A_785 = arith.constant 704 : index
      %swap3A_786 = tpu.vector_load %arg14[%swap3A_784, %swap3A_785] {strides = array<i32>} : memref<32x768xf32, #tpu.memory_space<vmem>>, vector<1x16xf32>,
      %swap3A_787 = vector.shape_cast %swap3A_786 : vector<1x16xf32> to vector<16xf32>
      %swap3A_788 = vector.shape_cast %add3A_783 : vector<16xf32> to vector<1x16xf32>
      tpu.vector_store %arg14[%swap3A_784, %swap3A_785], %swap3A_788 {strides = array<i32>} : memref<32x768xf32, #tpu.memory_space<vmem>>, vector<1x16xf32>,
      %get3A_789 = arith.index_cast %scan3A_58 : i32 to index
      %get3A_790 = arith.constant 720 : index
      %get3A_791 = tpu.vector_load %arg14[%get3A_789, %get3A_790] {strides = array<i32>} : memref<32x768xf32, #tpu.memory_space<vmem>>, vector<1x16xf32>,
      %get3A_792 = vector.shape_cast %get3A_791 : vector<1x16xf32> to vector<16xf32>
      %mul3A_793 = arith.mulf %get3A_63, %get3A_792 : vector<16xf32>
      %get3A_794 = arith.index_cast %scan3A_58 : i32 to index
      %get3A_795 = arith.constant 720 : index
      %get3A_796 = tpu.vector_load %arg15[%get3A_794, %get3A_795] {strides = array<i32>} : memref<32x768xf32, #tpu.memory_space<vmem>>, vector<1x16xf32>,
      %get3A_797 = vector.shape_cast %get3A_796 : vector<1x16xf32> to vector<16xf32>
      %mul3A_798 = arith.mulf %get3A_69, %get3A_797 : vector<16xf32>
      %add3A_799 = arith.addf %mul3A_793, %mul3A_798 : vector<16xf32>
      %swap3A_800 = arith.index_cast %scan3A_58 : i32 to index
      %swap3A_801 = arith.constant 720 : index
      %swap3A_802 = tpu.vector_load %arg14[%swap3A_800, %swap3A_801] {strides = array<i32>} : memref<32x768xf32, #tpu.memory_space<vmem>>, vector<1x16xf32>,
      %swap3A_803 = vector.shape_cast %swap3A_802 : vector<1x16xf32> to vector<16xf32>
      %swap3A_804 = vector.shape_cast %add3A_799 : vector<16xf32> to vector<1x16xf32>
      tpu.vector_store %arg14[%swap3A_800, %swap3A_801], %swap3A_804 {strides = array<i32>} : memref<32x768xf32, #tpu.memory_space<vmem>>, vector<1x16xf32>,
      %get3A_805 = arith.index_cast %scan3A_58 : i32 to index
      %get3A_806 = arith.constant 736 : index
      %get3A_807 = tpu.vector_load %arg14[%get3A_805, %get3A_806] {strides = array<i32>} : memref<32x768xf32, #tpu.memory_space<vmem>>, vector<1x16xf32>,
      %get3A_808 = vector.shape_cast %get3A_807 : vector<1x16xf32> to vector<16xf32>
      %mul3A_809 = arith.mulf %get3A_63, %get3A_808 : vector<16xf32>
      %get3A_810 = arith.index_cast %scan3A_58 : i32 to index
      %get3A_811 = arith.constant 736 : index
      %get3A_812 = tpu.vector_load %arg15[%get3A_810, %get3A_811] {strides = array<i32>} : memref<32x768xf32, #tpu.memory_space<vmem>>, vector<1x16xf32>,
      %get3A_813 = vector.shape_cast %get3A_812 : vector<1x16xf32> to vector<16xf32>
      %mul3A_814 = arith.mulf %get3A_69, %get3A_813 : vector<16xf32>
      %add3A_815 = arith.addf %mul3A_809, %mul3A_814 : vector<16xf32>
      %swap3A_816 = arith.index_cast %scan3A_58 : i32 to index
      %swap3A_817 = arith.constant 736 : index
      %swap3A_818 = tpu.vector_load %arg14[%swap3A_816, %swap3A_817] {strides = array<i32>} : memref<32x768xf32, #tpu.memory_space<vmem>>, vector<1x16xf32>,
      %swap3A_819 = vector.shape_cast %swap3A_818 : vector<1x16xf32> to vector<16xf32>
      %swap3A_820 = vector.shape_cast %add3A_815 : vector<16xf32> to vector<1x16xf32>
      tpu.vector_store %arg14[%swap3A_816, %swap3A_817], %swap3A_820 {strides = array<i32>} : memref<32x768xf32, #tpu.memory_space<vmem>>, vector<1x16xf32>,
      %get3A_821 = arith.index_cast %scan3A_58 : i32 to index
      %get3A_822 = arith.constant 752 : index
      %get3A_823 = tpu.vector_load %arg14[%get3A_821, %get3A_822] {strides = array<i32>} : memref<32x768xf32, #tpu.memory_space<vmem>>, vector<1x16xf32>,
      %get3A_824 = vector.shape_cast %get3A_823 : vector<1x16xf32> to vector<16xf32>
      %mul3A_825 = arith.mulf %get3A_63, %get3A_824 : vector<16xf32>
      %get3A_826 = arith.index_cast %scan3A_58 : i32 to index
      %get3A_827 = arith.constant 752 : index
      %get3A_828 = tpu.vector_load %arg15[%get3A_826, %get3A_827] {strides = array<i32>} : memref<32x768xf32, #tpu.memory_space<vmem>>, vector<1x16xf32>,
      %get3A_829 = vector.shape_cast %get3A_828 : vector<1x16xf32> to vector<16xf32>
      %mul3A_830 = arith.mulf %get3A_69, %get3A_829 : vector<16xf32>
      %add3A_831 = arith.addf %mul3A_825, %mul3A_830 : vector<16xf32>
      %swap3A_832 = arith.index_cast %scan3A_58 : i32 to index
      %swap3A_833 = arith.constant 752 : index
      %swap3A_834 = tpu.vector_load %arg14[%swap3A_832, %swap3A_833] {strides = array<i32>} : memref<32x768xf32, #tpu.memory_space<vmem>>, vector<1x16xf32>,
      %swap3A_835 = vector.shape_cast %swap3A_834 : vector<1x16xf32> to vector<16xf32>
      %swap3A_836 = vector.shape_cast %add3A_831 : vector<16xf32> to vector<1x16xf32>
      tpu.vector_store %arg14[%swap3A_832, %swap3A_833], %swap3A_836 {strides = array<i32>} : memref<32x768xf32, #tpu.memory_space<vmem>>, vector<1x16xf32>,
    }
    %scan3A_27 = arith.constant 32 : i32
    %dma_start3A_28 = arith.constant 0 : i32
    %dma_start3A_29 = tpu.memref_slice %arg7[%mul3A_2, %dma_start3A_28] : memref<2048x768xf32, #tpu.memory_space<hbm>> -> memref<32x768xf32, #tpu.memory_space<hbm>>
    %dma_start3A_30 = arith.constant 0 : i32
    %dma_start3A_31 = tpu.memref_slice %arg7[%mul3A_2, %dma_start3A_30] : memref<2048x768xf32, #tpu.memory_space<hbm>> -> memref<32x768xf32, #tpu.memory_space<hbm>>
    tpu.enqueue_dma source(%arg14 : memref<32x768xf32, #tpu.memory_space<vmem>>) target(%dma_start3A_31 : memref<32x768xf32, #tpu.memory_space<hbm>>) target_semaphore(%arg20 : memref<!tpu.dma_semaphore, #tpu.memory_space<semaphore_mem>>)
    %dma_wait3A_32 = arith.constant 0 : i32
    %dma_wait3A_33 = arith.constant 0 : i32
    %dma_wait3A_34 = tpu.memref_slice %arg2[%dma_wait3A_32, %dma_wait3A_33] : memref<9600x768xf32, #tpu.memory_space<hbm>> -> memref<9600x768xf32, #tpu.memory_space<hbm>>
    tpu.wait_indirect_dma semaphore(%arg18 : memref<!tpu.dma_semaphore, #tpu.memory_space<semaphore_mem>>) src(%dma_wait3A_34 : memref<9600x768xf32, #tpu.memory_space<hbm>>) dst(%arg16 : memref<32x768xf32, #tpu.memory_space<vmem>>)
    %dma_wait3A_35 = arith.constant 0 : i32
    %dma_wait3A_36 = arith.constant 0 : i32
    %dma_wait3A_37 = tpu.memref_slice %arg2[%dma_wait3A_35, %dma_wait3A_36] : memref<9600x768xf32, #tpu.memory_space<hbm>> -> memref<9600x768xf32, #tpu.memory_space<hbm>>
    tpu.wait_indirect_dma semaphore(%arg19 : memref<!tpu.dma_semaphore, #tpu.memory_space<semaphore_mem>>) src(%dma_wait3A_37 : memref<9600x768xf32, #tpu.memory_space<hbm>>) dst(%arg17 : memref<32x768xf32, #tpu.memory_space<vmem>>)
    %scan3A_38 = arith.constant 0 : i32
    %scan3A_39 = arith.constant 0 : i32
    %scan3A_40 = arith.constant 32 : i32
    %scan3A_41 = arith.addi %scan3A_39, %scan3A_40 : i32
    %scan3A_42 = arith.constant 1 : i32
    scf.for %scan3A_58 = %scan3A_39 to %scan3A_41 step %scan3A_42  : i32 {
      %add3A_59 = arith.constant 32 : i32
      %add3A_60 = arith.addi %scan3A_58, %add3A_59 : i32
      %get3A = arith.index_cast %add3A_60 : i32 to index
      %get3A_61 = arith.constant 0 : index
      %get3A_62 = tpu.vector_load %arg12[%get3A, %get3A_61] {strides = array<i32>} : memref<64x16xf32, #tpu.memory_space<vmem>>, vector<1x16xf32>,
      %get3A_63 = vector.shape_cast %get3A_62 : vector<1x16xf32> to vector<16xf32>
      %add3A_64 = arith.constant 32 : i32
      %add3A_65 = arith.addi %scan3A_58, %add3A_64 : i32
      %get3A_66 = arith.index_cast %add3A_65 : i32 to index
      %get3A_67 = arith.constant 0 : index
      %get3A_68 = tpu.vector_load %arg13[%get3A_66, %get3A_67] {strides = array<i32>} : memref<64x16xf32, #tpu.memory_space<vmem>>, vector<1x16xf32>,
      %get3A_69 = vector.shape_cast %get3A_68 : vector<1x16xf32> to vector<16xf32>
      %get3A_70 = arith.index_cast %scan3A_58 : i32 to index
      %get3A_71 = arith.constant 0 : index
      %get3A_72 = tpu.vector_load %arg16[%get3A_70, %get3A_71] {strides = array<i32>} : memref<32x768xf32, #tpu.memory_space<vmem>>, vector<1x16xf32>,
      %get3A_73 = vector.shape_cast %get3A_72 : vector<1x16xf32> to vector<16xf32>
      %mul3A_74 = arith.mulf %get3A_63, %get3A_73 : vector<16xf32>
      %get3A_75 = arith.index_cast %scan3A_58 : i32 to index
      %get3A_76 = arith.constant 0 : index
      %get3A_77 = tpu.vector_load %arg17[%get3A_75, %get3A_76] {strides = array<i32>} : memref<32x768xf32, #tpu.memory_space<vmem>>, vector<1x16xf32>,
      %get3A_78 = vector.shape_cast %get3A_77 : vector<1x16xf32> to vector<16xf32>
      %mul3A_79 = arith.mulf %get3A_69, %get3A_78 : vector<16xf32>
      %add3A_80 = arith.addf %mul3A_74, %mul3A_79 : vector<16xf32>
      %swap3A = arith.index_cast %scan3A_58 : i32 to index
      %swap3A_81 = arith.constant 0 : index
      %swap3A_82 = tpu.vector_load %arg16[%swap3A, %swap3A_81] {strides = array<i32>} : memref<32x768xf32, #tpu.memory_space<vmem>>, vector<1x16xf32>,
      %swap3A_83 = vector.shape_cast %swap3A_82 : vector<1x16xf32> to vector<16xf32>
      %swap3A_84 = vector.shape_cast %add3A_80 : vector<16xf32> to vector<1x16xf32>
      tpu.vector_store %arg16[%swap3A, %swap3A_81], %swap3A_84 {strides = array<i32>} : memref<32x768xf32, #tpu.memory_space<vmem>>, vector<1x16xf32>,
      %get3A_85 = arith.index_cast %scan3A_58 : i32 to index
      %get3A_86 = arith.constant 16 : index
      %get3A_87 = tpu.vector_load %arg16[%get3A_85, %get3A_86] {strides = array<i32>} : memref<32x768xf32, #tpu.memory_space<vmem>>, vector<1x16xf32>,
      %get3A_88 = vector.shape_cast %get3A_87 : vector<1x16xf32> to vector<16xf32>
      %mul3A_89 = arith.mulf %get3A_63, %get3A_88 : vector<16xf32>
      %get3A_90 = arith.index_cast %scan3A_58 : i32 to index
      %get3A_91 = arith.constant 16 : index
      %get3A_92 = tpu.vector_load %arg17[%get3A_90, %get3A_91] {strides = array<i32>} : memref<32x768xf32, #tpu.memory_space<vmem>>, vector<1x16xf32>,
      %get3A_93 = vector.shape_cast %get3A_92 : vector<1x16xf32> to vector<16xf32>
      %mul3A_94 = arith.mulf %get3A_69, %get3A_93 : vector<16xf32>
      %add3A_95 = arith.addf %mul3A_89, %mul3A_94 : vector<16xf32>
      %swap3A_96 = arith.index_cast %scan3A_58 : i32 to index
      %swap3A_97 = arith.constant 16 : index
      %swap3A_98 = tpu.vector_load %arg16[%swap3A_96, %swap3A_97] {strides = array<i32>} : memref<32x768xf32, #tpu.memory_space<vmem>>, vector<1x16xf32>,
      %swap3A_99 = vector.shape_cast %swap3A_98 : vector<1x16xf32> to vector<16xf32>
      %swap3A_100 = vector.shape_cast %add3A_95 : vector<16xf32> to vector<1x16xf32>
      tpu.vector_store %arg16[%swap3A_96, %swap3A_97], %swap3A_100 {strides = array<i32>} : memref<32x768xf32, #tpu.memory_space<vmem>>, vector<1x16xf32>,
      %get3A_101 = arith.index_cast %scan3A_58 : i32 to index
      %get3A_102 = arith.constant 32 : index
      %get3A_103 = tpu.vector_load %arg16[%get3A_101, %get3A_102] {strides = array<i32>} : memref<32x768xf32, #tpu.memory_space<vmem>>, vector<1x16xf32>,
      %get3A_104 = vector.shape_cast %get3A_103 : vector<1x16xf32> to vector<16xf32>
      %mul3A_105 = arith.mulf %get3A_63, %get3A_104 : vector<16xf32>
      %get3A_106 = arith.index_cast %scan3A_58 : i32 to index
      %get3A_107 = arith.constant 32 : index
      %get3A_108 = tpu.vector_load %arg17[%get3A_106, %get3A_107] {strides = array<i32>} : memref<32x768xf32, #tpu.memory_space<vmem>>, vector<1x16xf32>,
      %get3A_109 = vector.shape_cast %get3A_108 : vector<1x16xf32> to vector<16xf32>
      %mul3A_110 = arith.mulf %get3A_69, %get3A_109 : vector<16xf32>
      %add3A_111 = arith.addf %mul3A_105, %mul3A_110 : vector<16xf32>
      %swap3A_112 = arith.index_cast %scan3A_58 : i32 to index
      %swap3A_113 = arith.constant 32 : index
      %swap3A_114 = tpu.vector_load %arg16[%swap3A_112, %swap3A_113] {strides = array<i32>} : memref<32x768xf32, #tpu.memory_space<vmem>>, vector<1x16xf32>,
      %swap3A_115 = vector.shape_cast %swap3A_114 : vector<1x16xf32> to vector<16xf32>
      %swap3A_116 = vector.shape_cast %add3A_111 : vector<16xf32> to vector<1x16xf32>
      tpu.vector_store %arg16[%swap3A_112, %swap3A_113], %swap3A_116 {strides = array<i32>} : memref<32x768xf32, #tpu.memory_space<vmem>>, vector<1x16xf32>,
      %get3A_117 = arith.index_cast %scan3A_58 : i32 to index
      %get3A_118 = arith.constant 48 : index
      %get3A_119 = tpu.vector_load %arg16[%get3A_117, %get3A_118] {strides = array<i32>} : memref<32x768xf32, #tpu.memory_space<vmem>>, vector<1x16xf32>,
      %get3A_120 = vector.shape_cast %get3A_119 : vector<1x16xf32> to vector<16xf32>
      %mul3A_121 = arith.mulf %get3A_63, %get3A_120 : vector<16xf32>
      %get3A_122 = arith.index_cast %scan3A_58 : i32 to index
      %get3A_123 = arith.constant 48 : index
      %get3A_124 = tpu.vector_load %arg17[%get3A_122, %get3A_123] {strides = array<i32>} : memref<32x768xf32, #tpu.memory_space<vmem>>, vector<1x16xf32>,
      %get3A_125 = vector.shape_cast %get3A_124 : vector<1x16xf32> to vector<16xf32>
      %mul3A_126 = arith.mulf %get3A_69, %get3A_125 : vector<16xf32>
      %add3A_127 = arith.addf %mul3A_121, %mul3A_126 : vector<16xf32>
      %swap3A_128 = arith.index_cast %scan3A_58 : i32 to index
      %swap3A_129 = arith.constant 48 : index
      %swap3A_130 = tpu.vector_load %arg16[%swap3A_128, %swap3A_129] {strides = array<i32>} : memref<32x768xf32, #tpu.memory_space<vmem>>, vector<1x16xf32>,
      %swap3A_131 = vector.shape_cast %swap3A_130 : vector<1x16xf32> to vector<16xf32>
      %swap3A_132 = vector.shape_cast %add3A_127 : vector<16xf32> to vector<1x16xf32>
      tpu.vector_store %arg16[%swap3A_128, %swap3A_129], %swap3A_132 {strides = array<i32>} : memref<32x768xf32, #tpu.memory_space<vmem>>, vector<1x16xf32>,
      %get3A_133 = arith.index_cast %scan3A_58 : i32 to index
      %get3A_134 = arith.constant 64 : index
      %get3A_135 = tpu.vector_load %arg16[%get3A_133, %get3A_134] {strides = array<i32>} : memref<32x768xf32, #tpu.memory_space<vmem>>, vector<1x16xf32>,
      %get3A_136 = vector.shape_cast %get3A_135 : vector<1x16xf32> to vector<16xf32>
      %mul3A_137 = arith.mulf %get3A_63, %get3A_136 : vector<16xf32>
      %get3A_138 = arith.index_cast %scan3A_58 : i32 to index
      %get3A_139 = arith.constant 64 : index
      %get3A_140 = tpu.vector_load %arg17[%get3A_138, %get3A_139] {strides = array<i32>} : memref<32x768xf32, #tpu.memory_space<vmem>>, vector<1x16xf32>,
      %get3A_141 = vector.shape_cast %get3A_140 : vector<1x16xf32> to vector<16xf32>
      %mul3A_142 = arith.mulf %get3A_69, %get3A_141 : vector<16xf32>
      %add3A_143 = arith.addf %mul3A_137, %mul3A_142 : vector<16xf32>
      %swap3A_144 = arith.index_cast %scan3A_58 : i32 to index
      %swap3A_145 = arith.constant 64 : index
      %swap3A_146 = tpu.vector_load %arg16[%swap3A_144, %swap3A_145] {strides = array<i32>} : memref<32x768xf32, #tpu.memory_space<vmem>>, vector<1x16xf32>,
      %swap3A_147 = vector.shape_cast %swap3A_146 : vector<1x16xf32> to vector<16xf32>
      %swap3A_148 = vector.shape_cast %add3A_143 : vector<16xf32> to vector<1x16xf32>
      tpu.vector_store %arg16[%swap3A_144, %swap3A_145], %swap3A_148 {strides = array<i32>} : memref<32x768xf32, #tpu.memory_space<vmem>>, vector<1x16xf32>,
      %get3A_149 = arith.index_cast %scan3A_58 : i32 to index
      %get3A_150 = arith.constant 80 : index
      %get3A_151 = tpu.vector_load %arg16[%get3A_149, %get3A_150] {strides = array<i32>} : memref<32x768xf32, #tpu.memory_space<vmem>>, vector<1x16xf32>,
      %get3A_152 = vector.shape_cast %get3A_151 : vector<1x16xf32> to vector<16xf32>
      %mul3A_153 = arith.mulf %get3A_63, %get3A_152 : vector<16xf32>
      %get3A_154 = arith.index_cast %scan3A_58 : i32 to index
      %get3A_155 = arith.constant 80 : index
      %get3A_156 = tpu.vector_load %arg17[%get3A_154, %get3A_155] {strides = array<i32>} : memref<32x768xf32, #tpu.memory_space<vmem>>, vector<1x16xf32>,
      %get3A_157 = vector.shape_cast %get3A_156 : vector<1x16xf32> to vector<16xf32>
      %mul3A_158 = arith.mulf %get3A_69, %get3A_157 : vector<16xf32>
      %add3A_159 = arith.addf %mul3A_153, %mul3A_158 : vector<16xf32>
      %swap3A_160 = arith.index_cast %scan3A_58 : i32 to index
      %swap3A_161 = arith.constant 80 : index
      %swap3A_162 = tpu.vector_load %arg16[%swap3A_160, %swap3A_161] {strides = array<i32>} : memref<32x768xf32, #tpu.memory_space<vmem>>, vector<1x16xf32>,
      %swap3A_163 = vector.shape_cast %swap3A_162 : vector<1x16xf32> to vector<16xf32>
      %swap3A_164 = vector.shape_cast %add3A_159 : vector<16xf32> to vector<1x16xf32>
      tpu.vector_store %arg16[%swap3A_160, %swap3A_161], %swap3A_164 {strides = array<i32>} : memref<32x768xf32, #tpu.memory_space<vmem>>, vector<1x16xf32>,
      %get3A_165 = arith.index_cast %scan3A_58 : i32 to index
      %get3A_166 = arith.constant 96 : index
      %get3A_167 = tpu.vector_load %arg16[%get3A_165, %get3A_166] {strides = array<i32>} : memref<32x768xf32, #tpu.memory_space<vmem>>, vector<1x16xf32>,
      %get3A_168 = vector.shape_cast %get3A_167 : vector<1x16xf32> to vector<16xf32>
      %mul3A_169 = arith.mulf %get3A_63, %get3A_168 : vector<16xf32>
      %get3A_170 = arith.index_cast %scan3A_58 : i32 to index
      %get3A_171 = arith.constant 96 : index
      %get3A_172 = tpu.vector_load %arg17[%get3A_170, %get3A_171] {strides = array<i32>} : memref<32x768xf32, #tpu.memory_space<vmem>>, vector<1x16xf32>,
      %get3A_173 = vector.shape_cast %get3A_172 : vector<1x16xf32> to vector<16xf32>
      %mul3A_174 = arith.mulf %get3A_69, %get3A_173 : vector<16xf32>
      %add3A_175 = arith.addf %mul3A_169, %mul3A_174 : vector<16xf32>
      %swap3A_176 = arith.index_cast %scan3A_58 : i32 to index
      %swap3A_177 = arith.constant 96 : index
      %swap3A_178 = tpu.vector_load %arg16[%swap3A_176, %swap3A_177] {strides = array<i32>} : memref<32x768xf32, #tpu.memory_space<vmem>>, vector<1x16xf32>,
      %swap3A_179 = vector.shape_cast %swap3A_178 : vector<1x16xf32> to vector<16xf32>
      %swap3A_180 = vector.shape_cast %add3A_175 : vector<16xf32> to vector<1x16xf32>
      tpu.vector_store %arg16[%swap3A_176, %swap3A_177], %swap3A_180 {strides = array<i32>} : memref<32x768xf32, #tpu.memory_space<vmem>>, vector<1x16xf32>,
      %get3A_181 = arith.index_cast %scan3A_58 : i32 to index
      %get3A_182 = arith.constant 112 : index
      %get3A_183 = tpu.vector_load %arg16[%get3A_181, %get3A_182] {strides = array<i32>} : memref<32x768xf32, #tpu.memory_space<vmem>>, vector<1x16xf32>,
      %get3A_184 = vector.shape_cast %get3A_183 : vector<1x16xf32> to vector<16xf32>
      %mul3A_185 = arith.mulf %get3A_63, %get3A_184 : vector<16xf32>
      %get3A_186 = arith.index_cast %scan3A_58 : i32 to index
      %get3A_187 = arith.constant 112 : index
      %get3A_188 = tpu.vector_load %arg17[%get3A_186, %get3A_187] {strides = array<i32>} : memref<32x768xf32, #tpu.memory_space<vmem>>, vector<1x16xf32>,
      %get3A_189 = vector.shape_cast %get3A_188 : vector<1x16xf32> to vector<16xf32>
      %mul3A_190 = arith.mulf %get3A_69, %get3A_189 : vector<16xf32>
      %add3A_191 = arith.addf %mul3A_185, %mul3A_190 : vector<16xf32>
      %swap3A_192 = arith.index_cast %scan3A_58 : i32 to index
      %swap3A_193 = arith.constant 112 : index
      %swap3A_194 = tpu.vector_load %arg16[%swap3A_192, %swap3A_193] {strides = array<i32>} : memref<32x768xf32, #tpu.memory_space<vmem>>, vector<1x16xf32>,
      %swap3A_195 = vector.shape_cast %swap3A_194 : vector<1x16xf32> to vector<16xf32>
      %swap3A_196 = vector.shape_cast %add3A_191 : vector<16xf32> to vector<1x16xf32>
      tpu.vector_store %arg16[%swap3A_192, %swap3A_193], %swap3A_196 {strides = array<i32>} : memref<32x768xf32, #tpu.memory_space<vmem>>, vector<1x16xf32>,
      %get3A_197 = arith.index_cast %scan3A_58 : i32 to index
      %get3A_198 = arith.constant 128 : index
      %get3A_199 = tpu.vector_load %arg16[%get3A_197, %get3A_198] {strides = array<i32>} : memref<32x768xf32, #tpu.memory_space<vmem>>, vector<1x16xf32>,
      %get3A_200 = vector.shape_cast %get3A_199 : vector<1x16xf32> to vector<16xf32>
      %mul3A_201 = arith.mulf %get3A_63, %get3A_200 : vector<16xf32>
      %get3A_202 = arith.index_cast %scan3A_58 : i32 to index
      %get3A_203 = arith.constant 128 : index
      %get3A_204 = tpu.vector_load %arg17[%get3A_202, %get3A_203] {strides = array<i32>} : memref<32x768xf32, #tpu.memory_space<vmem>>, vector<1x16xf32>,
      %get3A_205 = vector.shape_cast %get3A_204 : vector<1x16xf32> to vector<16xf32>
      %mul3A_206 = arith.mulf %get3A_69, %get3A_205 : vector<16xf32>
      %add3A_207 = arith.addf %mul3A_201, %mul3A_206 : vector<16xf32>
      %swap3A_208 = arith.index_cast %scan3A_58 : i32 to index
      %swap3A_209 = arith.constant 128 : index
      %swap3A_210 = tpu.vector_load %arg16[%swap3A_208, %swap3A_209] {strides = array<i32>} : memref<32x768xf32, #tpu.memory_space<vmem>>, vector<1x16xf32>,
      %swap3A_211 = vector.shape_cast %swap3A_210 : vector<1x16xf32> to vector<16xf32>
      %swap3A_212 = vector.shape_cast %add3A_207 : vector<16xf32> to vector<1x16xf32>
      tpu.vector_store %arg16[%swap3A_208, %swap3A_209], %swap3A_212 {strides = array<i32>} : memref<32x768xf32, #tpu.memory_space<vmem>>, vector<1x16xf32>,
      %get3A_213 = arith.index_cast %scan3A_58 : i32 to index
      %get3A_214 = arith.constant 144 : index
      %get3A_215 = tpu.vector_load %arg16[%get3A_213, %get3A_214] {strides = array<i32>} : memref<32x768xf32, #tpu.memory_space<vmem>>, vector<1x16xf32>,
      %get3A_216 = vector.shape_cast %get3A_215 : vector<1x16xf32> to vector<16xf32>
      %mul3A_217 = arith.mulf %get3A_63, %get3A_216 : vector<16xf32>
      %get3A_218 = arith.index_cast %scan3A_58 : i32 to index
      %get3A_219 = arith.constant 144 : index
      %get3A_220 = tpu.vector_load %arg17[%get3A_218, %get3A_219] {strides = array<i32>} : memref<32x768xf32, #tpu.memory_space<vmem>>, vector<1x16xf32>,
      %get3A_221 = vector.shape_cast %get3A_220 : vector<1x16xf32> to vector<16xf32>
      %mul3A_222 = arith.mulf %get3A_69, %get3A_221 : vector<16xf32>
      %add3A_223 = arith.addf %mul3A_217, %mul3A_222 : vector<16xf32>
      %swap3A_224 = arith.index_cast %scan3A_58 : i32 to index
      %swap3A_225 = arith.constant 144 : index
      %swap3A_226 = tpu.vector_load %arg16[%swap3A_224, %swap3A_225] {strides = array<i32>} : memref<32x768xf32, #tpu.memory_space<vmem>>, vector<1x16xf32>,
      %swap3A_227 = vector.shape_cast %swap3A_226 : vector<1x16xf32> to vector<16xf32>
      %swap3A_228 = vector.shape_cast %add3A_223 : vector<16xf32> to vector<1x16xf32>
      tpu.vector_store %arg16[%swap3A_224, %swap3A_225], %swap3A_228 {strides = array<i32>} : memref<32x768xf32, #tpu.memory_space<vmem>>, vector<1x16xf32>,
      %get3A_229 = arith.index_cast %scan3A_58 : i32 to index
      %get3A_230 = arith.constant 160 : index
      %get3A_231 = tpu.vector_load %arg16[%get3A_229, %get3A_230] {strides = array<i32>} : memref<32x768xf32, #tpu.memory_space<vmem>>, vector<1x16xf32>,
      %get3A_232 = vector.shape_cast %get3A_231 : vector<1x16xf32> to vector<16xf32>
      %mul3A_233 = arith.mulf %get3A_63, %get3A_232 : vector<16xf32>
      %get3A_234 = arith.index_cast %scan3A_58 : i32 to index
      %get3A_235 = arith.constant 160 : index
      %get3A_236 = tpu.vector_load %arg17[%get3A_234, %get3A_235] {strides = array<i32>} : memref<32x768xf32, #tpu.memory_space<vmem>>, vector<1x16xf32>,
      %get3A_237 = vector.shape_cast %get3A_236 : vector<1x16xf32> to vector<16xf32>
      %mul3A_238 = arith.mulf %get3A_69, %get3A_237 : vector<16xf32>
      %add3A_239 = arith.addf %mul3A_233, %mul3A_238 : vector<16xf32>
      %swap3A_240 = arith.index_cast %scan3A_58 : i32 to index
      %swap3A_241 = arith.constant 160 : index
      %swap3A_242 = tpu.vector_load %arg16[%swap3A_240, %swap3A_241] {strides = array<i32>} : memref<32x768xf32, #tpu.memory_space<vmem>>, vector<1x16xf32>,
      %swap3A_243 = vector.shape_cast %swap3A_242 : vector<1x16xf32> to vector<16xf32>
      %swap3A_244 = vector.shape_cast %add3A_239 : vector<16xf32> to vector<1x16xf32>
      tpu.vector_store %arg16[%swap3A_240, %swap3A_241], %swap3A_244 {strides = array<i32>} : memref<32x768xf32, #tpu.memory_space<vmem>>, vector<1x16xf32>,
      %get3A_245 = arith.index_cast %scan3A_58 : i32 to index
      %get3A_246 = arith.constant 176 : index
      %get3A_247 = tpu.vector_load %arg16[%get3A_245, %get3A_246] {strides = array<i32>} : memref<32x768xf32, #tpu.memory_space<vmem>>, vector<1x16xf32>,
      %get3A_248 = vector.shape_cast %get3A_247 : vector<1x16xf32> to vector<16xf32>
      %mul3A_249 = arith.mulf %get3A_63, %get3A_248 : vector<16xf32>
      %get3A_250 = arith.index_cast %scan3A_58 : i32 to index
      %get3A_251 = arith.constant 176 : index
      %get3A_252 = tpu.vector_load %arg17[%get3A_250, %get3A_251] {strides = array<i32>} : memref<32x768xf32, #tpu.memory_space<vmem>>, vector<1x16xf32>,
      %get3A_253 = vector.shape_cast %get3A_252 : vector<1x16xf32> to vector<16xf32>
      %mul3A_254 = arith.mulf %get3A_69, %get3A_253 : vector<16xf32>
      %add3A_255 = arith.addf %mul3A_249, %mul3A_254 : vector<16xf32>
      %swap3A_256 = arith.index_cast %scan3A_58 : i32 to index
      %swap3A_257 = arith.constant 176 : index
      %swap3A_258 = tpu.vector_load %arg16[%swap3A_256, %swap3A_257] {strides = array<i32>} : memref<32x768xf32, #tpu.memory_space<vmem>>, vector<1x16xf32>,
      %swap3A_259 = vector.shape_cast %swap3A_258 : vector<1x16xf32> to vector<16xf32>
      %swap3A_260 = vector.shape_cast %add3A_255 : vector<16xf32> to vector<1x16xf32>
      tpu.vector_store %arg16[%swap3A_256, %swap3A_257], %swap3A_260 {strides = array<i32>} : memref<32x768xf32, #tpu.memory_space<vmem>>, vector<1x16xf32>,
      %get3A_261 = arith.index_cast %scan3A_58 : i32 to index
      %get3A_262 = arith.constant 192 : index
      %get3A_263 = tpu.vector_load %arg16[%get3A_261, %get3A_262] {strides = array<i32>} : memref<32x768xf32, #tpu.memory_space<vmem>>, vector<1x16xf32>,
      %get3A_264 = vector.shape_cast %get3A_263 : vector<1x16xf32> to vector<16xf32>
      %mul3A_265 = arith.mulf %get3A_63, %get3A_264 : vector<16xf32>
      %get3A_266 = arith.index_cast %scan3A_58 : i32 to index
      %get3A_267 = arith.constant 192 : index
      %get3A_268 = tpu.vector_load %arg17[%get3A_266, %get3A_267] {strides = array<i32>} : memref<32x768xf32, #tpu.memory_space<vmem>>, vector<1x16xf32>,
      %get3A_269 = vector.shape_cast %get3A_268 : vector<1x16xf32> to vector<16xf32>
      %mul3A_270 = arith.mulf %get3A_69, %get3A_269 : vector<16xf32>
      %add3A_271 = arith.addf %mul3A_265, %mul3A_270 : vector<16xf32>
      %swap3A_272 = arith.index_cast %scan3A_58 : i32 to index
      %swap3A_273 = arith.constant 192 : index
      %swap3A_274 = tpu.vector_load %arg16[%swap3A_272, %swap3A_273] {strides = array<i32>} : memref<32x768xf32, #tpu.memory_space<vmem>>, vector<1x16xf32>,
      %swap3A_275 = vector.shape_cast %swap3A_274 : vector<1x16xf32> to vector<16xf32>
      %swap3A_276 = vector.shape_cast %add3A_271 : vector<16xf32> to vector<1x16xf32>
      tpu.vector_store %arg16[%swap3A_272, %swap3A_273], %swap3A_276 {strides = array<i32>} : memref<32x768xf32, #tpu.memory_space<vmem>>, vector<1x16xf32>,
      %get3A_277 = arith.index_cast %scan3A_58 : i32 to index
      %get3A_278 = arith.constant 208 : index
      %get3A_279 = tpu.vector_load %arg16[%get3A_277, %get3A_278] {strides = array<i32>} : memref<32x768xf32, #tpu.memory_space<vmem>>, vector<1x16xf32>,
      %get3A_280 = vector.shape_cast %get3A_279 : vector<1x16xf32> to vector<16xf32>
      %mul3A_281 = arith.mulf %get3A_63, %get3A_280 : vector<16xf32>
      %get3A_282 = arith.index_cast %scan3A_58 : i32 to index
      %get3A_283 = arith.constant 208 : index
      %get3A_284 = tpu.vector_load %arg17[%get3A_282, %get3A_283] {strides = array<i32>} : memref<32x768xf32, #tpu.memory_space<vmem>>, vector<1x16xf32>,
      %get3A_285 = vector.shape_cast %get3A_284 : vector<1x16xf32> to vector<16xf32>
      %mul3A_286 = arith.mulf %get3A_69, %get3A_285 : vector<16xf32>
      %add3A_287 = arith.addf %mul3A_281, %mul3A_286 : vector<16xf32>
      %swap3A_288 = arith.index_cast %scan3A_58 : i32 to index
      %swap3A_289 = arith.constant 208 : index
      %swap3A_290 = tpu.vector_load %arg16[%swap3A_288, %swap3A_289] {strides = array<i32>} : memref<32x768xf32, #tpu.memory_space<vmem>>, vector<1x16xf32>,
      %swap3A_291 = vector.shape_cast %swap3A_290 : vector<1x16xf32> to vector<16xf32>
      %swap3A_292 = vector.shape_cast %add3A_287 : vector<16xf32> to vector<1x16xf32>
      tpu.vector_store %arg16[%swap3A_288, %swap3A_289], %swap3A_292 {strides = array<i32>} : memref<32x768xf32, #tpu.memory_space<vmem>>, vector<1x16xf32>,
      %get3A_293 = arith.index_cast %scan3A_58 : i32 to index
      %get3A_294 = arith.constant 224 : index
      %get3A_295 = tpu.vector_load %arg16[%get3A_293, %get3A_294] {strides = array<i32>} : memref<32x768xf32, #tpu.memory_space<vmem>>, vector<1x16xf32>,
      %get3A_296 = vector.shape_cast %get3A_295 : vector<1x16xf32> to vector<16xf32>
      %mul3A_297 = arith.mulf %get3A_63, %get3A_296 : vector<16xf32>
      %get3A_298 = arith.index_cast %scan3A_58 : i32 to index
      %get3A_299 = arith.constant 224 : index
      %get3A_300 = tpu.vector_load %arg17[%get3A_298, %get3A_299] {strides = array<i32>} : memref<32x768xf32, #tpu.memory_space<vmem>>, vector<1x16xf32>,
      %get3A_301 = vector.shape_cast %get3A_300 : vector<1x16xf32> to vector<16xf32>
      %mul3A_302 = arith.mulf %get3A_69, %get3A_301 : vector<16xf32>
      %add3A_303 = arith.addf %mul3A_297, %mul3A_302 : vector<16xf32>
      %swap3A_304 = arith.index_cast %scan3A_58 : i32 to index
      %swap3A_305 = arith.constant 224 : index
      %swap3A_306 = tpu.vector_load %arg16[%swap3A_304, %swap3A_305] {strides = array<i32>} : memref<32x768xf32, #tpu.memory_space<vmem>>, vector<1x16xf32>,
      %swap3A_307 = vector.shape_cast %swap3A_306 : vector<1x16xf32> to vector<16xf32>
      %swap3A_308 = vector.shape_cast %add3A_303 : vector<16xf32> to vector<1x16xf32>
      tpu.vector_store %arg16[%swap3A_304, %swap3A_305], %swap3A_308 {strides = array<i32>} : memref<32x768xf32, #tpu.memory_space<vmem>>, vector<1x16xf32>,
      %get3A_309 = arith.index_cast %scan3A_58 : i32 to index
      %get3A_310 = arith.constant 240 : index
      %get3A_311 = tpu.vector_load %arg16[%get3A_309, %get3A_310] {strides = array<i32>} : memref<32x768xf32, #tpu.memory_space<vmem>>, vector<1x16xf32>,
      %get3A_312 = vector.shape_cast %get3A_311 : vector<1x16xf32> to vector<16xf32>
      %mul3A_313 = arith.mulf %get3A_63, %get3A_312 : vector<16xf32>
      %get3A_314 = arith.index_cast %scan3A_58 : i32 to index
      %get3A_315 = arith.constant 240 : index
      %get3A_316 = tpu.vector_load %arg17[%get3A_314, %get3A_315] {strides = array<i32>} : memref<32x768xf32, #tpu.memory_space<vmem>>, vector<1x16xf32>,
      %get3A_317 = vector.shape_cast %get3A_316 : vector<1x16xf32> to vector<16xf32>
      %mul3A_318 = arith.mulf %get3A_69, %get3A_317 : vector<16xf32>
      %add3A_319 = arith.addf %mul3A_313, %mul3A_318 : vector<16xf32>
      %swap3A_320 = arith.index_cast %scan3A_58 : i32 to index
      %swap3A_321 = arith.constant 240 : index
      %swap3A_322 = tpu.vector_load %arg16[%swap3A_320, %swap3A_321] {strides = array<i32>} : memref<32x768xf32, #tpu.memory_space<vmem>>, vector<1x16xf32>,
      %swap3A_323 = vector.shape_cast %swap3A_322 : vector<1x16xf32> to vector<16xf32>
      %swap3A_324 = vector.shape_cast %add3A_319 : vector<16xf32> to vector<1x16xf32>
      tpu.vector_store %arg16[%swap3A_320, %swap3A_321], %swap3A_324 {strides = array<i32>} : memref<32x768xf32, #tpu.memory_space<vmem>>, vector<1x16xf32>,
      %get3A_325 = arith.index_cast %scan3A_58 : i32 to index
      %get3A_326 = arith.constant 256 : index
      %get3A_327 = tpu.vector_load %arg16[%get3A_325, %get3A_326] {strides = array<i32>} : memref<32x768xf32, #tpu.memory_space<vmem>>, vector<1x16xf32>,
      %get3A_328 = vector.shape_cast %get3A_327 : vector<1x16xf32> to vector<16xf32>
      %mul3A_329 = arith.mulf %get3A_63, %get3A_328 : vector<16xf32>
      %get3A_330 = arith.index_cast %scan3A_58 : i32 to index
      %get3A_331 = arith.constant 256 : index
      %get3A_332 = tpu.vector_load %arg17[%get3A_330, %get3A_331] {strides = array<i32>} : memref<32x768xf32, #tpu.memory_space<vmem>>, vector<1x16xf32>,
      %get3A_333 = vector.shape_cast %get3A_332 : vector<1x16xf32> to vector<16xf32>
      %mul3A_334 = arith.mulf %get3A_69, %get3A_333 : vector<16xf32>
      %add3A_335 = arith.addf %mul3A_329, %mul3A_334 : vector<16xf32>
      %swap3A_336 = arith.index_cast %scan3A_58 : i32 to index
      %swap3A_337 = arith.constant 256 : index
      %swap3A_338 = tpu.vector_load %arg16[%swap3A_336, %swap3A_337] {strides = array<i32>} : memref<32x768xf32, #tpu.memory_space<vmem>>, vector<1x16xf32>,
      %swap3A_339 = vector.shape_cast %swap3A_338 : vector<1x16xf32> to vector<16xf32>
      %swap3A_340 = vector.shape_cast %add3A_335 : vector<16xf32> to vector<1x16xf32>
      tpu.vector_store %arg16[%swap3A_336, %swap3A_337], %swap3A_340 {strides = array<i32>} : memref<32x768xf32, #tpu.memory_space<vmem>>, vector<1x16xf32>,
      %get3A_341 = arith.index_cast %scan3A_58 : i32 to index
      %get3A_342 = arith.constant 272 : index
      %get3A_343 = tpu.vector_load %arg16[%get3A_341, %get3A_342] {strides = array<i32>} : memref<32x768xf32, #tpu.memory_space<vmem>>, vector<1x16xf32>,
      %get3A_344 = vector.shape_cast %get3A_343 : vector<1x16xf32> to vector<16xf32>
      %mul3A_345 = arith.mulf %get3A_63, %get3A_344 : vector<16xf32>
      %get3A_346 = arith.index_cast %scan3A_58 : i32 to index
      %get3A_347 = arith.constant 272 : index
      %get3A_348 = tpu.vector_load %arg17[%get3A_346, %get3A_347] {strides = array<i32>} : memref<32x768xf32, #tpu.memory_space<vmem>>, vector<1x16xf32>,
      %get3A_349 = vector.shape_cast %get3A_348 : vector<1x16xf32> to vector<16xf32>
      %mul3A_350 = arith.mulf %get3A_69, %get3A_349 : vector<16xf32>
      %add3A_351 = arith.addf %mul3A_345, %mul3A_350 : vector<16xf32>
      %swap3A_352 = arith.index_cast %scan3A_58 : i32 to index
      %swap3A_353 = arith.constant 272 : index
      %swap3A_354 = tpu.vector_load %arg16[%swap3A_352, %swap3A_353] {strides = array<i32>} : memref<32x768xf32, #tpu.memory_space<vmem>>, vector<1x16xf32>,
      %swap3A_355 = vector.shape_cast %swap3A_354 : vector<1x16xf32> to vector<16xf32>
      %swap3A_356 = vector.shape_cast %add3A_351 : vector<16xf32> to vector<1x16xf32>
      tpu.vector_store %arg16[%swap3A_352, %swap3A_353], %swap3A_356 {strides = array<i32>} : memref<32x768xf32, #tpu.memory_space<vmem>>, vector<1x16xf32>,
      %get3A_357 = arith.index_cast %scan3A_58 : i32 to index
      %get3A_358 = arith.constant 288 : index
      %get3A_359 = tpu.vector_load %arg16[%get3A_357, %get3A_358] {strides = array<i32>} : memref<32x768xf32, #tpu.memory_space<vmem>>, vector<1x16xf32>,
      %get3A_360 = vector.shape_cast %get3A_359 : vector<1x16xf32> to vector<16xf32>
      %mul3A_361 = arith.mulf %get3A_63, %get3A_360 : vector<16xf32>
      %get3A_362 = arith.index_cast %scan3A_58 : i32 to index
      %get3A_363 = arith.constant 288 : index
      %get3A_364 = tpu.vector_load %arg17[%get3A_362, %get3A_363] {strides = array<i32>} : memref<32x768xf32, #tpu.memory_space<vmem>>, vector<1x16xf32>,
      %get3A_365 = vector.shape_cast %get3A_364 : vector<1x16xf32> to vector<16xf32>
      %mul3A_366 = arith.mulf %get3A_69, %get3A_365 : vector<16xf32>
      %add3A_367 = arith.addf %mul3A_361, %mul3A_366 : vector<16xf32>
      %swap3A_368 = arith.index_cast %scan3A_58 : i32 to index
      %swap3A_369 = arith.constant 288 : index
      %swap3A_370 = tpu.vector_load %arg16[%swap3A_368, %swap3A_369] {strides = array<i32>} : memref<32x768xf32, #tpu.memory_space<vmem>>, vector<1x16xf32>,
      %swap3A_371 = vector.shape_cast %swap3A_370 : vector<1x16xf32> to vector<16xf32>
      %swap3A_372 = vector.shape_cast %add3A_367 : vector<16xf32> to vector<1x16xf32>
      tpu.vector_store %arg16[%swap3A_368, %swap3A_369], %swap3A_372 {strides = array<i32>} : memref<32x768xf32, #tpu.memory_space<vmem>>, vector<1x16xf32>,
      %get3A_373 = arith.index_cast %scan3A_58 : i32 to index
      %get3A_374 = arith.constant 304 : index
      %get3A_375 = tpu.vector_load %arg16[%get3A_373, %get3A_374] {strides = array<i32>} : memref<32x768xf32, #tpu.memory_space<vmem>>, vector<1x16xf32>,
      %get3A_376 = vector.shape_cast %get3A_375 : vector<1x16xf32> to vector<16xf32>
      %mul3A_377 = arith.mulf %get3A_63, %get3A_376 : vector<16xf32>
      %get3A_378 = arith.index_cast %scan3A_58 : i32 to index
      %get3A_379 = arith.constant 304 : index
      %get3A_380 = tpu.vector_load %arg17[%get3A_378, %get3A_379] {strides = array<i32>} : memref<32x768xf32, #tpu.memory_space<vmem>>, vector<1x16xf32>,
      %get3A_381 = vector.shape_cast %get3A_380 : vector<1x16xf32> to vector<16xf32>
      %mul3A_382 = arith.mulf %get3A_69, %get3A_381 : vector<16xf32>
      %add3A_383 = arith.addf %mul3A_377, %mul3A_382 : vector<16xf32>
      %swap3A_384 = arith.index_cast %scan3A_58 : i32 to index
      %swap3A_385 = arith.constant 304 : index
      %swap3A_386 = tpu.vector_load %arg16[%swap3A_384, %swap3A_385] {strides = array<i32>} : memref<32x768xf32, #tpu.memory_space<vmem>>, vector<1x16xf32>,
      %swap3A_387 = vector.shape_cast %swap3A_386 : vector<1x16xf32> to vector<16xf32>
      %swap3A_388 = vector.shape_cast %add3A_383 : vector<16xf32> to vector<1x16xf32>
      tpu.vector_store %arg16[%swap3A_384, %swap3A_385], %swap3A_388 {strides = array<i32>} : memref<32x768xf32, #tpu.memory_space<vmem>>, vector<1x16xf32>,
      %get3A_389 = arith.index_cast %scan3A_58 : i32 to index
      %get3A_390 = arith.constant 320 : index
      %get3A_391 = tpu.vector_load %arg16[%get3A_389, %get3A_390] {strides = array<i32>} : memref<32x768xf32, #tpu.memory_space<vmem>>, vector<1x16xf32>,
      %get3A_392 = vector.shape_cast %get3A_391 : vector<1x16xf32> to vector<16xf32>
      %mul3A_393 = arith.mulf %get3A_63, %get3A_392 : vector<16xf32>
      %get3A_394 = arith.index_cast %scan3A_58 : i32 to index
      %get3A_395 = arith.constant 320 : index
      %get3A_396 = tpu.vector_load %arg17[%get3A_394, %get3A_395] {strides = array<i32>} : memref<32x768xf32, #tpu.memory_space<vmem>>, vector<1x16xf32>,
      %get3A_397 = vector.shape_cast %get3A_396 : vector<1x16xf32> to vector<16xf32>
      %mul3A_398 = arith.mulf %get3A_69, %get3A_397 : vector<16xf32>
      %add3A_399 = arith.addf %mul3A_393, %mul3A_398 : vector<16xf32>
      %swap3A_400 = arith.index_cast %scan3A_58 : i32 to index
      %swap3A_401 = arith.constant 320 : index
      %swap3A_402 = tpu.vector_load %arg16[%swap3A_400, %swap3A_401] {strides = array<i32>} : memref<32x768xf32, #tpu.memory_space<vmem>>, vector<1x16xf32>,
      %swap3A_403 = vector.shape_cast %swap3A_402 : vector<1x16xf32> to vector<16xf32>
      %swap3A_404 = vector.shape_cast %add3A_399 : vector<16xf32> to vector<1x16xf32>
      tpu.vector_store %arg16[%swap3A_400, %swap3A_401], %swap3A_404 {strides = array<i32>} : memref<32x768xf32, #tpu.memory_space<vmem>>, vector<1x16xf32>,
      %get3A_405 = arith.index_cast %scan3A_58 : i32 to index
      %get3A_406 = arith.constant 336 : index
      %get3A_407 = tpu.vector_load %arg16[%get3A_405, %get3A_406] {strides = array<i32>} : memref<32x768xf32, #tpu.memory_space<vmem>>, vector<1x16xf32>,
      %get3A_408 = vector.shape_cast %get3A_407 : vector<1x16xf32> to vector<16xf32>
      %mul3A_409 = arith.mulf %get3A_63, %get3A_408 : vector<16xf32>
      %get3A_410 = arith.index_cast %scan3A_58 : i32 to index
      %get3A_411 = arith.constant 336 : index
      %get3A_412 = tpu.vector_load %arg17[%get3A_410, %get3A_411] {strides = array<i32>} : memref<32x768xf32, #tpu.memory_space<vmem>>, vector<1x16xf32>,
      %get3A_413 = vector.shape_cast %get3A_412 : vector<1x16xf32> to vector<16xf32>
      %mul3A_414 = arith.mulf %get3A_69, %get3A_413 : vector<16xf32>
      %add3A_415 = arith.addf %mul3A_409, %mul3A_414 : vector<16xf32>
      %swap3A_416 = arith.index_cast %scan3A_58 : i32 to index
      %swap3A_417 = arith.constant 336 : index
      %swap3A_418 = tpu.vector_load %arg16[%swap3A_416, %swap3A_417] {strides = array<i32>} : memref<32x768xf32, #tpu.memory_space<vmem>>, vector<1x16xf32>,
      %swap3A_419 = vector.shape_cast %swap3A_418 : vector<1x16xf32> to vector<16xf32>
      %swap3A_420 = vector.shape_cast %add3A_415 : vector<16xf32> to vector<1x16xf32>
      tpu.vector_store %arg16[%swap3A_416, %swap3A_417], %swap3A_420 {strides = array<i32>} : memref<32x768xf32, #tpu.memory_space<vmem>>, vector<1x16xf32>,
      %get3A_421 = arith.index_cast %scan3A_58 : i32 to index
      %get3A_422 = arith.constant 352 : index
      %get3A_423 = tpu.vector_load %arg16[%get3A_421, %get3A_422] {strides = array<i32>} : memref<32x768xf32, #tpu.memory_space<vmem>>, vector<1x16xf32>,
      %get3A_424 = vector.shape_cast %get3A_423 : vector<1x16xf32> to vector<16xf32>
      %mul3A_425 = arith.mulf %get3A_63, %get3A_424 : vector<16xf32>
      %get3A_426 = arith.index_cast %scan3A_58 : i32 to index
      %get3A_427 = arith.constant 352 : index
      %get3A_428 = tpu.vector_load %arg17[%get3A_426, %get3A_427] {strides = array<i32>} : memref<32x768xf32, #tpu.memory_space<vmem>>, vector<1x16xf32>,
      %get3A_429 = vector.shape_cast %get3A_428 : vector<1x16xf32> to vector<16xf32>
      %mul3A_430 = arith.mulf %get3A_69, %get3A_429 : vector<16xf32>
      %add3A_431 = arith.addf %mul3A_425, %mul3A_430 : vector<16xf32>
      %swap3A_432 = arith.index_cast %scan3A_58 : i32 to index
      %swap3A_433 = arith.constant 352 : index
      %swap3A_434 = tpu.vector_load %arg16[%swap3A_432, %swap3A_433] {strides = array<i32>} : memref<32x768xf32, #tpu.memory_space<vmem>>, vector<1x16xf32>,
      %swap3A_435 = vector.shape_cast %swap3A_434 : vector<1x16xf32> to vector<16xf32>
      %swap3A_436 = vector.shape_cast %add3A_431 : vector<16xf32> to vector<1x16xf32>
      tpu.vector_store %arg16[%swap3A_432, %swap3A_433], %swap3A_436 {strides = array<i32>} : memref<32x768xf32, #tpu.memory_space<vmem>>, vector<1x16xf32>,
      %get3A_437 = arith.index_cast %scan3A_58 : i32 to index
      %get3A_438 = arith.constant 368 : index
      %get3A_439 = tpu.vector_load %arg16[%get3A_437, %get3A_438] {strides = array<i32>} : memref<32x768xf32, #tpu.memory_space<vmem>>, vector<1x16xf32>,
      %get3A_440 = vector.shape_cast %get3A_439 : vector<1x16xf32> to vector<16xf32>
      %mul3A_441 = arith.mulf %get3A_63, %get3A_440 : vector<16xf32>
      %get3A_442 = arith.index_cast %scan3A_58 : i32 to index
      %get3A_443 = arith.constant 368 : index
      %get3A_444 = tpu.vector_load %arg17[%get3A_442, %get3A_443] {strides = array<i32>} : memref<32x768xf32, #tpu.memory_space<vmem>>, vector<1x16xf32>,
      %get3A_445 = vector.shape_cast %get3A_444 : vector<1x16xf32> to vector<16xf32>
      %mul3A_446 = arith.mulf %get3A_69, %get3A_445 : vector<16xf32>
      %add3A_447 = arith.addf %mul3A_441, %mul3A_446 : vector<16xf32>
      %swap3A_448 = arith.index_cast %scan3A_58 : i32 to index
      %swap3A_449 = arith.constant 368 : index
      %swap3A_450 = tpu.vector_load %arg16[%swap3A_448, %swap3A_449] {strides = array<i32>} : memref<32x768xf32, #tpu.memory_space<vmem>>, vector<1x16xf32>,
      %swap3A_451 = vector.shape_cast %swap3A_450 : vector<1x16xf32> to vector<16xf32>
      %swap3A_452 = vector.shape_cast %add3A_447 : vector<16xf32> to vector<1x16xf32>
      tpu.vector_store %arg16[%swap3A_448, %swap3A_449], %swap3A_452 {strides = array<i32>} : memref<32x768xf32, #tpu.memory_space<vmem>>, vector<1x16xf32>,
      %get3A_453 = arith.index_cast %scan3A_58 : i32 to index
      %get3A_454 = arith.constant 384 : index
      %get3A_455 = tpu.vector_load %arg16[%get3A_453, %get3A_454] {strides = array<i32>} : memref<32x768xf32, #tpu.memory_space<vmem>>, vector<1x16xf32>,
      %get3A_456 = vector.shape_cast %get3A_455 : vector<1x16xf32> to vector<16xf32>
      %mul3A_457 = arith.mulf %get3A_63, %get3A_456 : vector<16xf32>
      %get3A_458 = arith.index_cast %scan3A_58 : i32 to index
      %get3A_459 = arith.constant 384 : index
      %get3A_460 = tpu.vector_load %arg17[%get3A_458, %get3A_459] {strides = array<i32>} : memref<32x768xf32, #tpu.memory_space<vmem>>, vector<1x16xf32>,
      %get3A_461 = vector.shape_cast %get3A_460 : vector<1x16xf32> to vector<16xf32>
      %mul3A_462 = arith.mulf %get3A_69, %get3A_461 : vector<16xf32>
      %add3A_463 = arith.addf %mul3A_457, %mul3A_462 : vector<16xf32>
      %swap3A_464 = arith.index_cast %scan3A_58 : i32 to index
      %swap3A_465 = arith.constant 384 : index
      %swap3A_466 = tpu.vector_load %arg16[%swap3A_464, %swap3A_465] {strides = array<i32>} : memref<32x768xf32, #tpu.memory_space<vmem>>, vector<1x16xf32>,
      %swap3A_467 = vector.shape_cast %swap3A_466 : vector<1x16xf32> to vector<16xf32>
      %swap3A_468 = vector.shape_cast %add3A_463 : vector<16xf32> to vector<1x16xf32>
      tpu.vector_store %arg16[%swap3A_464, %swap3A_465], %swap3A_468 {strides = array<i32>} : memref<32x768xf32, #tpu.memory_space<vmem>>, vector<1x16xf32>,
      %get3A_469 = arith.index_cast %scan3A_58 : i32 to index
      %get3A_470 = arith.constant 400 : index
      %get3A_471 = tpu.vector_load %arg16[%get3A_469, %get3A_470] {strides = array<i32>} : memref<32x768xf32, #tpu.memory_space<vmem>>, vector<1x16xf32>,
      %get3A_472 = vector.shape_cast %get3A_471 : vector<1x16xf32> to vector<16xf32>
      %mul3A_473 = arith.mulf %get3A_63, %get3A_472 : vector<16xf32>
      %get3A_474 = arith.index_cast %scan3A_58 : i32 to index
      %get3A_475 = arith.constant 400 : index
      %get3A_476 = tpu.vector_load %arg17[%get3A_474, %get3A_475] {strides = array<i32>} : memref<32x768xf32, #tpu.memory_space<vmem>>, vector<1x16xf32>,
      %get3A_477 = vector.shape_cast %get3A_476 : vector<1x16xf32> to vector<16xf32>
      %mul3A_478 = arith.mulf %get3A_69, %get3A_477 : vector<16xf32>
      %add3A_479 = arith.addf %mul3A_473, %mul3A_478 : vector<16xf32>
      %swap3A_480 = arith.index_cast %scan3A_58 : i32 to index
      %swap3A_481 = arith.constant 400 : index
      %swap3A_482 = tpu.vector_load %arg16[%swap3A_480, %swap3A_481] {strides = array<i32>} : memref<32x768xf32, #tpu.memory_space<vmem>>, vector<1x16xf32>,
      %swap3A_483 = vector.shape_cast %swap3A_482 : vector<1x16xf32> to vector<16xf32>
      %swap3A_484 = vector.shape_cast %add3A_479 : vector<16xf32> to vector<1x16xf32>
      tpu.vector_store %arg16[%swap3A_480, %swap3A_481], %swap3A_484 {strides = array<i32>} : memref<32x768xf32, #tpu.memory_space<vmem>>, vector<1x16xf32>,
      %get3A_485 = arith.index_cast %scan3A_58 : i32 to index
      %get3A_486 = arith.constant 416 : index
      %get3A_487 = tpu.vector_load %arg16[%get3A_485, %get3A_486] {strides = array<i32>} : memref<32x768xf32, #tpu.memory_space<vmem>>, vector<1x16xf32>,
      %get3A_488 = vector.shape_cast %get3A_487 : vector<1x16xf32> to vector<16xf32>
      %mul3A_489 = arith.mulf %get3A_63, %get3A_488 : vector<16xf32>
      %get3A_490 = arith.index_cast %scan3A_58 : i32 to index
      %get3A_491 = arith.constant 416 : index
      %get3A_492 = tpu.vector_load %arg17[%get3A_490, %get3A_491] {strides = array<i32>} : memref<32x768xf32, #tpu.memory_space<vmem>>, vector<1x16xf32>,
      %get3A_493 = vector.shape_cast %get3A_492 : vector<1x16xf32> to vector<16xf32>
      %mul3A_494 = arith.mulf %get3A_69, %get3A_493 : vector<16xf32>
      %add3A_495 = arith.addf %mul3A_489, %mul3A_494 : vector<16xf32>
      %swap3A_496 = arith.index_cast %scan3A_58 : i32 to index
      %swap3A_497 = arith.constant 416 : index
      %swap3A_498 = tpu.vector_load %arg16[%swap3A_496, %swap3A_497] {strides = array<i32>} : memref<32x768xf32, #tpu.memory_space<vmem>>, vector<1x16xf32>,
      %swap3A_499 = vector.shape_cast %swap3A_498 : vector<1x16xf32> to vector<16xf32>
      %swap3A_500 = vector.shape_cast %add3A_495 : vector<16xf32> to vector<1x16xf32>
      tpu.vector_store %arg16[%swap3A_496, %swap3A_497], %swap3A_500 {strides = array<i32>} : memref<32x768xf32, #tpu.memory_space<vmem>>, vector<1x16xf32>,
      %get3A_501 = arith.index_cast %scan3A_58 : i32 to index
      %get3A_502 = arith.constant 432 : index
      %get3A_503 = tpu.vector_load %arg16[%get3A_501, %get3A_502] {strides = array<i32>} : memref<32x768xf32, #tpu.memory_space<vmem>>, vector<1x16xf32>,
      %get3A_504 = vector.shape_cast %get3A_503 : vector<1x16xf32> to vector<16xf32>
      %mul3A_505 = arith.mulf %get3A_63, %get3A_504 : vector<16xf32>
      %get3A_506 = arith.index_cast %scan3A_58 : i32 to index
      %get3A_507 = arith.constant 432 : index
      %get3A_508 = tpu.vector_load %arg17[%get3A_506, %get3A_507] {strides = array<i32>} : memref<32x768xf32, #tpu.memory_space<vmem>>, vector<1x16xf32>,
      %get3A_509 = vector.shape_cast %get3A_508 : vector<1x16xf32> to vector<16xf32>
      %mul3A_510 = arith.mulf %get3A_69, %get3A_509 : vector<16xf32>
      %add3A_511 = arith.addf %mul3A_505, %mul3A_510 : vector<16xf32>
      %swap3A_512 = arith.index_cast %scan3A_58 : i32 to index
      %swap3A_513 = arith.constant 432 : index
      %swap3A_514 = tpu.vector_load %arg16[%swap3A_512, %swap3A_513] {strides = array<i32>} : memref<32x768xf32, #tpu.memory_space<vmem>>, vector<1x16xf32>,
      %swap3A_515 = vector.shape_cast %swap3A_514 : vector<1x16xf32> to vector<16xf32>
      %swap3A_516 = vector.shape_cast %add3A_511 : vector<16xf32> to vector<1x16xf32>
      tpu.vector_store %arg16[%swap3A_512, %swap3A_513], %swap3A_516 {strides = array<i32>} : memref<32x768xf32, #tpu.memory_space<vmem>>, vector<1x16xf32>,
      %get3A_517 = arith.index_cast %scan3A_58 : i32 to index
      %get3A_518 = arith.constant 448 : index
      %get3A_519 = tpu.vector_load %arg16[%get3A_517, %get3A_518] {strides = array<i32>} : memref<32x768xf32, #tpu.memory_space<vmem>>, vector<1x16xf32>,
      %get3A_520 = vector.shape_cast %get3A_519 : vector<1x16xf32> to vector<16xf32>
      %mul3A_521 = arith.mulf %get3A_63, %get3A_520 : vector<16xf32>
      %get3A_522 = arith.index_cast %scan3A_58 : i32 to index
      %get3A_523 = arith.constant 448 : index
      %get3A_524 = tpu.vector_load %arg17[%get3A_522, %get3A_523] {strides = array<i32>} : memref<32x768xf32, #tpu.memory_space<vmem>>, vector<1x16xf32>,
      %get3A_525 = vector.shape_cast %get3A_524 : vector<1x16xf32> to vector<16xf32>
      %mul3A_526 = arith.mulf %get3A_69, %get3A_525 : vector<16xf32>
      %add3A_527 = arith.addf %mul3A_521, %mul3A_526 : vector<16xf32>
      %swap3A_528 = arith.index_cast %scan3A_58 : i32 to index
      %swap3A_529 = arith.constant 448 : index
      %swap3A_530 = tpu.vector_load %arg16[%swap3A_528, %swap3A_529] {strides = array<i32>} : memref<32x768xf32, #tpu.memory_space<vmem>>, vector<1x16xf32>,
      %swap3A_531 = vector.shape_cast %swap3A_530 : vector<1x16xf32> to vector<16xf32>
      %swap3A_532 = vector.shape_cast %add3A_527 : vector<16xf32> to vector<1x16xf32>
      tpu.vector_store %arg16[%swap3A_528, %swap3A_529], %swap3A_532 {strides = array<i32>} : memref<32x768xf32, #tpu.memory_space<vmem>>, vector<1x16xf32>,
      %get3A_533 = arith.index_cast %scan3A_58 : i32 to index
      %get3A_534 = arith.constant 464 : index
      %get3A_535 = tpu.vector_load %arg16[%get3A_533, %get3A_534] {strides = array<i32>} : memref<32x768xf32, #tpu.memory_space<vmem>>, vector<1x16xf32>,
      %get3A_536 = vector.shape_cast %get3A_535 : vector<1x16xf32> to vector<16xf32>
      %mul3A_537 = arith.mulf %get3A_63, %get3A_536 : vector<16xf32>
      %get3A_538 = arith.index_cast %scan3A_58 : i32 to index
      %get3A_539 = arith.constant 464 : index
      %get3A_540 = tpu.vector_load %arg17[%get3A_538, %get3A_539] {strides = array<i32>} : memref<32x768xf32, #tpu.memory_space<vmem>>, vector<1x16xf32>,
      %get3A_541 = vector.shape_cast %get3A_540 : vector<1x16xf32> to vector<16xf32>
      %mul3A_542 = arith.mulf %get3A_69, %get3A_541 : vector<16xf32>
      %add3A_543 = arith.addf %mul3A_537, %mul3A_542 : vector<16xf32>
      %swap3A_544 = arith.index_cast %scan3A_58 : i32 to index
      %swap3A_545 = arith.constant 464 : index
      %swap3A_546 = tpu.vector_load %arg16[%swap3A_544, %swap3A_545] {strides = array<i32>} : memref<32x768xf32, #tpu.memory_space<vmem>>, vector<1x16xf32>,
      %swap3A_547 = vector.shape_cast %swap3A_546 : vector<1x16xf32> to vector<16xf32>
      %swap3A_548 = vector.shape_cast %add3A_543 : vector<16xf32> to vector<1x16xf32>
      tpu.vector_store %arg16[%swap3A_544, %swap3A_545], %swap3A_548 {strides = array<i32>} : memref<32x768xf32, #tpu.memory_space<vmem>>, vector<1x16xf32>,
      %get3A_549 = arith.index_cast %scan3A_58 : i32 to index
      %get3A_550 = arith.constant 480 : index
      %get3A_551 = tpu.vector_load %arg16[%get3A_549, %get3A_550] {strides = array<i32>} : memref<32x768xf32, #tpu.memory_space<vmem>>, vector<1x16xf32>,
      %get3A_552 = vector.shape_cast %get3A_551 : vector<1x16xf32> to vector<16xf32>
      %mul3A_553 = arith.mulf %get3A_63, %get3A_552 : vector<16xf32>
      %get3A_554 = arith.index_cast %scan3A_58 : i32 to index
      %get3A_555 = arith.constant 480 : index
      %get3A_556 = tpu.vector_load %arg17[%get3A_554, %get3A_555] {strides = array<i32>} : memref<32x768xf32, #tpu.memory_space<vmem>>, vector<1x16xf32>,
      %get3A_557 = vector.shape_cast %get3A_556 : vector<1x16xf32> to vector<16xf32>
      %mul3A_558 = arith.mulf %get3A_69, %get3A_557 : vector<16xf32>
      %add3A_559 = arith.addf %mul3A_553, %mul3A_558 : vector<16xf32>
      %swap3A_560 = arith.index_cast %scan3A_58 : i32 to index
      %swap3A_561 = arith.constant 480 : index
      %swap3A_562 = tpu.vector_load %arg16[%swap3A_560, %swap3A_561] {strides = array<i32>} : memref<32x768xf32, #tpu.memory_space<vmem>>, vector<1x16xf32>,
      %swap3A_563 = vector.shape_cast %swap3A_562 : vector<1x16xf32> to vector<16xf32>
      %swap3A_564 = vector.shape_cast %add3A_559 : vector<16xf32> to vector<1x16xf32>
      tpu.vector_store %arg16[%swap3A_560, %swap3A_561], %swap3A_564 {strides = array<i32>} : memref<32x768xf32, #tpu.memory_space<vmem>>, vector<1x16xf32>,
      %get3A_565 = arith.index_cast %scan3A_58 : i32 to index
      %get3A_566 = arith.constant 496 : index
      %get3A_567 = tpu.vector_load %arg16[%get3A_565, %get3A_566] {strides = array<i32>} : memref<32x768xf32, #tpu.memory_space<vmem>>, vector<1x16xf32>,
      %get3A_568 = vector.shape_cast %get3A_567 : vector<1x16xf32> to vector<16xf32>
      %mul3A_569 = arith.mulf %get3A_63, %get3A_568 : vector<16xf32>
      %get3A_570 = arith.index_cast %scan3A_58 : i32 to index
      %get3A_571 = arith.constant 496 : index
      %get3A_572 = tpu.vector_load %arg17[%get3A_570, %get3A_571] {strides = array<i32>} : memref<32x768xf32, #tpu.memory_space<vmem>>, vector<1x16xf32>,
      %get3A_573 = vector.shape_cast %get3A_572 : vector<1x16xf32> to vector<16xf32>
      %mul3A_574 = arith.mulf %get3A_69, %get3A_573 : vector<16xf32>
      %add3A_575 = arith.addf %mul3A_569, %mul3A_574 : vector<16xf32>
      %swap3A_576 = arith.index_cast %scan3A_58 : i32 to index
      %swap3A_577 = arith.constant 496 : index
      %swap3A_578 = tpu.vector_load %arg16[%swap3A_576, %swap3A_577] {strides = array<i32>} : memref<32x768xf32, #tpu.memory_space<vmem>>, vector<1x16xf32>,
      %swap3A_579 = vector.shape_cast %swap3A_578 : vector<1x16xf32> to vector<16xf32>
      %swap3A_580 = vector.shape_cast %add3A_575 : vector<16xf32> to vector<1x16xf32>
      tpu.vector_store %arg16[%swap3A_576, %swap3A_577], %swap3A_580 {strides = array<i32>} : memref<32x768xf32, #tpu.memory_space<vmem>>, vector<1x16xf32>,
      %get3A_581 = arith.index_cast %scan3A_58 : i32 to index
      %get3A_582 = arith.constant 512 : index
      %get3A_583 = tpu.vector_load %arg16[%get3A_581, %get3A_582] {strides = array<i32>} : memref<32x768xf32, #tpu.memory_space<vmem>>, vector<1x16xf32>,
      %get3A_584 = vector.shape_cast %get3A_583 : vector<1x16xf32> to vector<16xf32>
      %mul3A_585 = arith.mulf %get3A_63, %get3A_584 : vector<16xf32>
      %get3A_586 = arith.index_cast %scan3A_58 : i32 to index
      %get3A_587 = arith.constant 512 : index
      %get3A_588 = tpu.vector_load %arg17[%get3A_586, %get3A_587] {strides = array<i32>} : memref<32x768xf32, #tpu.memory_space<vmem>>, vector<1x16xf32>,
      %get3A_589 = vector.shape_cast %get3A_588 : vector<1x16xf32> to vector<16xf32>
      %mul3A_590 = arith.mulf %get3A_69, %get3A_589 : vector<16xf32>
      %add3A_591 = arith.addf %mul3A_585, %mul3A_590 : vector<16xf32>
      %swap3A_592 = arith.index_cast %scan3A_58 : i32 to index
      %swap3A_593 = arith.constant 512 : index
      %swap3A_594 = tpu.vector_load %arg16[%swap3A_592, %swap3A_593] {strides = array<i32>} : memref<32x768xf32, #tpu.memory_space<vmem>>, vector<1x16xf32>,
      %swap3A_595 = vector.shape_cast %swap3A_594 : vector<1x16xf32> to vector<16xf32>
      %swap3A_596 = vector.shape_cast %add3A_591 : vector<16xf32> to vector<1x16xf32>
      tpu.vector_store %arg16[%swap3A_592, %swap3A_593], %swap3A_596 {strides = array<i32>} : memref<32x768xf32, #tpu.memory_space<vmem>>, vector<1x16xf32>,
      %get3A_597 = arith.index_cast %scan3A_58 : i32 to index
      %get3A_598 = arith.constant 528 : index
      %get3A_599 = tpu.vector_load %arg16[%get3A_597, %get3A_598] {strides = array<i32>} : memref<32x768xf32, #tpu.memory_space<vmem>>, vector<1x16xf32>,
      %get3A_600 = vector.shape_cast %get3A_599 : vector<1x16xf32> to vector<16xf32>
      %mul3A_601 = arith.mulf %get3A_63, %get3A_600 : vector<16xf32>
      %get3A_602 = arith.index_cast %scan3A_58 : i32 to index
      %get3A_603 = arith.constant 528 : index
      %get3A_604 = tpu.vector_load %arg17[%get3A_602, %get3A_603] {strides = array<i32>} : memref<32x768xf32, #tpu.memory_space<vmem>>, vector<1x16xf32>,
      %get3A_605 = vector.shape_cast %get3A_604 : vector<1x16xf32> to vector<16xf32>
      %mul3A_606 = arith.mulf %get3A_69, %get3A_605 : vector<16xf32>
      %add3A_607 = arith.addf %mul3A_601, %mul3A_606 : vector<16xf32>
      %swap3A_608 = arith.index_cast %scan3A_58 : i32 to index
      %swap3A_609 = arith.constant 528 : index
      %swap3A_610 = tpu.vector_load %arg16[%swap3A_608, %swap3A_609] {strides = array<i32>} : memref<32x768xf32, #tpu.memory_space<vmem>>, vector<1x16xf32>,
      %swap3A_611 = vector.shape_cast %swap3A_610 : vector<1x16xf32> to vector<16xf32>
      %swap3A_612 = vector.shape_cast %add3A_607 : vector<16xf32> to vector<1x16xf32>
      tpu.vector_store %arg16[%swap3A_608, %swap3A_609], %swap3A_612 {strides = array<i32>} : memref<32x768xf32, #tpu.memory_space<vmem>>, vector<1x16xf32>,
      %get3A_613 = arith.index_cast %scan3A_58 : i32 to index
      %get3A_614 = arith.constant 544 : index
      %get3A_615 = tpu.vector_load %arg16[%get3A_613, %get3A_614] {strides = array<i32>} : memref<32x768xf32, #tpu.memory_space<vmem>>, vector<1x16xf32>,
      %get3A_616 = vector.shape_cast %get3A_615 : vector<1x16xf32> to vector<16xf32>
      %mul3A_617 = arith.mulf %get3A_63, %get3A_616 : vector<16xf32>
      %get3A_618 = arith.index_cast %scan3A_58 : i32 to index
      %get3A_619 = arith.constant 544 : index
      %get3A_620 = tpu.vector_load %arg17[%get3A_618, %get3A_619] {strides = array<i32>} : memref<32x768xf32, #tpu.memory_space<vmem>>, vector<1x16xf32>,
      %get3A_621 = vector.shape_cast %get3A_620 : vector<1x16xf32> to vector<16xf32>
      %mul3A_622 = arith.mulf %get3A_69, %get3A_621 : vector<16xf32>
      %add3A_623 = arith.addf %mul3A_617, %mul3A_622 : vector<16xf32>
      %swap3A_624 = arith.index_cast %scan3A_58 : i32 to index
      %swap3A_625 = arith.constant 544 : index
      %swap3A_626 = tpu.vector_load %arg16[%swap3A_624, %swap3A_625] {strides = array<i32>} : memref<32x768xf32, #tpu.memory_space<vmem>>, vector<1x16xf32>,
      %swap3A_627 = vector.shape_cast %swap3A_626 : vector<1x16xf32> to vector<16xf32>
      %swap3A_628 = vector.shape_cast %add3A_623 : vector<16xf32> to vector<1x16xf32>
      tpu.vector_store %arg16[%swap3A_624, %swap3A_625], %swap3A_628 {strides = array<i32>} : memref<32x768xf32, #tpu.memory_space<vmem>>, vector<1x16xf32>,
      %get3A_629 = arith.index_cast %scan3A_58 : i32 to index
      %get3A_630 = arith.constant 560 : index
      %get3A_631 = tpu.vector_load %arg16[%get3A_629, %get3A_630] {strides = array<i32>} : memref<32x768xf32, #tpu.memory_space<vmem>>, vector<1x16xf32>,
      %get3A_632 = vector.shape_cast %get3A_631 : vector<1x16xf32> to vector<16xf32>
      %mul3A_633 = arith.mulf %get3A_63, %get3A_632 : vector<16xf32>
      %get3A_634 = arith.index_cast %scan3A_58 : i32 to index
      %get3A_635 = arith.constant 560 : index
      %get3A_636 = tpu.vector_load %arg17[%get3A_634, %get3A_635] {strides = array<i32>} : memref<32x768xf32, #tpu.memory_space<vmem>>, vector<1x16xf32>,
      %get3A_637 = vector.shape_cast %get3A_636 : vector<1x16xf32> to vector<16xf32>
      %mul3A_638 = arith.mulf %get3A_69, %get3A_637 : vector<16xf32>
      %add3A_639 = arith.addf %mul3A_633, %mul3A_638 : vector<16xf32>
      %swap3A_640 = arith.index_cast %scan3A_58 : i32 to index
      %swap3A_641 = arith.constant 560 : index
      %swap3A_642 = tpu.vector_load %arg16[%swap3A_640, %swap3A_641] {strides = array<i32>} : memref<32x768xf32, #tpu.memory_space<vmem>>, vector<1x16xf32>,
      %swap3A_643 = vector.shape_cast %swap3A_642 : vector<1x16xf32> to vector<16xf32>
      %swap3A_644 = vector.shape_cast %add3A_639 : vector<16xf32> to vector<1x16xf32>
      tpu.vector_store %arg16[%swap3A_640, %swap3A_641], %swap3A_644 {strides = array<i32>} : memref<32x768xf32, #tpu.memory_space<vmem>>, vector<1x16xf32>,
      %get3A_645 = arith.index_cast %scan3A_58 : i32 to index
      %get3A_646 = arith.constant 576 : index
      %get3A_647 = tpu.vector_load %arg16[%get3A_645, %get3A_646] {strides = array<i32>} : memref<32x768xf32, #tpu.memory_space<vmem>>, vector<1x16xf32>,
      %get3A_648 = vector.shape_cast %get3A_647 : vector<1x16xf32> to vector<16xf32>
      %mul3A_649 = arith.mulf %get3A_63, %get3A_648 : vector<16xf32>
      %get3A_650 = arith.index_cast %scan3A_58 : i32 to index
      %get3A_651 = arith.constant 576 : index
      %get3A_652 = tpu.vector_load %arg17[%get3A_650, %get3A_651] {strides = array<i32>} : memref<32x768xf32, #tpu.memory_space<vmem>>, vector<1x16xf32>,
      %get3A_653 = vector.shape_cast %get3A_652 : vector<1x16xf32> to vector<16xf32>
      %mul3A_654 = arith.mulf %get3A_69, %get3A_653 : vector<16xf32>
      %add3A_655 = arith.addf %mul3A_649, %mul3A_654 : vector<16xf32>
      %swap3A_656 = arith.index_cast %scan3A_58 : i32 to index
      %swap3A_657 = arith.constant 576 : index
      %swap3A_658 = tpu.vector_load %arg16[%swap3A_656, %swap3A_657] {strides = array<i32>} : memref<32x768xf32, #tpu.memory_space<vmem>>, vector<1x16xf32>,
      %swap3A_659 = vector.shape_cast %swap3A_658 : vector<1x16xf32> to vector<16xf32>
      %swap3A_660 = vector.shape_cast %add3A_655 : vector<16xf32> to vector<1x16xf32>
      tpu.vector_store %arg16[%swap3A_656, %swap3A_657], %swap3A_660 {strides = array<i32>} : memref<32x768xf32, #tpu.memory_space<vmem>>, vector<1x16xf32>,
      %get3A_661 = arith.index_cast %scan3A_58 : i32 to index
      %get3A_662 = arith.constant 592 : index
      %get3A_663 = tpu.vector_load %arg16[%get3A_661, %get3A_662] {strides = array<i32>} : memref<32x768xf32, #tpu.memory_space<vmem>>, vector<1x16xf32>,
      %get3A_664 = vector.shape_cast %get3A_663 : vector<1x16xf32> to vector<16xf32>
      %mul3A_665 = arith.mulf %get3A_63, %get3A_664 : vector<16xf32>
      %get3A_666 = arith.index_cast %scan3A_58 : i32 to index
      %get3A_667 = arith.constant 592 : index
      %get3A_668 = tpu.vector_load %arg17[%get3A_666, %get3A_667] {strides = array<i32>} : memref<32x768xf32, #tpu.memory_space<vmem>>, vector<1x16xf32>,
      %get3A_669 = vector.shape_cast %get3A_668 : vector<1x16xf32> to vector<16xf32>
      %mul3A_670 = arith.mulf %get3A_69, %get3A_669 : vector<16xf32>
      %add3A_671 = arith.addf %mul3A_665, %mul3A_670 : vector<16xf32>
      %swap3A_672 = arith.index_cast %scan3A_58 : i32 to index
      %swap3A_673 = arith.constant 592 : index
      %swap3A_674 = tpu.vector_load %arg16[%swap3A_672, %swap3A_673] {strides = array<i32>} : memref<32x768xf32, #tpu.memory_space<vmem>>, vector<1x16xf32>,
      %swap3A_675 = vector.shape_cast %swap3A_674 : vector<1x16xf32> to vector<16xf32>
      %swap3A_676 = vector.shape_cast %add3A_671 : vector<16xf32> to vector<1x16xf32>
      tpu.vector_store %arg16[%swap3A_672, %swap3A_673], %swap3A_676 {strides = array<i32>} : memref<32x768xf32, #tpu.memory_space<vmem>>, vector<1x16xf32>,
      %get3A_677 = arith.index_cast %scan3A_58 : i32 to index
      %get3A_678 = arith.constant 608 : index
      %get3A_679 = tpu.vector_load %arg16[%get3A_677, %get3A_678] {strides = array<i32>} : memref<32x768xf32, #tpu.memory_space<vmem>>, vector<1x16xf32>,
      %get3A_680 = vector.shape_cast %get3A_679 : vector<1x16xf32> to vector<16xf32>
      %mul3A_681 = arith.mulf %get3A_63, %get3A_680 : vector<16xf32>
      %get3A_682 = arith.index_cast %scan3A_58 : i32 to index
      %get3A_683 = arith.constant 608 : index
      %get3A_684 = tpu.vector_load %arg17[%get3A_682, %get3A_683] {strides = array<i32>} : memref<32x768xf32, #tpu.memory_space<vmem>>, vector<1x16xf32>,
      %get3A_685 = vector.shape_cast %get3A_684 : vector<1x16xf32> to vector<16xf32>
      %mul3A_686 = arith.mulf %get3A_69, %get3A_685 : vector<16xf32>
      %add3A_687 = arith.addf %mul3A_681, %mul3A_686 : vector<16xf32>
      %swap3A_688 = arith.index_cast %scan3A_58 : i32 to index
      %swap3A_689 = arith.constant 608 : index
      %swap3A_690 = tpu.vector_load %arg16[%swap3A_688, %swap3A_689] {strides = array<i32>} : memref<32x768xf32, #tpu.memory_space<vmem>>, vector<1x16xf32>,
      %swap3A_691 = vector.shape_cast %swap3A_690 : vector<1x16xf32> to vector<16xf32>
      %swap3A_692 = vector.shape_cast %add3A_687 : vector<16xf32> to vector<1x16xf32>
      tpu.vector_store %arg16[%swap3A_688, %swap3A_689], %swap3A_692 {strides = array<i32>} : memref<32x768xf32, #tpu.memory_space<vmem>>, vector<1x16xf32>,
      %get3A_693 = arith.index_cast %scan3A_58 : i32 to index
      %get3A_694 = arith.constant 624 : index
      %get3A_695 = tpu.vector_load %arg16[%get3A_693, %get3A_694] {strides = array<i32>} : memref<32x768xf32, #tpu.memory_space<vmem>>, vector<1x16xf32>,
      %get3A_696 = vector.shape_cast %get3A_695 : vector<1x16xf32> to vector<16xf32>
      %mul3A_697 = arith.mulf %get3A_63, %get3A_696 : vector<16xf32>
      %get3A_698 = arith.index_cast %scan3A_58 : i32 to index
      %get3A_699 = arith.constant 624 : index
      %get3A_700 = tpu.vector_load %arg17[%get3A_698, %get3A_699] {strides = array<i32>} : memref<32x768xf32, #tpu.memory_space<vmem>>, vector<1x16xf32>,
      %get3A_701 = vector.shape_cast %get3A_700 : vector<1x16xf32> to vector<16xf32>
      %mul3A_702 = arith.mulf %get3A_69, %get3A_701 : vector<16xf32>
      %add3A_703 = arith.addf %mul3A_697, %mul3A_702 : vector<16xf32>
      %swap3A_704 = arith.index_cast %scan3A_58 : i32 to index
      %swap3A_705 = arith.constant 624 : index
      %swap3A_706 = tpu.vector_load %arg16[%swap3A_704, %swap3A_705] {strides = array<i32>} : memref<32x768xf32, #tpu.memory_space<vmem>>, vector<1x16xf32>,
      %swap3A_707 = vector.shape_cast %swap3A_706 : vector<1x16xf32> to vector<16xf32>
      %swap3A_708 = vector.shape_cast %add3A_703 : vector<16xf32> to vector<1x16xf32>
      tpu.vector_store %arg16[%swap3A_704, %swap3A_705], %swap3A_708 {strides = array<i32>} : memref<32x768xf32, #tpu.memory_space<vmem>>, vector<1x16xf32>,
      %get3A_709 = arith.index_cast %scan3A_58 : i32 to index
      %get3A_710 = arith.constant 640 : index
      %get3A_711 = tpu.vector_load %arg16[%get3A_709, %get3A_710] {strides = array<i32>} : memref<32x768xf32, #tpu.memory_space<vmem>>, vector<1x16xf32>,
      %get3A_712 = vector.shape_cast %get3A_711 : vector<1x16xf32> to vector<16xf32>
      %mul3A_713 = arith.mulf %get3A_63, %get3A_712 : vector<16xf32>
      %get3A_714 = arith.index_cast %scan3A_58 : i32 to index
      %get3A_715 = arith.constant 640 : index
      %get3A_716 = tpu.vector_load %arg17[%get3A_714, %get3A_715] {strides = array<i32>} : memref<32x768xf32, #tpu.memory_space<vmem>>, vector<1x16xf32>,
      %get3A_717 = vector.shape_cast %get3A_716 : vector<1x16xf32> to vector<16xf32>
      %mul3A_718 = arith.mulf %get3A_69, %get3A_717 : vector<16xf32>
      %add3A_719 = arith.addf %mul3A_713, %mul3A_718 : vector<16xf32>
      %swap3A_720 = arith.index_cast %scan3A_58 : i32 to index
      %swap3A_721 = arith.constant 640 : index
      %swap3A_722 = tpu.vector_load %arg16[%swap3A_720, %swap3A_721] {strides = array<i32>} : memref<32x768xf32, #tpu.memory_space<vmem>>, vector<1x16xf32>,
      %swap3A_723 = vector.shape_cast %swap3A_722 : vector<1x16xf32> to vector<16xf32>
      %swap3A_724 = vector.shape_cast %add3A_719 : vector<16xf32> to vector<1x16xf32>
      tpu.vector_store %arg16[%swap3A_720, %swap3A_721], %swap3A_724 {strides = array<i32>} : memref<32x768xf32, #tpu.memory_space<vmem>>, vector<1x16xf32>,
      %get3A_725 = arith.index_cast %scan3A_58 : i32 to index
      %get3A_726 = arith.constant 656 : index
      %get3A_727 = tpu.vector_load %arg16[%get3A_725, %get3A_726] {strides = array<i32>} : memref<32x768xf32, #tpu.memory_space<vmem>>, vector<1x16xf32>,
      %get3A_728 = vector.shape_cast %get3A_727 : vector<1x16xf32> to vector<16xf32>
      %mul3A_729 = arith.mulf %get3A_63, %get3A_728 : vector<16xf32>
      %get3A_730 = arith.index_cast %scan3A_58 : i32 to index
      %get3A_731 = arith.constant 656 : index
      %get3A_732 = tpu.vector_load %arg17[%get3A_730, %get3A_731] {strides = array<i32>} : memref<32x768xf32, #tpu.memory_space<vmem>>, vector<1x16xf32>,
      %get3A_733 = vector.shape_cast %get3A_732 : vector<1x16xf32> to vector<16xf32>
      %mul3A_734 = arith.mulf %get3A_69, %get3A_733 : vector<16xf32>
      %add3A_735 = arith.addf %mul3A_729, %mul3A_734 : vector<16xf32>
      %swap3A_736 = arith.index_cast %scan3A_58 : i32 to index
      %swap3A_737 = arith.constant 656 : index
      %swap3A_738 = tpu.vector_load %arg16[%swap3A_736, %swap3A_737] {strides = array<i32>} : memref<32x768xf32, #tpu.memory_space<vmem>>, vector<1x16xf32>,
      %swap3A_739 = vector.shape_cast %swap3A_738 : vector<1x16xf32> to vector<16xf32>
      %swap3A_740 = vector.shape_cast %add3A_735 : vector<16xf32> to vector<1x16xf32>
      tpu.vector_store %arg16[%swap3A_736, %swap3A_737], %swap3A_740 {strides = array<i32>} : memref<32x768xf32, #tpu.memory_space<vmem>>, vector<1x16xf32>,
      %get3A_741 = arith.index_cast %scan3A_58 : i32 to index
      %get3A_742 = arith.constant 672 : index
      %get3A_743 = tpu.vector_load %arg16[%get3A_741, %get3A_742] {strides = array<i32>} : memref<32x768xf32, #tpu.memory_space<vmem>>, vector<1x16xf32>,
      %get3A_744 = vector.shape_cast %get3A_743 : vector<1x16xf32> to vector<16xf32>
      %mul3A_745 = arith.mulf %get3A_63, %get3A_744 : vector<16xf32>
      %get3A_746 = arith.index_cast %scan3A_58 : i32 to index
      %get3A_747 = arith.constant 672 : index
      %get3A_748 = tpu.vector_load %arg17[%get3A_746, %get3A_747] {strides = array<i32>} : memref<32x768xf32, #tpu.memory_space<vmem>>, vector<1x16xf32>,
      %get3A_749 = vector.shape_cast %get3A_748 : vector<1x16xf32> to vector<16xf32>
      %mul3A_750 = arith.mulf %get3A_69, %get3A_749 : vector<16xf32>
      %add3A_751 = arith.addf %mul3A_745, %mul3A_750 : vector<16xf32>
      %swap3A_752 = arith.index_cast %scan3A_58 : i32 to index
      %swap3A_753 = arith.constant 672 : index
      %swap3A_754 = tpu.vector_load %arg16[%swap3A_752, %swap3A_753] {strides = array<i32>} : memref<32x768xf32, #tpu.memory_space<vmem>>, vector<1x16xf32>,
      %swap3A_755 = vector.shape_cast %swap3A_754 : vector<1x16xf32> to vector<16xf32>
      %swap3A_756 = vector.shape_cast %add3A_751 : vector<16xf32> to vector<1x16xf32>
      tpu.vector_store %arg16[%swap3A_752, %swap3A_753], %swap3A_756 {strides = array<i32>} : memref<32x768xf32, #tpu.memory_space<vmem>>, vector<1x16xf32>,
      %get3A_757 = arith.index_cast %scan3A_58 : i32 to index
      %get3A_758 = arith.constant 688 : index
      %get3A_759 = tpu.vector_load %arg16[%get3A_757, %get3A_758] {strides = array<i32>} : memref<32x768xf32, #tpu.memory_space<vmem>>, vector<1x16xf32>,
      %get3A_760 = vector.shape_cast %get3A_759 : vector<1x16xf32> to vector<16xf32>
      %mul3A_761 = arith.mulf %get3A_63, %get3A_760 : vector<16xf32>
      %get3A_762 = arith.index_cast %scan3A_58 : i32 to index
      %get3A_763 = arith.constant 688 : index
      %get3A_764 = tpu.vector_load %arg17[%get3A_762, %get3A_763] {strides = array<i32>} : memref<32x768xf32, #tpu.memory_space<vmem>>, vector<1x16xf32>,
      %get3A_765 = vector.shape_cast %get3A_764 : vector<1x16xf32> to vector<16xf32>
      %mul3A_766 = arith.mulf %get3A_69, %get3A_765 : vector<16xf32>
      %add3A_767 = arith.addf %mul3A_761, %mul3A_766 : vector<16xf32>
      %swap3A_768 = arith.index_cast %scan3A_58 : i32 to index
      %swap3A_769 = arith.constant 688 : index
      %swap3A_770 = tpu.vector_load %arg16[%swap3A_768, %swap3A_769] {strides = array<i32>} : memref<32x768xf32, #tpu.memory_space<vmem>>, vector<1x16xf32>,
      %swap3A_771 = vector.shape_cast %swap3A_770 : vector<1x16xf32> to vector<16xf32>
      %swap3A_772 = vector.shape_cast %add3A_767 : vector<16xf32> to vector<1x16xf32>
      tpu.vector_store %arg16[%swap3A_768, %swap3A_769], %swap3A_772 {strides = array<i32>} : memref<32x768xf32, #tpu.memory_space<vmem>>, vector<1x16xf32>,
      %get3A_773 = arith.index_cast %scan3A_58 : i32 to index
      %get3A_774 = arith.constant 704 : index
      %get3A_775 = tpu.vector_load %arg16[%get3A_773, %get3A_774] {strides = array<i32>} : memref<32x768xf32, #tpu.memory_space<vmem>>, vector<1x16xf32>,
      %get3A_776 = vector.shape_cast %get3A_775 : vector<1x16xf32> to vector<16xf32>
      %mul3A_777 = arith.mulf %get3A_63, %get3A_776 : vector<16xf32>
      %get3A_778 = arith.index_cast %scan3A_58 : i32 to index
      %get3A_779 = arith.constant 704 : index
      %get3A_780 = tpu.vector_load %arg17[%get3A_778, %get3A_779] {strides = array<i32>} : memref<32x768xf32, #tpu.memory_space<vmem>>, vector<1x16xf32>,
      %get3A_781 = vector.shape_cast %get3A_780 : vector<1x16xf32> to vector<16xf32>
      %mul3A_782 = arith.mulf %get3A_69, %get3A_781 : vector<16xf32>
      %add3A_783 = arith.addf %mul3A_777, %mul3A_782 : vector<16xf32>
      %swap3A_784 = arith.index_cast %scan3A_58 : i32 to index
      %swap3A_785 = arith.constant 704 : index
      %swap3A_786 = tpu.vector_load %arg16[%swap3A_784, %swap3A_785] {strides = array<i32>} : memref<32x768xf32, #tpu.memory_space<vmem>>, vector<1x16xf32>,
      %swap3A_787 = vector.shape_cast %swap3A_786 : vector<1x16xf32> to vector<16xf32>
      %swap3A_788 = vector.shape_cast %add3A_783 : vector<16xf32> to vector<1x16xf32>
      tpu.vector_store %arg16[%swap3A_784, %swap3A_785], %swap3A_788 {strides = array<i32>} : memref<32x768xf32, #tpu.memory_space<vmem>>, vector<1x16xf32>,
      %get3A_789 = arith.index_cast %scan3A_58 : i32 to index
      %get3A_790 = arith.constant 720 : index
      %get3A_791 = tpu.vector_load %arg16[%get3A_789, %get3A_790] {strides = array<i32>} : memref<32x768xf32, #tpu.memory_space<vmem>>, vector<1x16xf32>,
      %get3A_792 = vector.shape_cast %get3A_791 : vector<1x16xf32> to vector<16xf32>
      %mul3A_793 = arith.mulf %get3A_63, %get3A_792 : vector<16xf32>
      %get3A_794 = arith.index_cast %scan3A_58 : i32 to index
      %get3A_795 = arith.constant 720 : index
      %get3A_796 = tpu.vector_load %arg17[%get3A_794, %get3A_795] {strides = array<i32>} : memref<32x768xf32, #tpu.memory_space<vmem>>, vector<1x16xf32>,
      %get3A_797 = vector.shape_cast %get3A_796 : vector<1x16xf32> to vector<16xf32>
      %mul3A_798 = arith.mulf %get3A_69, %get3A_797 : vector<16xf32>
      %add3A_799 = arith.addf %mul3A_793, %mul3A_798 : vector<16xf32>
      %swap3A_800 = arith.index_cast %scan3A_58 : i32 to index
      %swap3A_801 = arith.constant 720 : index
      %swap3A_802 = tpu.vector_load %arg16[%swap3A_800, %swap3A_801] {strides = array<i32>} : memref<32x768xf32, #tpu.memory_space<vmem>>, vector<1x16xf32>,
      %swap3A_803 = vector.shape_cast %swap3A_802 : vector<1x16xf32> to vector<16xf32>
      %swap3A_804 = vector.shape_cast %add3A_799 : vector<16xf32> to vector<1x16xf32>
      tpu.vector_store %arg16[%swap3A_800, %swap3A_801], %swap3A_804 {strides = array<i32>} : memref<32x768xf32, #tpu.memory_space<vmem>>, vector<1x16xf32>,
      %get3A_805 = arith.index_cast %scan3A_58 : i32 to index
      %get3A_806 = arith.constant 736 : index
      %get3A_807 = tpu.vector_load %arg16[%get3A_805, %get3A_806] {strides = array<i32>} : memref<32x768xf32, #tpu.memory_space<vmem>>, vector<1x16xf32>,
      %get3A_808 = vector.shape_cast %get3A_807 : vector<1x16xf32> to vector<16xf32>
      %mul3A_809 = arith.mulf %get3A_63, %get3A_808 : vector<16xf32>
      %get3A_810 = arith.index_cast %scan3A_58 : i32 to index
      %get3A_811 = arith.constant 736 : index
      %get3A_812 = tpu.vector_load %arg17[%get3A_810, %get3A_811] {strides = array<i32>} : memref<32x768xf32, #tpu.memory_space<vmem>>, vector<1x16xf32>,
      %get3A_813 = vector.shape_cast %get3A_812 : vector<1x16xf32> to vector<16xf32>
      %mul3A_814 = arith.mulf %get3A_69, %get3A_813 : vector<16xf32>
      %add3A_815 = arith.addf %mul3A_809, %mul3A_814 : vector<16xf32>
      %swap3A_816 = arith.index_cast %scan3A_58 : i32 to index
      %swap3A_817 = arith.constant 736 : index
      %swap3A_818 = tpu.vector_load %arg16[%swap3A_816, %swap3A_817] {strides = array<i32>} : memref<32x768xf32, #tpu.memory_space<vmem>>, vector<1x16xf32>,
      %swap3A_819 = vector.shape_cast %swap3A_818 : vector<1x16xf32> to vector<16xf32>
      %swap3A_820 = vector.shape_cast %add3A_815 : vector<16xf32> to vector<1x16xf32>
      tpu.vector_store %arg16[%swap3A_816, %swap3A_817], %swap3A_820 {strides = array<i32>} : memref<32x768xf32, #tpu.memory_space<vmem>>, vector<1x16xf32>,
      %get3A_821 = arith.index_cast %scan3A_58 : i32 to index
      %get3A_822 = arith.constant 752 : index
      %get3A_823 = tpu.vector_load %arg16[%get3A_821, %get3A_822] {strides = array<i32>} : memref<32x768xf32, #tpu.memory_space<vmem>>, vector<1x16xf32>,
      %get3A_824 = vector.shape_cast %get3A_823 : vector<1x16xf32> to vector<16xf32>
      %mul3A_825 = arith.mulf %get3A_63, %get3A_824 : vector<16xf32>
      %get3A_826 = arith.index_cast %scan3A_58 : i32 to index
      %get3A_827 = arith.constant 752 : index
      %get3A_828 = tpu.vector_load %arg17[%get3A_826, %get3A_827] {strides = array<i32>} : memref<32x768xf32, #tpu.memory_space<vmem>>, vector<1x16xf32>,
      %get3A_829 = vector.shape_cast %get3A_828 : vector<1x16xf32> to vector<16xf32>
      %mul3A_830 = arith.mulf %get3A_69, %get3A_829 : vector<16xf32>
      %add3A_831 = arith.addf %mul3A_825, %mul3A_830 : vector<16xf32>
      %swap3A_832 = arith.index_cast %scan3A_58 : i32 to index
      %swap3A_833 = arith.constant 752 : index
      %swap3A_834 = tpu.vector_load %arg16[%swap3A_832, %swap3A_833] {strides = array<i32>} : memref<32x768xf32, #tpu.memory_space<vmem>>, vector<1x16xf32>,
      %swap3A_835 = vector.shape_cast %swap3A_834 : vector<1x16xf32> to vector<16xf32>
      %swap3A_836 = vector.shape_cast %add3A_831 : vector<16xf32> to vector<1x16xf32>
      tpu.vector_store %arg16[%swap3A_832, %swap3A_833], %swap3A_836 {strides = array<i32>} : memref<32x768xf32, #tpu.memory_space<vmem>>, vector<1x16xf32>,
    }
    %scan3A_43 = arith.constant 32 : i32
    %add3A_44 = arith.constant 32 : i32
    %add3A_45 = arith.addi %mul3A_2, %add3A_44 : i32
    %dma_start3A_46 = arith.constant 0 : i32
    %dma_start3A_47 = tpu.memref_slice %arg7[%add3A_45, %dma_start3A_46] : memref<2048x768xf32, #tpu.memory_space<hbm>> -> memref<32x768xf32, #tpu.memory_space<hbm>>
    %dma_start3A_48 = arith.constant 0 : i32
    %dma_start3A_49 = tpu.memref_slice %arg7[%add3A_45, %dma_start3A_48] : memref<2048x768xf32, #tpu.memory_space<hbm>> -> memref<32x768xf32, #tpu.memory_space<hbm>>
    tpu.enqueue_dma source(%arg16 : memref<32x768xf32, #tpu.memory_space<vmem>>) target(%dma_start3A_49 : memref<32x768xf32, #tpu.memory_space<hbm>>) target_semaphore(%arg20 : memref<!tpu.dma_semaphore, #tpu.memory_space<semaphore_mem>>)
    %dma_wait3A_50 = arith.constant 0 : i32
    %dma_wait3A_51 = tpu.memref_slice %arg7[%mul3A_2, %dma_wait3A_50] : memref<2048x768xf32, #tpu.memory_space<hbm>> -> memref<32x768xf32, #tpu.memory_space<hbm>>
    %dma_wait3A_52 = arith.constant 0 : i32
    %dma_wait3A_53 = tpu.memref_slice %arg7[%mul3A_2, %dma_wait3A_52] : memref<2048x768xf32, #tpu.memory_space<hbm>> -> memref<32x768xf32, #tpu.memory_space<hbm>>
    tpu.wait_dma2 semaphore(%arg20 : memref<!tpu.dma_semaphore, #tpu.memory_space<semaphore_mem>>) src(%arg14 : memref<32x768xf32, #tpu.memory_space<vmem>>) dst(%dma_wait3A_53 : memref<32x768xf32, #tpu.memory_space<hbm>>)
    %dma_wait3A_54 = arith.constant 0 : i32
    %dma_wait3A_55 = tpu.memref_slice %arg7[%add3A_45, %dma_wait3A_54] : memref<2048x768xf32, #tpu.memory_space<hbm>> -> memref<32x768xf32, #tpu.memory_space<hbm>>
    %dma_wait3A_56 = arith.constant 0 : i32
    %dma_wait3A_57 = tpu.memref_slice %arg7[%add3A_45, %dma_wait3A_56] : memref<2048x768xf32, #tpu.memory_space<hbm>> -> memref<32x768xf32, #tpu.memory_space<hbm>>
    tpu.wait_dma2 semaphore(%arg20 : memref<!tpu.dma_semaphore, #tpu.memory_space<semaphore_mem>>) src(%arg16 : memref<32x768xf32, #tpu.memory_space<vmem>>) dst(%dma_wait3A_57 : memref<32x768xf32, #tpu.memory_space<hbm>>)
    return
  }
}

module attributes {stable_mosaic.version = 14 : i64} {
  func.func @_routing_body(%arg0: memref<2048x16xf32, #tpu.memory_space<vmem>>, %arg1: memref<2048xi32, #tpu.memory_space<vmem>>, %arg2: memref<2048xi32, #tpu.memory_space<vmem>>, %arg3: memref<2048x16xf32, #tpu.memory_space<vmem>>, %arg4: memref<2048x16xf32, #tpu.memory_space<vmem>>, %arg5: memref<32xi32, #tpu.memory_space<vmem>>, %arg6: memref<1xi32, #tpu.memory_space<smem>>) attributes {dimension_semantics = [], scalar_prefetch = 0 : i64, scratch_operands = 0 : i64, tpu.core_type = #tpu.core_type<tc>} {
    %get3A = arith.constant 0 : index
    %get3A_0 = arith.constant 0 : index
    %get3A_1 = vector.load %arg0[%get3A, %get3A_0] : memref<2048x16xf32, #tpu.memory_space<vmem>>, vector<2048x16xf32>
    %reduce_max3A = arith.constant dense<0xFF800000> : vector<2048xf32>
    %reduce_max3A_2 = vector.multi_reduction <maximumf>, %get3A_1, %reduce_max3A [1] : vector<2048x16xf32> to vector<2048xf32>
    %broadcast_in_dim3A = vector.shape_cast %reduce_max3A_2 : vector<2048xf32> to vector<2048x1xf32>
    %sub3A = vector.broadcast %broadcast_in_dim3A : vector<2048x1xf32> to vector<2048x16xf32>
    %sub3A_3 = arith.subf %get3A_1, %sub3A : vector<2048x16xf32>
    %exp3A = math.exp %sub3A_3 : vector<2048x16xf32>
    %reduce_sum3A = arith.constant dense<0.000000e+00> : vector<2048xf32>
    %reduce_sum3A_4 = vector.multi_reduction <add>, %exp3A, %reduce_sum3A [1] : vector<2048x16xf32> to vector<2048xf32>
    %broadcast_in_dim3A_5 = vector.shape_cast %reduce_sum3A_4 : vector<2048xf32> to vector<2048x1xf32>
    %div3A = vector.broadcast %broadcast_in_dim3A_5 : vector<2048x1xf32> to vector<2048x16xf32>
    %div3A_6 = arith.divf %exp3A, %div3A : vector<2048x16xf32>
    %iota3A = tpu.iota {dimensions = array<i32: 1>} : vector<2048x16xi32>
    %reduce_max3A_7 = arith.constant dense<0xFF800000> : vector<2048xf32>
    %reduce_max3A_8 = vector.multi_reduction <maximumf>, %div3A_6, %reduce_max3A_7 [1] : vector<2048x16xf32> to vector<2048xf32>
    %broadcast_in_dim3A_9 = vector.shape_cast %reduce_max3A_8 : vector<2048xf32> to vector<2048x1xf32>
    %ge3A = vector.broadcast %broadcast_in_dim3A_9 : vector<2048x1xf32> to vector<2048x16xf32>
    %ge3A_10 = arith.cmpf oge, %div3A_6, %ge3A : vector<2048x16xf32>
    %jit3A = arith.constant 16 : i32
    %broadcast_in_dim3A_11 = vector.broadcast %jit3A : i32 to vector<2048x16xi32>
    %select_n3A = arith.select %ge3A_10, %iota3A, %broadcast_in_dim3A_11 : vector<2048x16xi1>, vector<2048x16xi32>
    %reduce_min3A = arith.constant dense<2147483647> : vector<2048xi32>
    %reduce_min3A_12 = vector.multi_reduction <minsi>, %select_n3A, %reduce_min3A [1] : vector<2048x16xi32> to vector<2048xi32>
    %broadcast_in_dim3A_13 = vector.shape_cast %reduce_min3A_12 : vector<2048xi32> to vector<2048x1xi32>
    %eq3A = vector.broadcast %broadcast_in_dim3A_13 : vector<2048x1xi32> to vector<2048x16xi32>
    %eq3A_14 = arith.cmpi eq, %iota3A, %eq3A : vector<2048x16xi32>
    %jit3A_15 = arith.constant -1.000000e+00 : f32
    %broadcast_in_dim3A_16 = vector.broadcast %jit3A_15 : f32 to vector<2048x16xf32>
    %select_n3A_17 = arith.select %eq3A_14, %broadcast_in_dim3A_16, %div3A_6 : vector<2048x16xi1>, vector<2048x16xf32>
    %reduce_max3A_18 = arith.constant dense<0xFF800000> : vector<2048xf32>
    %reduce_max3A_19 = vector.multi_reduction <maximumf>, %select_n3A_17, %reduce_max3A_18 [1] : vector<2048x16xf32> to vector<2048xf32>
    %broadcast_in_dim3A_20 = vector.shape_cast %reduce_max3A_19 : vector<2048xf32> to vector<2048x1xf32>
    %ge3A_21 = vector.broadcast %broadcast_in_dim3A_20 : vector<2048x1xf32> to vector<2048x16xf32>
    %ge3A_22 = arith.cmpf oge, %select_n3A_17, %ge3A_21 : vector<2048x16xf32>
    %jit3A_23 = arith.constant 16 : i32
    %broadcast_in_dim3A_24 = vector.broadcast %jit3A_23 : i32 to vector<2048x16xi32>
    %select_n3A_25 = arith.select %ge3A_22, %iota3A, %broadcast_in_dim3A_24 : vector<2048x16xi1>, vector<2048x16xi32>
    %reduce_min3A_26 = arith.constant dense<2147483647> : vector<2048xi32>
    %reduce_min3A_27 = vector.multi_reduction <minsi>, %select_n3A_25, %reduce_min3A_26 [1] : vector<2048x16xi32> to vector<2048xi32>
    %broadcast_in_dim3A_28 = vector.shape_cast %reduce_min3A_27 : vector<2048xi32> to vector<2048x1xi32>
    %eq3A_29 = vector.broadcast %broadcast_in_dim3A_28 : vector<2048x1xi32> to vector<2048x16xi32>
    %eq3A_30 = arith.cmpi eq, %iota3A, %eq3A_29 : vector<2048x16xi32>
    %add3A = arith.addf %broadcast_in_dim3A_9, %broadcast_in_dim3A_20 : vector<2048x1xf32>
    %div3A_31 = arith.divf %broadcast_in_dim3A_9, %add3A : vector<2048x1xf32>
    %broadcast_in_dim3A_32 = vector.shape_cast %div3A_31 : vector<2048x1xf32> to vector<2048x1xf32>
    %broadcast_in_dim3A_33 = vector.broadcast %broadcast_in_dim3A_32 : vector<2048x1xf32> to vector<2048x16xf32>
    %swap3A = arith.constant 0 : index
    %swap3A_34 = arith.constant 0 : index
    %swap3A_35 = vector.load %arg3[%swap3A, %swap3A_34] : memref<2048x16xf32, #tpu.memory_space<vmem>>, vector<2048x16xf32>
    tpu.vector_store %arg3[%swap3A, %swap3A_34], %broadcast_in_dim3A_33 {strides = array<i32>} : memref<2048x16xf32, #tpu.memory_space<vmem>>, vector<2048x16xf32>,
    %div3A_36 = arith.divf %broadcast_in_dim3A_20, %add3A : vector<2048x1xf32>
    %broadcast_in_dim3A_37 = vector.shape_cast %div3A_36 : vector<2048x1xf32> to vector<2048x1xf32>
    %broadcast_in_dim3A_38 = vector.broadcast %broadcast_in_dim3A_37 : vector<2048x1xf32> to vector<2048x16xf32>
    %swap3A_39 = arith.constant 0 : index
    %swap3A_40 = arith.constant 0 : index
    %swap3A_41 = vector.load %arg4[%swap3A_39, %swap3A_40] : memref<2048x16xf32, #tpu.memory_space<vmem>>, vector<2048x16xf32>
    tpu.vector_store %arg4[%swap3A_39, %swap3A_40], %broadcast_in_dim3A_38 {strides = array<i32>} : memref<2048x16xf32, #tpu.memory_space<vmem>>, vector<2048x16xf32>,
    %convert_element_type3A = arith.extui %eq3A_14 : vector<2048x16xi1> to vector<2048x16xi32>
    %convert_element_type3A_42 = arith.sitofp %convert_element_type3A : vector<2048x16xi32> to vector<2048x16xf32>
    %convert_element_type3A_43 = arith.extui %eq3A_30 : vector<2048x16xi1> to vector<2048x16xi32>
    %convert_element_type3A_44 = arith.sitofp %convert_element_type3A_43 : vector<2048x16xi32> to vector<2048x16xf32>
    %add3A_45 = arith.addf %convert_element_type3A_42, %convert_element_type3A_44 : vector<2048x16xf32>
    %iota3A_46 = tpu.iota {dimensions = array<i32: 0>} : vector<128x128xi32>
    %iota3A_47 = tpu.iota {dimensions = array<i32: 1>} : vector<128x128xi32>
    %gt3A = arith.cmpi sgt, %iota3A_46, %iota3A_47 : vector<128x128xi32>
    %convert_element_type3A_48 = arith.extui %gt3A : vector<128x128xi1> to vector<128x128xi32>
    %convert_element_type3A_49 = arith.sitofp %convert_element_type3A_48 : vector<128x128xi32> to vector<128x128xf32>
    %broadcast_in_dim3A_50 = arith.constant 0.000000e+00 : f32
    %broadcast_in_dim3A_51 = vector.broadcast %broadcast_in_dim3A_50 : f32 to vector<1x16xf32>
    %slice3A = vector.extract_strided_slice %add3A_45 {offsets = [0, 0], sizes = [128, 16], strides = [1, 1]} : vector<2048x16xf32> to vector<128x16xf32>
    %dot_general3A = arith.constant dense<0.000000e+00> : vector<128x16xf32>
    %dot_general3A_52 = tpu.matmul %convert_element_type3A_49, %slice3A, %dot_general3A {dimension_numbers = #tpu.dot_dimension_numbers<[1], [0], [0], [1], [0, 0, 1, 1], [], []>, transpose_lhs_hint = false} : vector<128x128xf32>, vector<128x16xf32>, vector<128x16xf32> -> vector<128x16xf32>
    %add3A_53 = vector.broadcast %broadcast_in_dim3A_51 : vector<1x16xf32> to vector<128x16xf32>
    %add3A_54 = arith.addf %dot_general3A_52, %add3A_53 : vector<128x16xf32>
    %reduce_sum3A_55 = arith.constant dense<0.000000e+00> : vector<16xf32>
    %reduce_sum3A_56 = vector.multi_reduction <add>, %slice3A, %reduce_sum3A_55 [0] : vector<128x16xf32> to vector<16xf32>
    %broadcast_in_dim3A_57 = vector.shape_cast %reduce_sum3A_56 : vector<16xf32> to vector<1x16xf32>
    %add3A_58 = arith.addf %broadcast_in_dim3A_51, %broadcast_in_dim3A_57 : vector<1x16xf32>
    %slice3A_59 = vector.extract_strided_slice %add3A_45 {offsets = [128, 0], sizes = [128, 16], strides = [1, 1]} : vector<2048x16xf32> to vector<128x16xf32>
    %dot_general3A_60 = arith.constant dense<0.000000e+00> : vector<128x16xf32>
    %dot_general3A_61 = tpu.matmul %convert_element_type3A_49, %slice3A_59, %dot_general3A_60 {dimension_numbers = #tpu.dot_dimension_numbers<[1], [0], [0], [1], [0, 0, 1, 1], [], []>, transpose_lhs_hint = false} : vector<128x128xf32>, vector<128x16xf32>, vector<128x16xf32> -> vector<128x16xf32>
    %add3A_62 = vector.broadcast %add3A_58 : vector<1x16xf32> to vector<128x16xf32>
    %add3A_63 = arith.addf %dot_general3A_61, %add3A_62 : vector<128x16xf32>
    %reduce_sum3A_64 = arith.constant dense<0.000000e+00> : vector<16xf32>
    %reduce_sum3A_65 = vector.multi_reduction <add>, %slice3A_59, %reduce_sum3A_64 [0] : vector<128x16xf32> to vector<16xf32>
    %broadcast_in_dim3A_66 = vector.shape_cast %reduce_sum3A_65 : vector<16xf32> to vector<1x16xf32>
    %add3A_67 = arith.addf %add3A_58, %broadcast_in_dim3A_66 : vector<1x16xf32>
    %slice3A_68 = vector.extract_strided_slice %add3A_45 {offsets = [256, 0], sizes = [128, 16], strides = [1, 1]} : vector<2048x16xf32> to vector<128x16xf32>
    %dot_general3A_69 = arith.constant dense<0.000000e+00> : vector<128x16xf32>
    %dot_general3A_70 = tpu.matmul %convert_element_type3A_49, %slice3A_68, %dot_general3A_69 {dimension_numbers = #tpu.dot_dimension_numbers<[1], [0], [0], [1], [0, 0, 1, 1], [], []>, transpose_lhs_hint = false} : vector<128x128xf32>, vector<128x16xf32>, vector<128x16xf32> -> vector<128x16xf32>
    %add3A_71 = vector.broadcast %add3A_67 : vector<1x16xf32> to vector<128x16xf32>
    %add3A_72 = arith.addf %dot_general3A_70, %add3A_71 : vector<128x16xf32>
    %reduce_sum3A_73 = arith.constant dense<0.000000e+00> : vector<16xf32>
    %reduce_sum3A_74 = vector.multi_reduction <add>, %slice3A_68, %reduce_sum3A_73 [0] : vector<128x16xf32> to vector<16xf32>
    %broadcast_in_dim3A_75 = vector.shape_cast %reduce_sum3A_74 : vector<16xf32> to vector<1x16xf32>
    %add3A_76 = arith.addf %add3A_67, %broadcast_in_dim3A_75 : vector<1x16xf32>
    %slice3A_77 = vector.extract_strided_slice %add3A_45 {offsets = [384, 0], sizes = [128, 16], strides = [1, 1]} : vector<2048x16xf32> to vector<128x16xf32>
    %dot_general3A_78 = arith.constant dense<0.000000e+00> : vector<128x16xf32>
    %dot_general3A_79 = tpu.matmul %convert_element_type3A_49, %slice3A_77, %dot_general3A_78 {dimension_numbers = #tpu.dot_dimension_numbers<[1], [0], [0], [1], [0, 0, 1, 1], [], []>, transpose_lhs_hint = false} : vector<128x128xf32>, vector<128x16xf32>, vector<128x16xf32> -> vector<128x16xf32>
    %add3A_80 = vector.broadcast %add3A_76 : vector<1x16xf32> to vector<128x16xf32>
    %add3A_81 = arith.addf %dot_general3A_79, %add3A_80 : vector<128x16xf32>
    %reduce_sum3A_82 = arith.constant dense<0.000000e+00> : vector<16xf32>
    %reduce_sum3A_83 = vector.multi_reduction <add>, %slice3A_77, %reduce_sum3A_82 [0] : vector<128x16xf32> to vector<16xf32>
    %broadcast_in_dim3A_84 = vector.shape_cast %reduce_sum3A_83 : vector<16xf32> to vector<1x16xf32>
    %add3A_85 = arith.addf %add3A_76, %broadcast_in_dim3A_84 : vector<1x16xf32>
    %slice3A_86 = vector.extract_strided_slice %add3A_45 {offsets = [512, 0], sizes = [128, 16], strides = [1, 1]} : vector<2048x16xf32> to vector<128x16xf32>
    %dot_general3A_87 = arith.constant dense<0.000000e+00> : vector<128x16xf32>
    %dot_general3A_88 = tpu.matmul %convert_element_type3A_49, %slice3A_86, %dot_general3A_87 {dimension_numbers = #tpu.dot_dimension_numbers<[1], [0], [0], [1], [0, 0, 1, 1], [], []>, transpose_lhs_hint = false} : vector<128x128xf32>, vector<128x16xf32>, vector<128x16xf32> -> vector<128x16xf32>
    %add3A_89 = vector.broadcast %add3A_85 : vector<1x16xf32> to vector<128x16xf32>
    %add3A_90 = arith.addf %dot_general3A_88, %add3A_89 : vector<128x16xf32>
    %reduce_sum3A_91 = arith.constant dense<0.000000e+00> : vector<16xf32>
    %reduce_sum3A_92 = vector.multi_reduction <add>, %slice3A_86, %reduce_sum3A_91 [0] : vector<128x16xf32> to vector<16xf32>
    %broadcast_in_dim3A_93 = vector.shape_cast %reduce_sum3A_92 : vector<16xf32> to vector<1x16xf32>
    %add3A_94 = arith.addf %add3A_85, %broadcast_in_dim3A_93 : vector<1x16xf32>
    %slice3A_95 = vector.extract_strided_slice %add3A_45 {offsets = [640, 0], sizes = [128, 16], strides = [1, 1]} : vector<2048x16xf32> to vector<128x16xf32>
    %dot_general3A_96 = arith.constant dense<0.000000e+00> : vector<128x16xf32>
    %dot_general3A_97 = tpu.matmul %convert_element_type3A_49, %slice3A_95, %dot_general3A_96 {dimension_numbers = #tpu.dot_dimension_numbers<[1], [0], [0], [1], [0, 0, 1, 1], [], []>, transpose_lhs_hint = false} : vector<128x128xf32>, vector<128x16xf32>, vector<128x16xf32> -> vector<128x16xf32>
    %add3A_98 = vector.broadcast %add3A_94 : vector<1x16xf32> to vector<128x16xf32>
    %add3A_99 = arith.addf %dot_general3A_97, %add3A_98 : vector<128x16xf32>
    %reduce_sum3A_100 = arith.constant dense<0.000000e+00> : vector<16xf32>
    %reduce_sum3A_101 = vector.multi_reduction <add>, %slice3A_95, %reduce_sum3A_100 [0] : vector<128x16xf32> to vector<16xf32>
    %broadcast_in_dim3A_102 = vector.shape_cast %reduce_sum3A_101 : vector<16xf32> to vector<1x16xf32>
    %add3A_103 = arith.addf %add3A_94, %broadcast_in_dim3A_102 : vector<1x16xf32>
    %slice3A_104 = vector.extract_strided_slice %add3A_45 {offsets = [768, 0], sizes = [128, 16], strides = [1, 1]} : vector<2048x16xf32> to vector<128x16xf32>
    %dot_general3A_105 = arith.constant dense<0.000000e+00> : vector<128x16xf32>
    %dot_general3A_106 = tpu.matmul %convert_element_type3A_49, %slice3A_104, %dot_general3A_105 {dimension_numbers = #tpu.dot_dimension_numbers<[1], [0], [0], [1], [0, 0, 1, 1], [], []>, transpose_lhs_hint = false} : vector<128x128xf32>, vector<128x16xf32>, vector<128x16xf32> -> vector<128x16xf32>
    %add3A_107 = vector.broadcast %add3A_103 : vector<1x16xf32> to vector<128x16xf32>
    %add3A_108 = arith.addf %dot_general3A_106, %add3A_107 : vector<128x16xf32>
    %reduce_sum3A_109 = arith.constant dense<0.000000e+00> : vector<16xf32>
    %reduce_sum3A_110 = vector.multi_reduction <add>, %slice3A_104, %reduce_sum3A_109 [0] : vector<128x16xf32> to vector<16xf32>
    %broadcast_in_dim3A_111 = vector.shape_cast %reduce_sum3A_110 : vector<16xf32> to vector<1x16xf32>
    %add3A_112 = arith.addf %add3A_103, %broadcast_in_dim3A_111 : vector<1x16xf32>
    %slice3A_113 = vector.extract_strided_slice %add3A_45 {offsets = [896, 0], sizes = [128, 16], strides = [1, 1]} : vector<2048x16xf32> to vector<128x16xf32>
    %dot_general3A_114 = arith.constant dense<0.000000e+00> : vector<128x16xf32>
    %dot_general3A_115 = tpu.matmul %convert_element_type3A_49, %slice3A_113, %dot_general3A_114 {dimension_numbers = #tpu.dot_dimension_numbers<[1], [0], [0], [1], [0, 0, 1, 1], [], []>, transpose_lhs_hint = false} : vector<128x128xf32>, vector<128x16xf32>, vector<128x16xf32> -> vector<128x16xf32>
    %add3A_116 = vector.broadcast %add3A_112 : vector<1x16xf32> to vector<128x16xf32>
    %add3A_117 = arith.addf %dot_general3A_115, %add3A_116 : vector<128x16xf32>
    %reduce_sum3A_118 = arith.constant dense<0.000000e+00> : vector<16xf32>
    %reduce_sum3A_119 = vector.multi_reduction <add>, %slice3A_113, %reduce_sum3A_118 [0] : vector<128x16xf32> to vector<16xf32>
    %broadcast_in_dim3A_120 = vector.shape_cast %reduce_sum3A_119 : vector<16xf32> to vector<1x16xf32>
    %add3A_121 = arith.addf %add3A_112, %broadcast_in_dim3A_120 : vector<1x16xf32>
    %slice3A_122 = vector.extract_strided_slice %add3A_45 {offsets = [1024, 0], sizes = [128, 16], strides = [1, 1]} : vector<2048x16xf32> to vector<128x16xf32>
    %dot_general3A_123 = arith.constant dense<0.000000e+00> : vector<128x16xf32>
    %dot_general3A_124 = tpu.matmul %convert_element_type3A_49, %slice3A_122, %dot_general3A_123 {dimension_numbers = #tpu.dot_dimension_numbers<[1], [0], [0], [1], [0, 0, 1, 1], [], []>, transpose_lhs_hint = false} : vector<128x128xf32>, vector<128x16xf32>, vector<128x16xf32> -> vector<128x16xf32>
    %add3A_125 = vector.broadcast %add3A_121 : vector<1x16xf32> to vector<128x16xf32>
    %add3A_126 = arith.addf %dot_general3A_124, %add3A_125 : vector<128x16xf32>
    %reduce_sum3A_127 = arith.constant dense<0.000000e+00> : vector<16xf32>
    %reduce_sum3A_128 = vector.multi_reduction <add>, %slice3A_122, %reduce_sum3A_127 [0] : vector<128x16xf32> to vector<16xf32>
    %broadcast_in_dim3A_129 = vector.shape_cast %reduce_sum3A_128 : vector<16xf32> to vector<1x16xf32>
    %add3A_130 = arith.addf %add3A_121, %broadcast_in_dim3A_129 : vector<1x16xf32>
    %slice3A_131 = vector.extract_strided_slice %add3A_45 {offsets = [1152, 0], sizes = [128, 16], strides = [1, 1]} : vector<2048x16xf32> to vector<128x16xf32>
    %dot_general3A_132 = arith.constant dense<0.000000e+00> : vector<128x16xf32>
    %dot_general3A_133 = tpu.matmul %convert_element_type3A_49, %slice3A_131, %dot_general3A_132 {dimension_numbers = #tpu.dot_dimension_numbers<[1], [0], [0], [1], [0, 0, 1, 1], [], []>, transpose_lhs_hint = false} : vector<128x128xf32>, vector<128x16xf32>, vector<128x16xf32> -> vector<128x16xf32>
    %add3A_134 = vector.broadcast %add3A_130 : vector<1x16xf32> to vector<128x16xf32>
    %add3A_135 = arith.addf %dot_general3A_133, %add3A_134 : vector<128x16xf32>
    %reduce_sum3A_136 = arith.constant dense<0.000000e+00> : vector<16xf32>
    %reduce_sum3A_137 = vector.multi_reduction <add>, %slice3A_131, %reduce_sum3A_136 [0] : vector<128x16xf32> to vector<16xf32>
    %broadcast_in_dim3A_138 = vector.shape_cast %reduce_sum3A_137 : vector<16xf32> to vector<1x16xf32>
    %add3A_139 = arith.addf %add3A_130, %broadcast_in_dim3A_138 : vector<1x16xf32>
    %slice3A_140 = vector.extract_strided_slice %add3A_45 {offsets = [1280, 0], sizes = [128, 16], strides = [1, 1]} : vector<2048x16xf32> to vector<128x16xf32>
    %dot_general3A_141 = arith.constant dense<0.000000e+00> : vector<128x16xf32>
    %dot_general3A_142 = tpu.matmul %convert_element_type3A_49, %slice3A_140, %dot_general3A_141 {dimension_numbers = #tpu.dot_dimension_numbers<[1], [0], [0], [1], [0, 0, 1, 1], [], []>, transpose_lhs_hint = false} : vector<128x128xf32>, vector<128x16xf32>, vector<128x16xf32> -> vector<128x16xf32>
    %add3A_143 = vector.broadcast %add3A_139 : vector<1x16xf32> to vector<128x16xf32>
    %add3A_144 = arith.addf %dot_general3A_142, %add3A_143 : vector<128x16xf32>
    %reduce_sum3A_145 = arith.constant dense<0.000000e+00> : vector<16xf32>
    %reduce_sum3A_146 = vector.multi_reduction <add>, %slice3A_140, %reduce_sum3A_145 [0] : vector<128x16xf32> to vector<16xf32>
    %broadcast_in_dim3A_147 = vector.shape_cast %reduce_sum3A_146 : vector<16xf32> to vector<1x16xf32>
    %add3A_148 = arith.addf %add3A_139, %broadcast_in_dim3A_147 : vector<1x16xf32>
    %slice3A_149 = vector.extract_strided_slice %add3A_45 {offsets = [1408, 0], sizes = [128, 16], strides = [1, 1]} : vector<2048x16xf32> to vector<128x16xf32>
    %dot_general3A_150 = arith.constant dense<0.000000e+00> : vector<128x16xf32>
    %dot_general3A_151 = tpu.matmul %convert_element_type3A_49, %slice3A_149, %dot_general3A_150 {dimension_numbers = #tpu.dot_dimension_numbers<[1], [0], [0], [1], [0, 0, 1, 1], [], []>, transpose_lhs_hint = false} : vector<128x128xf32>, vector<128x16xf32>, vector<128x16xf32> -> vector<128x16xf32>
    %add3A_152 = vector.broadcast %add3A_148 : vector<1x16xf32> to vector<128x16xf32>
    %add3A_153 = arith.addf %dot_general3A_151, %add3A_152 : vector<128x16xf32>
    %reduce_sum3A_154 = arith.constant dense<0.000000e+00> : vector<16xf32>
    %reduce_sum3A_155 = vector.multi_reduction <add>, %slice3A_149, %reduce_sum3A_154 [0] : vector<128x16xf32> to vector<16xf32>
    %broadcast_in_dim3A_156 = vector.shape_cast %reduce_sum3A_155 : vector<16xf32> to vector<1x16xf32>
    %add3A_157 = arith.addf %add3A_148, %broadcast_in_dim3A_156 : vector<1x16xf32>
    %slice3A_158 = vector.extract_strided_slice %add3A_45 {offsets = [1536, 0], sizes = [128, 16], strides = [1, 1]} : vector<2048x16xf32> to vector<128x16xf32>
    %dot_general3A_159 = arith.constant dense<0.000000e+00> : vector<128x16xf32>
    %dot_general3A_160 = tpu.matmul %convert_element_type3A_49, %slice3A_158, %dot_general3A_159 {dimension_numbers = #tpu.dot_dimension_numbers<[1], [0], [0], [1], [0, 0, 1, 1], [], []>, transpose_lhs_hint = false} : vector<128x128xf32>, vector<128x16xf32>, vector<128x16xf32> -> vector<128x16xf32>
    %add3A_161 = vector.broadcast %add3A_157 : vector<1x16xf32> to vector<128x16xf32>
    %add3A_162 = arith.addf %dot_general3A_160, %add3A_161 : vector<128x16xf32>
    %reduce_sum3A_163 = arith.constant dense<0.000000e+00> : vector<16xf32>
    %reduce_sum3A_164 = vector.multi_reduction <add>, %slice3A_158, %reduce_sum3A_163 [0] : vector<128x16xf32> to vector<16xf32>
    %broadcast_in_dim3A_165 = vector.shape_cast %reduce_sum3A_164 : vector<16xf32> to vector<1x16xf32>
    %add3A_166 = arith.addf %add3A_157, %broadcast_in_dim3A_165 : vector<1x16xf32>
    %slice3A_167 = vector.extract_strided_slice %add3A_45 {offsets = [1664, 0], sizes = [128, 16], strides = [1, 1]} : vector<2048x16xf32> to vector<128x16xf32>
    %dot_general3A_168 = arith.constant dense<0.000000e+00> : vector<128x16xf32>
    %dot_general3A_169 = tpu.matmul %convert_element_type3A_49, %slice3A_167, %dot_general3A_168 {dimension_numbers = #tpu.dot_dimension_numbers<[1], [0], [0], [1], [0, 0, 1, 1], [], []>, transpose_lhs_hint = false} : vector<128x128xf32>, vector<128x16xf32>, vector<128x16xf32> -> vector<128x16xf32>
    %add3A_170 = vector.broadcast %add3A_166 : vector<1x16xf32> to vector<128x16xf32>
    %add3A_171 = arith.addf %dot_general3A_169, %add3A_170 : vector<128x16xf32>
    %reduce_sum3A_172 = arith.constant dense<0.000000e+00> : vector<16xf32>
    %reduce_sum3A_173 = vector.multi_reduction <add>, %slice3A_167, %reduce_sum3A_172 [0] : vector<128x16xf32> to vector<16xf32>
    %broadcast_in_dim3A_174 = vector.shape_cast %reduce_sum3A_173 : vector<16xf32> to vector<1x16xf32>
    %add3A_175 = arith.addf %add3A_166, %broadcast_in_dim3A_174 : vector<1x16xf32>
    %slice3A_176 = vector.extract_strided_slice %add3A_45 {offsets = [1792, 0], sizes = [128, 16], strides = [1, 1]} : vector<2048x16xf32> to vector<128x16xf32>
    %dot_general3A_177 = arith.constant dense<0.000000e+00> : vector<128x16xf32>
    %dot_general3A_178 = tpu.matmul %convert_element_type3A_49, %slice3A_176, %dot_general3A_177 {dimension_numbers = #tpu.dot_dimension_numbers<[1], [0], [0], [1], [0, 0, 1, 1], [], []>, transpose_lhs_hint = false} : vector<128x128xf32>, vector<128x16xf32>, vector<128x16xf32> -> vector<128x16xf32>
    %add3A_179 = vector.broadcast %add3A_175 : vector<1x16xf32> to vector<128x16xf32>
    %add3A_180 = arith.addf %dot_general3A_178, %add3A_179 : vector<128x16xf32>
    %reduce_sum3A_181 = arith.constant dense<0.000000e+00> : vector<16xf32>
    %reduce_sum3A_182 = vector.multi_reduction <add>, %slice3A_176, %reduce_sum3A_181 [0] : vector<128x16xf32> to vector<16xf32>
    %broadcast_in_dim3A_183 = vector.shape_cast %reduce_sum3A_182 : vector<16xf32> to vector<1x16xf32>
    %add3A_184 = arith.addf %add3A_175, %broadcast_in_dim3A_183 : vector<1x16xf32>
    %slice3A_185 = vector.extract_strided_slice %add3A_45 {offsets = [1920, 0], sizes = [128, 16], strides = [1, 1]} : vector<2048x16xf32> to vector<128x16xf32>
    %dot_general3A_186 = arith.constant dense<0.000000e+00> : vector<128x16xf32>
    %dot_general3A_187 = tpu.matmul %convert_element_type3A_49, %slice3A_185, %dot_general3A_186 {dimension_numbers = #tpu.dot_dimension_numbers<[1], [0], [0], [1], [0, 0, 1, 1], [], []>, transpose_lhs_hint = false} : vector<128x128xf32>, vector<128x16xf32>, vector<128x16xf32> -> vector<128x16xf32>
    %add3A_188 = vector.broadcast %add3A_184 : vector<1x16xf32> to vector<128x16xf32>
    %add3A_189 = arith.addf %dot_general3A_187, %add3A_188 : vector<128x16xf32>
    %reduce_sum3A_190 = arith.constant dense<0.000000e+00> : vector<16xf32>
    %reduce_sum3A_191 = vector.multi_reduction <add>, %slice3A_185, %reduce_sum3A_190 [0] : vector<128x16xf32> to vector<16xf32>
    %broadcast_in_dim3A_192 = vector.shape_cast %reduce_sum3A_191 : vector<16xf32> to vector<1x16xf32>
    %add3A_193 = arith.addf %add3A_184, %broadcast_in_dim3A_192 : vector<1x16xf32>
    %concatenate3A = tpu.concatenate %add3A_54, %add3A_63, %add3A_72, %add3A_81, %add3A_90, %add3A_99, %add3A_108, %add3A_117, %add3A_126, %add3A_135, %add3A_144, %add3A_153, %add3A_162, %add3A_171, %add3A_180, %add3A_189 in 0 : vector<128x16xf32>, vector<128x16xf32>, vector<128x16xf32>, vector<128x16xf32>, vector<128x16xf32>, vector<128x16xf32>, vector<128x16xf32>, vector<128x16xf32>, vector<128x16xf32>, vector<128x16xf32>, vector<128x16xf32>, vector<128x16xf32>, vector<128x16xf32>, vector<128x16xf32>, vector<128x16xf32>, vector<128x16xf32> -> vector<2048x16xf32>
    %convert_element_type3A_194 = arith.fptosi %add3A_193 : vector<1x16xf32> to vector<1x16xi32>
    %add3A_195 = arith.constant 383 : i32
    %add3A_196 = vector.broadcast %add3A_195 : i32 to vector<1x16xi32>
    %add3A_197 = arith.addi %convert_element_type3A_194, %add3A_196 : vector<1x16xi32>
    %jit3A_198 = arith.constant 384 : i32
    %div3A_199 = vector.broadcast %jit3A_198 : i32 to vector<1x16xi32>
    %div3A_200 = arith.divsi %add3A_197, %div3A_199 : vector<1x16xi32>
    %sign3A = arith.constant 0 : i32
    %sign3A_201 = vector.broadcast %sign3A : i32 to vector<1x16xi32>
    %sign3A_202 = arith.cmpi sgt, %add3A_197, %sign3A_201 : vector<1x16xi32>
    %sign3A_203 = arith.extui %sign3A_202 : vector<1x16xi1> to vector<1x16xi32>
    %sign3A_204 = arith.constant 0 : i32
    %sign3A_205 = vector.broadcast %sign3A_204 : i32 to vector<1x16xi32>
    %sign3A_206 = arith.cmpi slt, %add3A_197, %sign3A_205 : vector<1x16xi32>
    %sign3A_207 = arith.extui %sign3A_206 : vector<1x16xi1> to vector<1x16xi32>
    %sign3A_208 = arith.subi %sign3A_203, %sign3A_207 : vector<1x16xi32>
    %sign3A_209 = arith.constant 0 : i32
    %sign3A_210 = arith.cmpi sgt, %jit3A_198, %sign3A_209 : i32
    %sign3A_211 = arith.extui %sign3A_210 : i1 to i32
    %sign3A_212 = arith.constant 0 : i32
    %sign3A_213 = arith.cmpi slt, %jit3A_198, %sign3A_212 : i32
    %sign3A_214 = arith.extui %sign3A_213 : i1 to i32
    %sign3A_215 = arith.subi %sign3A_211, %sign3A_214 : i32
    %ne3A = vector.broadcast %sign3A_215 : i32 to vector<1x16xi32>
    %ne3A_216 = arith.cmpi ne, %sign3A_208, %ne3A : vector<1x16xi32>
    %rem3A = vector.broadcast %jit3A_198 : i32 to vector<1x16xi32>
    %rem3A_217 = arith.remsi %add3A_197, %rem3A : vector<1x16xi32>
    %ne3A_218 = arith.constant 0 : i32
    %ne3A_219 = vector.broadcast %ne3A_218 : i32 to vector<1x16xi32>
    %ne3A_220 = arith.cmpi ne, %rem3A_217, %ne3A_219 : vector<1x16xi32>
    %and3A = arith.andi %ne3A_216, %ne3A_220 : vector<1x16xi1>
    %sub3A_221 = arith.constant 1 : i32
    %sub3A_222 = vector.broadcast %sub3A_221 : i32 to vector<1x16xi32>
    %sub3A_223 = arith.subi %div3A_200, %sub3A_222 : vector<1x16xi32>
    %select_n3A_224 = arith.select %and3A, %sub3A_223, %div3A_200 : vector<1x16xi1>, vector<1x16xi32>
    %iota3A_225 = tpu.iota {dimensions = array<i32: 0>} : vector<16x16xi32>
    %iota3A_226 = tpu.iota {dimensions = array<i32: 1>} : vector<16x16xi32>
    %lt3A = arith.cmpi slt, %iota3A_225, %iota3A_226 : vector<16x16xi32>
    %convert_element_type3A_227 = arith.extui %lt3A : vector<16x16xi1> to vector<16x16xi32>
    %convert_element_type3A_228 = arith.sitofp %convert_element_type3A_227 : vector<16x16xi32> to vector<16x16xf32>
    %convert_element_type3A_229 = arith.sitofp %select_n3A_224 : vector<1x16xi32> to vector<1x16xf32>
    %dot_general3A_230 = arith.constant dense<0.000000e+00> : vector<1x16xf32>
    %dot_general3A_231 = tpu.matmul %convert_element_type3A_229, %convert_element_type3A_228, %dot_general3A_230 {dimension_numbers = #tpu.dot_dimension_numbers<[1], [0], [0], [1], [0, 0, 1, 1], [], []>, transpose_lhs_hint = false} : vector<1x16xf32>, vector<16x16xf32>, vector<1x16xf32> -> vector<1x16xf32>
    %mul3A = arith.constant 3.840000e+02 : f32
    %mul3A_232 = vector.broadcast %mul3A : f32 to vector<1x16xf32>
    %mul3A_233 = arith.mulf %dot_general3A_231, %mul3A_232 : vector<1x16xf32>
    %reduce_sum3A_234 = vector.shape_cast %select_n3A_224 : vector<1x16xi32> to vector<1x1x16xi32>
    %reduce_sum3A_235 = arith.constant dense<0> : vector<1xi32>
    %reduce_sum3A_236 = vector.multi_reduction <add>, %reduce_sum3A_234, %reduce_sum3A_235 [1, 2] : vector<1x1x16xi32> to vector<1xi32>
    %reduce_sum3A_237 = vector.shape_cast %reduce_sum3A_236 : vector<1xi32> to vector<1x1x1xi32>
    %reduce_sum3A_238 = vector.extract %reduce_sum3A_237[0, 0, 0] : i32 from vector<1x1x1xi32>
    %add3A_239 = vector.broadcast %mul3A_233 : vector<1x16xf32> to vector<2048x16xf32>
    %add3A_240 = arith.addf %concatenate3A, %add3A_239 : vector<2048x16xf32>
    %mul3A_241 = arith.mulf %convert_element_type3A_42, %add3A_240 : vector<2048x16xf32>
    %reduce_sum3A_242 = arith.constant dense<0.000000e+00> : vector<2048xf32>
    %reduce_sum3A_243 = vector.multi_reduction <add>, %mul3A_241, %reduce_sum3A_242 [1] : vector<2048x16xf32> to vector<2048xf32>
    %convert_element_type3A_244 = arith.fptosi %reduce_sum3A_243 : vector<2048xf32> to vector<2048xi32>
    %swap3A_245 = arith.constant 0 : index
    %swap3A_246 = vector.load %arg1[%swap3A_245] : memref<2048xi32, #tpu.memory_space<vmem>>, vector<2048xi32>
    tpu.vector_store %arg1[%swap3A_245], %convert_element_type3A_244 {strides = array<i32>} : memref<2048xi32, #tpu.memory_space<vmem>>, vector<2048xi32>,
    %add3A_247 = vector.broadcast %mul3A_233 : vector<1x16xf32> to vector<2048x16xf32>
    %add3A_248 = arith.addf %concatenate3A, %add3A_247 : vector<2048x16xf32>
    %mul3A_249 = arith.mulf %convert_element_type3A_44, %add3A_248 : vector<2048x16xf32>
    %reduce_sum3A_250 = arith.constant dense<0.000000e+00> : vector<2048xf32>
    %reduce_sum3A_251 = vector.multi_reduction <add>, %mul3A_249, %reduce_sum3A_250 [1] : vector<2048x16xf32> to vector<2048xf32>
    %convert_element_type3A_252 = arith.fptosi %reduce_sum3A_251 : vector<2048xf32> to vector<2048xi32>
    %swap3A_253 = arith.constant 0 : index
    %swap3A_254 = vector.load %arg2[%swap3A_253] : memref<2048xi32, #tpu.memory_space<vmem>>, vector<2048xi32>
    tpu.vector_store %arg2[%swap3A_253], %convert_element_type3A_252 {strides = array<i32>} : memref<2048xi32, #tpu.memory_space<vmem>>, vector<2048xi32>,
    %iota3A_255 = tpu.iota {dimensions = array<i32: 0>} : vector<32x16xi32>
    %sub3A_256 = arith.constant 1 : i32
    %sub3A_257 = arith.subi %reduce_sum3A_238, %sub3A_256 : i32
    %min3A = vector.broadcast %sub3A_257 : i32 to vector<32x16xi32>
    %min3A_258 = arith.minsi %iota3A_255, %min3A : vector<32x16xi32>
    %convert_element_type3A_259 = arith.fptosi %dot_general3A_231 : vector<1x16xf32> to vector<1x16xi32>
    %ge3A_260 = vector.broadcast %convert_element_type3A_259 : vector<1x16xi32> to vector<32x16xi32>
    %ge3A_261 = arith.cmpi sge, %min3A_258, %ge3A_260 : vector<32x16xi32>
    %convert_element_type3A_262 = arith.extui %ge3A_261 : vector<32x16xi1> to vector<32x16xi32>
    %convert_element_type3A_263 = arith.sitofp %convert_element_type3A_262 : vector<32x16xi32> to vector<32x16xf32>
    %reduce_sum3A_264 = arith.constant dense<0.000000e+00> : vector<32xf32>
    %reduce_sum3A_265 = vector.multi_reduction <add>, %convert_element_type3A_263, %reduce_sum3A_264 [1] : vector<32x16xf32> to vector<32xf32>
    %sub3A_266 = arith.constant 1.000000e+00 : f32
    %sub3A_267 = vector.broadcast %sub3A_266 : f32 to vector<32xf32>
    %sub3A_268 = arith.subf %reduce_sum3A_265, %sub3A_267 : vector<32xf32>
    %convert_element_type3A_269 = arith.fptosi %sub3A_268 : vector<32xf32> to vector<32xi32>
    %swap3A_270 = arith.constant 0 : index
    %swap3A_271 = vector.load %arg5[%swap3A_270] : memref<32xi32, #tpu.memory_space<vmem>>, vector<32xi32>
    tpu.vector_store %arg5[%swap3A_270], %convert_element_type3A_269 {strides = array<i32>} : memref<32xi32, #tpu.memory_space<vmem>>, vector<32xi32>,
    %swap3A_272 = arith.constant 0 : index
    %swap3A_273 = memref.load %arg6[%swap3A_272] : memref<1xi32, #tpu.memory_space<smem>>
    memref.store %reduce_sum3A_238, %arg6[%swap3A_272] : memref<1xi32, #tpu.memory_space<smem>>
    return
  }
}

module attributes {stable_mosaic.version = 14 : i64} {
  func.func @_gemm_body(%arg0: i32, %arg1: memref<32xi32, #tpu.memory_space<smem>>, %arg2: memref<1xi32, #tpu.memory_space<smem>>, %arg3: memref<384x768xf32, #tpu.memory_space<vmem>>, %arg4: memref<1x3072x768xf32, #tpu.memory_space<vmem>>, %arg5: memref<1x768x1536xf32, #tpu.memory_space<vmem>>, %arg6: memref<384x768xf32, #tpu.memory_space<vmem>>) attributes {dimension_semantics = [#tpu.dimension_semantics<arbitrary>], iteration_bounds = array<i64: 25>, scalar_prefetch = 2 : i64, scratch_operands = 0 : i64, tpu.core_type = #tpu.core_type<tc>, window_params = [{transform_indices = @transform_0, window_bounds = array<i64: 384, 768>}, {transform_indices = @transform_1, window_bounds = array<i64: 1, 3072, 768>}, {transform_indices = @transform_2, window_bounds = array<i64: 1, 768, 1536>}, {transform_indices = @transform_3, window_bounds = array<i64: 384, 768>}]} {
    %get3A = arith.constant 0 : index
    %get3A_0 = memref.load %arg2[%get3A] : memref<1xi32, #tpu.memory_space<smem>>
    %lt3A = arith.cmpi slt, %arg0, %get3A_0 : i32
    %convert_element_type3A = arith.extui %lt3A : i1 to i32
    %cond3A = arith.constant 0 : i32
    %cond3A_1 = arith.cmpi ne, %convert_element_type3A, %cond3A : i32
    scf.if %cond3A_1 {
      %get3A_2 = arith.constant 0 : index
      %get3A_3 = arith.constant 0 : index
      %get3A_4 = vector.load %arg3[%get3A_2, %get3A_3] : memref<384x768xf32, #tpu.memory_space<vmem>>, vector<384x768xf32>
      %get3A_5 = arith.constant 0 : index
      %get3A_6 = arith.constant 0 : index
      %get3A_7 = arith.constant 0 : index
      %get3A_8 = vector.load %arg4[%get3A_5, %get3A_6, %get3A_7] : memref<1x3072x768xf32, #tpu.memory_space<vmem>>, vector<1x3072x768xf32>
      %get3A_9 = vector.shape_cast %get3A_8 : vector<1x3072x768xf32> to vector<3072x768xf32>
      %dot_general3A = arith.constant dense<0.000000e+00> : vector<384x3072xf32>
      %dot_general3A_10 = tpu.matmul %get3A_4, %get3A_9, %dot_general3A {dimension_numbers = #tpu.dot_dimension_numbers<[1], [1], [0], [0], [0, 0, 1, 0], [], []>, transpose_lhs_hint = false} : vector<384x768xf32>, vector<3072x768xf32>, vector<384x3072xf32> -> vector<384x3072xf32>
      %slice3A = vector.extract_strided_slice %dot_general3A_10 {offsets = [0, 0], sizes = [384, 1536], strides = [1, 1]} : vector<384x3072xf32> to vector<384x1536xf32>
      %slice3A_11 = vector.extract_strided_slice %dot_general3A_10 {offsets = [0, 1536], sizes = [384, 1536], strides = [1, 1]} : vector<384x3072xf32> to vector<384x1536xf32>
      %logistic3A = arith.negf %slice3A : vector<384x1536xf32>
      %logistic3A_12 = math.exp %logistic3A : vector<384x1536xf32>
      %logistic3A_13 = arith.constant 1.000000e+00 : f32
      %logistic3A_14 = vector.broadcast %logistic3A_13 : f32 to vector<384x1536xf32>
      %logistic3A_15 = arith.addf %logistic3A_14, %logistic3A_12 : vector<384x1536xf32>
      %logistic3A_16 = arith.divf %logistic3A_14, %logistic3A_15 : vector<384x1536xf32>
      %mul3A = arith.mulf %slice3A, %logistic3A_16 : vector<384x1536xf32>
      %mul3A_17 = arith.mulf %mul3A, %slice3A_11 : vector<384x1536xf32>
      %get3A_18 = arith.constant 0 : index
      %get3A_19 = arith.constant 0 : index
      %get3A_20 = arith.constant 0 : index
      %get3A_21 = vector.load %arg5[%get3A_18, %get3A_19, %get3A_20] : memref<1x768x1536xf32, #tpu.memory_space<vmem>>, vector<1x768x1536xf32>
      %get3A_22 = vector.shape_cast %get3A_21 : vector<1x768x1536xf32> to vector<768x1536xf32>
      %dot_general3A_23 = arith.constant dense<0.000000e+00> : vector<384x768xf32>
      %dot_general3A_24 = tpu.matmul %mul3A_17, %get3A_22, %dot_general3A_23 {dimension_numbers = #tpu.dot_dimension_numbers<[1], [1], [0], [0], [0, 0, 1, 0], [], []>, transpose_lhs_hint = false} : vector<384x1536xf32>, vector<768x1536xf32>, vector<384x768xf32> -> vector<384x768xf32>
      %swap3A = arith.constant 0 : index
      %swap3A_25 = arith.constant 0 : index
      %swap3A_26 = vector.load %arg6[%swap3A, %swap3A_25] : memref<384x768xf32, #tpu.memory_space<vmem>>, vector<384x768xf32>
      tpu.vector_store %arg6[%swap3A, %swap3A_25], %dot_general3A_24 {strides = array<i32>} : memref<384x768xf32, #tpu.memory_space<vmem>>, vector<384x768xf32>,
    } else {
    }
    return
  }
  func.func @transform_0(%arg0: i32, %arg1: memref<32xi32, #tpu.memory_space<smem>>, %arg2: memref<1xi32, #tpu.memory_space<smem>>) -> (i32, i32) {
    %get3A = arith.constant 0 : index
    %get3A_0 = memref.load %arg2[%get3A] : memref<1xi32, #tpu.memory_space<smem>>
    %sub3A = arith.constant 1 : i32
    %sub3A_1 = arith.subi %get3A_0, %sub3A : i32
    %min3A = arith.minsi %arg0, %sub3A_1 : i32
    %c0_i32 = arith.constant 0 : i32
    %c0_i32_2 = arith.constant 0 : i32
    return %min3A, %c0_i32 : i32, i32
  }
  func.func @transform_1(%arg0: i32, %arg1: memref<32xi32, #tpu.memory_space<smem>>, %arg2: memref<1xi32, #tpu.memory_space<smem>>) -> (i32, i32, i32) {
    %get3A = arith.index_cast %arg0 : i32 to index
    %get3A_0 = memref.load %arg1[%get3A] : memref<32xi32, #tpu.memory_space<smem>>
    %c0_i32 = arith.constant 0 : i32
    %c0_i32_1 = arith.constant 0 : i32
    %c0_i32_2 = arith.constant 0 : i32
    return %get3A_0, %c0_i32, %c0_i32_1 : i32, i32, i32
  }
  func.func @transform_2(%arg0: i32, %arg1: memref<32xi32, #tpu.memory_space<smem>>, %arg2: memref<1xi32, #tpu.memory_space<smem>>) -> (i32, i32, i32) {
    %get3A = arith.index_cast %arg0 : i32 to index
    %get3A_0 = memref.load %arg1[%get3A] : memref<32xi32, #tpu.memory_space<smem>>
    %c0_i32 = arith.constant 0 : i32
    %c0_i32_1 = arith.constant 0 : i32
    %c0_i32_2 = arith.constant 0 : i32
    return %get3A_0, %c0_i32, %c0_i32_1 : i32, i32, i32
  }
  func.func @transform_3(%arg0: i32, %arg1: memref<32xi32, #tpu.memory_space<smem>>, %arg2: memref<1xi32, #tpu.memory_space<smem>>) -> (i32, i32) {
    %get3A = arith.constant 0 : index
    %get3A_0 = memref.load %arg2[%get3A] : memref<1xi32, #tpu.memory_space<smem>>
    %sub3A = arith.constant 1 : i32
    %sub3A_1 = arith.subi %get3A_0, %sub3A : i32
    %min3A = arith.minsi %arg0, %sub3A_1 : i32
    %c0_i32 = arith.constant 0 : i32
    %c0_i32_2 = arith.constant 0 : i32
    return %min3A, %c0_i32 : i32, i32
  }
}

</mosaic_0001>

<sc_bundles>
// kernel: kernel.6.cloned.1.call-start
scs
__scs_entry_jumppad:
0x0: {  	(pc) =	sbr.rel $0x88, $3  }
0x1: {  	(tag) =	ssettag $0x0;
	lr =	simm.s32 $0x1  }
0x2: {  	[smem:$0x3F9D] =	sst lr;
	_ =	strace $0xD0000000  }
0x3: {  	_ = 	snop  }
0x4: {  	_ = 	snop  }
0x5: {  	_ = 	snop  }
0x6: {  	_ = 	snop  }
0x7: {  	_ = 	snop  }
__scs_overlays_trampoline_lowered:
0x8: {  	[smem:$0x3FAC] =	sst s0  }
0x9: {  	[smem:$0x3FAD] =	sst s1  }
0xa: {  	[smem:$0x3FAE] =	sst s2  }
0xb: {  	[smem:$0x3FAF] =	sst s3  }
0xc: {  	[smem:$0x3FB0] =	sst s4  }
0xd: {  	[smem:$0x3FB1] =	sst s5  }
0xe: {  	[smem:$0x3FB2] =	sst s6  }
0xf: {  	[smem:$0x3FB3] =	sst s7  }
0x10: {  	[smem:$0x3FB4] =	sst s8  }
0x11: {  	[smem:$0x3FB5] =	sst s9;
	s0 =	simm.s32 @!p0 $0x0  }
0x12: {  	s1 =	sld [smem:$0x3F9B];
	s0 =	simm.s32 @p0 $0x1  }
0x13: {  	[smem:$0x3FB6] =	sst s0;
	s0 =	simm.s32 @!p1 $0x0  }
0x14: {  	s2 =	sld [smem:$0x3F9A];
	s0 =	simm.s32 @p1 $0x1  }
0x15: {  	[smem:$0x3FB7] =	sst s0;
	s0 =	simm.s32 @!p2 $0x0  }
0x16: {  	s3 =	sld [smem:$0x3FDB];
	s0 =	simm.s32 @p2 $0x1  }
0x17: {  	s4 =	simm.s32 $0x1BF5;
	[smem:$0x3FB9] =	sst s0  }
0x18: {  	s0 =	sld [smem:$0x3F9C];
	_ =	swait.ge [sflag:s4], $0x0  }
0x19: {  	s7 =	sld [smem:$0x3F9D]  }
0x1a: {  	s8 =	sadd.s32 $0xFFFFE003, lr  }
0x1b: {  	s9 =	sadd.s32 $0xFFFFFEF7, lr;
	s5 =	simm.s32 $0xFFFFFFFF;
	p2 =	slt.u32 s8, $0xFFFFF086  }
0x1c: {  	p1 =	slt.u32 s9, $0xF7A;
	s5 =	simm.s32 @!p2 $0x0  }
0x1d: {  	s5 =	simm.s32 @p1 $0x1;
	p0 =	seq.s32 s7, s2  }
0x1e: {  	s7 =	smul.u32 @!p0 $0xF7A, s2;
	p2 =	seq.s32 @!p0 s5, $0x0  }
0x1f: {  	s9 =	smul.u32 $0xF7A, s1;
	s8 =	simm.s32 @!p0 $0x1BF5;
	p2 =	por !p2, p0  }
0x20: {  	[sflag:s8] =	ssyncset.s32 @!p0 $0xFFFFF086;
	s6 =	sadd.s32 @!p0 s3, s7;
	s7 =	simm.s32 @!p0 $0x108  }
0x21: {  	s3 =	sadd.s32 s3, s9;
	s6 =	sadd.s32 @!p0 $0x88, s6;
	s7 =	simm.s32 @p2 $0x1082  }
0x22: {  	[simem:s7], [sflag:s8] =	dma.local @!p0 [hbm:s6], $0xF7A  }
0x23: {  	s9 =	sor.u32 $0xD0000000, s2;
	s6 =	simm.s32 $0x108;
	_ =	swait.ge @!p0 [sflag:s8], $0x0  }
0x24: {  	s3 =	sadd.s32 $0x88, s3;
	s6 =	simm.s32 @!p1 $0x1082;
	[sflag:s4] =	ssyncset.s32 $0xFFFFF086  }
0x25: {  	[simem:s6], [sflag:s4] =	dma.local [hbm:s3], $0xF7A  }
0x26: {  	[smem:$0x3F9D] =	sst s1;
	(tag) =	ssettag s2;
	_ =	strace s9  }
0x27: {  	s1 =	sld [smem:$0x3FAD]  }
0x28: {  	s2 =	sld [smem:$0x3FAE]  }
0x29: {  	s4 =	sld [smem:$0x3FB0]  }
0x2a: {  	p0 =	seq.s32 s5, $0x0;
	s5 =	sld [smem:$0x3FB1]  }
0x2b: {  	s6 =	sld [smem:$0x3FB2]  }
0x2c: {  	s7 =	sld [smem:$0x3FB3]  }
0x2d: {  	s3 =	simm.s32 $0x108;
	s8 =	sld [smem:$0x3FB4]  }
0x2e: {  	s3 =	simm.s32 @!p0 $0x1082;
	s9 =	sld [smem:$0x3FB5]  }
0x2f: {  	lr =	sadd.s32 s0, s3;
	s0 =	sld [smem:$0x3FAC]  }
0x30: {  	s3 =	sld [smem:$0x3FAF]  }
0x31: {  	[smem:$0x3FB8] =	sst s10  }
0x32: {  	s10 =	sld [smem:$0x3FB6];
	_ =	sdelay $0x3  }
0x33: {  	p0 =	seq.s32 s10, $0x1;
	s10 =	sld [smem:$0x3FB8];
	_ =	sdelay $0x3  }
0x34: {  	[smem:$0x3FB8] =	sst s10  }
0x35: {  	s10 =	sld [smem:$0x3FB7];
	_ =	sdelay $0x3  }
0x36: {  	p1 =	seq.s32 s10, $0x1;
	s10 =	sld [smem:$0x3FB8];
	_ =	sdelay $0x3  }
0x37: {  	[smem:$0x3FB8] =	sst s10  }
0x38: {  	s10 =	sld [smem:$0x3FB9]  }
0x39: {  	_ = 	snop;
	(pc) =	sbr.ind lr, $3  }
0x3a: {  	_ = 	snop  }
0x3b: {  	_ = 	snop  }
0x3c: {  	p2 =	seq.s32 s10, $0x1;
	s10 =	sld [smem:$0x3FB8]  }
0x3d: {  	_ =	shalt  }
0x3e: {  	_ =	shalt  }
0x3f: {  	_ =	shalt  }
0x40: {  	_ =	shalt  }
0x41: {  	_ =	shalt  }
0x42: {  	_ =	shalt  }
0x43: {  	_ =	shalt  }
0x44: {  	_ =	shalt  }
0x45: {  	_ =	shalt  }
0x46: {  	_ =	shalt  }
0x47: {  	_ =	shalt  }
0x48: {  	_ =	shalt  }
0x49: {  	_ =	shalt  }
0x4a: {  	_ =	shalt  }
0x4b: {  	_ =	shalt  }
0x4c: {  	_ =	shalt  }
0x4d: {  	_ =	shalt  }
0x4e: {  	_ =	shalt  }
0x4f: {  	_ =	shalt  }
0x50: {  	_ =	shalt  }
0x51: {  	_ =	shalt  }
0x52: {  	_ =	shalt  }
0x53: {  	_ =	shalt  }
0x54: {  	_ =	shalt  }
0x55: {  	_ =	shalt  }
0x56: {  	_ =	shalt  }
0x57: {  	_ =	shalt  }
0x58: {  	_ =	shalt  }
0x59: {  	_ =	shalt  }
0x5a: {  	_ =	shalt  }
0x5b: {  	_ =	shalt  }
0x5c: {  	_ =	shalt  }
0x5d: {  	_ =	shalt  }
0x5e: {  	_ =	shalt  }
0x5f: {  	_ =	shalt  }
0x60: {  	_ =	shalt  }
0x61: {  	_ =	shalt  }
0x62: {  	_ =	shalt  }
0x63: {  	_ =	shalt  }
0x64: {  	_ =	shalt  }
0x65: {  	_ =	shalt  }
0x66: {  	_ =	shalt  }
0x67: {  	_ =	shalt  }
0x68: {  	_ =	shalt  }
0x69: {  	_ =	shalt  }
0x6a: {  	_ =	shalt  }
0x6b: {  	_ =	shalt  }
0x6c: {  	_ =	shalt  }
0x6d: {  	_ =	shalt  }
0x6e: {  	_ =	shalt  }
0x6f: {  	_ =	shalt  }
0x70: {  	_ =	shalt  }
0x71: {  	_ =	shalt  }
0x72: {  	_ =	shalt  }
0x73: {  	_ =	shalt  }
0x74: {  	_ =	shalt  }
0x75: {  	_ =	shalt  }
0x76: {  	_ =	shalt  }
0x77: {  	_ =	shalt  }
0x78: {  	_ =	shalt  }
0x79: {  	_ =	shalt  }
0x7a: {  	_ =	shalt  }
0x7b: {  	_ =	shalt  }
0x7c: {  	_ =	shalt  }
0x7d: {  	_ =	shalt  }
0x7e: {  	_ =	shalt  }
0x7f: {  	_ =	shalt  }
0x80: {  	_ =	shalt  }
0x81: {  	_ =	shalt  }
0x82: {  	_ =	shalt  }
0x83: {  	_ =	shalt  }
0x84: {  	_ =	shalt  }
0x85: {  	_ =	shalt  }
0x86: {  	_ =	shalt  }
0x87: {  	_ =	shalt  }
.Lfunc_end0:
.L_simem_size_0:
called_computation_lowered:
.L_overlay_start_0:
0x88: {  	s2 =	sld [smem:$0x3FD9]  }
0x89: {  	s3 =	sld [smem:$0x3FFE];
	_ =	sdelay $0x1  }
0x8a: {  	s1 =	srdreg.scid  }
0x8b: {  	s0 =	sand.u32 $0x1, s1  }
0x8c: {  	s17 =	sshll.u32 s0, $0xA;
	s2 =	sadd.s32 s3, s2  }
0x8d: {  	s2 =	sadd.s32 s2, s17  }
0x8e: {  	[smem:$0x3FC4] =	sst s2  }
0x8f: {  	_ = 	snop  }
0x90: {  	s2 =	sld [smem:$0x3FC9];
	(tm) =	ssettm $0x1  }
0x91: {  	s18 =	sld [smem:$0x3FFB];
	_ =	sdelay $0x3  }
0x92: {  	_ =	strace s18  }
0x93: {  	s3 =	sld [smem:$0x3FFC];
	_ =	sdelay $0x3  }
0x94: {  	_ =	strace s3  }
0x95: {  	s3 =	sld [smem:$0x3FFD];
	_ =	sdelay $0x3  }
0x96: {  	_ =	strace s3  }
0x97: {  	_ =	strace $0x8FFFFFFF  }
0x98: {  	s19 =	sld [smem:$0x3FDB];
	_ =	sdelay $0x1  }
0x99: {  	s4 =	simm.s32 $_scs_section_size  }
0x9a: {  	s5 =	simm.s32 $_size__tile_overlayer_lowered;
	s6 =	simm.s32 $_tile_overlayer_lowered  }
0x9b: {  	s22 =	simm.s32 $0x1BFF;
	s21 =	sshll.u32 s6, $0x1;
	s3 =	sadd.s32 s4, s19  }
0x9c: {  	s7 =	simm.s32 $0x0;
	s20 =	sshll.u32 s5, $0x1;
	s5 =	sadd.s32 s21, s3  }
0x9d: {  	[timem:s7], [sflag:s22] =	dma.local [hbm:s5], s20  }
0x9e: {  	_ =	swait.ge [sflag:s22], s20  }
0x9f: {  	s4 =	ssub.s32 $0x0, s20;
	[sflag:s22] =	ssyncset.done $0x0  }
0xa0: {  	[sflag:s22] =	ssyncadd.s32 s4;
	_ =	sdelay $0x1  }
0xa1: {  	s23 =	simm.s32 $0x1B8B  }
0xa2: {  	_ =	swait.ge [sflag:s23], $0x1  }
0xa3: {  	[sflag:s23] =	ssyncset.done $0x0  }
0xa4: {  	s25 =	simm.s32 $0x1B8E;
	s24 =	sld [smem:$0x3FFE];
	[sflag:s23] =	ssyncadd.s32 $0xFFFFFFFF  }
0xa5: {  	s26 =	simm.s32 $execute0_lowered;
	[smem:$0x3FD2] =	sst s25  }
0xa6: {  	s5 =	sshll.u32 s26, $0x1;
	_ =	strace $0x80000046;
	[dreg:$0x1] =	wrdreg $0xFFFFFFFF  }
0xa7: {  	s28 =	simm.s32 $_size_execute0_lowered;
	s3 =	sadd.s32 s3, s5;
	[dreg:$0x0] =	wrdreg $0x0  }
0xa8: {  	s5 =	sshll.u32 s28, $0x1;
	[dreg:$0x2] =	wrdreg s3  }
0xa9: {  	[dreg:$0x3] =	wrdreg s5  }
0xaa: {  	[dreg:$0x4] =	wrdreg $0xC0  }
0xab: {  	_ =	task [dreg:s7], $0x5FFFF  }
0xac: {  	[dreg:$0x1] =	wrdreg $0xFFFFFFFF  }
0xad: {  	[dreg:$0x0] =	wrdreg $0x60  }
0xae: {  	[dreg:$0x2] =	wrdreg s2  }
0xaf: {  	[dreg:$0x3] =	wrdreg s24  }
0xb0: {  	[dreg:$0x4] =	wrdreg $0x9  }
0xb1: {  	_ =	task.clear_ibuf [dreg:s7], $0x5FFFF;
	_ =	strace $0x90000046  }
0xb2: {  	s29 =	simm.s32 $0x9;
	_ =	strace $0x80000048  }
0xb3: {  	_ =	swait.ge [sflag:s29], $0x1  }
0xb4: {  	[sflag:s29] =	ssyncadd.s32 $0xFFFFFFFF  }
0xb5: {  	_ =	strace $0x90000048  }
0xb6: {  	_ =	sfence  }
0xb7: {  	s30 =	sld [smem:$0x0];
	_ =	sdelay $0x2  }
0xb8: {  	s31 =	sshll.u32 s1, $0xD;
	s1 =	sshrl.u32 s1, $0x2  }
0xb9: {  	s3 =	sand.u32 $0x4000, s31;
	s1 =	sadd.s32 s1, s30  }
0xba: {  	s0 =	sor.u32 s3, s0;
	s1 =	sshll.u32 s1, $0x11  }
0xbb: {  	s0 =	sor.u32 s1, s0  }
0xbc: {  	s0 =	sadd.s32 $0x8F2B, s0  }
0xbd: {  	[sflag:s0] =	ssyncadd.remote.s32 $0x1  }
0xbe: {  	_ =	sfence.sel $0xFFFF  }
0xbf: {  	[dreg:$0x0] =	wrdreg $0xFFFFFFFF;
	(pc) =	sbr.abs _section_cstart, $3  }
0xc0: {  	[dreg:$0x1] =	wrdreg $0xFFFFFFFF  }
0xc1: {  	_ =	task.clear_ibuf [dreg:s7], $0x2FFFF;
	_ =	strace $0x9FFFFFFF  }
0xc2: {  	(tm) =	ssettm $0x7FFFFFFF  }
0xc3: {  	_ =	shalt  }
tec
execute0_lowered:
.L_overlay_start_1:
0x0: {  	(tag) =	ssettag $0x1  }
0x1: {  	s0 =	srdreg.scid;
	s1 =	rddreg [dreg:$0x0]  }
0x2: {  	s3 =	stileid.u32;
	s5 =	rddreg [dreg:$0x1];
	s24 =	simm.s32 $0x100  }
0x3: {  	s25 =	simm.s32 $0x80;
	s26 =	simm.s32 $0x180;
	s9 =	simm.s32 $0x4  }
0x4: {  	s10 =	simm.s32 $0x1;
	s28 =	simm.s32 $0x9200;
	s29 =	simm.s32 $0x9A00  }
0x5: {  	s30 =	simm.s32 $0xA200;
	s31 =	simm.s32 $0xAA00;
	s11 =	simm.s32 $0x2  }
0x6: {  	s12 =	simm.s32 $0x3;
	s15 =	simm.s32 $0x1A00;
	s16 =	simm.s32 $0x2200  }
0x7: {  	s17 =	simm.s32 $0x2A00;
	s0 =	sand.u32 $0x1, s0;
	s3 =	sshll.u32 s3, $0x3  }
0x8: {  	s8 =	sadd.s32 $0x1400, s5;
	s18 =	sadd.s32 $0x1600, s5;
	s2 =	sshll.u32 s0, $0x7  }
0x9: {  	s0 =	ssub.s32 $0x2, s0;
	s4 =	sor.u32 s3, s2;
	s2 =	simm.s32 $0x0  }
0xa: {  	s22 =	sshrl.u32 s0, $0x1;
	s3 =	smul.u32 $0x300, s4;
	s6 =	sor.u32 $0x4, s4  }
0xb: {  	[smem:$0x7FF] =	sst s2;
	s19 =	sadd.s32 s8, s4;
	s20 =	sadd.s32 s18, s4  }
0xc: {  	s0 =	ssub.s32 s0, s22;
	_ =	strace $0x80000047;
	[dreg:$0x5] =	wrdreg s19  }
0xd: {  	s4 =	sadd.s32 $0x11B00, s5;
	s22 =	simm.s32 $0x5200;
	[dreg:$0x6] =	wrdreg s20  }
0xe: {  	s7 =	smul.u32 $0x300, s6;
	s21 =	sadd.s32 s8, s6;
	[dreg:$0x9] =	wrdreg s24  }
0xf: {  	s23 =	sadd.s32 s18, s6;
	s6 =	smax.u32 s0, $0x1;
	[dreg:$0xa] =	wrdreg s25  }
0x10: {  	s8 =	simm.s32 $0x6200;
	[dreg:$0xb] =	wrdreg s26;
	s24 =	simm.s32 $0x7A00  }
0x11: {  	s25 =	simm.s32 $0x8200;
	s26 =	simm.s32 $0x8A00;
	s0 =	simm.s32 $0xBA00  }
0x12: {  	s18 =	simm.s32 $0x3200;
	s19 =	simm.s32 $0x3A00;
	[dreg:$0x7] =	wrdreg s21  }
0x13: {  	s20 =	simm.s32 $0x4200;
	s3 =	sadd.s32 s1, s3;
	[dreg:$0x8] =	wrdreg s23  }
0x14: {  	v2 =	vlaneseq.u32;
	s21 =	simm.s32 $0x4A00;
	s23 =	simm.s32 $0x5A00;
	[dreg:$0x3] =	wrdreg s3  }
0x15: {  	vm0 =	vmmov $0xffff;
	v1 =	vshrl.u32 v2, $0x3;
	s1 =	sadd.s32 s1, s7;
	s3 =	sadd.s32 $0x11A00, s5;
	s5 =	sadd.s32 $0x11C00, s5  }
0x16: {  	v0 =	vand.u32 $0x7, v2;
	v2 =	vor.u32 $0x8, v2;
	v1 =	vmul.u32 $0x8, v1;
	s7 =	simm.s32 $0x200;
	[dreg:$0x4] =	wrdreg s1;
	s1 =	simm.s32 $0xB200  }
.LBB2_1:
0x17: {  	s13 =	rddreg [dreg:$0x3]  }
0x18: {  	[tilespmem:s7], [sflag:$0x1] =	stream.linear.gather [hbm4b:s13+s2], $0x6000, $0x38;
	[tilespmem:$0xC200] =	vst v63  }
0x19: {  	s14 =	rddreg [dreg:$0x4]  }
0x1a: {  	[tilespmem:s8], [sflag:$0x1] =	stream.linear.gather [hbm4b:s14+s2], $0x6000, $0x38;
	[tilespmem:$0xC200] =	vst v63  }
0x1b: {  	s13 =	rddreg [dreg:$0x5]  }
0x1c: {  	[tilespmem:s2], [sflag:$0x4] =	stream.linear.gather [hbm4b:s13+s2], $0x20, $0x38;
	[tilespmem:$0xC200] =	vst v63  }
0x1d: {  	_ =	swait.ge [sflag:s9], $0x20  }
0x1e: {  	s13 =	rddreg [dreg:$0x6];
	[sflag:s9] =	ssyncset.done $0x0  }
0x1f: {  	s14 =	rddreg [dreg:$0x9];
	[sflag:s9] =	ssyncadd.s32 $0xFFFFFFE0  }
0x20: {  	[tilespmem:s14], [sflag:$0x4] =	stream.linear.gather [hbm4b:s13+s2], $0x20, $0x38;
	[tilespmem:$0xC200] =	vst v63  }
0x21: {  	_ =	swait.ge [sflag:s9], $0x20  }
0x22: {  	s13 =	rddreg [dreg:$0x7];
	[sflag:s9] =	ssyncset.done $0x0  }
0x23: {  	s14 =	rddreg [dreg:$0xa];
	[sflag:s9] =	ssyncadd.s32 $0xFFFFFFE0  }
0x24: {  	[tilespmem:s14], [sflag:$0x4] =	stream.linear.gather [hbm4b:s13+s2], $0x20, $0x38;
	[tilespmem:$0xC200] =	vst v63  }
0x25: {  	_ =	swait.ge [sflag:s9], $0x20  }
0x26: {  	s13 =	rddreg [dreg:$0x8];
	[sflag:s9] =	ssyncset.done $0x0  }
0x27: {  	s14 =	rddreg [dreg:$0xb];
	[sflag:s9] =	ssyncadd.s32 $0xFFFFFFE0  }
0x28: {  	[tilespmem:s14], [sflag:$0x4] =	stream.linear.gather [hbm4b:s13+s2], $0x20, $0x38;
	[tilespmem:$0xC200] =	vst v63  }
0x29: {  	_ =	swait.ge [sflag:s9], $0x20  }
0x2a: {  	[sflag:s9] =	ssyncset.done $0x0  }
0x2b: {  	[sflag:s9] =	ssyncadd.s32 $0xFFFFFFE0  }
0x2c: {  	_ =	swait.ge [sflag:s10], $0x6000  }
0x2d: {  	[sflag:s10] =	ssyncset.done $0x0  }
0x2e: {  	[sflag:s10] =	ssyncadd.s32 $0xFFFFA000  }
0x2f: {  	v3 =	vld [tilespmem:$0x0];
	_ =	sdelay $0x4  }
0x30: {  	v4 =	vshrl.u32 v3, $0x3  }
0x31: {  	v4 =	vmul.u32 $0x30, v4  }
0x32: {  	v3 =	vand.u32 $0x7, v3  }
0x33: {  	v3 =	vor.u32 v3, v4  }
0x34: {  	v4 =	vperm.xlane v3, v0;
	_ =	sdelay $0x1  }
0x35: {  	v4 =	vadd.s32 v1, v4;
	_ =	sdelay $0x3  }
0x36: {  	v3 =	vperm.xlane v3, v2  }
0x37: {  	[hbm4b:s3+s2] =	stream.indirect_vreg.scatter [tilespmem:s7], [sflag:$0x2], $0x80, v4, vm0, $0xb8;
	[tilespmem:$0xC200] =	vst v63  }
0x38: {  	s13 =	simm.s32 $0xA00;
	v3 =	vadd.s32 v1, v3  }
0x39: {  	[hbm4b:s4+s2] =	stream.indirect_vreg.scatter [tilespmem:s13], [sflag:$0x2], $0x80, v4, vm0, $0xb8;
	[tilespmem:$0xC200] =	vst v63  }
0x3a: {  	s14 =	simm.s32 $0x1200  }
0x3b: {  	[hbm4b:s5+s2] =	stream.indirect_vreg.scatter [tilespmem:s14], [sflag:$0x2], $0x80, v4, vm0, $0xb8;
	[tilespmem:$0xC200] =	vst v63  }
0x3c: {  	_ = 	snop  }
0x3d: {  	[hbm4b:s3+s2] =	stream.indirect_vreg.scatter [tilespmem:s15], [sflag:$0x2], $0x80, v3, vm0, $0xb8;
	[tilespmem:$0xC200] =	vst v63  }
0x3e: {  	_ = 	snop  }
0x3f: {  	[hbm4b:s4+s2] =	stream.indirect_vreg.scatter [tilespmem:s16], [sflag:$0x2], $0x80, v3, vm0, $0xb8;
	[tilespmem:$0xC200] =	vst v63  }
0x40: {  	_ = 	snop  }
0x41: {  	[hbm4b:s5+s2] =	stream.indirect_vreg.scatter [tilespmem:s17], [sflag:$0x2], $0x80, v3, vm0, $0xb8;
	[tilespmem:$0xC200] =	vst v63  }
0x42: {  	v3 =	vld [tilespmem:$0x10];
	_ =	sdelay $0x4  }
0x43: {  	v57 =	vshrl.u32 v3, $0x3  }
0x44: {  	v4 =	vmul.u32 $0x30, v57  }
0x45: {  	v3 =	vand.u32 $0x7, v3  }
0x46: {  	v3 =	vor.u32 v3, v4  }
0x47: {  	v4 =	vperm.xlane v3, v0;
	_ =	sdelay $0x1  }
0x48: {  	v4 =	vadd.s32 v1, v4;
	_ =	sdelay $0x3  }
0x49: {  	v3 =	vperm.xlane v3, v2  }
0x4a: {  	[hbm4b:s3+s2] =	stream.indirect_vreg.scatter [tilespmem:s18], [sflag:$0x2], $0x80, v4, vm0, $0xb8;
	[tilespmem:$0xC200] =	vst v63  }
0x4b: {  	v3 =	vadd.s32 v1, v3  }
0x4c: {  	[hbm4b:s4+s2] =	stream.indirect_vreg.scatter [tilespmem:s19], [sflag:$0x2], $0x80, v4, vm0, $0xb8;
	[tilespmem:$0xC200] =	vst v63  }
0x4d: {  	_ = 	snop  }
0x4e: {  	[hbm4b:s5+s2] =	stream.indirect_vreg.scatter [tilespmem:s20], [sflag:$0x2], $0x80, v4, vm0, $0xb8;
	[tilespmem:$0xC200] =	vst v63  }
0x4f: {  	_ = 	snop  }
0x50: {  	[hbm4b:s3+s2] =	stream.indirect_vreg.scatter [tilespmem:s21], [sflag:$0x2], $0x80, v3, vm0, $0xb8;
	[tilespmem:$0xC200] =	vst v63  }
0x51: {  	_ = 	snop  }
0x52: {  	[hbm4b:s4+s2] =	stream.indirect_vreg.scatter [tilespmem:s22], [sflag:$0x2], $0x80, v3, vm0, $0xb8;
	[tilespmem:$0xC200] =	vst v63  }
0x53: {  	_ = 	snop  }
0x54: {  	[hbm4b:s5+s2] =	stream.indirect_vreg.scatter [tilespmem:s23], [sflag:$0x2], $0x80, v3, vm0, $0xb8;
	[tilespmem:$0xC200] =	vst v63  }
0x55: {  	v3 =	vld [tilespmem:$0x100];
	_ =	sdelay $0x4  }
0x56: {  	v58 =	vshrl.u32 v3, $0x3  }
0x57: {  	v4 =	vmul.u32 $0x30, v58  }
0x58: {  	v3 =	vand.u32 $0x7, v3  }
0x59: {  	v3 =	vor.u32 v3, v4  }
0x5a: {  	v4 =	vperm.xlane v3, v0;
	_ =	sdelay $0x1  }
0x5b: {  	v4 =	vadd.s32 v1, v4;
	_ =	sdelay $0x3  }
0x5c: {  	v3 =	vperm.xlane v3, v2  }
0x5d: {  	[hbm4b:s3+s2] =	stream.indirect_vreg.scatter [tilespmem:s7], [sflag:$0x3], $0x80, v4, vm0, $0xb8;
	[tilespmem:$0xC200] =	vst v63  }
0x5e: {  	v3 =	vadd.s32 v1, v3  }
0x5f: {  	[hbm4b:s4+s2] =	stream.indirect_vreg.scatter [tilespmem:s13], [sflag:$0x3], $0x80, v4, vm0, $0xb8;
	[tilespmem:$0xC200] =	vst v63  }
0x60: {  	_ = 	snop  }
0x61: {  	[hbm4b:s5+s2] =	stream.indirect_vreg.scatter [tilespmem:s14], [sflag:$0x3], $0x80, v4, vm0, $0xb8;
	[tilespmem:$0xC200] =	vst v63  }
0x62: {  	_ = 	snop  }
0x63: {  	[hbm4b:s3+s2] =	stream.indirect_vreg.scatter [tilespmem:s15], [sflag:$0x3], $0x80, v3, vm0, $0xb8;
	[tilespmem:$0xC200] =	vst v63  }
0x64: {  	_ = 	snop  }
0x65: {  	[hbm4b:s4+s2] =	stream.indirect_vreg.scatter [tilespmem:s16], [sflag:$0x3], $0x80, v3, vm0, $0xb8;
	[tilespmem:$0xC200] =	vst v63  }
0x66: {  	_ = 	snop  }
0x67: {  	[hbm4b:s5+s2] =	stream.indirect_vreg.scatter [tilespmem:s17], [sflag:$0x3], $0x80, v3, vm0, $0xb8;
	[tilespmem:$0xC200] =	vst v63  }
0x68: {  	v3 =	vld [tilespmem:$0x110];
	_ =	sdelay $0x4  }
0x69: {  	v59 =	vshrl.u32 v3, $0x3  }
0x6a: {  	v4 =	vmul.u32 $0x30, v59  }
0x6b: {  	v3 =	vand.u32 $0x7, v3  }
0x6c: {  	v3 =	vor.u32 v3, v4  }
0x6d: {  	v4 =	vperm.xlane v3, v0;
	_ =	sdelay $0x1  }
0x6e: {  	v4 =	vadd.s32 v1, v4;
	_ =	sdelay $0x3  }
0x6f: {  	v3 =	vperm.xlane v3, v2  }
0x70: {  	[hbm4b:s3+s2] =	stream.indirect_vreg.scatter [tilespmem:s18], [sflag:$0x3], $0x80, v4, vm0, $0xb8;
	[tilespmem:$0xC200] =	vst v63  }
0x71: {  	v3 =	vadd.s32 v1, v3  }
0x72: {  	[hbm4b:s4+s2] =	stream.indirect_vreg.scatter [tilespmem:s19], [sflag:$0x3], $0x80, v4, vm0, $0xb8;
	[tilespmem:$0xC200] =	vst v63  }
0x73: {  	_ = 	snop  }
0x74: {  	[hbm4b:s5+s2] =	stream.indirect_vreg.scatter [tilespmem:s20], [sflag:$0x3], $0x80, v4, vm0, $0xb8;
	[tilespmem:$0xC200] =	vst v63  }
0x75: {  	_ = 	snop  }
0x76: {  	[hbm4b:s3+s2] =	stream.indirect_vreg.scatter [tilespmem:s21], [sflag:$0x3], $0x80, v3, vm0, $0xb8;
	[tilespmem:$0xC200] =	vst v63  }
0x77: {  	_ = 	snop  }
0x78: {  	[hbm4b:s4+s2] =	stream.indirect_vreg.scatter [tilespmem:s22], [sflag:$0x3], $0x80, v3, vm0, $0xb8;
	[tilespmem:$0xC200] =	vst v63  }
0x79: {  	_ = 	snop  }
0x7a: {  	[hbm4b:s5+s2] =	stream.indirect_vreg.scatter [tilespmem:s23], [sflag:$0x3], $0x80, v3, vm0, $0xb8;
	[tilespmem:$0xC200] =	vst v63  }
0x7b: {  	_ =	swait.ge [sflag:s10], $0x6000  }
0x7c: {  	[sflag:s10] =	ssyncset.done $0x0  }
0x7d: {  	[sflag:s10] =	ssyncadd.s32 $0xFFFFA000  }
0x7e: {  	v3 =	vld [tilespmem:$0x80];
	_ =	sdelay $0x4  }
0x7f: {  	v60 =	vshrl.u32 v3, $0x3  }
0x80: {  	v4 =	vmul.u32 $0x30, v60  }
0x81: {  	v3 =	vand.u32 $0x7, v3  }
0x82: {  	v3 =	vor.u32 v3, v4  }
0x83: {  	v4 =	vperm.xlane v3, v0;
	_ =	sdelay $0x1  }
0x84: {  	v4 =	vadd.s32 v1, v4;
	_ =	sdelay $0x3  }
0x85: {  	v3 =	vperm.xlane v3, v2  }
0x86: {  	[hbm4b:s3+s2] =	stream.indirect_vreg.scatter [tilespmem:s8], [sflag:$0x2], $0x80, v4, vm0, $0xb8;
	[tilespmem:$0xC200] =	vst v63  }
0x87: {  	s13 =	simm.s32 $0x6A00;
	v3 =	vadd.s32 v1, v3  }
0x88: {  	[hbm4b:s4+s2] =	stream.indirect_vreg.scatter [tilespmem:s13], [sflag:$0x2], $0x80, v4, vm0, $0xb8;
	[tilespmem:$0xC200] =	vst v63  }
0x89: {  	s14 =	simm.s32 $0x7200  }
0x8a: {  	[hbm4b:s5+s2] =	stream.indirect_vreg.scatter [tilespmem:s14], [sflag:$0x2], $0x80, v4, vm0, $0xb8;
	[tilespmem:$0xC200] =	vst v63  }
0x8b: {  	_ = 	snop  }
0x8c: {  	[hbm4b:s3+s2] =	stream.indirect_vreg.scatter [tilespmem:s24], [sflag:$0x2], $0x80, v3, vm0, $0xb8;
	[tilespmem:$0xC200] =	vst v63  }
0x8d: {  	_ = 	snop  }
0x8e: {  	[hbm4b:s4+s2] =	stream.indirect_vreg.scatter [tilespmem:s25], [sflag:$0x2], $0x80, v3, vm0, $0xb8;
	[tilespmem:$0xC200] =	vst v63  }
0x8f: {  	_ = 	snop  }
0x90: {  	[hbm4b:s5+s2] =	stream.indirect_vreg.scatter [tilespmem:s26], [sflag:$0x2], $0x80, v3, vm0, $0xb8;
	[tilespmem:$0xC200] =	vst v63  }
0x91: {  	v3 =	vld [tilespmem:$0x90];
	_ =	sdelay $0x4  }
0x92: {  	v61 =	vshrl.u32 v3, $0x3  }
0x93: {  	v4 =	vmul.u32 $0x30, v61  }
0x94: {  	v3 =	vand.u32 $0x7, v3  }
0x95: {  	v3 =	vor.u32 v3, v4  }
0x96: {  	v4 =	vperm.xlane v3, v0;
	_ =	sdelay $0x1  }
0x97: {  	v4 =	vadd.s32 v1, v4;
	_ =	sdelay $0x3  }
0x98: {  	v3 =	vperm.xlane v3, v2  }
0x99: {  	[hbm4b:s3+s2] =	stream.indirect_vreg.scatter [tilespmem:s28], [sflag:$0x2], $0x80, v4, vm0, $0xb8;
	[tilespmem:$0xC200] =	vst v63  }
0x9a: {  	v3 =	vadd.s32 v1, v3  }
0x9b: {  	[hbm4b:s4+s2] =	stream.indirect_vreg.scatter [tilespmem:s29], [sflag:$0x2], $0x80, v4, vm0, $0xb8;
	[tilespmem:$0xC200] =	vst v63  }
0x9c: {  	_ = 	snop  }
0x9d: {  	[hbm4b:s5+s2] =	stream.indirect_vreg.scatter [tilespmem:s30], [sflag:$0x2], $0x80, v4, vm0, $0xb8;
	[tilespmem:$0xC200] =	vst v63  }
0x9e: {  	_ = 	snop  }
0x9f: {  	[hbm4b:s3+s2] =	stream.indirect_vreg.scatter [tilespmem:s31], [sflag:$0x2], $0x80, v3, vm0, $0xb8;
	[tilespmem:$0xC200] =	vst v63  }
0xa0: {  	_ = 	snop  }
0xa1: {  	[hbm4b:s4+s2] =	stream.indirect_vreg.scatter [tilespmem:s1], [sflag:$0x2], $0x80, v3, vm0, $0xb8;
	[tilespmem:$0xC200] =	vst v63  }
0xa2: {  	_ = 	snop  }
0xa3: {  	[hbm4b:s5+s2] =	stream.indirect_vreg.scatter [tilespmem:s0], [sflag:$0x2], $0x80, v3, vm0, $0xb8;
	[tilespmem:$0xC200] =	vst v63  }
0xa4: {  	v3 =	vld [tilespmem:$0x180];
	_ =	sdelay $0x4  }
0xa5: {  	v62 =	vshrl.u32 v3, $0x3  }
0xa6: {  	v4 =	vmul.u32 $0x30, v62  }
0xa7: {  	v3 =	vand.u32 $0x7, v3  }
0xa8: {  	v3 =	vor.u32 v3, v4  }
0xa9: {  	v4 =	vperm.xlane v3, v0;
	_ =	sdelay $0x1  }
0xaa: {  	v4 =	vadd.s32 v1, v4;
	_ =	sdelay $0x3  }
0xab: {  	v3 =	vperm.xlane v3, v2  }
0xac: {  	[hbm4b:s3+s2] =	stream.indirect_vreg.scatter [tilespmem:s8], [sflag:$0x3], $0x80, v4, vm0, $0xb8;
	[tilespmem:$0xC200] =	vst v63  }
0xad: {  	v3 =	vadd.s32 v1, v3  }
0xae: {  	[hbm4b:s4+s2] =	stream.indirect_vreg.scatter [tilespmem:s13], [sflag:$0x3], $0x80, v4, vm0, $0xb8;
	[tilespmem:$0xC200] =	vst v63  }
0xaf: {  	_ = 	snop  }
0xb0: {  	[hbm4b:s5+s2] =	stream.indirect_vreg.scatter [tilespmem:s14], [sflag:$0x3], $0x80, v4, vm0, $0xb8;
	[tilespmem:$0xC200] =	vst v63  }
0xb1: {  	_ = 	snop  }
0xb2: {  	[hbm4b:s3+s2] =	stream.indirect_vreg.scatter [tilespmem:s24], [sflag:$0x3], $0x80, v3, vm0, $0xb8;
	[tilespmem:$0xC200] =	vst v63  }
0xb3: {  	_ = 	snop  }
0xb4: {  	[hbm4b:s4+s2] =	stream.indirect_vreg.scatter [tilespmem:s25], [sflag:$0x3], $0x80, v3, vm0, $0xb8;
	[tilespmem:$0xC200] =	vst v63  }
0xb5: {  	_ = 	snop  }
0xb6: {  	[hbm4b:s5+s2] =	stream.indirect_vreg.scatter [tilespmem:s26], [sflag:$0x3], $0x80, v3, vm0, $0xb8;
	[tilespmem:$0xC200] =	vst v63  }
0xb7: {  	v3 =	vld [tilespmem:$0x190];
	_ =	sdelay $0x4  }
0xb8: {  	v63 =	vshrl.u32 v3, $0x3  }
0xb9: {  	v4 =	vmul.u32 $0x30, v63  }
0xba: {  	v3 =	vand.u32 $0x7, v3  }
0xbb: {  	v3 =	vor.u32 v3, v4  }
0xbc: {  	v4 =	vperm.xlane v3, v0;
	_ =	sdelay $0x1  }
0xbd: {  	v4 =	vadd.s32 v1, v4;
	_ =	sdelay $0x3  }
0xbe: {  	v3 =	vperm.xlane v3, v2  }
0xbf: {  	[hbm4b:s3+s2] =	stream.indirect_vreg.scatter [tilespmem:s28], [sflag:$0x3], $0x80, v4, vm0, $0xb8;
	[tilespmem:$0xC200] =	vst v63  }
0xc0: {  	v3 =	vadd.s32 v1, v3  }
0xc1: {  	[hbm4b:s4+s2] =	stream.indirect_vreg.scatter [tilespmem:s29], [sflag:$0x3], $0x80, v4, vm0, $0xb8;
	[tilespmem:$0xC200] =	vst v63  }
0xc2: {  	_ = 	snop  }
0xc3: {  	[hbm4b:s5+s2] =	stream.indirect_vreg.scatter [tilespmem:s30], [sflag:$0x3], $0x80, v4, vm0, $0xb8;
	[tilespmem:$0xC200] =	vst v63  }
0xc4: {  	_ = 	snop  }
0xc5: {  	[hbm4b:s3+s2] =	stream.indirect_vreg.scatter [tilespmem:s31], [sflag:$0x3], $0x80, v3, vm0, $0xb8;
	[tilespmem:$0xC200] =	vst v63  }
0xc6: {  	_ = 	snop  }
0xc7: {  	[hbm4b:s4+s2] =	stream.indirect_vreg.scatter [tilespmem:s1], [sflag:$0x3], $0x80, v3, vm0, $0xb8;
	[tilespmem:$0xC200] =	vst v63  }
0xc8: {  	_ = 	snop  }
0xc9: {  	[hbm4b:s5+s2] =	stream.indirect_vreg.scatter [tilespmem:s0], [sflag:$0x3], $0x80, v3, vm0, $0xb8;
	[tilespmem:$0xC200] =	vst v63  }
0xca: {  	_ =	swait.ge [sflag:s11], $0x6000  }
0xcb: {  	[sflag:s11] =	ssyncset.done $0x0  }
0xcc: {  	[sflag:s11] =	ssyncadd.s32 $0xFFFFA000  }
0xcd: {  	_ =	swait.ge [sflag:s12], $0x6000  }
0xce: {  	[sflag:s12] =	ssyncset.done $0x0  }
0xcf: {  	[sflag:s12] =	ssyncadd.s32 $0xFFFFA000  }
0xd0: {  	p0 =	sne.s32 s6, $0x1;
	_ =	swait.ge [sflag:s11], $0x6000  }
.Ltmp0:
0xd1: {  	[sflag:s11] =	ssyncset.done $0x0;
	(pc) =	sbr.rel @p0 .LBB2_1-.Ltmp0, $4  }
0xd2: {  	[sflag:s11] =	ssyncadd.s32 $0xFFFFA000  }
0xd3: {  	_ =	swait.ge [sflag:s12], $0x6000  }
0xd4: {  	[sflag:s12] =	ssyncset.done $0x0  }
0xd5: {  	s6 =	sadd.s32 $0xFFFFFFFF, s6;
	[sflag:s12] =	ssyncadd.s32 $0xFFFFA000  }
0xd6: {  	_ =	sfence.sel $0x180000  }
0xd7: {  	[bflag:$0x0] =	sbarrier.arrive $0xFFFF  }
0xd8: {  	_ =	strace $0x90000047  }
0xd9: {  	s0 =	stileid.u32;
	[bflag:$0x2] =	sbarrier.arrive $0xFFFF  }
0xda: {  	p0 =	sne.s32 s0, $0x0;
	s0 =	rddreg [dreg:$0x2]  }
0xdb: {  	s0 =	sadd.s32 @!p0 $0x100000, s0  }
0xdc: {  	[sflag:s0] =	ssyncadd.tile.s32 @!p0 $0x1;
	_ =	shalt  }
.Lfunc_end2:
_tile_overlayer_lowered:
.L_overlay_start_2:
0xdd: {  	(tag) =	ssettag $0x2  }
0xde: {  	s0 =	rddreg [dreg:$0x0];
	s2 =	stileid.u32  }
0xdf: {  	s1 =	rddreg [dreg:$0x1];
	p0 =	sne.s32 s2, $0x0  }
0xe0: {  	s3 =	rddreg [dreg:$0x2];
	[bflag:$0x3] =	sbarrier.arrive $0xFFFF;
	s2 =	simm.s32 @!p0 $0x1C04  }
0xe1: {  	[timem:s3], [sflag:s2] =	dma.local @!p0 [hbm:s0], s1  }
0xe2: {  	s0 =	simm.s32 @!p0 $0x4  }
0xe3: {  	_ =	swait.ge @!p0 [sflag:s0], s1  }
0xe4: {  	s1 =	ssub.s32 @!p0 $0x0, s1;
	[sflag:s0] =	ssyncset.done @!p0 $0x0  }
0xe5: {  	[sflag:s0] =	ssyncadd.s32 @!p0 s1  }
0xe6: {  	[bflag:$0x3] =	sbarrier.arrive $0xFFFF  }
0xe7: {  	_ =	shalt  }

// kernel: kernel.9.cloned.1.call-start
scs
__scs_entry_jumppad:
0x0: {  	(pc) =	sbr.rel $0x88, $3  }
0x1: {  	(tag) =	ssettag $0x0;
	lr =	simm.s32 $0x1  }
0x2: {  	[smem:$0x3F9D] =	sst lr;
	_ =	strace $0xD0000000  }
0x3: {  	_ = 	snop  }
0x4: {  	_ = 	snop  }
0x5: {  	_ = 	snop  }
0x6: {  	_ = 	snop  }
0x7: {  	_ = 	snop  }
__scs_overlays_trampoline_lowered:
0x8: {  	[smem:$0x3FAC] =	sst s0  }
0x9: {  	[smem:$0x3FAD] =	sst s1  }
0xa: {  	[smem:$0x3FAE] =	sst s2  }
0xb: {  	[smem:$0x3FAF] =	sst s3  }
0xc: {  	[smem:$0x3FB0] =	sst s4  }
0xd: {  	[smem:$0x3FB1] =	sst s5  }
0xe: {  	[smem:$0x3FB2] =	sst s6  }
0xf: {  	[smem:$0x3FB3] =	sst s7  }
0x10: {  	[smem:$0x3FB4] =	sst s8  }
0x11: {  	[smem:$0x3FB5] =	sst s9;
	s0 =	simm.s32 @!p0 $0x0  }
0x12: {  	s1 =	sld [smem:$0x3F9B];
	s0 =	simm.s32 @p0 $0x1  }
0x13: {  	[smem:$0x3FB6] =	sst s0;
	s0 =	simm.s32 @!p1 $0x0  }
0x14: {  	s2 =	sld [smem:$0x3F9A];
	s0 =	simm.s32 @p1 $0x1  }
0x15: {  	[smem:$0x3FB7] =	sst s0;
	s0 =	simm.s32 @!p2 $0x0  }
0x16: {  	s3 =	sld [smem:$0x3FDB];
	s0 =	simm.s32 @p2 $0x1  }
0x17: {  	s4 =	simm.s32 $0x1BF5;
	[smem:$0x3FB9] =	sst s0  }
0x18: {  	s0 =	sld [smem:$0x3F9C];
	_ =	swait.ge [sflag:s4], $0x0  }
0x19: {  	s7 =	sld [smem:$0x3F9D]  }
0x1a: {  	s8 =	sadd.s32 $0xFFFFE003, lr  }
0x1b: {  	s9 =	sadd.s32 $0xFFFFFEF7, lr;
	s5 =	simm.s32 $0xFFFFFFFF;
	p2 =	slt.u32 s8, $0xFFFFF086  }
0x1c: {  	p1 =	slt.u32 s9, $0xF7A;
	s5 =	simm.s32 @!p2 $0x0  }
0x1d: {  	s5 =	simm.s32 @p1 $0x1;
	p0 =	seq.s32 s7, s2  }
0x1e: {  	s7 =	smul.u32 @!p0 $0xF7A, s2;
	p2 =	seq.s32 @!p0 s5, $0x0  }
0x1f: {  	s9 =	smul.u32 $0xF7A, s1;
	s8 =	simm.s32 @!p0 $0x1BF5;
	p2 =	por !p2, p0  }
0x20: {  	[sflag:s8] =	ssyncset.s32 @!p0 $0xFFFFF086;
	s6 =	sadd.s32 @!p0 s3, s7;
	s7 =	simm.s32 @!p0 $0x108  }
0x21: {  	s3 =	sadd.s32 s3, s9;
	s6 =	sadd.s32 @!p0 $0x88, s6;
	s7 =	simm.s32 @p2 $0x1082  }
0x22: {  	[simem:s7], [sflag:s8] =	dma.local @!p0 [hbm:s6], $0xF7A  }
0x23: {  	s9 =	sor.u32 $0xD0000000, s2;
	s6 =	simm.s32 $0x108;
	_ =	swait.ge @!p0 [sflag:s8], $0x0  }
0x24: {  	s3 =	sadd.s32 $0x88, s3;
	s6 =	simm.s32 @!p1 $0x1082;
	[sflag:s4] =	ssyncset.s32 $0xFFFFF086  }
0x25: {  	[simem:s6], [sflag:s4] =	dma.local [hbm:s3], $0xF7A  }
0x26: {  	[smem:$0x3F9D] =	sst s1;
	(tag) =	ssettag s2;
	_ =	strace s9  }
0x27: {  	s1 =	sld [smem:$0x3FAD]  }
0x28: {  	s2 =	sld [smem:$0x3FAE]  }
0x29: {  	s4 =	sld [smem:$0x3FB0]  }
0x2a: {  	p0 =	seq.s32 s5, $0x0;
	s5 =	sld [smem:$0x3FB1]  }
0x2b: {  	s6 =	sld [smem:$0x3FB2]  }
0x2c: {  	s7 =	sld [smem:$0x3FB3]  }
0x2d: {  	s3 =	simm.s32 $0x108;
	s8 =	sld [smem:$0x3FB4]  }
0x2e: {  	s3 =	simm.s32 @!p0 $0x1082;
	s9 =	sld [smem:$0x3FB5]  }
0x2f: {  	lr =	sadd.s32 s0, s3;
	s0 =	sld [smem:$0x3FAC]  }
0x30: {  	s3 =	sld [smem:$0x3FAF]  }
0x31: {  	[smem:$0x3FB8] =	sst s10  }
0x32: {  	s10 =	sld [smem:$0x3FB6];
	_ =	sdelay $0x3  }
0x33: {  	p0 =	seq.s32 s10, $0x1;
	s10 =	sld [smem:$0x3FB8];
	_ =	sdelay $0x3  }
0x34: {  	[smem:$0x3FB8] =	sst s10  }
0x35: {  	s10 =	sld [smem:$0x3FB7];
	_ =	sdelay $0x3  }
0x36: {  	p1 =	seq.s32 s10, $0x1;
	s10 =	sld [smem:$0x3FB8];
	_ =	sdelay $0x3  }
0x37: {  	[smem:$0x3FB8] =	sst s10  }
0x38: {  	s10 =	sld [smem:$0x3FB9]  }
0x39: {  	_ = 	snop;
	(pc) =	sbr.ind lr, $3  }
0x3a: {  	_ = 	snop  }
0x3b: {  	_ = 	snop  }
0x3c: {  	p2 =	seq.s32 s10, $0x1;
	s10 =	sld [smem:$0x3FB8]  }
0x3d: {  	_ =	shalt  }
0x3e: {  	_ =	shalt  }
0x3f: {  	_ =	shalt  }
0x40: {  	_ =	shalt  }
0x41: {  	_ =	shalt  }
0x42: {  	_ =	shalt  }
0x43: {  	_ =	shalt  }
0x44: {  	_ =	shalt  }
0x45: {  	_ =	shalt  }
0x46: {  	_ =	shalt  }
0x47: {  	_ =	shalt  }
0x48: {  	_ =	shalt  }
0x49: {  	_ =	shalt  }
0x4a: {  	_ =	shalt  }
0x4b: {  	_ =	shalt  }
0x4c: {  	_ =	shalt  }
0x4d: {  	_ =	shalt  }
0x4e: {  	_ =	shalt  }
0x4f: {  	_ =	shalt  }
0x50: {  	_ =	shalt  }
0x51: {  	_ =	shalt  }
0x52: {  	_ =	shalt  }
0x53: {  	_ =	shalt  }
0x54: {  	_ =	shalt  }
0x55: {  	_ =	shalt  }
0x56: {  	_ =	shalt  }
0x57: {  	_ =	shalt  }
0x58: {  	_ =	shalt  }
0x59: {  	_ =	shalt  }
0x5a: {  	_ =	shalt  }
0x5b: {  	_ =	shalt  }
0x5c: {  	_ =	shalt  }
0x5d: {  	_ =	shalt  }
0x5e: {  	_ =	shalt  }
0x5f: {  	_ =	shalt  }
0x60: {  	_ =	shalt  }
0x61: {  	_ =	shalt  }
0x62: {  	_ =	shalt  }
0x63: {  	_ =	shalt  }
0x64: {  	_ =	shalt  }
0x65: {  	_ =	shalt  }
0x66: {  	_ =	shalt  }
0x67: {  	_ =	shalt  }
0x68: {  	_ =	shalt  }
0x69: {  	_ =	shalt  }
0x6a: {  	_ =	shalt  }
0x6b: {  	_ =	shalt  }
0x6c: {  	_ =	shalt  }
0x6d: {  	_ =	shalt  }
0x6e: {  	_ =	shalt  }
0x6f: {  	_ =	shalt  }
0x70: {  	_ =	shalt  }
0x71: {  	_ =	shalt  }
0x72: {  	_ =	shalt  }
0x73: {  	_ =	shalt  }
0x74: {  	_ =	shalt  }
0x75: {  	_ =	shalt  }
0x76: {  	_ =	shalt  }
0x77: {  	_ =	shalt  }
0x78: {  	_ =	shalt  }
0x79: {  	_ =	shalt  }
0x7a: {  	_ =	shalt  }
0x7b: {  	_ =	shalt  }
0x7c: {  	_ =	shalt  }
0x7d: {  	_ =	shalt  }
0x7e: {  	_ =	shalt  }
0x7f: {  	_ =	shalt  }
0x80: {  	_ =	shalt  }
0x81: {  	_ =	shalt  }
0x82: {  	_ =	shalt  }
0x83: {  	_ =	shalt  }
0x84: {  	_ =	shalt  }
0x85: {  	_ =	shalt  }
0x86: {  	_ =	shalt  }
0x87: {  	_ =	shalt  }
.Lfunc_end0:
.L_simem_size_0:
called_computation.1_lowered:
.L_overlay_start_0:
0x88: {  	s2 =	sld [smem:$0x3FD9]  }
0x89: {  	s3 =	sld [smem:$0x3FFE];
	_ =	sdelay $0x1  }
0x8a: {  	s1 =	srdreg.scid  }
0x8b: {  	s0 =	sand.u32 $0x1, s1  }
0x8c: {  	s17 =	sshll.u32 s0, $0xA;
	s2 =	sadd.s32 s3, s2  }
0x8d: {  	s2 =	sadd.s32 s2, s17  }
0x8e: {  	[smem:$0x3FC4] =	sst s2  }
0x8f: {  	_ = 	snop  }
0x90: {  	s2 =	sld [smem:$0x3FD0];
	(tm) =	ssettm $0x1  }
0x91: {  	s18 =	sld [smem:$0x3FFB];
	_ =	sdelay $0x3  }
0x92: {  	_ =	strace s18  }
0x93: {  	s3 =	sld [smem:$0x3FFC];
	_ =	sdelay $0x3  }
0x94: {  	_ =	strace s3  }
0x95: {  	s3 =	sld [smem:$0x3FFD];
	_ =	sdelay $0x3  }
0x96: {  	_ =	strace s3  }
0x97: {  	_ =	strace $0x8FFFFFFF  }
0x98: {  	s19 =	sld [smem:$0x3FDB];
	_ =	sdelay $0x1  }
0x99: {  	s4 =	simm.s32 $_scs_section_size  }
0x9a: {  	s5 =	simm.s32 $_size__tile_overlayer_lowered;
	s6 =	simm.s32 $_tile_overlayer_lowered  }
0x9b: {  	s22 =	simm.s32 $0x1BFF;
	s21 =	sshll.u32 s6, $0x1;
	s3 =	sadd.s32 s4, s19  }
0x9c: {  	s7 =	simm.s32 $0x0;
	s20 =	sshll.u32 s5, $0x1;
	s5 =	sadd.s32 s21, s3  }
0x9d: {  	[timem:s7], [sflag:s22] =	dma.local [hbm:s5], s20  }
0x9e: {  	_ =	swait.ge [sflag:s22], s20  }
0x9f: {  	s4 =	ssub.s32 $0x0, s20;
	[sflag:s22] =	ssyncset.done $0x0  }
0xa0: {  	[sflag:s22] =	ssyncadd.s32 s4;
	_ =	sdelay $0x1  }
0xa1: {  	s23 =	simm.s32 $0x1B8B  }
0xa2: {  	_ =	swait.ge [sflag:s23], $0x1  }
0xa3: {  	[sflag:s23] =	ssyncset.done $0x0  }
0xa4: {  	s25 =	simm.s32 $0x1B8E;
	s24 =	sld [smem:$0x3FFE];
	[sflag:s23] =	ssyncadd.s32 $0xFFFFFFFF  }
0xa5: {  	s26 =	simm.s32 $execute0_lowered;
	[smem:$0x3FD2] =	sst s25  }
0xa6: {  	s5 =	sshll.u32 s26, $0x1;
	_ =	strace $0x80000049;
	[dreg:$0x1] =	wrdreg $0xFFFFFFFF  }
0xa7: {  	s28 =	simm.s32 $_size_execute0_lowered;
	s3 =	sadd.s32 s3, s5;
	[dreg:$0x0] =	wrdreg $0x0  }
0xa8: {  	s5 =	sshll.u32 s28, $0x1;
	[dreg:$0x2] =	wrdreg s3  }
0xa9: {  	[dreg:$0x3] =	wrdreg s5  }
0xaa: {  	[dreg:$0x4] =	wrdreg $0xC0  }
0xab: {  	_ =	task [dreg:s7], $0x5FFFF  }
0xac: {  	[dreg:$0x1] =	wrdreg $0xFFFFFFFF  }
0xad: {  	[dreg:$0x0] =	wrdreg $0x60  }
0xae: {  	[dreg:$0x2] =	wrdreg s24  }
0xaf: {  	[dreg:$0x3] =	wrdreg s2  }
0xb0: {  	[dreg:$0x4] =	wrdreg $0x9  }
0xb1: {  	_ =	task.clear_ibuf [dreg:s7], $0x5FFFF;
	_ =	strace $0x90000049  }
0xb2: {  	s29 =	simm.s32 $0x9;
	_ =	strace $0x8000004B  }
0xb3: {  	_ =	swait.ge [sflag:s29], $0x1  }
0xb4: {  	[sflag:s29] =	ssyncadd.s32 $0xFFFFFFFF  }
0xb5: {  	_ =	strace $0x9000004B  }
0xb6: {  	_ =	sfence  }
0xb7: {  	s30 =	sld [smem:$0x0];
	_ =	sdelay $0x2  }
0xb8: {  	s31 =	sshll.u32 s1, $0xD;
	s1 =	sshrl.u32 s1, $0x2  }
0xb9: {  	s3 =	sand.u32 $0x4000, s31;
	s1 =	sadd.s32 s1, s30  }
0xba: {  	s0 =	sor.u32 s3, s0;
	s1 =	sshll.u32 s1, $0x11  }
0xbb: {  	s0 =	sor.u32 s1, s0  }
0xbc: {  	s0 =	sadd.s32 $0x8F2B, s0  }
0xbd: {  	[sflag:s0] =	ssyncadd.remote.s32 $0x1  }
0xbe: {  	_ =	sfence.sel $0xFFFF  }
0xbf: {  	[dreg:$0x0] =	wrdreg $0xFFFFFFFF;
	(pc) =	sbr.abs _section_cstart, $3  }
0xc0: {  	[dreg:$0x1] =	wrdreg $0xFFFFFFFF  }
0xc1: {  	_ =	task.clear_ibuf [dreg:s7], $0x2FFFF;
	_ =	strace $0x9FFFFFFF  }
0xc2: {  	(tm) =	ssettm $0x7FFFFFFF  }
0xc3: {  	_ =	shalt  }
tec
execute0_lowered:
.L_overlay_start_1:
0x0: {  	(tag) =	ssettag $0x1  }
0x1: {  	s0 =	rddreg [dreg:$0x0]  }
0x2: {  	s2 =	rddreg [dreg:$0x1];
	s1 =	simm.s32 $0x0  }
0x3: {  	s4 =	srdreg.scid;
	s6 =	stileid.u32;
	s15 =	simm.s32 $0x4  }
0x4: {  	s17 =	simm.s32 $0x4200;
	s28 =	simm.s32 $0x10200;
	s16 =	simm.s32 $0x1AA00  }
0x5: {  	s18 =	simm.s32 $0x1B200;
	s19 =	simm.s32 $0x1BA00;
	s20 =	simm.s32 $0x1  }
0x6: {  	s21 =	simm.s32 $0x2;
	s22 =	simm.s32 $0x3;
	s23 =	simm.s32 $0x0  }
0x7: {  	[smem:$0x7FF] =	sst s1;
	s3 =	sadd.s32 $0xF2A00, s0;
	s4 =	sand.u32 $0x1, s4  }
0x8: {  	s8 =	sadd.s32 $0x1400, s0;
	s6 =	sshll.u32 s6, $0x6;
	s5 =	sshll.u32 s4, $0xA  }
0x9: {  	s9 =	sadd.s32 $0x1600, s0;
	s4 =	ssub.s32 $0x2, s4;
	s5 =	sor.u32 s6, s5  }
0xa: {  	_ =	strace $0x8000004A;
	s7 =	sshrl.u32 s4, $0x1;
	s6 =	sshll.u32 s5, $0x4  }
0xb: {  	s10 =	sshrl.u32 s5, $0x3;
	s14 =	ssub.s32 s4, s7;
	s7 =	sadd.s32 $0xF2C00, s0  }
0xc: {  	s11 =	sadd.s32 s6, s0;
	s4 =	sadd.s32 s8, s10;
	s5 =	sadd.s32 s9, s10  }
0xd: {  	s12 =	sor.u32 $0x4, s10;
	s13 =	smul.u32 $0x300, s10;
	s6 =	sadd.s32 $0xF2B00, s0  }
0xe: {  	v2 =	vlaneseq.u32;
	s14 =	smax.u32 s14, $0x1;
	s31 =	smul.u32 $0x300, s12;
	s8 =	sadd.s32 s8, s12  }
0xf: {  	vm0 =	vmmov $0xffff;
	v1 =	vshrl.u32 v2, $0x3;
	s9 =	sadd.s32 s9, s12;
	s10 =	sadd.s32 $0x1800, s11;
	s11 =	sadd.s32 $0x9800, s11  }
0x10: {  	v0 =	vand.u32 $0x7, v2;
	v2 =	vor.u32 $0x8, v2;
	v1 =	vmul.u32 $0x8, v1;
	s12 =	sadd.s32 s2, s13;
	s13 =	sadd.s32 s2, s31;
	s2 =	simm.s32 $0x1A200  }
.LBB2_1:
0x11: {  	[tilespmem:s1], [sflag:$0x4] =	stream.linear.gather [hbm4b:s4+s1], $0x20, $0x38;
	[tilespmem:$0x1C200] =	vst v63  }
0x12: {  	_ =	swait.ge [sflag:s15], $0x20  }
0x13: {  	[sflag:s15] =	ssyncset.done $0x0  }
0x14: {  	s0 =	simm.s32 $0x100;
	[sflag:s15] =	ssyncadd.s32 $0xFFFFFFE0  }
0x15: {  	[tilespmem:s0], [sflag:$0x4] =	stream.linear.gather [hbm4b:s5+s1], $0x20, $0x38;
	[tilespmem:$0x1C200] =	vst v63  }
0x16: {  	_ =	swait.ge [sflag:s15], $0x20  }
0x17: {  	[sflag:s15] =	ssyncset.done $0x0  }
0x18: {  	[sflag:s15] =	ssyncadd.s32 $0xFFFFFFE0  }
0x19: {  	v3 =	vld [tilespmem:$0x0];
	_ =	sdelay $0x4  }
0x1a: {  	v4 =	vshrl.u32 v3, $0x3  }
0x1b: {  	v4 =	vmul.u32 $0x30, v4  }
0x1c: {  	v3 =	vand.u32 $0x7, v3  }
0x1d: {  	v3 =	vor.u32 v3, v4  }
0x1e: {  	v4 =	vperm.xlane v3, v0;
	_ =	sdelay $0x1  }
0x1f: {  	v4 =	vadd.s32 v1, v4;
	_ =	sdelay $0x3  }
0x20: {  	v3 =	vperm.xlane v3, v2  }
0x21: {  	[tilespmem:s17], [sflag:$0x1] =	stream.indirect_vreg.gather [hbm4b:s3+s1], $0x80, v4, vm0, $0xb8;
	[tilespmem:$0x1C200] =	vst v63  }
0x22: {  	s31 =	simm.s32 $0x4A00;
	v3 =	vadd.s32 v1, v3  }
0x23: {  	[tilespmem:s31], [sflag:$0x1] =	stream.indirect_vreg.gather [hbm4b:s6+s1], $0x80, v4, vm0, $0xb8;
	[tilespmem:$0x1C200] =	vst v63  }
0x24: {  	s24 =	simm.s32 $0x5200  }
0x25: {  	[tilespmem:s24], [sflag:$0x1] =	stream.indirect_vreg.gather [hbm4b:s7+s1], $0x80, v4, vm0, $0xb8;
	[tilespmem:$0x1C200] =	vst v63  }
0x26: {  	s25 =	simm.s32 $0x5A00  }
0x27: {  	[tilespmem:s25], [sflag:$0x1] =	stream.indirect_vreg.gather [hbm4b:s3+s1], $0x80, v3, vm0, $0xb8;
	[tilespmem:$0x1C200] =	vst v63  }
0x28: {  	s26 =	simm.s32 $0x6200  }
0x29: {  	[tilespmem:s26], [sflag:$0x1] =	stream.indirect_vreg.gather [hbm4b:s6+s1], $0x80, v3, vm0, $0xb8;
	[tilespmem:$0x1C200] =	vst v63  }
0x2a: {  	s31 =	simm.s32 $0x6A00  }
0x2b: {  	[tilespmem:s31], [sflag:$0x1] =	stream.indirect_vreg.gather [hbm4b:s7+s1], $0x80, v3, vm0, $0xb8;
	[tilespmem:$0x1C200] =	vst v63  }
0x2c: {  	v3 =	vld [tilespmem:$0x10];
	_ =	sdelay $0x4  }
0x2d: {  	v4 =	vshrl.u32 v3, $0x3  }
0x2e: {  	v4 =	vmul.u32 $0x30, v4  }
0x2f: {  	v3 =	vand.u32 $0x7, v3  }
0x30: {  	v3 =	vor.u32 v3, v4  }
0x31: {  	v4 =	vperm.xlane v3, v0;
	_ =	sdelay $0x1  }
0x32: {  	v4 =	vadd.s32 v1, v4;
	_ =	sdelay $0x3  }
0x33: {  	s24 =	simm.s32 $0x7200;
	v3 =	vperm.xlane v3, v2  }
0x34: {  	[tilespmem:s24], [sflag:$0x1] =	stream.indirect_vreg.gather [hbm4b:s3+s1], $0x80, v4, vm0, $0xb8;
	[tilespmem:$0x1C200] =	vst v63  }
0x35: {  	s25 =	simm.s32 $0x7A00;
	v3 =	vadd.s32 v1, v3  }
0x36: {  	[tilespmem:s25], [sflag:$0x1] =	stream.indirect_vreg.gather [hbm4b:s6+s1], $0x80, v4, vm0, $0xb8;
	[tilespmem:$0x1C200] =	vst v63  }
0x37: {  	s26 =	simm.s32 $0x8200  }
0x38: {  	[tilespmem:s26], [sflag:$0x1] =	stream.indirect_vreg.gather [hbm4b:s7+s1], $0x80, v4, vm0, $0xb8;
	[tilespmem:$0x1C200] =	vst v63  }
0x39: {  	s31 =	simm.s32 $0x8A00  }
0x3a: {  	[tilespmem:s31], [sflag:$0x1] =	stream.indirect_vreg.gather [hbm4b:s3+s1], $0x80, v3, vm0, $0xb8;
	[tilespmem:$0x1C200] =	vst v63  }
0x3b: {  	s24 =	simm.s32 $0x9200  }
0x3c: {  	[tilespmem:s24], [sflag:$0x1] =	stream.indirect_vreg.gather [hbm4b:s6+s1], $0x80, v3, vm0, $0xb8;
	[tilespmem:$0x1C200] =	vst v63  }
0x3d: {  	s25 =	simm.s32 $0x9A00  }
0x3e: {  	[tilespmem:s25], [sflag:$0x1] =	stream.indirect_vreg.gather [hbm4b:s7+s1], $0x80, v3, vm0, $0xb8;
	[tilespmem:$0x1C200] =	vst v63  }
0x3f: {  	v3 =	vld [tilespmem:$0x100];
	_ =	sdelay $0x4  }
0x40: {  	v4 =	vshrl.u32 v3, $0x3  }
0x41: {  	v4 =	vmul.u32 $0x30, v4  }
0x42: {  	v3 =	vand.u32 $0x7, v3  }
0x43: {  	v3 =	vor.u32 v3, v4  }
0x44: {  	v4 =	vperm.xlane v3, v0;
	_ =	sdelay $0x1  }
0x45: {  	v4 =	vadd.s32 v1, v4;
	_ =	sdelay $0x3  }
0x46: {  	s26 =	simm.s32 $0xA200;
	v3 =	vperm.xlane v3, v2  }
0x47: {  	[tilespmem:s26], [sflag:$0x2] =	stream.indirect_vreg.gather [hbm4b:s3+s1], $0x80, v4, vm0, $0xb8;
	[tilespmem:$0x1C200] =	vst v63  }
0x48: {  	s31 =	simm.s32 $0xAA00;
	v3 =	vadd.s32 v1, v3  }
0x49: {  	[tilespmem:s31], [sflag:$0x2] =	stream.indirect_vreg.gather [hbm4b:s6+s1], $0x80, v4, vm0, $0xb8;
	[tilespmem:$0x1C200] =	vst v63  }
0x4a: {  	s24 =	simm.s32 $0xB200  }
0x4b: {  	[tilespmem:s24], [sflag:$0x2] =	stream.indirect_vreg.gather [hbm4b:s7+s1], $0x80, v4, vm0, $0xb8;
	[tilespmem:$0x1C200] =	vst v63  }
0x4c: {  	s25 =	simm.s32 $0xBA00  }
0x4d: {  	[tilespmem:s25], [sflag:$0x2] =	stream.indirect_vreg.gather [hbm4b:s3+s1], $0x80, v3, vm0, $0xb8;
	[tilespmem:$0x1C200] =	vst v63  }
0x4e: {  	s26 =	simm.s32 $0xC200  }
0x4f: {  	[tilespmem:s26], [sflag:$0x2] =	stream.indirect_vreg.gather [hbm4b:s6+s1], $0x80, v3, vm0, $0xb8;
	[tilespmem:$0x1C200] =	vst v63  }
0x50: {  	s31 =	simm.s32 $0xCA00  }
0x51: {  	[tilespmem:s31], [sflag:$0x2] =	stream.indirect_vreg.gather [hbm4b:s7+s1], $0x80, v3, vm0, $0xb8;
	[tilespmem:$0x1C200] =	vst v63  }
0x52: {  	v3 =	vld [tilespmem:$0x110];
	_ =	sdelay $0x4  }
0x53: {  	v4 =	vshrl.u32 v3, $0x3  }
0x54: {  	v4 =	vmul.u32 $0x30, v4  }
0x55: {  	v3 =	vand.u32 $0x7, v3  }
0x56: {  	v3 =	vor.u32 v3, v4  }
0x57: {  	v4 =	vperm.xlane v3, v0;
	_ =	sdelay $0x1  }
0x58: {  	v4 =	vadd.s32 v1, v4;
	_ =	sdelay $0x3  }
0x59: {  	s24 =	simm.s32 $0xD200;
	v3 =	vperm.xlane v3, v2  }
0x5a: {  	[tilespmem:s24], [sflag:$0x2] =	stream.indirect_vreg.gather [hbm4b:s3+s1], $0x80, v4, vm0, $0xb8;
	[tilespmem:$0x1C200] =	vst v63  }
0x5b: {  	s25 =	simm.s32 $0xDA00;
	v3 =	vadd.s32 v1, v3  }
0x5c: {  	[tilespmem:s25], [sflag:$0x2] =	stream.indirect_vreg.gather [hbm4b:s6+s1], $0x80, v4, vm0, $0xb8;
	[tilespmem:$0x1C200] =	vst v63  }
0x5d: {  	s26 =	simm.s32 $0xE200  }
0x5e: {  	[tilespmem:s26], [sflag:$0x2] =	stream.indirect_vreg.gather [hbm4b:s7+s1], $0x80, v4, vm0, $0xb8;
	[tilespmem:$0x1C200] =	vst v63  }
0x5f: {  	s31 =	simm.s32 $0xEA00  }
0x60: {  	[tilespmem:s31], [sflag:$0x2] =	stream.indirect_vreg.gather [hbm4b:s3+s1], $0x80, v3, vm0, $0xb8;
	[tilespmem:$0x1C200] =	vst v63  }
0x61: {  	s24 =	simm.s32 $0xF200  }
0x62: {  	[tilespmem:s24], [sflag:$0x2] =	stream.indirect_vreg.gather [hbm4b:s6+s1], $0x80, v3, vm0, $0xb8;
	[tilespmem:$0x1C200] =	vst v63  }
0x63: {  	s25 =	simm.s32 $0xFA00  }
0x64: {  	[tilespmem:s25], [sflag:$0x2] =	stream.indirect_vreg.gather [hbm4b:s7+s1], $0x80, v3, vm0, $0xb8;
	[tilespmem:$0x1C200] =	vst v63  }
0x65: {  	s26 =	simm.s32 $0x80  }
0x66: {  	[tilespmem:s26], [sflag:$0x4] =	stream.linear.gather [hbm4b:s8+s1], $0x20, $0x38;
	[tilespmem:$0x1C200] =	vst v63  }
0x67: {  	_ =	swait.ge [sflag:s15], $0x20  }
0x68: {  	[sflag:s15] =	ssyncset.done $0x0  }
0x69: {  	s31 =	simm.s32 $0x180;
	[sflag:s15] =	ssyncadd.s32 $0xFFFFFFE0  }
0x6a: {  	[tilespmem:s31], [sflag:$0x4] =	stream.linear.gather [hbm4b:s9+s1], $0x20, $0x38;
	[tilespmem:$0x1C200] =	vst v63  }
0x6b: {  	_ =	swait.ge [sflag:s15], $0x20  }
0x6c: {  	[sflag:s15] =	ssyncset.done $0x0  }
0x6d: {  	[sflag:s15] =	ssyncadd.s32 $0xFFFFFFE0  }
0x6e: {  	v3 =	vld [tilespmem:$0x80];
	_ =	sdelay $0x4  }
0x6f: {  	v4 =	vshrl.u32 v3, $0x3  }
0x70: {  	v4 =	vmul.u32 $0x30, v4  }
0x71: {  	v3 =	vand.u32 $0x7, v3  }
0x72: {  	v3 =	vor.u32 v3, v4  }
0x73: {  	v4 =	vperm.xlane v3, v0;
	_ =	sdelay $0x1  }
0x74: {  	v4 =	vadd.s32 v1, v4;
	_ =	sdelay $0x3  }
0x75: {  	v3 =	vperm.xlane v3, v2  }
0x76: {  	[tilespmem:s28], [sflag:$0x1] =	stream.indirect_vreg.gather [hbm4b:s3+s1], $0x80, v4, vm0, $0xb8;
	[tilespmem:$0x1C200] =	vst v63  }
0x77: {  	s24 =	simm.s32 $0x10A00;
	v3 =	vadd.s32 v1, v3  }
0x78: {  	[tilespmem:s24], [sflag:$0x1] =	stream.indirect_vreg.gather [hbm4b:s6+s1], $0x80, v4, vm0, $0xb8;
	[tilespmem:$0x1C200] =	vst v63  }
0x79: {  	s25 =	simm.s32 $0x11200  }
0x7a: {  	[tilespmem:s25], [sflag:$0x1] =	stream.indirect_vreg.gather [hbm4b:s7+s1], $0x80, v4, vm0, $0xb8;
	[tilespmem:$0x1C200] =	vst v63  }
0x7b: {  	s26 =	simm.s32 $0x11A00  }
0x7c: {  	[tilespmem:s26], [sflag:$0x1] =	stream.indirect_vreg.gather [hbm4b:s3+s1], $0x80, v3, vm0, $0xb8;
	[tilespmem:$0x1C200] =	vst v63  }
0x7d: {  	s31 =	simm.s32 $0x12200  }
0x7e: {  	[tilespmem:s31], [sflag:$0x1] =	stream.indirect_vreg.gather [hbm4b:s6+s1], $0x80, v3, vm0, $0xb8;
	[tilespmem:$0x1C200] =	vst v63  }
0x7f: {  	s24 =	simm.s32 $0x12A00  }
0x80: {  	[tilespmem:s24], [sflag:$0x1] =	stream.indirect_vreg.gather [hbm4b:s7+s1], $0x80, v3, vm0, $0xb8;
	[tilespmem:$0x1C200] =	vst v63  }
0x81: {  	v3 =	vld [tilespmem:$0x90];
	_ =	sdelay $0x4  }
0x82: {  	v4 =	vshrl.u32 v3, $0x3  }
0x83: {  	v4 =	vmul.u32 $0x30, v4  }
0x84: {  	v3 =	vand.u32 $0x7, v3  }
0x85: {  	v3 =	vor.u32 v3, v4  }
0x86: {  	v4 =	vperm.xlane v3, v0;
	_ =	sdelay $0x1  }
0x87: {  	v4 =	vadd.s32 v1, v4;
	_ =	sdelay $0x3  }
0x88: {  	s25 =	simm.s32 $0x13200;
	v3 =	vperm.xlane v3, v2  }
0x89: {  	[tilespmem:s25], [sflag:$0x1] =	stream.indirect_vreg.gather [hbm4b:s3+s1], $0x80, v4, vm0, $0xb8;
	[tilespmem:$0x1C200] =	vst v63  }
0x8a: {  	s26 =	simm.s32 $0x13A00;
	v3 =	vadd.s32 v1, v3  }
0x8b: {  	[tilespmem:s26], [sflag:$0x1] =	stream.indirect_vreg.gather [hbm4b:s6+s1], $0x80, v4, vm0, $0xb8;
	[tilespmem:$0x1C200] =	vst v63  }
0x8c: {  	s31 =	simm.s32 $0x14200  }
0x8d: {  	[tilespmem:s31], [sflag:$0x1] =	stream.indirect_vreg.gather [hbm4b:s7+s1], $0x80, v4, vm0, $0xb8;
	[tilespmem:$0x1C200] =	vst v63  }
0x8e: {  	s24 =	simm.s32 $0x14A00  }
0x8f: {  	[tilespmem:s24], [sflag:$0x1] =	stream.indirect_vreg.gather [hbm4b:s3+s1], $0x80, v3, vm0, $0xb8;
	[tilespmem:$0x1C200] =	vst v63  }
0x90: {  	s25 =	simm.s32 $0x15200  }
0x91: {  	[tilespmem:s25], [sflag:$0x1] =	stream.indirect_vreg.gather [hbm4b:s6+s1], $0x80, v3, vm0, $0xb8;
	[tilespmem:$0x1C200] =	vst v63  }
0x92: {  	s26 =	simm.s32 $0x15A00  }
0x93: {  	[tilespmem:s26], [sflag:$0x1] =	stream.indirect_vreg.gather [hbm4b:s7+s1], $0x80, v3, vm0, $0xb8;
	[tilespmem:$0x1C200] =	vst v63  }
0x94: {  	v3 =	vld [tilespmem:$0x180];
	_ =	sdelay $0x4  }
0x95: {  	v4 =	vshrl.u32 v3, $0x3  }
0x96: {  	v4 =	vmul.u32 $0x30, v4  }
0x97: {  	v3 =	vand.u32 $0x7, v3  }
0x98: {  	v3 =	vor.u32 v3, v4  }
0x99: {  	v4 =	vperm.xlane v3, v0;
	_ =	sdelay $0x1  }
0x9a: {  	v4 =	vadd.s32 v1, v4;
	_ =	sdelay $0x3  }
0x9b: {  	s31 =	simm.s32 $0x16200;
	v3 =	vperm.xlane v3, v2  }
0x9c: {  	[tilespmem:s31], [sflag:$0x2] =	stream.indirect_vreg.gather [hbm4b:s3+s1], $0x80, v4, vm0, $0xb8;
	[tilespmem:$0x1C200] =	vst v63  }
0x9d: {  	s24 =	simm.s32 $0x16A00;
	v3 =	vadd.s32 v1, v3  }
0x9e: {  	[tilespmem:s24], [sflag:$0x2] =	stream.indirect_vreg.gather [hbm4b:s6+s1], $0x80, v4, vm0, $0xb8;
	[tilespmem:$0x1C200] =	vst v63  }
0x9f: {  	s25 =	simm.s32 $0x17200  }
0xa0: {  	[tilespmem:s25], [sflag:$0x2] =	stream.indirect_vreg.gather [hbm4b:s7+s1], $0x80, v4, vm0, $0xb8;
	[tilespmem:$0x1C200] =	vst v63  }
0xa1: {  	s26 =	simm.s32 $0x17A00  }
0xa2: {  	[tilespmem:s26], [sflag:$0x2] =	stream.indirect_vreg.gather [hbm4b:s3+s1], $0x80, v3, vm0, $0xb8;
	[tilespmem:$0x1C200] =	vst v63  }
0xa3: {  	s31 =	simm.s32 $0x18200  }
0xa4: {  	[tilespmem:s31], [sflag:$0x2] =	stream.indirect_vreg.gather [hbm4b:s6+s1], $0x80, v3, vm0, $0xb8;
	[tilespmem:$0x1C200] =	vst v63  }
0xa5: {  	s24 =	simm.s32 $0x18A00  }
0xa6: {  	[tilespmem:s24], [sflag:$0x2] =	stream.indirect_vreg.gather [hbm4b:s7+s1], $0x80, v3, vm0, $0xb8;
	[tilespmem:$0x1C200] =	vst v63  }
0xa7: {  	v3 =	vld [tilespmem:$0x190];
	_ =	sdelay $0x4  }
0xa8: {  	v4 =	vshrl.u32 v3, $0x3  }
0xa9: {  	v4 =	vmul.u32 $0x30, v4  }
0xaa: {  	v3 =	vand.u32 $0x7, v3  }
0xab: {  	v3 =	vor.u32 v3, v4  }
0xac: {  	v4 =	vperm.xlane v3, v0;
	_ =	sdelay $0x1  }
0xad: {  	v4 =	vadd.s32 v1, v4;
	_ =	sdelay $0x3  }
0xae: {  	s25 =	simm.s32 $0x19200;
	v3 =	vperm.xlane v3, v2  }
0xaf: {  	[tilespmem:s25], [sflag:$0x2] =	stream.indirect_vreg.gather [hbm4b:s3+s1], $0x80, v4, vm0, $0xb8;
	[tilespmem:$0x1C200] =	vst v63  }
0xb0: {  	s26 =	simm.s32 $0x19A00;
	v3 =	vadd.s32 v1, v3  }
0xb1: {  	[tilespmem:s26], [sflag:$0x2] =	stream.indirect_vreg.gather [hbm4b:s6+s1], $0x80, v4, vm0, $0xb8;
	[tilespmem:$0x1C200] =	vst v63  }
0xb2: {  	_ = 	snop  }
0xb3: {  	[tilespmem:s2], [sflag:$0x2] =	stream.indirect_vreg.gather [hbm4b:s7+s1], $0x80, v4, vm0, $0xb8;
	[tilespmem:$0x1C200] =	vst v63  }
0xb4: {  	_ = 	snop  }
0xb5: {  	[tilespmem:s16], [sflag:$0x2] =	stream.indirect_vreg.gather [hbm4b:s3+s1], $0x80, v3, vm0, $0xb8;
	[tilespmem:$0x1C200] =	vst v63  }
0xb6: {  	_ = 	snop  }
0xb7: {  	[tilespmem:s18], [sflag:$0x2] =	stream.indirect_vreg.gather [hbm4b:s6+s1], $0x80, v3, vm0, $0xb8;
	[tilespmem:$0x1C200] =	vst v63  }
0xb8: {  	_ = 	snop  }
0xb9: {  	[tilespmem:s19], [sflag:$0x2] =	stream.indirect_vreg.gather [hbm4b:s7+s1], $0x80, v3, vm0, $0xb8;
	[tilespmem:$0x1C200] =	vst v63  }
0xba: {  	s24 =	simm.s32 $0x200  }
0xbb: {  	[tilespmem:s24], [sflag:$0x4] =	stream.linear.gather [hbm4b:s10+s1], $0x2000, $0x38;
	[tilespmem:$0x1C200] =	vst v63  }
0xbc: {  	_ =	swait.ge [sflag:s15], $0x2000  }
0xbd: {  	[sflag:s15] =	ssyncset.done $0x0  }
0xbe: {  	s25 =	simm.s32 $0x2200;
	[sflag:s15] =	ssyncadd.s32 $0xFFFFE000  }
0xbf: {  	[tilespmem:s25], [sflag:$0x4] =	stream.linear.gather [hbm4b:s11+s1], $0x2000, $0x38;
	[tilespmem:$0x1C200] =	vst v63  }
0xc0: {  	_ =	swait.ge [sflag:s15], $0x2000  }
0xc1: {  	[sflag:s15] =	ssyncset.done $0x0  }
0xc2: {  	[sflag:s15] =	ssyncadd.s32 $0xFFFFE000  }
0xc3: {  	_ =	swait.ge [sflag:s20], $0x6000  }
0xc4: {  	[sflag:s20] =	ssyncset.done $0x0  }
0xc5: {  	s26 =	simm.s32 $0x0;
	[sflag:s20] =	ssyncadd.s32 $0xFFFFA000  }
0xc6: {  	s26 =	smul.u32 $0x1800, s26;
	_ =	swait.ge [sflag:s21], $0x6000  }
0xc7: {  	s29 =	sand.u32 $0x380, s1;
	[sflag:s21] =	ssyncset.done $0x0  }
0xc8: {  	s30 =	sor.u32 s29, s26;
	[sflag:s21] =	ssyncadd.s32 $0xFFFFA000  }
0xc9: {  	v4 =	vld [tilespmem:s30+$0x4210]  }
0xca: {  	v3 =	vld [tilespmem:s30+$0xA210]  }
0xcb: {  	v6 =	vld [tilespmem:s30+$0x4220]  }
0xcc: {  	v5 =	vld [tilespmem:s30+$0xA220]  }
0xcd: {  	v10 =	vld [tilespmem:s30+$0x4230]  }
0xce: {  	v9 =	vld [tilespmem:s30+$0xA230]  }
0xcf: {  	v12 =	vld [tilespmem:s30+$0x4240]  }
0xd0: {  	v11 =	vld [tilespmem:s30+$0xA240]  }
0xd1: {  	v13 =	vld [tilespmem:s30+$0x4260]  }
0xd2: {  	v14 =	vld [tilespmem:s30+$0x4270]  }
0xd3: {  	v15 =	vld [tilespmem:s30+$0x4600]  }
0xd4: {  	v16 =	vld [tilespmem:s30+$0x4610]  }
0xd5: {  	v17 =	vld [tilespmem:s30+$0x4620]  }
0xd6: {  	v18 =	vld [tilespmem:s30+$0x4630]  }
0xd7: {  	v19 =	vld [tilespmem:s30+$0x4640]  }
0xd8: {  	v20 =	vld [tilespmem:s30+$0x4650]  }
0xd9: {  	v21 =	vld [tilespmem:s30+$0x4660]  }
0xda: {  	v22 =	vld [tilespmem:s30+$0x4670]  }
0xdb: {  	v23 =	vld [tilespmem:s30+$0x4A00]  }
0xdc: {  	v24 =	vld [tilespmem:s30+$0x4A10]  }
0xdd: {  	v25 =	vld [tilespmem:s30+$0x4A20]  }
0xde: {  	v26 =	vld [tilespmem:s30+$0x4A30]  }
0xdf: {  	v27 =	vld [tilespmem:s30+$0x4A40]  }
0xe0: {  	v28 =	vld [tilespmem:s30+$0x4A50]  }
0xe1: {  	v29 =	vld [tilespmem:s30+$0x4A60]  }
0xe2: {  	v30 =	vld [tilespmem:s30+$0x4A70]  }
0xe3: {  	v31 =	vld [tilespmem:s30+$0x4E00]  }
0xe4: {  	v32 =	vld [tilespmem:s30+$0x4E10]  }
0xe5: {  	v33 =	vld [tilespmem:s30+$0x4E20]  }
0xe6: {  	v34 =	vld [tilespmem:s30+$0x4E30]  }
0xe7: {  	v35 =	vld [tilespmem:s30+$0x4E40]  }
0xe8: {  	v36 =	vld [tilespmem:s30+$0x4E50]  }
0xe9: {  	v37 =	vld [tilespmem:s30+$0x4E60]  }
0xea: {  	v38 =	vld [tilespmem:s30+$0x4E70]  }
0xeb: {  	v39 =	vld [tilespmem:s30+$0x5200]  }
0xec: {  	v40 =	vld [tilespmem:s30+$0x5210]  }
0xed: {  	v41 =	vld [tilespmem:s30+$0x5220]  }
0xee: {  	v42 =	vld [tilespmem:s30+$0x5230]  }
0xef: {  	v43 =	vld [tilespmem:s30+$0x5240]  }
0xf0: {  	v44 =	vld [tilespmem:s30+$0x5250]  }
0xf1: {  	v45 =	vld [tilespmem:s30+$0x5260]  }
0xf2: {  	v46 =	vld [tilespmem:s30+$0x5600]  }
0xf3: {  	v47 =	vld [tilespmem:s30+$0x5610]  }
0xf4: {  	v48 =	vld [tilespmem:s30+$0xB610]  }
0xf5: {  	v49 =	vld [tilespmem:s30+$0xB630]  }
0xf6: {  	v50 =	vld [tilespmem:s30+$0x5630]  }
0xf7: {  	v51 =	vld [tilespmem:s30+$0x5620]  }
0xf8: {  	v7 =	vld [tilespmem:s24+$0x0]  }
0xf9: {  	v8 =	vld [tilespmem:s25+$0x0]  }
0xfa: {  	v52 =	vld [tilespmem:s30+$0xB620]  }
0xfb: {  	v53 =	vld [tilespmem:s30+$0xB600]  }
0xfc: {  	v54 =	vld [tilespmem:s30+$0x5270]  }
0xfd: {  	v55 =	vld [tilespmem:s30+$0xB270];
	v50 =	vmul.f32 v50, v7  }
0xfe: {  	v56 =	vld [tilespmem:s30+$0xB260];
	v49 =	vmul.f32 v49, v8;
	v51 =	vmul.f32 v51, v7  }
0xff: {  	v57 =	vld [tilespmem:s30+$0xB250];
	v52 =	vmul.f32 v52, v8;
	v47 =	vmul.f32 v47, v7  }
0x100: {  	v61 =	vld [tilespmem:s30+$0xB200];
	v48 =	vmul.f32 v48, v8;
	v46 =	vmul.f32 v46, v7  }
0x101: {  	v58 =	vld [tilespmem:s30+$0xB240];
	v62 =	vmul.f32 v53, v8;
	v63 =	vmul.f32 v54, v7;
	v49 =	vadd.f32 v49, v50  }
0x102: {  	v53 =	vld [tilespmem:s30+$0xB230];
	v59 =	vmul.f32 v55, v8;
	v45 =	vmul.f32 v45, v7;
	v51 =	vadd.f32 v52, v51  }
0x103: {  	v60 =	vmul.f32 v56, v8;
	v44 =	vmul.f32 v44, v7;
	v56 =	vld [tilespmem:s30+$0xAE60];
	v47 =	vadd.f32 v48, v47;
	[tilespmem:s30+$0x5630] =	vst v49  }
0x104: {  	v43 =	vmul.f32 v43, v7;
	v39 =	vmul.f32 v39, v7;
	v55 =	vld [tilespmem:s30+$0xAA70];
	v46 =	vadd.f32 v62, v46;
	[tilespmem:s30+$0x5620] =	vst v51  }
0x105: {  	v61 =	vmul.f32 v61, v8;
	v12 =	vmul.f32 v12, v7;
	v48 =	vld [tilespmem:s30+$0xB220];
	v52 =	vadd.f32 v59, v63;
	[tilespmem:s30+$0x5610] =	vst v47  }
0x106: {  	v11 =	vmul.f32 v11, v8;
	v63 =	vmul.f32 v58, v8;
	v45 =	vadd.f32 v60, v45;
	v58 =	vld [tilespmem:s30+$0xAE50];
	[tilespmem:s30+$0x5600] =	vst v46  }
0x107: {  	v42 =	vmul.f32 v42, v7;
	v62 =	vmul.f32 v57, v8;
	v59 =	vld [tilespmem:s30+$0xAE40];
	v39 =	vadd.f32 v61, v39;
	[tilespmem:s30+$0x5270] =	vst v52  }
0x108: {  	v41 =	vmul.f32 v41, v7;
	v40 =	vmul.f32 v40, v7;
	v60 =	vld [tilespmem:s30+$0xAE30];
	v11 =	vadd.f32 v11, v12;
	[tilespmem:s30+$0x5260] =	vst v45  }
0x109: {  	v38 =	vmul.f32 v38, v7;
	v61 =	vld [tilespmem:s30+$0xAA10];
	v44 =	vadd.f32 v62, v44;
	[tilespmem:s30+$0x5200] =	vst v39;
	v57 =	vmul.f32 v53, v8  }
0x10a: {  	v37 =	vmul.f32 v37, v7;
	v49 =	vld [tilespmem:s30+$0xB210];
	v43 =	vadd.f32 v63, v43;
	[tilespmem:s30+$0x4240] =	vst v11;
	v46 =	vmul.f32 v56, v8  }
0x10b: {  	v36 =	vmul.f32 v36, v7;
	v47 =	vld [tilespmem:s30+$0xAE70];
	[tilespmem:s30+$0x5250] =	vst v44;
	v48 =	vmul.f32 v48, v8;
	v42 =	vadd.f32 v57, v42  }
0x10c: {  	v35 =	vmul.f32 v35, v7;
	v62 =	vld [tilespmem:s30+$0xAE20];
	[tilespmem:s30+$0x5240] =	vst v43;
	v54 =	vmul.f32 v58, v8;
	v37 =	vadd.f32 v46, v37  }
0x10d: {  	v34 =	vmul.f32 v34, v7;
	v63 =	vld [tilespmem:s30+$0xAE10];
	v45 =	vmul.f32 v59, v8;
	v41 =	vadd.f32 v48, v41;
	[tilespmem:s30+$0x5230] =	vst v42  }
0x10e: {  	v33 =	vmul.f32 v33, v7;
	v56 =	vld [tilespmem:s30+$0xAA60];
	v44 =	vmul.f32 v60, v8;
	v36 =	vadd.f32 v54, v36;
	[tilespmem:s30+$0x4E60] =	vst v37  }
0x10f: {  	v32 =	vmul.f32 v32, v7;
	v53 =	vld [tilespmem:s30+$0xAE00];
	v49 =	vmul.f32 v49, v8;
	v35 =	vadd.f32 v45, v35;
	[tilespmem:s30+$0x5220] =	vst v41  }
0x110: {  	v6 =	vmul.f32 v6, v7;
	v12 =	vld [tilespmem:s30+$0x5660];
	v47 =	vmul.f32 v47, v8;
	v34 =	vadd.f32 v44, v34;
	[tilespmem:s30+$0x4E50] =	vst v36  }
0x111: {  	v5 =	vmul.f32 v5, v8;
	v58 =	vld [tilespmem:s30+$0xAA40];
	v43 =	vmul.f32 v62, v8;
	v40 =	vadd.f32 v49, v40;
	[tilespmem:s30+$0x4E40] =	vst v35  }
0x112: {  	v29 =	vmul.f32 v29, v7;
	v59 =	vld [tilespmem:s30+$0xAA30];
	v42 =	vmul.f32 v63, v8;
	v38 =	vadd.f32 v47, v38;
	[tilespmem:s30+$0x4E30] =	vst v34  }
0x113: {  	v5 =	vadd.f32 v5, v6;
	v6 =	vld [tilespmem:s30+$0x4200];
	v39 =	vmul.f32 v56, v8;
	v33 =	vadd.f32 v43, v33;
	[tilespmem:s30+$0x5210] =	vst v40  }
0x114: {  	v31 =	vmul.f32 v31, v7;
	v60 =	vld [tilespmem:s30+$0xAA20];
	v41 =	vmul.f32 v53, v8;
	v32 =	vadd.f32 v42, v32;
	[tilespmem:s30+$0x4E70] =	vst v38  }
0x115: {  	v24 =	vmul.f32 v24, v7;
	v57 =	vld [tilespmem:s30+$0xAA50];
	v34 =	vmul.f32 v61, v8;
	v29 =	vadd.f32 v39, v29;
	[tilespmem:s30+$0x4E20] =	vst v33  }
0x116: {  	v27 =	vmul.f32 v27, v7;
	v62 =	vld [tilespmem:s30+$0xAA00];
	v37 =	vmul.f32 v58, v8;
	v31 =	vadd.f32 v41, v31;
	[tilespmem:s30+$0x4E10] =	vst v32  }
0x117: {  	v26 =	vmul.f32 v26, v7;
	v63 =	vld [tilespmem:s30+$0xA670];
	v36 =	vmul.f32 v59, v8;
	v24 =	vadd.f32 v34, v24;
	[tilespmem:s30+$0x4A60] =	vst v29  }
0x118: {  	v30 =	vmul.f32 v30, v7;
	v40 =	vmul.f32 v55, v8;
	v27 =	vadd.f32 v37, v27;
	v29 =	vld [tilespmem:s30+$0xA640];
	[tilespmem:s30+$0x4E00] =	vst v31  }
0x119: {  	v25 =	vmul.f32 v25, v7;
	v35 =	vmul.f32 v60, v8;
	v26 =	vadd.f32 v36, v26;
	v31 =	vld [tilespmem:s30+$0xA660];
	[tilespmem:s30+$0x4A10] =	vst v24  }
0x11a: {  	v28 =	vmul.f32 v28, v7;
	v38 =	vmul.f32 v57, v8;
	v30 =	vadd.f32 v40, v30;
	v24 =	vld [tilespmem:s30+$0xA270];
	[tilespmem:s30+$0x4A40] =	vst v27  }
0x11b: {  	v23 =	vmul.f32 v23, v7;
	v33 =	vmul.f32 v62, v8;
	v25 =	vadd.f32 v35, v25;
	v27 =	vld [tilespmem:s30+$0xA620];
	[tilespmem:s30+$0x4A30] =	vst v26  }
0x11c: {  	v22 =	vmul.f32 v22, v7;
	v32 =	vmul.f32 v63, v8;
	v28 =	vadd.f32 v38, v28;
	[tilespmem:s30+$0x4A70] =	vst v30;
	v30 =	vld [tilespmem:s30+$0xA650]  }
0x11d: {  	v19 =	vmul.f32 v19, v7;
	v23 =	vadd.f32 v33, v23;
	[tilespmem:s30+$0x4A20] =	vst v25;
	v25 =	vld [tilespmem:s30+$0xA600];
	v29 =	vmul.f32 v29, v8  }
0x11e: {  	v21 =	vmul.f32 v21, v7;
	v22 =	vadd.f32 v32, v22;
	[tilespmem:s30+$0x4A50] =	vst v28;
	v28 =	vld [tilespmem:s30+$0xA630];
	v31 =	vmul.f32 v31, v8  }
0x11f: {  	v14 =	vmul.f32 v14, v7;
	[tilespmem:s30+$0x4A00] =	vst v23;
	v23 =	vld [tilespmem:s30+$0xA260];
	v24 =	vmul.f32 v24, v8;
	v19 =	vadd.f32 v29, v19  }
0x120: {  	v17 =	vmul.f32 v17, v7;
	v26 =	vld [tilespmem:s30+$0xA610];
	[tilespmem:s30+$0x4670] =	vst v22;
	v27 =	vmul.f32 v27, v8;
	v21 =	vadd.f32 v31, v21  }
0x121: {  	v20 =	vmul.f32 v20, v7;
	v22 =	vld [tilespmem:s30+$0x4250];
	v30 =	vmul.f32 v30, v8;
	v14 =	vadd.f32 v24, v14;
	[tilespmem:s30+$0x4640] =	vst v19  }
0x122: {  	v15 =	vmul.f32 v15, v7;
	v25 =	vmul.f32 v25, v8;
	v17 =	vadd.f32 v27, v17;
	v19 =	vld [tilespmem:s30+$0xB650];
	[tilespmem:s30+$0x4660] =	vst v21  }
0x123: {  	v18 =	vmul.f32 v18, v7;
	v28 =	vmul.f32 v28, v8;
	v20 =	vadd.f32 v30, v20;
	v21 =	vld [tilespmem:s30+$0xA250];
	[tilespmem:s30+$0x4270] =	vst v14  }
0x124: {  	v13 =	vmul.f32 v13, v7;
	v23 =	vmul.f32 v23, v8;
	v15 =	vadd.f32 v25, v15;
	[tilespmem:s30+$0x4620] =	vst v17;
	v17 =	vld [tilespmem:s30+$0x5640]  }
0x125: {  	v16 =	vmul.f32 v16, v7;
	v26 =	vmul.f32 v26, v8;
	v18 =	vadd.f32 v28, v18;
	[tilespmem:s30+$0x4650] =	vst v20;
	v20 =	vld [tilespmem:s30+$0xB640]  }
0x126: {  	v10 =	vmul.f32 v10, v7;
	v9 =	vmul.f32 v9, v8;
	v13 =	vadd.f32 v23, v13;
	[tilespmem:s30+$0x4600] =	vst v15;
	v15 =	vld [tilespmem:s30+$0x5650]  }
0x127: {  	v4 =	vmul.f32 v4, v7;
	v3 =	vmul.f32 v3, v8;
	v16 =	vadd.f32 v26, v16;
	[tilespmem:s30+$0x4630] =	vst v18;
	v18 =	vld [tilespmem:s30+$0xB660]  }
0x128: {  	v9 =	vadd.f32 v9, v10;
	v10 =	vmul.f32 v22, v7;
	v14 =	vld [tilespmem:s30+$0x5670];
	[tilespmem:s30+$0x4260] =	vst v13;
	v13 =	vmul.f32 v21, v8  }
0x129: {  	v3 =	vadd.f32 v3, v4;
	[tilespmem:s30+$0x4610] =	vst v16;
	v16 =	vld [tilespmem:s30+$0xB670]  }
0x12a: {  	s31 =	simm.s32 $0x0;
	[tilespmem:s30+$0x4230] =	vst v9;
	v9 =	vld [tilespmem:s30+$0xA200];
	v11 =	vmul.f32 v17, v7;
	v17 =	vmul.f32 v20, v8;
	v4 =	vadd.f32 v13, v10  }
0x12b: {  	s26 =	smul.u32 $0x1800, s31;
	s29 =	simm.s32 $0x80;
	[tilespmem:s30+$0x4220] =	vst v5;
	v5 =	vmul.f32 v15, v7;
	v10 =	vmul.f32 v19, v8  }
0x12c: {  	s31 =	sand.u32 $0x380, s29;
	v11 =	vadd.f32 v17, v11;
	[tilespmem:s30+$0x4250] =	vst v4;
	v4 =	vmul.f32 v12, v7;
	v12 =	vmul.f32 v18, v8  }
0x12d: {  	s26 =	sor.u32 s31, s26;
	[tilespmem:s30+$0x4210] =	vst v3;
	v5 =	vadd.f32 v10, v5  }
0x12e: {  	v3 =	vld [tilespmem:s26+$0x4210];
	v10 =	vmul.f32 v14, v7;
	[tilespmem:s30+$0x5640] =	vst v11;
	v11 =	vmul.f32 v16, v8;
	v12 =	vadd.f32 v12, v4  }
0x12f: {  	v7 =	vmul.f32 v6, v7;
	v8 =	vmul.f32 v9, v8;
	v4 =	vld [tilespmem:s26+$0xA210];
	[tilespmem:s30+$0x5650] =	vst v5  }
0x130: {  	v9 =	vadd.f32 v11, v10;
	v6 =	vld [tilespmem:s26+$0x4220];
	[tilespmem:s30+$0x5660] =	vst v12  }
0x131: {  	v7 =	vadd.f32 v8, v7;
	v5 =	vld [tilespmem:s26+$0xA220]  }
0x132: {  	v8 =	vld [tilespmem:s26+$0x4230];
	[tilespmem:s30+$0x5670] =	vst v9  }
0x133: {  	v18 =	vld [tilespmem:s26+$0x4630];
	[tilespmem:s30+$0x4200] =	vst v7  }
0x134: {  	v7 =	vld [tilespmem:s26+$0xA230]  }
0x135: {  	v10 =	vld [tilespmem:s26+$0x4240]  }
0x136: {  	v9 =	vld [tilespmem:s26+$0xA240]  }
0x137: {  	v12 =	vld [tilespmem:s26+$0x4250]  }
0x138: {  	v11 =	vld [tilespmem:s26+$0xA250]  }
0x139: {  	v13 =	vld [tilespmem:s26+$0x4260]  }
0x13a: {  	v14 =	vld [tilespmem:s26+$0x4270]  }
0x13b: {  	v15 =	vld [tilespmem:s26+$0x4600]  }
0x13c: {  	v16 =	vld [tilespmem:s26+$0x4610]  }
0x13d: {  	v17 =	vld [tilespmem:s26+$0x4620]  }
0x13e: {  	v19 =	vld [tilespmem:s26+$0x4640]  }
0x13f: {  	v20 =	vld [tilespmem:s26+$0x4650]  }
0x140: {  	v21 =	vld [tilespmem:s26+$0x4660]  }
0x141: {  	v22 =	vld [tilespmem:s26+$0x4670]  }
0x142: {  	v23 =	vld [tilespmem:s26+$0x4A00]  }
0x143: {  	v24 =	vld [tilespmem:s26+$0x4A10]  }
0x144: {  	v25 =	vld [tilespmem:s26+$0x4A20]  }
0x145: {  	v26 =	vld [tilespmem:s26+$0x4A30]  }
0x146: {  	v27 =	vld [tilespmem:s26+$0x4A40]  }
0x147: {  	v28 =	vld [tilespmem:s26+$0x4A50]  }
0x148: {  	v29 =	vld [tilespmem:s26+$0x4A60]  }
0x149: {  	v30 =	vld [tilespmem:s26+$0x4A70]  }
0x14a: {  	v31 =	vld [tilespmem:s26+$0x4E00]  }
0x14b: {  	v34 =	vld [tilespmem:s26+$0x4E10]  }
0x14c: {  	v35 =	vld [tilespmem:s26+$0x4E20]  }
0x14d: {  	v36 =	vld [tilespmem:s26+$0x4E30]  }
0x14e: {  	v37 =	vld [tilespmem:s26+$0x4E40]  }
0x14f: {  	v38 =	vld [tilespmem:s26+$0x4E50]  }
0x150: {  	v39 =	vld [tilespmem:s26+$0x4E60]  }
0x151: {  	v40 =	vld [tilespmem:s26+$0x4E70]  }
0x152: {  	v41 =	vld [tilespmem:s26+$0x5200]  }
0x153: {  	v42 =	vld [tilespmem:s26+$0x5210]  }
0x154: {  	v43 =	vld [tilespmem:s26+$0x5220]  }
0x155: {  	v44 =	vld [tilespmem:s26+$0x5230]  }
0x156: {  	v45 =	vld [tilespmem:s26+$0x5240]  }
0x157: {  	v46 =	vld [tilespmem:s26+$0x5250]  }
0x158: {  	v47 =	vld [tilespmem:s26+$0x5260]  }
0x159: {  	v48 =	vld [tilespmem:s26+$0x5600]  }
0x15a: {  	v50 =	vld [tilespmem:s26+$0x5610]  }
0x15b: {  	v49 =	vld [tilespmem:s26+$0xB610]  }
0x15c: {  	s30 =	simm.s32 $0x2;
	v51 =	vld [tilespmem:s26+$0xB630]  }
.LBB2_2:
0x15d: {  	p0 =	sne.s32 s30, $0x1F;
	v52 =	vld [tilespmem:s26+$0x5630]  }
0x15e: {  	s24 =	sadd.s32 $0x80, s24;
	v53 =	vld [tilespmem:s26+$0x5620]  }
0x15f: {  	s25 =	sadd.s32 $0x80, s25;
	v33 =	vld [tilespmem:s24+$0x0]  }
0x160: {  	v32 =	vld [tilespmem:s25+$0x0]  }
0x161: {  	v54 =	vld [tilespmem:s26+$0xB620]  }
0x162: {  	v55 =	vld [tilespmem:s26+$0xB600]  }
0x163: {  	v56 =	vld [tilespmem:s26+$0x5270]  }
0x164: {  	v57 =	vld [tilespmem:s26+$0xB270];
	v50 =	vmul.f32 v50, v33;
	v53 =	vmul.f32 v53, v33  }
0x165: {  	v52 =	vmul.f32 v52, v33;
	v58 =	vld [tilespmem:s26+$0xB260];
	v51 =	vmul.f32 v51, v32  }
0x166: {  	v49 =	vmul.f32 v49, v32;
	v59 =	vld [tilespmem:s26+$0xB250];
	v54 =	vmul.f32 v54, v32  }
0x167: {  	v48 =	vmul.f32 v48, v33;
	v60 =	vld [tilespmem:s26+$0xB240];
	v55 =	vmul.f32 v55, v32;
	v51 =	vadd.f32 v51, v52  }
0x168: {  	v49 =	vadd.f32 v49, v50;
	v52 =	vld [tilespmem:s26+$0xB230];
	v56 =	vmul.f32 v56, v33;
	v50 =	vadd.f32 v54, v53  }
0x169: {  	v47 =	vmul.f32 v47, v33;
	v53 =	vld [tilespmem:s26+$0xB220];
	v54 =	vmul.f32 v57, v32;
	v48 =	vadd.f32 v55, v48;
	[tilespmem:s26+$0x5630] =	vst v51  }
0x16a: {  	v46 =	vmul.f32 v46, v33;
	v51 =	vld [tilespmem:s26+$0xB210];
	v55 =	vmul.f32 v58, v32;
	[tilespmem:s26+$0x5620] =	vst v50  }
0x16b: {  	v45 =	vmul.f32 v45, v33;
	v50 =	vld [tilespmem:s26+$0xB200];
	v57 =	vmul.f32 v59, v32;
	v54 =	vadd.f32 v54, v56;
	[tilespmem:s26+$0x5610] =	vst v49  }
0x16c: {  	v44 =	vmul.f32 v44, v33;
	v49 =	vld [tilespmem:s26+$0xAE70];
	v56 =	vmul.f32 v60, v32;
	v47 =	vadd.f32 v55, v47;
	[tilespmem:s26+$0x5600] =	vst v48  }
0x16d: {  	v43 =	vmul.f32 v43, v33;
	v48 =	vld [tilespmem:s26+$0xAE60];
	v52 =	vmul.f32 v52, v32;
	v46 =	vadd.f32 v57, v46;
	[tilespmem:s26+$0x5270] =	vst v54  }
0x16e: {  	v42 =	vmul.f32 v42, v33;
	v54 =	vld [tilespmem:s26+$0xAE50];
	v53 =	vmul.f32 v53, v32;
	v45 =	vadd.f32 v56, v45;
	[tilespmem:s26+$0x5260] =	vst v47  }
0x16f: {  	v41 =	vmul.f32 v41, v33;
	v47 =	vld [tilespmem:s26+$0xAE40];
	v51 =	vmul.f32 v51, v32;
	v44 =	vadd.f32 v52, v44;
	[tilespmem:s26+$0x5250] =	vst v46  }
0x170: {  	v40 =	vmul.f32 v40, v33;
	v46 =	vld [tilespmem:s26+$0xAE30];
	v50 =	vmul.f32 v50, v32;
	v43 =	vadd.f32 v53, v43;
	[tilespmem:s26+$0x5240] =	vst v45  }
0x171: {  	v39 =	vmul.f32 v39, v33;
	v45 =	vld [tilespmem:s26+$0xAE20];
	v49 =	vmul.f32 v49, v32;
	v42 =	vadd.f32 v51, v42;
	[tilespmem:s26+$0x5230] =	vst v44  }
0x172: {  	v38 =	vmul.f32 v38, v33;
	v44 =	vld [tilespmem:s26+$0xAE10];
	v48 =	vmul.f32 v48, v32;
	v41 =	vadd.f32 v50, v41;
	[tilespmem:s26+$0x5220] =	vst v43  }
0x173: {  	v37 =	vmul.f32 v37, v33;
	v43 =	vld [tilespmem:s26+$0xAE00];
	v50 =	vmul.f32 v54, v32;
	v40 =	vadd.f32 v49, v40;
	[tilespmem:s26+$0x5210] =	vst v42  }
0x174: {  	v36 =	vmul.f32 v36, v33;
	v42 =	vld [tilespmem:s26+$0xAA70];
	v47 =	vmul.f32 v47, v32;
	v39 =	vadd.f32 v48, v39;
	[tilespmem:s26+$0x5200] =	vst v41  }
0x175: {  	v35 =	vmul.f32 v35, v33;
	v41 =	vld [tilespmem:s26+$0xAA60];
	v46 =	vmul.f32 v46, v32;
	v38 =	vadd.f32 v50, v38;
	[tilespmem:s26+$0x4E70] =	vst v40  }
0x176: {  	v34 =	vmul.f32 v34, v33;
	v40 =	vld [tilespmem:s26+$0xAA50];
	v45 =	vmul.f32 v45, v32;
	v37 =	vadd.f32 v47, v37;
	[tilespmem:s26+$0x4E60] =	vst v39  }
0x177: {  	v31 =	vmul.f32 v31, v33;
	v39 =	vld [tilespmem:s26+$0xAA40];
	v44 =	vmul.f32 v44, v32;
	v36 =	vadd.f32 v46, v36;
	[tilespmem:s26+$0x4E50] =	vst v38  }
0x178: {  	v30 =	vmul.f32 v30, v33;
	v38 =	vld [tilespmem:s26+$0xAA30];
	v43 =	vmul.f32 v43, v32;
	v35 =	vadd.f32 v45, v35;
	[tilespmem:s26+$0x4E40] =	vst v37  }
0x179: {  	v29 =	vmul.f32 v29, v33;
	v37 =	vld [tilespmem:s26+$0xAA20];
	v42 =	vmul.f32 v42, v32;
	v34 =	vadd.f32 v44, v34;
	[tilespmem:s26+$0x4E30] =	vst v36  }
0x17a: {  	v28 =	vmul.f32 v28, v33;
	v36 =	vld [tilespmem:s26+$0xAA10];
	v41 =	vmul.f32 v41, v32;
	v31 =	vadd.f32 v43, v31;
	[tilespmem:s26+$0x4E20] =	vst v35  }
0x17b: {  	v27 =	vmul.f32 v27, v33;
	v35 =	vld [tilespmem:s26+$0xAA00];
	v40 =	vmul.f32 v40, v32;
	v30 =	vadd.f32 v42, v30;
	[tilespmem:s26+$0x4E10] =	vst v34  }
0x17c: {  	v26 =	vmul.f32 v26, v33;
	v34 =	vld [tilespmem:s26+$0xA670];
	v39 =	vmul.f32 v39, v32;
	v29 =	vadd.f32 v41, v29;
	[tilespmem:s26+$0x4E00] =	vst v31  }
0x17d: {  	v25 =	vmul.f32 v25, v33;
	v31 =	vld [tilespmem:s26+$0xA660];
	v38 =	vmul.f32 v38, v32;
	v28 =	vadd.f32 v40, v28;
	[tilespmem:s26+$0x4A70] =	vst v30  }
0x17e: {  	v24 =	vmul.f32 v24, v33;
	v30 =	vld [tilespmem:s26+$0xA650];
	v37 =	vmul.f32 v37, v32;
	v27 =	vadd.f32 v39, v27;
	[tilespmem:s26+$0x4A60] =	vst v29  }
0x17f: {  	v23 =	vmul.f32 v23, v33;
	v29 =	vld [tilespmem:s26+$0xA640];
	v36 =	vmul.f32 v36, v32;
	v26 =	vadd.f32 v38, v26;
	[tilespmem:s26+$0x4A50] =	vst v28  }
0x180: {  	v22 =	vmul.f32 v22, v33;
	v28 =	vld [tilespmem:s26+$0xA630];
	v35 =	vmul.f32 v35, v32;
	v25 =	vadd.f32 v37, v25;
	[tilespmem:s26+$0x4A40] =	vst v27  }
0x181: {  	v21 =	vmul.f32 v21, v33;
	v27 =	vld [tilespmem:s26+$0xA620];
	v34 =	vmul.f32 v34, v32;
	v24 =	vadd.f32 v36, v24;
	[tilespmem:s26+$0x4A30] =	vst v26  }
0x182: {  	v20 =	vmul.f32 v20, v33;
	v26 =	vld [tilespmem:s26+$0xA610];
	v31 =	vmul.f32 v31, v32;
	v23 =	vadd.f32 v35, v23;
	[tilespmem:s26+$0x4A20] =	vst v25  }
0x183: {  	v19 =	vmul.f32 v19, v33;
	v25 =	vld [tilespmem:s26+$0xA600];
	v30 =	vmul.f32 v30, v32;
	v22 =	vadd.f32 v34, v22;
	[tilespmem:s26+$0x4A10] =	vst v24  }
0x184: {  	v18 =	vmul.f32 v18, v33;
	v24 =	vld [tilespmem:s26+$0xA270];
	v29 =	vmul.f32 v29, v32;
	v21 =	vadd.f32 v31, v21;
	[tilespmem:s26+$0x4A00] =	vst v23  }
0x185: {  	v17 =	vmul.f32 v17, v33;
	v23 =	vld [tilespmem:s26+$0xA260];
	v28 =	vmul.f32 v28, v32;
	v20 =	vadd.f32 v30, v20;
	[tilespmem:s26+$0x4670] =	vst v22  }
0x186: {  	v16 =	vmul.f32 v16, v33;
	v22 =	vmul.f32 v27, v32;
	v19 =	vadd.f32 v29, v19;
	[tilespmem:s26+$0x4660] =	vst v21;
	v21 =	vld [tilespmem:s26+$0xB640]  }
0x187: {  	v15 =	vmul.f32 v15, v33;
	v26 =	vmul.f32 v26, v32;
	v18 =	vadd.f32 v28, v18;
	[tilespmem:s26+$0x4650] =	vst v20;
	v20 =	vld [tilespmem:s26+$0xB650]  }
0x188: {  	v14 =	vmul.f32 v14, v33;
	v25 =	vmul.f32 v25, v32;
	v17 =	vadd.f32 v22, v17;
	[tilespmem:s26+$0x4640] =	vst v19;
	v19 =	vld [tilespmem:s26+$0xB660]  }
0x189: {  	v13 =	vmul.f32 v13, v33;
	v22 =	vmul.f32 v24, v32;
	v16 =	vadd.f32 v26, v16;
	[tilespmem:s26+$0x4630] =	vst v18;
	v18 =	vld [tilespmem:s26+$0xB670]  }
0x18a: {  	v12 =	vmul.f32 v12, v33;
	v23 =	vmul.f32 v23, v32;
	v15 =	vadd.f32 v25, v15;
	[tilespmem:s26+$0x4620] =	vst v17;
	v17 =	vld [tilespmem:s26+$0x5640]  }
0x18b: {  	v10 =	vmul.f32 v10, v33;
	v11 =	vmul.f32 v11, v32;
	v14 =	vadd.f32 v22, v14;
	[tilespmem:s26+$0x4610] =	vst v16;
	v16 =	vld [tilespmem:s26+$0x5650]  }
0x18c: {  	v8 =	vmul.f32 v8, v33;
	v9 =	vmul.f32 v9, v32;
	v13 =	vadd.f32 v23, v13;
	[tilespmem:s26+$0x4600] =	vst v15;
	v15 =	vld [tilespmem:s26+$0x5660]  }
0x18d: {  	v6 =	vmul.f32 v6, v33;
	v7 =	vmul.f32 v7, v32;
	v11 =	vadd.f32 v11, v12;
	[tilespmem:s26+$0x4270] =	vst v14;
	v12 =	vld [tilespmem:s26+$0x5670]  }
0x18e: {  	v3 =	vmul.f32 v3, v33;
	v5 =	vmul.f32 v5, v32;
	v9 =	vadd.f32 v9, v10;
	v14 =	vld [tilespmem:s26+$0x4200];
	[tilespmem:s26+$0x4260] =	vst v13  }
0x18f: {  	v4 =	vmul.f32 v4, v32;
	v7 =	vadd.f32 v7, v8;
	v10 =	vld [tilespmem:s26+$0xA200];
	[tilespmem:s26+$0x4250] =	vst v11;
	v8 =	vmul.f32 v17, v33  }
0x190: {  	s31 =	sshrl.u32 s30, $0x3;
	v5 =	vadd.f32 v5, v6;
	v6 =	vmul.f32 v21, v32;
	[tilespmem:s26+$0x4240] =	vst v9;
	v9 =	vmul.f32 v16, v33  }
0x191: {  	s29 =	sadd.s32 $0x80, s29;
	s31 =	smul.u32 $0x1800, s31;
	v3 =	vadd.f32 v4, v3;
	v4 =	vmul.f32 v20, v32;
	[tilespmem:s26+$0x4230] =	vst v7;
	v7 =	vmul.f32 v15, v33  }
0x192: {  	s0 =	sand.u32 $0x380, s29;
	[tilespmem:s26+$0x4220] =	vst v5;
	v5 =	vadd.f32 v6, v8;
	v6 =	vmul.f32 v19, v32;
	v8 =	vmul.f32 v12, v33  }
0x193: {  	s0 =	sor.u32 s0, s31;
	v9 =	vadd.f32 v4, v9;
	v12 =	vmul.f32 v18, v32;
	v11 =	vmul.f32 v14, v33;
	[tilespmem:s26+$0x4210] =	vst v3  }
0x194: {  	v3 =	vld [tilespmem:s0+$0x4210];
	v10 =	vmul.f32 v10, v32;
	[tilespmem:s26+$0x5640] =	vst v5;
	v5 =	vadd.f32 v6, v7  }
0x195: {  	v7 =	vadd.f32 v12, v8;
	v4 =	vld [tilespmem:s0+$0xA210];
	[tilespmem:s26+$0x5650] =	vst v9  }
0x196: {  	v6 =	vld [tilespmem:s0+$0x4220];
	v9 =	vadd.f32 v10, v11;
	[tilespmem:s26+$0x5660] =	vst v5  }
0x197: {  	v5 =	vld [tilespmem:s0+$0xA220];
	[tilespmem:s26+$0x5670] =	vst v7  }
0x198: {  	v8 =	vld [tilespmem:s0+$0x4230];
	[tilespmem:s26+$0x4200] =	vst v9;
	s26 =	smov.u32 s0  }
0x199: {  	v7 =	vld [tilespmem:s26+$0xA230]  }
0x19a: {  	v10 =	vld [tilespmem:s26+$0x4240]  }
0x19b: {  	v9 =	vld [tilespmem:s26+$0xA240]  }
0x19c: {  	v12 =	vld [tilespmem:s26+$0x4250]  }
0x19d: {  	v11 =	vld [tilespmem:s26+$0xA250]  }
0x19e: {  	v13 =	vld [tilespmem:s26+$0x4260]  }
0x19f: {  	v14 =	vld [tilespmem:s26+$0x4270]  }
0x1a0: {  	v15 =	vld [tilespmem:s26+$0x4600]  }
0x1a1: {  	v16 =	vld [tilespmem:s26+$0x4610]  }
0x1a2: {  	v17 =	vld [tilespmem:s26+$0x4620]  }
0x1a3: {  	v18 =	vld [tilespmem:s26+$0x4630]  }
0x1a4: {  	v19 =	vld [tilespmem:s26+$0x4640]  }
0x1a5: {  	v20 =	vld [tilespmem:s26+$0x4650]  }
0x1a6: {  	v21 =	vld [tilespmem:s26+$0x4660]  }
0x1a7: {  	v22 =	vld [tilespmem:s26+$0x4670]  }
0x1a8: {  	v23 =	vld [tilespmem:s26+$0x4A00]  }
0x1a9: {  	v24 =	vld [tilespmem:s26+$0x4A10]  }
0x1aa: {  	v25 =	vld [tilespmem:s26+$0x4A20]  }
0x1ab: {  	v26 =	vld [tilespmem:s26+$0x4A30]  }
0x1ac: {  	v27 =	vld [tilespmem:s26+$0x4A40]  }
0x1ad: {  	v28 =	vld [tilespmem:s26+$0x4A50]  }
0x1ae: {  	v29 =	vld [tilespmem:s26+$0x4A60]  }
0x1af: {  	v30 =	vld [tilespmem:s26+$0x4A70]  }
0x1b0: {  	v31 =	vld [tilespmem:s26+$0x4E00]  }
0x1b1: {  	v34 =	vld [tilespmem:s26+$0x4E10]  }
0x1b2: {  	v35 =	vld [tilespmem:s26+$0x4E20]  }
0x1b3: {  	v36 =	vld [tilespmem:s26+$0x4E30]  }
0x1b4: {  	v37 =	vld [tilespmem:s26+$0x4E40]  }
0x1b5: {  	v38 =	vld [tilespmem:s26+$0x4E50]  }
0x1b6: {  	v39 =	vld [tilespmem:s26+$0x4E60]  }
0x1b7: {  	v40 =	vld [tilespmem:s26+$0x4E70]  }
0x1b8: {  	v41 =	vld [tilespmem:s26+$0x5200]  }
0x1b9: {  	v42 =	vld [tilespmem:s26+$0x5210]  }
0x1ba: {  	v43 =	vld [tilespmem:s26+$0x5220]  }
0x1bb: {  	v44 =	vld [tilespmem:s26+$0x5230]  }
0x1bc: {  	v45 =	vld [tilespmem:s26+$0x5240]  }
0x1bd: {  	v46 =	vld [tilespmem:s26+$0x5250]  }
.Ltmp0:
0x1be: {  	v47 =	vld [tilespmem:s26+$0x5260];
	(pc) =	sbr.rel @p0 .LBB2_2-.Ltmp0, $4  }
0x1bf: {  	v48 =	vld [tilespmem:s26+$0x5600]  }
0x1c0: {  	v50 =	vld [tilespmem:s26+$0x5610]  }
0x1c1: {  	v49 =	vld [tilespmem:s26+$0xB610]  }
0x1c2: {  	s30 =	sadd.s32 $0x1, s30;
	v51 =	vld [tilespmem:s26+$0xB630]  }
0x1c3: {  	v52 =	vld [tilespmem:s26+$0x5630]  }
0x1c4: {  	v53 =	vld [tilespmem:s26+$0x5620];
	s0 =	sadd.s32 $0x80, s24  }
0x1c5: {  	s25 =	sadd.s32 $0x80, s25;
	v32 =	vld [tilespmem:s0+$0x0]  }
0x1c6: {  	v33 =	vld [tilespmem:s25+$0x0]  }
0x1c7: {  	v54 =	vld [tilespmem:s26+$0xB620]  }
0x1c8: {  	v55 =	vld [tilespmem:s26+$0xB600]  }
0x1c9: {  	v56 =	vld [tilespmem:s26+$0x5270]  }
0x1ca: {  	v57 =	vld [tilespmem:s26+$0xB270]  }
0x1cb: {  	v58 =	vld [tilespmem:s26+$0xB260];
	v52 =	vmul.f32 v52, v32;
	v51 =	vmul.f32 v51, v33  }
0x1cc: {  	v53 =	vmul.f32 v53, v32;
	v54 =	vmul.f32 v54, v33  }
0x1cd: {  	v59 =	vld [tilespmem:s26+$0xB250];
	v50 =	vmul.f32 v50, v32;
	v49 =	vmul.f32 v49, v33  }
0x1ce: {  	v61 =	vld [tilespmem:s26+$0xB220];
	v48 =	vmul.f32 v48, v32;
	v62 =	vmul.f32 v55, v33;
	v51 =	vadd.f32 v51, v52  }
0x1cf: {  	v60 =	vld [tilespmem:s26+$0xB240];
	v63 =	vmul.f32 v56, v32;
	v57 =	vmul.f32 v57, v33;
	v53 =	vadd.f32 v54, v53  }
0x1d0: {  	v47 =	vmul.f32 v47, v32;
	v58 =	vmul.f32 v58, v33;
	v52 =	vld [tilespmem:s26+$0xB230];
	v49 =	vadd.f32 v49, v50;
	[tilespmem:s26+$0x5630] =	vst v51  }
0x1d1: {  	v46 =	vmul.f32 v46, v32;
	v45 =	vmul.f32 v45, v32;
	v50 =	vld [tilespmem:s26+$0xB200];
	v48 =	vadd.f32 v62, v48;
	[tilespmem:s26+$0x5620] =	vst v53  }
0x1d2: {  	v44 =	vmul.f32 v44, v32;
	v62 =	vmul.f32 v59, v33;
	v47 =	vadd.f32 v58, v47;
	v58 =	vld [tilespmem:s26+$0xAE30];
	[tilespmem:s26+$0x5610] =	vst v49  }
0x1d3: {  	v43 =	vmul.f32 v43, v32;
	v59 =	vmul.f32 v61, v33;
	v51 =	vld [tilespmem:s26+$0xB210];
	v53 =	vadd.f32 v57, v63;
	[tilespmem:s26+$0x5600] =	vst v48  }
0x1d4: {  	v42 =	vmul.f32 v42, v32;
	v49 =	vld [tilespmem:s26+$0xAE70];
	v63 =	vmul.f32 v60, v33;
	v46 =	vadd.f32 v62, v46;
	[tilespmem:s26+$0x5260] =	vst v47  }
0x1d5: {  	v41 =	vmul.f32 v41, v32;
	v48 =	vld [tilespmem:s26+$0xAE60];
	v43 =	vadd.f32 v59, v43;
	[tilespmem:s26+$0x5270] =	vst v53;
	v52 =	vmul.f32 v52, v33  }
0x1d6: {  	v40 =	vmul.f32 v40, v32;
	v57 =	vld [tilespmem:s26+$0xAE40];
	v45 =	vadd.f32 v63, v45;
	[tilespmem:s26+$0x5250] =	vst v46;
	v50 =	vmul.f32 v50, v33  }
0x1d7: {  	v36 =	vmul.f32 v36, v32;
	v60 =	vld [tilespmem:s26+$0xAE20];
	[tilespmem:s26+$0x5220] =	vst v43;
	v46 =	vmul.f32 v58, v33;
	v44 =	vadd.f32 v52, v44  }
0x1d8: {  	v39 =	vmul.f32 v39, v32;
	v62 =	vld [tilespmem:s26+$0xAE00];
	[tilespmem:s26+$0x5240] =	vst v45;
	v51 =	vmul.f32 v51, v33;
	v41 =	vadd.f32 v50, v41  }
0x1d9: {  	v38 =	vmul.f32 v38, v32;
	v53 =	vld [tilespmem:s26+$0xAE50];
	v49 =	vmul.f32 v49, v33;
	v36 =	vadd.f32 v46, v36;
	[tilespmem:s26+$0x5230] =	vst v44  }
0x1da: {  	v37 =	vmul.f32 v37, v32;
	v61 =	vld [tilespmem:s26+$0xAE10];
	v48 =	vmul.f32 v48, v33;
	v42 =	vadd.f32 v51, v42;
	[tilespmem:s26+$0x5200] =	vst v41  }
0x1db: {  	v35 =	vmul.f32 v35, v32;
	v59 =	vld [tilespmem:s26+$0xAA10];
	v47 =	vmul.f32 v57, v33;
	v40 =	vadd.f32 v49, v40;
	[tilespmem:s26+$0x4E30] =	vst v36  }
0x1dc: {  	v34 =	vmul.f32 v34, v32;
	v63 =	vld [tilespmem:s26+$0xAA70];
	v45 =	vmul.f32 v60, v33;
	v39 =	vadd.f32 v48, v39;
	[tilespmem:s26+$0x5210] =	vst v42  }
0x1dd: {  	v55 =	vld [tilespmem:s26+$0xAA50];
	v31 =	vmul.f32 v31, v32;
	v43 =	vmul.f32 v62, v33;
	v37 =	vadd.f32 v47, v37;
	[tilespmem:s26+$0x4E70] =	vst v40  }
0x1de: {  	v30 =	vmul.f32 v30, v32;
	v52 =	vld [tilespmem:s26+$0xAA60];
	v54 =	vmul.f32 v53, v33;
	v35 =	vadd.f32 v45, v35;
	[tilespmem:s26+$0x4E60] =	vst v39  }
0x1df: {  	v56 =	vld [tilespmem:s26+$0xAA40];
	v29 =	vmul.f32 v29, v32;
	v44 =	vmul.f32 v61, v33;
	v31 =	vadd.f32 v43, v31;
	[tilespmem:s26+$0x4E40] =	vst v37  }
0x1e0: {  	v24 =	vmul.f32 v24, v32;
	v58 =	vld [tilespmem:s26+$0xAA20];
	v36 =	vmul.f32 v59, v33;
	v38 =	vadd.f32 v54, v38;
	[tilespmem:s26+$0x4E20] =	vst v35  }
0x1e1: {  	v28 =	vmul.f32 v28, v32;
	v60 =	vld [tilespmem:s26+$0xAA00];
	v34 =	vadd.f32 v44, v34;
	v42 =	vmul.f32 v63, v33;
	[tilespmem:s26+$0x4E00] =	vst v31  }
0x1e2: {  	v27 =	vmul.f32 v27, v32;
	v57 =	vld [tilespmem:s26+$0xAA30];
	v40 =	vmul.f32 v55, v33;
	v24 =	vadd.f32 v36, v24;
	[tilespmem:s26+$0x4E50] =	vst v38  }
0x1e3: {  	v26 =	vmul.f32 v26, v32;
	v61 =	vld [tilespmem:s26+$0xA670];
	v41 =	vmul.f32 v52, v33;
	[tilespmem:s26+$0x4E10] =	vst v34;
	v30 =	vadd.f32 v42, v30  }
0x1e4: {  	v25 =	vmul.f32 v25, v32;
	v39 =	vmul.f32 v56, v33;
	v28 =	vadd.f32 v40, v28;
	[tilespmem:s26+$0x4A10] =	vst v24  }
0x1e5: {  	v23 =	vmul.f32 v23, v32;
	v31 =	vld [tilespmem:s26+$0xA660];
	v37 =	vmul.f32 v58, v33;
	v29 =	vadd.f32 v41, v29;
	[tilespmem:s26+$0x4A70] =	vst v30  }
0x1e6: {  	v22 =	vmul.f32 v22, v32;
	v35 =	vmul.f32 v60, v33;
	v27 =	vadd.f32 v39, v27;
	v30 =	vld [tilespmem:s26+$0xA650];
	[tilespmem:s26+$0x4A50] =	vst v28  }
0x1e7: {  	v10 =	vmul.f32 v10, v32;
	v38 =	vmul.f32 v57, v33;
	v25 =	vadd.f32 v37, v25;
	[tilespmem:s26+$0x4A60] =	vst v29;
	v29 =	vld [tilespmem:s26+$0xA640]  }
0x1e8: {  	v9 =	vmul.f32 v9, v33;
	v34 =	vmul.f32 v61, v33;
	v23 =	vadd.f32 v35, v23;
	v28 =	vld [tilespmem:s26+$0xA630];
	[tilespmem:s26+$0x4A40] =	vst v27  }
0x1e9: {  	v21 =	vmul.f32 v21, v32;
	v26 =	vadd.f32 v38, v26;
	v27 =	vld [tilespmem:s26+$0xA620];
	[tilespmem:s26+$0x4A20] =	vst v25  }
0x1ea: {  	v9 =	vadd.f32 v9, v10;
	v10 =	vld [tilespmem:s26+$0xA200];
	v24 =	vmul.f32 v31, v33;
	v22 =	vadd.f32 v34, v22;
	[tilespmem:s26+$0x4A00] =	vst v23  }
0x1eb: {  	v20 =	vmul.f32 v20, v32;
	[tilespmem:s26+$0x4A30] =	vst v26;
	v26 =	vld [tilespmem:s26+$0xA610];
	v23 =	vmul.f32 v30, v33  }
0x1ec: {  	v19 =	vmul.f32 v19, v32;
	v25 =	vld [tilespmem:s26+$0xA600];
	v21 =	vadd.f32 v24, v21;
	[tilespmem:s26+$0x4670] =	vst v22;
	v22 =	vmul.f32 v29, v33  }
0x1ed: {  	v18 =	vmul.f32 v18, v32;
	v31 =	vld [tilespmem:s26+$0xA270];
	v20 =	vadd.f32 v23, v20;
	v23 =	vmul.f32 v28, v33  }
0x1ee: {  	v17 =	vmul.f32 v17, v32;
	v24 =	vld [tilespmem:s26+$0xA260];
	[tilespmem:s26+$0x4660] =	vst v21;
	v19 =	vadd.f32 v22, v19;
	v22 =	vmul.f32 v27, v33  }
0x1ef: {  	v12 =	vmul.f32 v12, v32;
	v11 =	vmul.f32 v11, v33;
	v21 =	vld [tilespmem:s26+$0xB640];
	[tilespmem:s26+$0x4650] =	vst v20;
	v18 =	vadd.f32 v23, v18  }
0x1f0: {  	v16 =	vmul.f32 v16, v32;
	v20 =	vld [tilespmem:s26+$0xB650];
	v23 =	vmul.f32 v26, v33;
	[tilespmem:s26+$0x4640] =	vst v19;
	v17 =	vadd.f32 v22, v17  }
0x1f1: {  	v15 =	vmul.f32 v15, v32;
	v11 =	vadd.f32 v11, v12;
	v19 =	vld [tilespmem:s26+$0xB660];
	[tilespmem:s26+$0x4630] =	vst v18;
	v18 =	vmul.f32 v25, v33  }
0x1f2: {  	v14 =	vmul.f32 v14, v32;
	v22 =	vld [tilespmem:s26+$0xB670];
	v16 =	vadd.f32 v23, v16;
	[tilespmem:s26+$0x4620] =	vst v17;
	v17 =	vmul.f32 v31, v33  }
0x1f3: {  	[tilespmem:s26+$0x4250] =	vst v11;
	v15 =	vadd.f32 v18, v15;
	v18 =	vld [tilespmem:s26+$0x5640]  }
0x1f4: {  	v8 =	vmul.f32 v8, v32;
	v7 =	vmul.f32 v7, v33;
	[tilespmem:s26+$0x4610] =	vst v16;
	v16 =	vld [tilespmem:s26+$0x5650];
	v14 =	vadd.f32 v17, v14  }
0x1f5: {  	v6 =	vmul.f32 v6, v32;
	v5 =	vmul.f32 v5, v33;
	[tilespmem:s26+$0x4600] =	vst v15;
	v15 =	vld [tilespmem:s26+$0x5660]  }
0x1f6: {  	v3 =	vmul.f32 v3, v32;
	v4 =	vmul.f32 v4, v33;
	v7 =	vadd.f32 v7, v8;
	[tilespmem:s26+$0x4270] =	vst v14;
	v14 =	vld [tilespmem:s26+$0x5670]  }
0x1f7: {  	v13 =	vmul.f32 v13, v32;
	v12 =	vld [tilespmem:s26+$0x4200];
	v5 =	vadd.f32 v5, v6;
	[tilespmem:s26+$0x4240] =	vst v9;
	v23 =	vmul.f32 v24, v33  }
0x1f8: {  	v3 =	vadd.f32 v4, v3;
	[tilespmem:s26+$0x4230] =	vst v7;
	v6 =	vmul.f32 v21, v33;
	v8 =	vmul.f32 v18, v32  }
0x1f9: {  	[tilespmem:s26+$0x4220] =	vst v5;
	v13 =	vadd.f32 v23, v13;
	v4 =	vmul.f32 v20, v33;
	v9 =	vmul.f32 v16, v32  }
0x1fa: {  	[tilespmem:s26+$0x4210] =	vst v3;
	v7 =	vmul.f32 v15, v32;
	v5 =	vadd.f32 v6, v8;
	v6 =	vmul.f32 v19, v33  }
0x1fb: {  	[tilespmem:s26+$0x4260] =	vst v13;
	v3 =	vadd.f32 v4, v9;
	v4 =	vmul.f32 v22, v33;
	v8 =	vmul.f32 v14, v32  }
0x1fc: {  	v10 =	vmul.f32 v10, v33;
	v9 =	vmul.f32 v12, v32;
	[tilespmem:s26+$0x5640] =	vst v5;
	v5 =	vadd.f32 v6, v7  }
0x1fd: {  	[tilespmem:s26+$0x5650] =	vst v3;
	v3 =	vadd.f32 v4, v8  }
0x1fe: {  	v4 =	vadd.f32 v10, v9;
	[tilespmem:s26+$0x5660] =	vst v5  }
0x1ff: {  	[tilespmem:s26+$0x5670] =	vst v3  }
0x200: {  	[tilespmem:s26+$0x4200] =	vst v4;
	s26 =	simm.s32 $0x0  }
0x201: {  	[hbm4b:s12+s26] =	stream.linear.scatter [tilespmem:s17], [sflag:$0x3], $0x6000, $0x38;
	[tilespmem:$0x1C200] =	vst v63  }
0x202: {  	_ =	swait.ge [sflag:s20], $0x6000  }
0x203: {  	[sflag:s20] =	ssyncset.done $0x0  }
0x204: {  	s31 =	simm.s32 $0x0;
	[sflag:s20] =	ssyncadd.s32 $0xFFFFA000  }
0x205: {  	s24 =	smul.u32 $0x1800, s31;
	_ =	swait.ge [sflag:s21], $0x6000  }
0x206: {  	s0 =	sand.u32 $0x380, s26;
	[sflag:s21] =	ssyncset.done $0x0  }
0x207: {  	s30 =	sor.u32 s0, s24;
	[sflag:s21] =	ssyncadd.s32 $0xFFFFA000  }
0x208: {  	v4 =	vld [tilespmem:s30+$0x10210]  }
0x209: {  	v3 =	vld [tilespmem:s30+$0x16210]  }
0x20a: {  	v6 =	vld [tilespmem:s30+$0x10220]  }
0x20b: {  	v5 =	vld [tilespmem:s30+$0x16220]  }
0x20c: {  	v10 =	vld [tilespmem:s30+$0x10230]  }
0x20d: {  	v7 =	vld [tilespmem:s30+$0x16230]  }
0x20e: {  	v12 =	vld [tilespmem:s30+$0x10240]  }
0x20f: {  	v11 =	vld [tilespmem:s30+$0x16240]  }
0x210: {  	v13 =	vld [tilespmem:s30+$0x10260]  }
0x211: {  	v14 =	vld [tilespmem:s30+$0x10270]  }
0x212: {  	v15 =	vld [tilespmem:s30+$0x10600]  }
0x213: {  	v16 =	vld [tilespmem:s30+$0x10610]  }
0x214: {  	v17 =	vld [tilespmem:s30+$0x10620]  }
0x215: {  	v18 =	vld [tilespmem:s30+$0x10630]  }
0x216: {  	v19 =	vld [tilespmem:s30+$0x10640]  }
0x217: {  	v20 =	vld [tilespmem:s30+$0x10650]  }
0x218: {  	v21 =	vld [tilespmem:s30+$0x10660]  }
0x219: {  	v22 =	vld [tilespmem:s30+$0x10670]  }
0x21a: {  	v23 =	vld [tilespmem:s30+$0x10A00]  }
0x21b: {  	v24 =	vld [tilespmem:s30+$0x10A10]  }
0x21c: {  	v25 =	vld [tilespmem:s30+$0x10A20]  }
0x21d: {  	v26 =	vld [tilespmem:s30+$0x10A30]  }
0x21e: {  	v27 =	vld [tilespmem:s30+$0x10A40]  }
0x21f: {  	v28 =	vld [tilespmem:s30+$0x10A50]  }
0x220: {  	v29 =	vld [tilespmem:s30+$0x10A60]  }
0x221: {  	v30 =	vld [tilespmem:s30+$0x10A70]  }
0x222: {  	v31 =	vld [tilespmem:s30+$0x10E00]  }
0x223: {  	v32 =	vld [tilespmem:s30+$0x10E10]  }
0x224: {  	v33 =	vld [tilespmem:s30+$0x10E20]  }
0x225: {  	v34 =	vld [tilespmem:s30+$0x10E30]  }
0x226: {  	v35 =	vld [tilespmem:s30+$0x10E40]  }
0x227: {  	v36 =	vld [tilespmem:s30+$0x10E50]  }
0x228: {  	v37 =	vld [tilespmem:s30+$0x10E60]  }
0x229: {  	v38 =	vld [tilespmem:s30+$0x10E70]  }
0x22a: {  	v39 =	vld [tilespmem:s30+$0x11200]  }
0x22b: {  	v40 =	vld [tilespmem:s30+$0x11210]  }
0x22c: {  	v41 =	vld [tilespmem:s30+$0x11220]  }
0x22d: {  	v42 =	vld [tilespmem:s30+$0x11230]  }
0x22e: {  	v43 =	vld [tilespmem:s30+$0x11240]  }
0x22f: {  	v44 =	vld [tilespmem:s30+$0x11250]  }
0x230: {  	v45 =	vld [tilespmem:s30+$0x11260]  }
0x231: {  	v46 =	vld [tilespmem:s30+$0x11600]  }
0x232: {  	v47 =	vld [tilespmem:s30+$0x11610]  }
0x233: {  	v48 =	vld [tilespmem:s30+$0x17610]  }
0x234: {  	v49 =	vld [tilespmem:s30+$0x17630]  }
0x235: {  	v50 =	vld [tilespmem:s30+$0x11630]  }
0x236: {  	s25 =	simm.s32 $0x1200;
	v51 =	vld [tilespmem:s30+$0x11620]  }
0x237: {  	s26 =	simm.s32 $0x3200;
	v8 =	vld [tilespmem:s25+$0x0]  }
0x238: {  	v9 =	vld [tilespmem:s26+$0x0]  }
0x239: {  	v52 =	vld [tilespmem:s30+$0x17620]  }
0x23a: {  	v62 =	vld [tilespmem:s30+$0x17600]  }
0x23b: {  	v63 =	vld [tilespmem:s30+$0x11270]  }
0x23c: {  	v60 =	vld [tilespmem:s30+$0x17270];
	v50 =	vmul.f32 v50, v8  }
0x23d: {  	v61 =	vld [tilespmem:s30+$0x17260];
	v49 =	vmul.f32 v49, v9;
	v51 =	vmul.f32 v51, v8  }
0x23e: {  	v57 =	vld [tilespmem:s30+$0x17250];
	v52 =	vmul.f32 v52, v9;
	v47 =	vmul.f32 v47, v8  }
0x23f: {  	v58 =	vld [tilespmem:s30+$0x17240];
	v48 =	vmul.f32 v48, v9;
	v46 =	vmul.f32 v46, v8;
	v49 =	vadd.f32 v49, v50  }
0x240: {  	v53 =	vld [tilespmem:s30+$0x17230];
	v62 =	vmul.f32 v62, v9;
	v63 =	vmul.f32 v63, v8;
	v51 =	vadd.f32 v52, v51  }
0x241: {  	v56 =	vld [tilespmem:s30+$0x16E60];
	v59 =	vmul.f32 v60, v9;
	v45 =	vmul.f32 v45, v8;
	v47 =	vadd.f32 v48, v47;
	[tilespmem:s30+$0x11630] =	vst v49  }
0x242: {  	v55 =	vld [tilespmem:s30+$0x16A70];
	v60 =	vmul.f32 v61, v9;
	v44 =	vmul.f32 v44, v8;
	v46 =	vadd.f32 v62, v46;
	[tilespmem:s30+$0x11620] =	vst v51  }
0x243: {  	v61 =	vld [tilespmem:s30+$0x17200];
	v12 =	vmul.f32 v12, v8;
	v11 =	vmul.f32 v11, v9;
	v52 =	vadd.f32 v59, v63;
	[tilespmem:s30+$0x11610] =	vst v47  }
0x244: {  	v10 =	vmul.f32 v10, v8;
	v7 =	vmul.f32 v7, v9;
	v48 =	vld [tilespmem:s30+$0x17220];
	v45 =	vadd.f32 v60, v45;
	[tilespmem:s30+$0x11600] =	vst v46  }
0x245: {  	v62 =	vmul.f32 v57, v9;
	v63 =	vmul.f32 v58, v9;
	v58 =	vld [tilespmem:s30+$0x16E50];
	v11 =	vadd.f32 v11, v12;
	[tilespmem:s30+$0x11270] =	vst v52  }
0x246: {  	v43 =	vmul.f32 v43, v8;
	v59 =	vld [tilespmem:s30+$0x16E40];
	v7 =	vadd.f32 v7, v10;
	[tilespmem:s30+$0x11260] =	vst v45  }
0x247: {  	v42 =	vmul.f32 v42, v8;
	v57 =	vmul.f32 v53, v9;
	v60 =	vld [tilespmem:s30+$0x16E30];
	v44 =	vadd.f32 v62, v44;
	[tilespmem:s30+$0x10240] =	vst v11  }
0x248: {  	v37 =	vmul.f32 v37, v8;
	v53 =	vld [tilespmem:s30+$0x16E00];
	v43 =	vadd.f32 v63, v43;
	v46 =	vmul.f32 v56, v9;
	[tilespmem:s30+$0x10230] =	vst v7  }
0x249: {  	v39 =	vmul.f32 v39, v8;
	v49 =	vld [tilespmem:s30+$0x17210];
	v42 =	vadd.f32 v57, v42;
	v61 =	vmul.f32 v61, v9;
	[tilespmem:s30+$0x11250] =	vst v44  }
0x24a: {  	v41 =	vmul.f32 v41, v8;
	v47 =	vld [tilespmem:s30+$0x16E70];
	[tilespmem:s30+$0x11240] =	vst v43;
	v37 =	vadd.f32 v46, v37;
	v48 =	vmul.f32 v48, v9  }
0x24b: {  	v36 =	vmul.f32 v36, v8;
	v62 =	vld [tilespmem:s30+$0x16E20];
	[tilespmem:s30+$0x11230] =	vst v42;
	v39 =	vadd.f32 v61, v39;
	v54 =	vmul.f32 v58, v9  }
0x24c: {  	v35 =	vmul.f32 v35, v8;
	v63 =	vld [tilespmem:s30+$0x16E10];
	v45 =	vmul.f32 v59, v9;
	[tilespmem:s30+$0x10E60] =	vst v37;
	v41 =	vadd.f32 v48, v41  }
0x24d: {  	v34 =	vmul.f32 v34, v8;
	v56 =	vld [tilespmem:s30+$0x16A60];
	v44 =	vmul.f32 v60, v9;
	[tilespmem:s30+$0x11200] =	vst v39;
	v36 =	vadd.f32 v54, v36  }
0x24e: {  	v40 =	vmul.f32 v40, v8;
	v12 =	vld [tilespmem:s30+$0x11660];
	v49 =	vmul.f32 v49, v9;
	v35 =	vadd.f32 v45, v35;
	[tilespmem:s30+$0x11220] =	vst v41  }
0x24f: {  	v38 =	vmul.f32 v38, v8;
	v58 =	vld [tilespmem:s30+$0x16A40];
	v47 =	vmul.f32 v47, v9;
	v34 =	vadd.f32 v44, v34;
	[tilespmem:s30+$0x10E50] =	vst v36  }
0x250: {  	v33 =	vmul.f32 v33, v8;
	v59 =	vld [tilespmem:s30+$0x16A30];
	v43 =	vmul.f32 v62, v9;
	v40 =	vadd.f32 v49, v40;
	[tilespmem:s30+$0x10E40] =	vst v35  }
0x251: {  	v32 =	vmul.f32 v32, v8;
	v57 =	vld [tilespmem:s30+$0x16A50];
	v42 =	vmul.f32 v63, v9;
	v38 =	vadd.f32 v47, v38;
	[tilespmem:s30+$0x10E30] =	vst v34  }
0x252: {  	v29 =	vmul.f32 v29, v8;
	v60 =	vld [tilespmem:s30+$0x16A20];
	v39 =	vmul.f32 v56, v9;
	v33 =	vadd.f32 v43, v33;
	[tilespmem:s30+$0x11210] =	vst v40  }
0x253: {  	v31 =	vmul.f32 v31, v8;
	v61 =	vld [tilespmem:s30+$0x16A10];
	v41 =	vmul.f32 v53, v9;
	v32 =	vadd.f32 v42, v32;
	[tilespmem:s30+$0x10E70] =	vst v38  }
0x254: {  	v27 =	vmul.f32 v27, v8;
	v62 =	vld [tilespmem:s30+$0x16A00];
	v29 =	vadd.f32 v39, v29;
	v37 =	vmul.f32 v58, v9;
	[tilespmem:s30+$0x10E20] =	vst v33  }
0x255: {  	v26 =	vmul.f32 v26, v8;
	v63 =	vld [tilespmem:s30+$0x16670];
	v36 =	vmul.f32 v59, v9;
	v31 =	vadd.f32 v41, v31;
	[tilespmem:s30+$0x10E10] =	vst v32  }
0x256: {  	v30 =	vmul.f32 v30, v8;
	v40 =	vmul.f32 v55, v9;
	[tilespmem:s30+$0x10A60] =	vst v29;
	v29 =	vld [tilespmem:s30+$0x16640];
	v27 =	vadd.f32 v37, v27  }
0x257: {  	v25 =	vmul.f32 v25, v8;
	v35 =	vmul.f32 v60, v9;
	v26 =	vadd.f32 v36, v26;
	[tilespmem:s30+$0x10E00] =	vst v31;
	v31 =	vld [tilespmem:s30+$0x16660]  }
0x258: {  	v28 =	vmul.f32 v28, v8;
	v38 =	vmul.f32 v57, v9;
	v30 =	vadd.f32 v40, v30;
	[tilespmem:s30+$0x10A40] =	vst v27;
	v27 =	vld [tilespmem:s30+$0x16620]  }
0x259: {  	v23 =	vmul.f32 v23, v8;
	v33 =	vmul.f32 v62, v9;
	v25 =	vadd.f32 v35, v25;
	[tilespmem:s30+$0x10A30] =	vst v26;
	v26 =	vld [tilespmem:s30+$0x16610]  }
0x25a: {  	v24 =	vmul.f32 v24, v8;
	v34 =	vmul.f32 v61, v9;
	v28 =	vadd.f32 v38, v28;
	[tilespmem:s30+$0x10A70] =	vst v30;
	v30 =	vld [tilespmem:s30+$0x16650]  }
0x25b: {  	v22 =	vmul.f32 v22, v8;
	v32 =	vmul.f32 v63, v9;
	v23 =	vadd.f32 v33, v23;
	[tilespmem:s30+$0x10A20] =	vst v25;
	v25 =	vld [tilespmem:s30+$0x16600]  }
0x25c: {  	v19 =	vmul.f32 v19, v8;
	v24 =	vadd.f32 v34, v24;
	[tilespmem:s30+$0x10A50] =	vst v28;
	v28 =	vld [tilespmem:s30+$0x16630];
	v29 =	vmul.f32 v29, v9  }
0x25d: {  	v21 =	vmul.f32 v21, v8;
	v22 =	vadd.f32 v32, v22;
	[tilespmem:s30+$0x10A00] =	vst v23;
	v23 =	vld [tilespmem:s30+$0x16260];
	v31 =	vmul.f32 v31, v9  }
0x25e: {  	v17 =	vmul.f32 v17, v8;
	[tilespmem:s30+$0x10A10] =	vst v24;
	v24 =	vld [tilespmem:s30+$0x16270];
	v19 =	vadd.f32 v29, v19;
	v27 =	vmul.f32 v27, v9  }
0x25f: {  	v20 =	vmul.f32 v20, v8;
	[tilespmem:s30+$0x10670] =	vst v22;
	v22 =	vld [tilespmem:s30+$0x10250];
	v30 =	vmul.f32 v30, v9;
	v21 =	vadd.f32 v31, v21  }
0x260: {  	v15 =	vmul.f32 v15, v8;
	v25 =	vmul.f32 v25, v9;
	[tilespmem:s30+$0x10640] =	vst v19;
	v19 =	vld [tilespmem:s30+$0x17650];
	v17 =	vadd.f32 v27, v17  }
0x261: {  	v18 =	vmul.f32 v18, v8;
	v28 =	vmul.f32 v28, v9;
	v20 =	vadd.f32 v30, v20;
	[tilespmem:s30+$0x10660] =	vst v21;
	v21 =	vld [tilespmem:s30+$0x16250]  }
0x262: {  	v13 =	vmul.f32 v13, v8;
	v23 =	vmul.f32 v23, v9;
	v15 =	vadd.f32 v25, v15;
	[tilespmem:s30+$0x10620] =	vst v17;
	v17 =	vld [tilespmem:s30+$0x11640]  }
0x263: {  	v6 =	vmul.f32 v6, v8;
	v5 =	vmul.f32 v5, v9;
	v18 =	vadd.f32 v28, v18;
	[tilespmem:s30+$0x10650] =	vst v20;
	v20 =	vld [tilespmem:s30+$0x17640]  }
0x264: {  	v14 =	vmul.f32 v14, v8;
	v24 =	vmul.f32 v24, v9;
	v13 =	vadd.f32 v23, v13;
	[tilespmem:s30+$0x10600] =	vst v15;
	v15 =	vld [tilespmem:s30+$0x11650]  }
0x265: {  	v4 =	vmul.f32 v4, v8;
	v3 =	vmul.f32 v3, v9;
	v5 =	vadd.f32 v5, v6;
	[tilespmem:s30+$0x10630] =	vst v18;
	v18 =	vld [tilespmem:s30+$0x17660]  }
0x266: {  	v6 =	vld [tilespmem:s30+$0x10200];
	v14 =	vadd.f32 v24, v14;
	v10 =	vmul.f32 v22, v8;
	[tilespmem:s30+$0x10260] =	vst v13;
	v13 =	vmul.f32 v21, v9  }
0x267: {  	s24 =	simm.s32 $0x0;
	v16 =	vmul.f32 v16, v8;
	v3 =	vadd.f32 v3, v4;
	v7 =	vld [tilespmem:s30+$0x16200];
	[tilespmem:s30+$0x10220] =	vst v5;
	v26 =	vmul.f32 v26, v9  }
0x268: {  	s29 =	simm.s32 $0x80;
	s0 =	smul.u32 $0x1800, s24;
	[tilespmem:s30+$0x10270] =	vst v14;
	v14 =	vld [tilespmem:s30+$0x11670];
	v11 =	vmul.f32 v17, v8;
	v17 =	vmul.f32 v20, v9;
	v4 =	vadd.f32 v13, v10  }
0x269: {  	s31 =	sand.u32 $0x380, s29;
	[tilespmem:s30+$0x10210] =	vst v3;
	v16 =	vadd.f32 v26, v16;
	v5 =	vmul.f32 v15, v8;
	v10 =	vmul.f32 v19, v9  }
0x26a: {  	s24 =	sor.u32 s31, s0;
	v11 =	vadd.f32 v17, v11;
	[tilespmem:s30+$0x10250] =	vst v4;
	v4 =	vmul.f32 v12, v8;
	v12 =	vmul.f32 v18, v9  }
0x26b: {  	v3 =	vld [tilespmem:s24+$0x10210];
	[tilespmem:s30+$0x10610] =	vst v16;
	v5 =	vadd.f32 v10, v5  }
0x26c: {  	v7 =	vmul.f32 v7, v9;
	v16 =	vld [tilespmem:s30+$0x17670];
	[tilespmem:s30+$0x11640] =	vst v11;
	v12 =	vadd.f32 v12, v4  }
0x26d: {  	v10 =	vmul.f32 v14, v8;
	v8 =	vmul.f32 v6, v8;
	v4 =	vld [tilespmem:s24+$0x16210];
	[tilespmem:s30+$0x11650] =	vst v5  }
0x26e: {  	v6 =	vld [tilespmem:s24+$0x10220];
	[tilespmem:s30+$0x11660] =	vst v12  }
0x26f: {  	v7 =	vadd.f32 v7, v8;
	v5 =	vld [tilespmem:s24+$0x16220]  }
0x270: {  	v8 =	vld [tilespmem:s24+$0x10230]  }
0x271: {  	[tilespmem:s30+$0x10200] =	vst v7;
	v18 =	vld [tilespmem:s24+$0x10630]  }
0x272: {  	v11 =	vmul.f32 v16, v9;
	v26 =	vld [tilespmem:s24+$0x10A30]  }
0x273: {  	v36 =	vld [tilespmem:s24+$0x10E30]  }
0x274: {  	v9 =	vadd.f32 v11, v10;
	v44 =	vld [tilespmem:s24+$0x11230]  }
0x275: {  	v48 =	vld [tilespmem:s24+$0x11600]  }
0x276: {  	[tilespmem:s30+$0x11670] =	vst v9;
	v50 =	vld [tilespmem:s24+$0x11610]  }
0x277: {  	v7 =	vld [tilespmem:s24+$0x16230]  }
0x278: {  	v10 =	vld [tilespmem:s24+$0x10240]  }
0x279: {  	v9 =	vld [tilespmem:s24+$0x16240]  }
0x27a: {  	v12 =	vld [tilespmem:s24+$0x10250]  }
0x27b: {  	v11 =	vld [tilespmem:s24+$0x16250]  }
0x27c: {  	v13 =	vld [tilespmem:s24+$0x10260]  }
0x27d: {  	v14 =	vld [tilespmem:s24+$0x10270]  }
0x27e: {  	v15 =	vld [tilespmem:s24+$0x10600]  }
0x27f: {  	v16 =	vld [tilespmem:s24+$0x10610]  }
0x280: {  	v17 =	vld [tilespmem:s24+$0x10620]  }
0x281: {  	v19 =	vld [tilespmem:s24+$0x10640]  }
0x282: {  	v20 =	vld [tilespmem:s24+$0x10650]  }
0x283: {  	v21 =	vld [tilespmem:s24+$0x10660]  }
0x284: {  	v22 =	vld [tilespmem:s24+$0x10670]  }
0x285: {  	v23 =	vld [tilespmem:s24+$0x10A00]  }
0x286: {  	v24 =	vld [tilespmem:s24+$0x10A10]  }
0x287: {  	v25 =	vld [tilespmem:s24+$0x10A20]  }
0x288: {  	v27 =	vld [tilespmem:s24+$0x10A40]  }
0x289: {  	v28 =	vld [tilespmem:s24+$0x10A50]  }
0x28a: {  	v29 =	vld [tilespmem:s24+$0x10A60]  }
0x28b: {  	v30 =	vld [tilespmem:s24+$0x10A70]  }
0x28c: {  	v31 =	vld [tilespmem:s24+$0x10E00]  }
0x28d: {  	v34 =	vld [tilespmem:s24+$0x10E10]  }
0x28e: {  	v35 =	vld [tilespmem:s24+$0x10E20]  }
0x28f: {  	v37 =	vld [tilespmem:s24+$0x10E40]  }
0x290: {  	v38 =	vld [tilespmem:s24+$0x10E50]  }
0x291: {  	v39 =	vld [tilespmem:s24+$0x10E60]  }
0x292: {  	v40 =	vld [tilespmem:s24+$0x10E70]  }
0x293: {  	v41 =	vld [tilespmem:s24+$0x11200]  }
0x294: {  	v42 =	vld [tilespmem:s24+$0x11210]  }
0x295: {  	v43 =	vld [tilespmem:s24+$0x11220]  }
0x296: {  	v45 =	vld [tilespmem:s24+$0x11240]  }
0x297: {  	v46 =	vld [tilespmem:s24+$0x11250]  }
0x298: {  	v47 =	vld [tilespmem:s24+$0x11260]  }
0x299: {  	v49 =	vld [tilespmem:s24+$0x17610]  }
0x29a: {  	s30 =	simm.s32 $0x2;
	v51 =	vld [tilespmem:s24+$0x17630]  }
.LBB2_4:
0x29b: {  	p0 =	sne.s32 s30, $0x1F;
	v52 =	vld [tilespmem:s24+$0x11630]  }
0x29c: {  	s25 =	sadd.s32 $0x80, s25;
	v53 =	vld [tilespmem:s24+$0x11620]  }
0x29d: {  	s26 =	sadd.s32 $0x80, s26;
	v33 =	vld [tilespmem:s25+$0x0]  }
0x29e: {  	v32 =	vld [tilespmem:s26+$0x0]  }
0x29f: {  	v54 =	vld [tilespmem:s24+$0x17620]  }
0x2a0: {  	v55 =	vld [tilespmem:s24+$0x17600]  }
0x2a1: {  	v56 =	vld [tilespmem:s24+$0x11270]  }
0x2a2: {  	v57 =	vld [tilespmem:s24+$0x17270];
	v50 =	vmul.f32 v50, v33;
	v53 =	vmul.f32 v53, v33  }
0x2a3: {  	v52 =	vmul.f32 v52, v33;
	v58 =	vld [tilespmem:s24+$0x17260];
	v51 =	vmul.f32 v51, v32  }
0x2a4: {  	v49 =	vmul.f32 v49, v32;
	v59 =	vld [tilespmem:s24+$0x17250];
	v54 =	vmul.f32 v54, v32  }
0x2a5: {  	v48 =	vmul.f32 v48, v33;
	v60 =	vld [tilespmem:s24+$0x17240];
	v55 =	vmul.f32 v55, v32;
	v51 =	vadd.f32 v51, v52  }
0x2a6: {  	v49 =	vadd.f32 v49, v50;
	v52 =	vld [tilespmem:s24+$0x17230];
	v56 =	vmul.f32 v56, v33;
	v50 =	vadd.f32 v54, v53  }
0x2a7: {  	v47 =	vmul.f32 v47, v33;
	v53 =	vld [tilespmem:s24+$0x17220];
	v54 =	vmul.f32 v57, v32;
	v48 =	vadd.f32 v55, v48;
	[tilespmem:s24+$0x11630] =	vst v51  }
0x2a8: {  	v46 =	vmul.f32 v46, v33;
	v51 =	vld [tilespmem:s24+$0x17210];
	v55 =	vmul.f32 v58, v32;
	[tilespmem:s24+$0x11620] =	vst v50  }
0x2a9: {  	v45 =	vmul.f32 v45, v33;
	v50 =	vld [tilespmem:s24+$0x17200];
	v57 =	vmul.f32 v59, v32;
	v54 =	vadd.f32 v54, v56;
	[tilespmem:s24+$0x11610] =	vst v49  }
0x2aa: {  	v44 =	vmul.f32 v44, v33;
	v49 =	vld [tilespmem:s24+$0x16E70];
	v56 =	vmul.f32 v60, v32;
	v47 =	vadd.f32 v55, v47;
	[tilespmem:s24+$0x11600] =	vst v48  }
0x2ab: {  	v43 =	vmul.f32 v43, v33;
	v48 =	vld [tilespmem:s24+$0x16E60];
	v52 =	vmul.f32 v52, v32;
	v46 =	vadd.f32 v57, v46;
	[tilespmem:s24+$0x11270] =	vst v54  }
0x2ac: {  	v42 =	vmul.f32 v42, v33;
	v54 =	vld [tilespmem:s24+$0x16E50];
	v53 =	vmul.f32 v53, v32;
	v45 =	vadd.f32 v56, v45;
	[tilespmem:s24+$0x11260] =	vst v47  }
0x2ad: {  	v41 =	vmul.f32 v41, v33;
	v47 =	vld [tilespmem:s24+$0x16E40];
	v51 =	vmul.f32 v51, v32;
	v44 =	vadd.f32 v52, v44;
	[tilespmem:s24+$0x11250] =	vst v46  }
0x2ae: {  	v40 =	vmul.f32 v40, v33;
	v46 =	vld [tilespmem:s24+$0x16E30];
	v50 =	vmul.f32 v50, v32;
	v43 =	vadd.f32 v53, v43;
	[tilespmem:s24+$0x11240] =	vst v45  }
0x2af: {  	v39 =	vmul.f32 v39, v33;
	v45 =	vld [tilespmem:s24+$0x16E20];
	v49 =	vmul.f32 v49, v32;
	v42 =	vadd.f32 v51, v42;
	[tilespmem:s24+$0x11230] =	vst v44  }
0x2b0: {  	v38 =	vmul.f32 v38, v33;
	v44 =	vld [tilespmem:s24+$0x16E10];
	v48 =	vmul.f32 v48, v32;
	v41 =	vadd.f32 v50, v41;
	[tilespmem:s24+$0x11220] =	vst v43  }
0x2b1: {  	v37 =	vmul.f32 v37, v33;
	v43 =	vld [tilespmem:s24+$0x16E00];
	v50 =	vmul.f32 v54, v32;
	v40 =	vadd.f32 v49, v40;
	[tilespmem:s24+$0x11210] =	vst v42  }
0x2b2: {  	v36 =	vmul.f32 v36, v33;
	v42 =	vld [tilespmem:s24+$0x16A70];
	v47 =	vmul.f32 v47, v32;
	v39 =	vadd.f32 v48, v39;
	[tilespmem:s24+$0x11200] =	vst v41  }
0x2b3: {  	v35 =	vmul.f32 v35, v33;
	v41 =	vld [tilespmem:s24+$0x16A60];
	v46 =	vmul.f32 v46, v32;
	v38 =	vadd.f32 v50, v38;
	[tilespmem:s24+$0x10E70] =	vst v40  }
0x2b4: {  	v34 =	vmul.f32 v34, v33;
	v40 =	vld [tilespmem:s24+$0x16A50];
	v45 =	vmul.f32 v45, v32;
	v37 =	vadd.f32 v47, v37;
	[tilespmem:s24+$0x10E60] =	vst v39  }
0x2b5: {  	v31 =	vmul.f32 v31, v33;
	v39 =	vld [tilespmem:s24+$0x16A40];
	v44 =	vmul.f32 v44, v32;
	v36 =	vadd.f32 v46, v36;
	[tilespmem:s24+$0x10E50] =	vst v38  }
0x2b6: {  	v30 =	vmul.f32 v30, v33;
	v38 =	vld [tilespmem:s24+$0x16A30];
	v43 =	vmul.f32 v43, v32;
	v35 =	vadd.f32 v45, v35;
	[tilespmem:s24+$0x10E40] =	vst v37  }
0x2b7: {  	v29 =	vmul.f32 v29, v33;
	v37 =	vld [tilespmem:s24+$0x16A20];
	v42 =	vmul.f32 v42, v32;
	v34 =	vadd.f32 v44, v34;
	[tilespmem:s24+$0x10E30] =	vst v36  }
0x2b8: {  	v28 =	vmul.f32 v28, v33;
	v36 =	vld [tilespmem:s24+$0x16A10];
	v41 =	vmul.f32 v41, v32;
	v31 =	vadd.f32 v43, v31;
	[tilespmem:s24+$0x10E20] =	vst v35  }
0x2b9: {  	v27 =	vmul.f32 v27, v33;
	v35 =	vld [tilespmem:s24+$0x16A00];
	v40 =	vmul.f32 v40, v32;
	v30 =	vadd.f32 v42, v30;
	[tilespmem:s24+$0x10E10] =	vst v34  }
0x2ba: {  	v26 =	vmul.f32 v26, v33;
	v34 =	vld [tilespmem:s24+$0x16670];
	v39 =	vmul.f32 v39, v32;
	v29 =	vadd.f32 v41, v29;
	[tilespmem:s24+$0x10E00] =	vst v31  }
0x2bb: {  	v25 =	vmul.f32 v25, v33;
	v31 =	vld [tilespmem:s24+$0x16660];
	v38 =	vmul.f32 v38, v32;
	v28 =	vadd.f32 v40, v28;
	[tilespmem:s24+$0x10A70] =	vst v30  }
0x2bc: {  	v24 =	vmul.f32 v24, v33;
	v30 =	vld [tilespmem:s24+$0x16650];
	v37 =	vmul.f32 v37, v32;
	v27 =	vadd.f32 v39, v27;
	[tilespmem:s24+$0x10A60] =	vst v29  }
0x2bd: {  	v23 =	vmul.f32 v23, v33;
	v29 =	vld [tilespmem:s24+$0x16640];
	v36 =	vmul.f32 v36, v32;
	v26 =	vadd.f32 v38, v26;
	[tilespmem:s24+$0x10A50] =	vst v28  }
0x2be: {  	v22 =	vmul.f32 v22, v33;
	v28 =	vld [tilespmem:s24+$0x16630];
	v35 =	vmul.f32 v35, v32;
	v25 =	vadd.f32 v37, v25;
	[tilespmem:s24+$0x10A40] =	vst v27  }
0x2bf: {  	v21 =	vmul.f32 v21, v33;
	v27 =	vld [tilespmem:s24+$0x16620];
	v34 =	vmul.f32 v34, v32;
	v24 =	vadd.f32 v36, v24;
	[tilespmem:s24+$0x10A30] =	vst v26  }
0x2c0: {  	v20 =	vmul.f32 v20, v33;
	v26 =	vld [tilespmem:s24+$0x16610];
	v31 =	vmul.f32 v31, v32;
	v23 =	vadd.f32 v35, v23;
	[tilespmem:s24+$0x10A20] =	vst v25  }
0x2c1: {  	v19 =	vmul.f32 v19, v33;
	v25 =	vld [tilespmem:s24+$0x16600];
	v30 =	vmul.f32 v30, v32;
	v22 =	vadd.f32 v34, v22;
	[tilespmem:s24+$0x10A10] =	vst v24  }
0x2c2: {  	v18 =	vmul.f32 v18, v33;
	v24 =	vld [tilespmem:s24+$0x16270];
	v29 =	vmul.f32 v29, v32;
	v21 =	vadd.f32 v31, v21;
	[tilespmem:s24+$0x10A00] =	vst v23  }
0x2c3: {  	v17 =	vmul.f32 v17, v33;
	v23 =	vld [tilespmem:s24+$0x16260];
	v28 =	vmul.f32 v28, v32;
	v20 =	vadd.f32 v30, v20;
	[tilespmem:s24+$0x10670] =	vst v22  }
0x2c4: {  	v16 =	vmul.f32 v16, v33;
	v22 =	vmul.f32 v27, v32;
	v19 =	vadd.f32 v29, v19;
	[tilespmem:s24+$0x10660] =	vst v21;
	v21 =	vld [tilespmem:s24+$0x17640]  }
0x2c5: {  	v15 =	vmul.f32 v15, v33;
	v26 =	vmul.f32 v26, v32;
	v18 =	vadd.f32 v28, v18;
	[tilespmem:s24+$0x10650] =	vst v20;
	v20 =	vld [tilespmem:s24+$0x17650]  }
0x2c6: {  	v14 =	vmul.f32 v14, v33;
	v25 =	vmul.f32 v25, v32;
	v17 =	vadd.f32 v22, v17;
	[tilespmem:s24+$0x10640] =	vst v19;
	v19 =	vld [tilespmem:s24+$0x17660]  }
0x2c7: {  	v13 =	vmul.f32 v13, v33;
	v22 =	vmul.f32 v24, v32;
	v16 =	vadd.f32 v26, v16;
	[tilespmem:s24+$0x10630] =	vst v18;
	v18 =	vld [tilespmem:s24+$0x17670]  }
0x2c8: {  	v12 =	vmul.f32 v12, v33;
	v23 =	vmul.f32 v23, v32;
	v15 =	vadd.f32 v25, v15;
	[tilespmem:s24+$0x10620] =	vst v17;
	v17 =	vld [tilespmem:s24+$0x11640]  }
0x2c9: {  	v10 =	vmul.f32 v10, v33;
	v11 =	vmul.f32 v11, v32;
	v14 =	vadd.f32 v22, v14;
	[tilespmem:s24+$0x10610] =	vst v16;
	v16 =	vld [tilespmem:s24+$0x11650]  }
0x2ca: {  	v8 =	vmul.f32 v8, v33;
	v9 =	vmul.f32 v9, v32;
	v13 =	vadd.f32 v23, v13;
	[tilespmem:s24+$0x10600] =	vst v15;
	v15 =	vld [tilespmem:s24+$0x11660]  }
0x2cb: {  	v6 =	vmul.f32 v6, v33;
	v7 =	vmul.f32 v7, v32;
	v11 =	vadd.f32 v11, v12;
	[tilespmem:s24+$0x10270] =	vst v14;
	v12 =	vld [tilespmem:s24+$0x11670]  }
0x2cc: {  	v3 =	vmul.f32 v3, v33;
	v5 =	vmul.f32 v5, v32;
	v9 =	vadd.f32 v9, v10;
	v14 =	vld [tilespmem:s24+$0x10200];
	[tilespmem:s24+$0x10260] =	vst v13  }
0x2cd: {  	v4 =	vmul.f32 v4, v32;
	v7 =	vadd.f32 v7, v8;
	v10 =	vld [tilespmem:s24+$0x16200];
	[tilespmem:s24+$0x10250] =	vst v11;
	v8 =	vmul.f32 v17, v33  }
0x2ce: {  	s0 =	sshrl.u32 s30, $0x3;
	v5 =	vadd.f32 v5, v6;
	v6 =	vmul.f32 v21, v32;
	[tilespmem:s24+$0x10240] =	vst v9;
	v9 =	vmul.f32 v16, v33  }
0x2cf: {  	s29 =	sadd.s32 $0x80, s29;
	s0 =	smul.u32 $0x1800, s0;
	v3 =	vadd.f32 v4, v3;
	v4 =	vmul.f32 v20, v32;
	[tilespmem:s24+$0x10230] =	vst v7;
	v7 =	vmul.f32 v15, v33  }
0x2d0: {  	s31 =	sand.u32 $0x380, s29;
	[tilespmem:s24+$0x10220] =	vst v5;
	v5 =	vadd.f32 v6, v8;
	v6 =	vmul.f32 v19, v32;
	v8 =	vmul.f32 v12, v33  }
0x2d1: {  	s0 =	sor.u32 s31, s0;
	v9 =	vadd.f32 v4, v9;
	v12 =	vmul.f32 v18, v32;
	v11 =	vmul.f32 v14, v33;
	[tilespmem:s24+$0x10210] =	vst v3  }
0x2d2: {  	v3 =	vld [tilespmem:s0+$0x10210];
	v10 =	vmul.f32 v10, v32;
	[tilespmem:s24+$0x11640] =	vst v5;
	v5 =	vadd.f32 v6, v7  }
0x2d3: {  	v7 =	vadd.f32 v12, v8;
	v4 =	vld [tilespmem:s0+$0x16210];
	[tilespmem:s24+$0x11650] =	vst v9  }
0x2d4: {  	v6 =	vld [tilespmem:s0+$0x10220];
	v9 =	vadd.f32 v10, v11;
	[tilespmem:s24+$0x11660] =	vst v5  }
0x2d5: {  	v5 =	vld [tilespmem:s0+$0x16220];
	[tilespmem:s24+$0x11670] =	vst v7  }
0x2d6: {  	v8 =	vld [tilespmem:s0+$0x10230];
	[tilespmem:s24+$0x10200] =	vst v9;
	s24 =	smov.u32 s0  }
0x2d7: {  	v7 =	vld [tilespmem:s24+$0x16230]  }
0x2d8: {  	v10 =	vld [tilespmem:s24+$0x10240]  }
0x2d9: {  	v9 =	vld [tilespmem:s24+$0x16240]  }
0x2da: {  	v12 =	vld [tilespmem:s24+$0x10250]  }
0x2db: {  	v11 =	vld [tilespmem:s24+$0x16250]  }
0x2dc: {  	v13 =	vld [tilespmem:s24+$0x10260]  }
0x2dd: {  	v14 =	vld [tilespmem:s24+$0x10270]  }
0x2de: {  	v15 =	vld [tilespmem:s24+$0x10600]  }
0x2df: {  	v16 =	vld [tilespmem:s24+$0x10610]  }
0x2e0: {  	v17 =	vld [tilespmem:s24+$0x10620]  }
0x2e1: {  	v18 =	vld [tilespmem:s24+$0x10630]  }
0x2e2: {  	v19 =	vld [tilespmem:s24+$0x10640]  }
0x2e3: {  	v20 =	vld [tilespmem:s24+$0x10650]  }
0x2e4: {  	v21 =	vld [tilespmem:s24+$0x10660]  }
0x2e5: {  	v22 =	vld [tilespmem:s24+$0x10670]  }
0x2e6: {  	v23 =	vld [tilespmem:s24+$0x10A00]  }
0x2e7: {  	v24 =	vld [tilespmem:s24+$0x10A10]  }
0x2e8: {  	v25 =	vld [tilespmem:s24+$0x10A20]  }
0x2e9: {  	v26 =	vld [tilespmem:s24+$0x10A30]  }
0x2ea: {  	v27 =	vld [tilespmem:s24+$0x10A40]  }
0x2eb: {  	v28 =	vld [tilespmem:s24+$0x10A50]  }
0x2ec: {  	v29 =	vld [tilespmem:s24+$0x10A60]  }
0x2ed: {  	v30 =	vld [tilespmem:s24+$0x10A70]  }
0x2ee: {  	v31 =	vld [tilespmem:s24+$0x10E00]  }
0x2ef: {  	v34 =	vld [tilespmem:s24+$0x10E10]  }
0x2f0: {  	v35 =	vld [tilespmem:s24+$0x10E20]  }
0x2f1: {  	v36 =	vld [tilespmem:s24+$0x10E30]  }
0x2f2: {  	v37 =	vld [tilespmem:s24+$0x10E40]  }
0x2f3: {  	v38 =	vld [tilespmem:s24+$0x10E50]  }
0x2f4: {  	v39 =	vld [tilespmem:s24+$0x10E60]  }
0x2f5: {  	v40 =	vld [tilespmem:s24+$0x10E70]  }
0x2f6: {  	v41 =	vld [tilespmem:s24+$0x11200]  }
0x2f7: {  	v42 =	vld [tilespmem:s24+$0x11210]  }
0x2f8: {  	v43 =	vld [tilespmem:s24+$0x11220]  }
0x2f9: {  	v44 =	vld [tilespmem:s24+$0x11230]  }
0x2fa: {  	v45 =	vld [tilespmem:s24+$0x11240]  }
0x2fb: {  	v46 =	vld [tilespmem:s24+$0x11250]  }
.Ltmp1:
0x2fc: {  	v47 =	vld [tilespmem:s24+$0x11260];
	(pc) =	sbr.rel @p0 .LBB2_4-.Ltmp1, $4  }
0x2fd: {  	v48 =	vld [tilespmem:s24+$0x11600]  }
0x2fe: {  	v50 =	vld [tilespmem:s24+$0x11610]  }
0x2ff: {  	v49 =	vld [tilespmem:s24+$0x17610]  }
0x300: {  	s30 =	sadd.s32 $0x1, s30;
	v51 =	vld [tilespmem:s24+$0x17630]  }
0x301: {  	v52 =	vld [tilespmem:s24+$0x11630]  }
0x302: {  	v53 =	vld [tilespmem:s24+$0x11620];
	s0 =	sadd.s32 $0x80, s25  }
0x303: {  	s31 =	sadd.s32 $0x80, s26;
	v32 =	vld [tilespmem:s0+$0x0]  }
0x304: {  	v33 =	vld [tilespmem:s31+$0x0]  }
0x305: {  	v54 =	vld [tilespmem:s24+$0x17620];
	_ =	sdelay $0x1  }
0x306: {  	v55 =	vld [tilespmem:s24+$0x17600]  }
0x307: {  	v56 =	vld [tilespmem:s24+$0x11270]  }
0x308: {  	v58 =	vld [tilespmem:s24+$0x17260];
	v52 =	vmul.f32 v52, v32;
	v51 =	vmul.f32 v51, v33  }
0x309: {  	v57 =	vld [tilespmem:s24+$0x17270];
	v53 =	vmul.f32 v53, v32;
	v54 =	vmul.f32 v54, v33  }
0x30a: {  	v59 =	vld [tilespmem:s24+$0x17250];
	v50 =	vmul.f32 v50, v32;
	v49 =	vmul.f32 v49, v33  }
0x30b: {  	v60 =	vld [tilespmem:s24+$0x17240];
	v48 =	vmul.f32 v48, v32;
	v62 =	vmul.f32 v55, v33;
	v51 =	vadd.f32 v51, v52  }
0x30c: {  	v61 =	vld [tilespmem:s24+$0x17220];
	v63 =	vmul.f32 v56, v32;
	v47 =	vmul.f32 v47, v32;
	v53 =	vadd.f32 v54, v53  }
0x30d: {  	v58 =	vmul.f32 v58, v33;
	v55 =	vld [tilespmem:s24+$0x16660];
	v12 =	vmul.f32 v12, v32;
	v49 =	vadd.f32 v49, v50;
	[tilespmem:s24+$0x11630] =	vst v51  }
0x30e: {  	v56 =	vld [tilespmem:s24+$0x16650];
	v11 =	vmul.f32 v11, v33;
	v10 =	vmul.f32 v10, v32;
	v48 =	vadd.f32 v62, v48;
	[tilespmem:s24+$0x11620] =	vst v53  }
0x30f: {  	v9 =	vmul.f32 v9, v33;
	v8 =	vmul.f32 v8, v32;
	v52 =	vld [tilespmem:s24+$0x17230];
	v47 =	vadd.f32 v58, v47;
	[tilespmem:s24+$0x11610] =	vst v49  }
0x310: {  	v7 =	vmul.f32 v7, v33;
	v6 =	vmul.f32 v6, v32;
	v50 =	vld [tilespmem:s24+$0x17200];
	v11 =	vadd.f32 v11, v12;
	[tilespmem:s24+$0x11600] =	vst v48  }
0x311: {  	v5 =	vmul.f32 v5, v33;
	v3 =	vmul.f32 v3, v32;
	v58 =	vld [tilespmem:s24+$0x16E20];
	v9 =	vadd.f32 v9, v10;
	[tilespmem:s24+$0x11260] =	vst v47  }
0x312: {  	v4 =	vmul.f32 v4, v33;
	v62 =	vmul.f32 v59, v33;
	v59 =	vld [tilespmem:s24+$0x16E10];
	v7 =	vadd.f32 v7, v8;
	[tilespmem:s24+$0x10250] =	vst v11  }
0x313: {  	v57 =	vmul.f32 v57, v33;
	v54 =	vld [tilespmem:s24+$0x16670];
	v5 =	vadd.f32 v5, v6;
	[tilespmem:s24+$0x10240] =	vst v9  }
0x314: {  	v46 =	vmul.f32 v46, v32;
	v3 =	vadd.f32 v4, v3;
	v51 =	vld [tilespmem:s24+$0x17210];
	[tilespmem:s24+$0x10230] =	vst v7  }
0x315: {  	v45 =	vmul.f32 v45, v32;
	v49 =	vld [tilespmem:s24+$0x16E70];
	v53 =	vadd.f32 v57, v63;
	v63 =	vmul.f32 v60, v33;
	[tilespmem:s24+$0x10220] =	vst v5  }
0x316: {  	v43 =	vmul.f32 v43, v32;
	v48 =	vld [tilespmem:s24+$0x16E60];
	v46 =	vadd.f32 v62, v46;
	v57 =	vmul.f32 v61, v33;
	[tilespmem:s24+$0x10210] =	vst v3  }
0x317: {  	v44 =	vmul.f32 v44, v32;
	v47 =	vld [tilespmem:s24+$0x16E40];
	[tilespmem:s24+$0x11270] =	vst v53;
	v45 =	vadd.f32 v63, v45;
	v52 =	vmul.f32 v52, v33  }
0x318: {  	v41 =	vmul.f32 v41, v32;
	v60 =	vld [tilespmem:s24+$0x16E00];
	[tilespmem:s24+$0x11250] =	vst v46;
	v43 =	vadd.f32 v57, v43;
	v50 =	vmul.f32 v50, v33  }
0x319: {  	v35 =	vmul.f32 v35, v32;
	v61 =	vld [tilespmem:s24+$0x16A70];
	[tilespmem:s24+$0x11240] =	vst v45;
	v45 =	vmul.f32 v58, v33;
	v44 =	vadd.f32 v52, v44  }
0x31a: {  	v42 =	vmul.f32 v42, v32;
	v53 =	vld [tilespmem:s24+$0x16E50];
	[tilespmem:s24+$0x11220] =	vst v43;
	v51 =	vmul.f32 v51, v33;
	v41 =	vadd.f32 v50, v41  }
0x31b: {  	v40 =	vmul.f32 v40, v32;
	v46 =	vld [tilespmem:s24+$0x16E30];
	v49 =	vmul.f32 v49, v33;
	v35 =	vadd.f32 v45, v35;
	[tilespmem:s24+$0x11230] =	vst v44  }
0x31c: {  	v39 =	vmul.f32 v39, v32;
	v62 =	vld [tilespmem:s24+$0x16A60];
	v48 =	vmul.f32 v48, v33;
	v42 =	vadd.f32 v51, v42;
	[tilespmem:s24+$0x11200] =	vst v41  }
0x31d: {  	v37 =	vmul.f32 v37, v32;
	v57 =	vld [tilespmem:s24+$0x16640];
	v47 =	vmul.f32 v47, v33;
	v40 =	vadd.f32 v49, v40;
	[tilespmem:s24+$0x10E20] =	vst v35  }
0x31e: {  	v31 =	vmul.f32 v31, v32;
	v58 =	vld [tilespmem:s24+$0x16630];
	v43 =	vmul.f32 v60, v33;
	v39 =	vadd.f32 v48, v39;
	[tilespmem:s24+$0x11210] =	vst v42  }
0x31f: {  	v38 =	vmul.f32 v38, v32;
	v50 =	vld [tilespmem:s24+$0x16A30];
	v63 =	vmul.f32 v53, v33;
	v37 =	vadd.f32 v47, v37;
	[tilespmem:s24+$0x10E70] =	vst v40  }
0x320: {  	v36 =	vmul.f32 v36, v32;
	v60 =	vld [tilespmem:s24+$0x16610];
	v46 =	vmul.f32 v46, v33;
	v31 =	vadd.f32 v43, v31;
	[tilespmem:s24+$0x10E60] =	vst v39  }
0x321: {  	v34 =	vmul.f32 v34, v32;
	v52 =	vld [tilespmem:s24+$0x16A10];
	v44 =	vmul.f32 v59, v33;
	v38 =	vadd.f32 v63, v38;
	[tilespmem:s24+$0x10E40] =	vst v37  }
0x322: {  	v29 =	vmul.f32 v29, v32;
	v45 =	vld [tilespmem:s24+$0x11640];
	v41 =	vmul.f32 v62, v33;
	v36 =	vadd.f32 v46, v36;
	[tilespmem:s24+$0x10E00] =	vst v31  }
0x323: {  	v21 =	vmul.f32 v21, v32;
	v48 =	vld [tilespmem:s24+$0x16A50];
	v62 =	vmul.f32 v55, v33;
	v34 =	vadd.f32 v44, v34;
	[tilespmem:s24+$0x10E50] =	vst v38  }
0x324: {  	v30 =	vmul.f32 v30, v32;
	v49 =	vld [tilespmem:s24+$0x16A40];
	v42 =	vmul.f32 v61, v33;
	v29 =	vadd.f32 v41, v29;
	[tilespmem:s24+$0x10E30] =	vst v36  }
0x325: {  	v16 =	vmul.f32 v16, v32;
	v51 =	vld [tilespmem:s24+$0x16A20];
	v21 =	vadd.f32 v62, v21;
	v41 =	vmul.f32 v60, v33;
	[tilespmem:s24+$0x10E10] =	vst v34  }
0x326: {  	v26 =	vmul.f32 v26, v32;
	v53 =	vld [tilespmem:s24+$0x16A00];
	v30 =	vadd.f32 v42, v30;
	[tilespmem:s24+$0x10A60] =	vst v29;
	v38 =	vmul.f32 v50, v33  }
0x327: {  	v24 =	vmul.f32 v24, v32;
	v59 =	vld [tilespmem:s24+$0x16620];
	v36 =	vmul.f32 v52, v33;
	[tilespmem:s24+$0x10660] =	vst v21;
	v16 =	vadd.f32 v41, v16  }
0x328: {  	v22 =	vmul.f32 v22, v32;
	v43 =	vld [tilespmem:s24+$0x17670];
	v34 =	vmul.f32 v54, v33;
	[tilespmem:s24+$0x10A70] =	vst v30;
	v26 =	vadd.f32 v38, v26  }
0x329: {  	v28 =	vmul.f32 v28, v32;
	v61 =	vld [tilespmem:s24+$0x16600];
	v40 =	vmul.f32 v48, v33;
	v24 =	vadd.f32 v36, v24;
	[tilespmem:s24+$0x10610] =	vst v16  }
0x32a: {  	v27 =	vmul.f32 v27, v32;
	v63 =	vld [tilespmem:s24+$0x16270];
	v39 =	vmul.f32 v49, v33;
	v22 =	vadd.f32 v34, v22;
	[tilespmem:s24+$0x10A30] =	vst v26  }
0x32b: {  	v25 =	vmul.f32 v25, v32;
	v46 =	vld [tilespmem:s24+$0x11650];
	v37 =	vmul.f32 v51, v33;
	v28 =	vadd.f32 v40, v28;
	[tilespmem:s24+$0x10A10] =	vst v24  }
0x32c: {  	v23 =	vmul.f32 v23, v32;
	v50 =	vld [tilespmem:s24+$0x16200];
	v35 =	vmul.f32 v53, v33;
	v27 =	vadd.f32 v39, v27;
	[tilespmem:s24+$0x10670] =	vst v22  }
0x32d: {  	v20 =	vmul.f32 v20, v32;
	v48 =	vld [tilespmem:s24+$0x11660];
	v30 =	vmul.f32 v56, v33;
	v25 =	vadd.f32 v37, v25;
	[tilespmem:s24+$0x10A50] =	vst v28  }
0x32e: {  	v19 =	vmul.f32 v19, v32;
	v51 =	vld [tilespmem:s24+$0x10200];
	v23 =	vadd.f32 v35, v23;
	v35 =	vmul.f32 v57, v33;
	[tilespmem:s24+$0x10A40] =	vst v27  }
0x32f: {  	v18 =	vmul.f32 v18, v32;
	v34 =	vld [tilespmem:s24+$0x16260];
	v37 =	vmul.f32 v58, v33;
	v20 =	vadd.f32 v30, v20;
	[tilespmem:s24+$0x10A20] =	vst v25  }
0x330: {  	v17 =	vmul.f32 v17, v32;
	v36 =	vld [tilespmem:s24+$0x17640];
	v39 =	vmul.f32 v59, v33;
	[tilespmem:s24+$0x10A00] =	vst v23;
	v19 =	vadd.f32 v35, v19  }
0x331: {  	v15 =	vmul.f32 v15, v32;
	v38 =	vld [tilespmem:s24+$0x17650];
	v42 =	vmul.f32 v61, v33;
	v18 =	vadd.f32 v37, v18;
	[tilespmem:s24+$0x10650] =	vst v20  }
0x332: {  	v14 =	vmul.f32 v14, v32;
	v40 =	vld [tilespmem:s24+$0x17660];
	v44 =	vmul.f32 v63, v33;
	v17 =	vadd.f32 v39, v17;
	[tilespmem:s24+$0x10640] =	vst v19  }
0x333: {  	v49 =	vld [tilespmem:s24+$0x11670];
	v15 =	vadd.f32 v42, v15;
	v10 =	vmul.f32 v50, v33;
	v61 =	vmul.f32 v51, v32;
	[tilespmem:s24+$0x10630] =	vst v18  }
0x334: {  	v13 =	vmul.f32 v13, v32;
	v14 =	vadd.f32 v44, v14;
	[tilespmem:s24+$0x10620] =	vst v17;
	v47 =	vmul.f32 v34, v33  }
0x335: {  	v52 =	vmul.f32 v45, v32;
	[tilespmem:s24+$0x10600] =	vst v15;
	v53 =	vmul.f32 v36, v33;
	v63 =	vadd.f32 v10, v61  }
0x336: {  	v54 =	vmul.f32 v46, v32;
	[tilespmem:s24+$0x10270] =	vst v14;
	v55 =	vmul.f32 v38, v33;
	v13 =	vadd.f32 v47, v13  }
0x337: {  	v56 =	vmul.f32 v48, v32;
	v58 =	vmul.f32 v40, v33;
	v57 =	vadd.f32 v53, v52;
	[tilespmem:s24+$0x10200] =	vst v63  }
0x338: {  	v60 =	vmul.f32 v43, v33;
	v59 =	vmul.f32 v49, v32;
	v3 =	vadd.f32 v55, v54;
	[tilespmem:s24+$0x10260] =	vst v13  }
0x339: {  	v62 =	vadd.f32 v58, v56;
	[tilespmem:s24+$0x11640] =	vst v57  }
0x33a: {  	[tilespmem:s24+$0x11650] =	vst v3;
	v3 =	vadd.f32 v60, v59  }
0x33b: {  	[tilespmem:s24+$0x11660] =	vst v62  }
0x33c: {  	s23 =	sadd.s32 $0x1, s23;
	[tilespmem:s24+$0x11670] =	vst v3  }
0x33d: {  	[hbm4b:s13+s1] =	stream.linear.scatter [tilespmem:s28], [sflag:$0x3], $0x6000, $0x38;
	[tilespmem:$0x1C200] =	vst v63  }
0x33e: {  	p0 =	sne.s32 s23, s14;
	_ =	swait.ge [sflag:s22], $0x6000  }
.Ltmp2:
0x33f: {  	[sflag:s22] =	ssyncset.done $0x0;
	(pc) =	sbr.rel @p0 .LBB2_1-.Ltmp2, $4  }
0x340: {  	[sflag:s22] =	ssyncadd.s32 $0xFFFFA000  }
0x341: {  	_ =	swait.ge [sflag:s22], $0x6000  }
0x342: {  	[sflag:s22] =	ssyncset.done $0x0  }
0x343: {  	[sflag:s22] =	ssyncadd.s32 $0xFFFFA000  }
0x344: {  	_ =	sfence.sel $0x180000  }
0x345: {  	[bflag:$0x0] =	sbarrier.arrive $0xFFFF  }
0x346: {  	_ =	strace $0x9000004A  }
0x347: {  	s0 =	stileid.u32;
	[bflag:$0x2] =	sbarrier.arrive $0xFFFF  }
0x348: {  	p0 =	sne.s32 s0, $0x0;
	s0 =	rddreg [dreg:$0x2]  }
0x349: {  	s0 =	sadd.s32 @!p0 $0x100000, s0  }
0x34a: {  	[sflag:s0] =	ssyncadd.tile.s32 @!p0 $0x1;
	_ =	shalt  }
.Lfunc_end2:
_tile_overlayer_lowered:
.L_overlay_start_2:
0x34b: {  	(tag) =	ssettag $0x2  }
0x34c: {  	s0 =	rddreg [dreg:$0x0];
	s2 =	stileid.u32  }
0x34d: {  	s1 =	rddreg [dreg:$0x1];
	p0 =	sne.s32 s2, $0x0  }
0x34e: {  	s3 =	rddreg [dreg:$0x2];
	[bflag:$0x3] =	sbarrier.arrive $0xFFFF;
	s2 =	simm.s32 @!p0 $0x1C04  }
0x34f: {  	[timem:s3], [sflag:s2] =	dma.local @!p0 [hbm:s0], s1  }
0x350: {  	s0 =	simm.s32 @!p0 $0x4  }
0x351: {  	_ =	swait.ge @!p0 [sflag:s0], s1  }
0x352: {  	s1 =	ssub.s32 @!p0 $0x0, s1;
	[sflag:s0] =	ssyncset.done @!p0 $0x0  }
0x353: {  	[sflag:s0] =	ssyncadd.s32 @!p0 s1  }
0x354: {  	[bflag:$0x3] =	sbarrier.arrive $0xFFFF  }
0x355: {  	_ =	shalt  }

</sc_bundles>
